<compile_context>
chip_gen: v7x
topology: tpu7x:2x2x1
jax: 0.10.2.dev20260603
libtpu: 0.0.44.dev20260713+nightly
codegen_flags: <defaults>
</compile_context>

<pallas_src>
import functools

import jax
import jax.numpy as jnp
from jax import lax
from jax.experimental import pallas as pl
from jax.experimental.pallas import tpu as pltpu
from jax.experimental.pallas import tpu_sc as plsc

LATENT = 128
TW = 5
N = 10000
E = 320000
NF = 11
EF = 4

NPAD = 10240
NC, NS = 2, 16
NW = NC * NS
CH = 128
IDXROWS = 2560
EP = IDXROWS * CH
HALF = IDXROWS // 2
CPS = HALF // NS
CPW = HALF // NW
STRIDE = NPAD // NS

EBLK = 1024
NBLK = 1024

_f32 = jnp.float32
_bf16 = jnp.bfloat16



def _ln(h, g, b):
    mu = jnp.mean(h, axis=-1, keepdims=True)
    var = jnp.mean((h - mu) ** 2, axis=-1, keepdims=True)
    return (h - mu) / jnp.sqrt(var + 1e-5) * g + b


def _enc_body(x_ref, w1_ref, b1_ref, w2_ref, b2_ref, g_ref, b_ref, o_ref):
    h = jnp.maximum(x_ref[...] @ w1_ref[...] + b1_ref[...], 0)
    h = jnp.maximum(h @ w2_ref[...] + b2_ref[...], 0)
    o_ref[...] = _ln(h, g_ref[...], b_ref[...]).astype(o_ref.dtype)


ENC_GRID = E // 1000


def _edge_enc_body(ef_hbm, w1_ref, b1_ref, w2_ref, b2_ref, g_ref, b_ref,
                   o_ref, xb0, xb1, sem0, sem1):
    i = pl.program_id(0)

    def blk(j):
        return ef_hbm.at[pl.ds(j * 1000, 1000), :]

    @pl.when(i == 0)
    def _():
        pltpu.async_copy(blk(0), xb0, sem0)
        pltpu.async_copy(blk(1), xb1, sem1)

    even = i % 2 == 0

    @pl.when(even)
    def _():
        pltpu.make_async_copy(blk(0), xb0, sem0).wait()

    @pl.when(jnp.logical_not(even))
    def _():
        pltpu.make_async_copy(blk(0), xb1, sem1).wait()

    x = jnp.where(even, xb0[...], xb1[...])

    @pl.when(even & (i + 2 < ENC_GRID))
    def _():
        pltpu.async_copy(blk(i + 2), xb0, sem0)

    @pl.when(jnp.logical_not(even) & (i + 2 < ENC_GRID))
    def _():
        pltpu.async_copy(blk(i + 2), xb1, sem1)

    h = jnp.maximum(x @ w1_ref[...] + b1_ref[...], 0)
    h = jnp.maximum(h @ w2_ref[...] + b2_ref[...], 0)
    o_ref[...] = _ln(h, g_ref[...], b_ref[...]).astype(o_ref.dtype)


def _proj_body(nl_ref, w1s_ref, w1r_ref, p_ref, q_ref):
    nl = nl_ref[...]
    p_ref[...] = nl @ w1s_ref[...]
    q_ref[...] = nl @ w1r_ref[...]


def _edge_mask(off, y):
    row = (pl.program_id(0) + off) * EBLK + lax.broadcasted_iota(
        jnp.int32, (EBLK, 1), 0)
    return jnp.where(row < E, y, 0.0)


def _edge1_body(off, gs_ref, gr_ref, el_ref, w1e_ref, b1_ref, w2_ref, b2_ref,
                g_ref, b_ref, ne_ref, el1_ref):
    el = el_ref[...].astype(_f32)
    h = jnp.maximum(gs_ref[...] + gr_ref[...] + el @ w1e_ref[...] + b1_ref[...], 0)
    h = jnp.maximum(h @ w2_ref[...] + b2_ref[...], 0)
    ne = _edge_mask(off, _ln(h, g_ref[...], b_ref[...]))
    ne_ref[...] = ne
    el1_ref[...] = (el + ne).astype(_bf16)


def _edge2_body(off, gs_ref, gr_ref, el_ref, w1e_ref, b1_ref, w2_ref, b2_ref,
                g_ref, b_ref, ne_ref):
    el = el_ref[...].astype(_f32)
    h = jnp.maximum(gs_ref[...] + gr_ref[...] + el @ w1e_ref[...] + b1_ref[...], 0)
    h = jnp.maximum(h @ w2_ref[...] + b2_ref[...], 0)
    ne_ref[...] = _edge_mask(off, _ln(h, g_ref[...], b_ref[...]))


def _node_body(nl_ref, a0_ref, a1_ref, a2_ref, a3_ref, w1n_ref, w1a_ref,
               b1_ref, w2_ref, b2_ref, g_ref, b_ref, o_ref):
    nl = nl_ref[...]
    aggr = (a0_ref[...] + a1_ref[...]) + (a2_ref[...] + a3_ref[...])
    h = jnp.maximum(nl @ w1n_ref[...] + aggr @ w1a_ref[...] + b1_ref[...], 0)
    h = jnp.maximum(h @ w2_ref[...] + b2_ref[...], 0)
    o_ref[...] = _ln(h, g_ref[...], b_ref[...]) + nl


def _dec_body(nl_ref, c1w_ref, c1b_ref, c2w_ref, c2b_ref, o_ref):
    h = nl_ref[...] @ c1w_ref[...] + c1b_ref[...]
    h = h * jax.nn.sigmoid(h)
    d = h @ c2w_ref[...] + c2b_ref[...]
    dt = lax.broadcasted_iota(jnp.int32, (1, TW), 1).astype(_f32) + 1.0
    o_ref[...] = d * dt


def _row_spec(blk, width, off=0):
    return pl.BlockSpec((blk, width), lambda i: (i + off, 0))


def _full_spec(shape):
    nd = len(shape)
    return pl.BlockSpec(shape, lambda i: (0,) * nd)


def _tc_call(body, grid, in_arrays, in_specs, out_shape, out_specs):
    return pl.pallas_call(
        body,
        grid=(grid,),
        in_specs=in_specs,
        out_specs=out_specs,
        out_shape=out_shape,
    )(*in_arrays)



_SC_MESH = plsc.VectorSubcoreMesh(core_axis_name="c", subcore_axis_name="s")


def _gather_one(tab, idx_v, out_hbm, chunk0, bufs, gsem, wsem):
    def issue_gather(j, b):
        pltpu.async_copy(tab.at[idx_v.at[j]], bufs[b], gsem[b])

    def wait_gather(b):
        pltpu.make_async_copy(tab.at[idx_v.at[0]], bufs[b], gsem[b]).wait()

    def wait_write(b):
        pltpu.make_async_copy(bufs[b], out_hbm.at[pl.ds(0, CH)], wsem[b]).wait()

    issue_gather(0, 0)

    @pl.loop(0, CPS // 2)
    def _(jj):
        for b in range(2):
            j = jj * 2 + b
            ob = 1 - b
            if b == 0:
                @pl.when(jj >= 1)
                def _():
                    wait_write(ob)
            else:
                wait_write(ob)
            wait_gather(b)
            if b == 0:
                issue_gather(j + 1, ob)
            else:
                @pl.when(j + 1 < CPS)
                def _():
                    issue_gather(j + 1, ob)
            base = (chunk0 + j) * CH
            pltpu.async_copy(bufs[b], out_hbm.at[pl.ds(base, CH)], wsem[b])

    wait_write(1)


def _gather_body(half, p_hbm, q_hbm, si_hbm, ri_hbm, gs_hbm, gr_hbm,
                 idx_v, bufs, tab, gsem, wsem):
    c = lax.axis_index("c")
    s = lax.axis_index("s")

    @pl.when(c == 0)
    def _():
        pltpu.sync_copy(p_hbm.at[pl.ds(s * STRIDE, STRIDE)],
                        tab.at[pl.ds(s * STRIDE, STRIDE)])

    @pl.when(c == 1)
    def _():
        pltpu.sync_copy(q_hbm.at[pl.ds(s * STRIDE, STRIDE)],
                        tab.at[pl.ds(s * STRIDE, STRIDE)])

    plsc.subcore_barrier()
    chunk0 = half * HALF + s * CPS

    @pl.when(c == 0)
    def _():
        pltpu.sync_copy(si_hbm.at[pl.ds(chunk0, CPS)], idx_v)
        _gather_one(tab, idx_v, gs_hbm, chunk0, bufs, gsem, wsem)

    @pl.when(c == 1)
    def _():
        pltpu.sync_copy(ri_hbm.at[pl.ds(chunk0, CPS)], idx_v)
        _gather_one(tab, idx_v, gr_hbm, chunk0, bufs, gsem, wsem)


def _scatter_body(half, ne_hbm, ri_hbm, out_hbm, ri_v, vals_v, zer_v, accum,
                  sem):
    c = lax.axis_index("c")
    s = lax.axis_index("s")
    wid = s * NC + c

    @pl.loop(0, CH)
    def _(i):
        @pl.loop(0, LATENT // 16)
        def _(k):
            zer_v[i, pl.ds(k * 16, 16)] = jnp.zeros((16,), _f32)

    @pl.loop(0, STRIDE // CH)
    def _(t):
        pltpu.sync_copy(zer_v, accum.at[pl.ds(s * STRIDE + t * CH, CH)])

    plsc.subcore_barrier()
    chunk0 = half * HALF + wid * CPW
    pltpu.sync_copy(ri_hbm.at[pl.ds(chunk0, CPW)], ri_v)

    @pl.loop(0, CPW)
    def _(j):
        pltpu.sync_copy(ne_hbm.at[pl.ds((chunk0 + j) * CH, CH)], vals_v)
        pltpu.sync_copy(vals_v, accum.at[ri_v.at[j]], add=True)

    plsc.subcore_barrier()

    @pl.loop(0, STRIDE // CH)
    def _(t):
        off = s * STRIDE + t * CH
        pltpu.sync_copy(accum.at[pl.ds(off, CH)], out_hbm.at[c].at[pl.ds(off, CH)])


def _make_gather(half):
    return pl.kernel(
        functools.partial(_gather_body, half),
        out_type=[jax.ShapeDtypeStruct((EP, LATENT), _f32),
                  jax.ShapeDtypeStruct((EP, LATENT), _f32)],
        mesh=_SC_MESH,
        scratch_types=[
            pltpu.VMEM((CPS, CH), jnp.int32),
            [pltpu.VMEM((CH, LATENT), _f32)] * 2,
            pltpu.VMEM_SHARED((NPAD, LATENT), _f32),
            [pltpu.SemaphoreType.DMA] * 2,
            [pltpu.SemaphoreType.DMA] * 2,
        ],
    )


def _make_scatter(half):
    return pl.kernel(
        functools.partial(_scatter_body, half),
        out_type=jax.ShapeDtypeStruct((NC, NPAD, LATENT), _f32),
        mesh=_SC_MESH,
        scratch_types=[
            pltpu.VMEM((CPW, CH), jnp.int32),
            pltpu.VMEM((CH, LATENT), _f32),
            pltpu.VMEM((CH, LATENT), _f32),
            pltpu.VMEM_SHARED((NPAD, LATENT), _f32),
            pltpu.SemaphoreType.DMA,
        ],
    )


_gather_calls = [_make_gather(0), _make_gather(1)]
_scatter_calls = [_make_scatter(0), _make_scatter(1)]



def _mlp_weights(p, w1):
    return (w1, p['b1'].reshape(1, -1), p['w2'], p['b2'].reshape(1, -1),
            p['g'].reshape(1, -1), p['b'].reshape(1, -1))


def _edge_half(body, half, n_out, in_arrays, weights, out_shapes):
    off = half * (HALF * CH // EBLK)
    n_rows = len(in_arrays)
    return pl.pallas_call(
        functools.partial(body, off),
        grid=(HALF * CH // EBLK,),
        in_specs=[_row_spec(EBLK, LATENT, off)] * n_rows
        + [_full_spec(w.shape) for w in weights],
        out_specs=[_row_spec(EBLK, LATENT, off)] * n_out,
        out_shape=out_shapes,
    )(*in_arrays, *weights)


def kernel(node_features, mesh_edge_features, senders, receivers, params):
    p = params
    si = jnp.concatenate(
        [senders.astype(jnp.int32), jnp.zeros((EP - E,), jnp.int32)]
    ).reshape(IDXROWS, CH)
    ri = jnp.concatenate(
        [receivers.astype(jnp.int32), jnp.zeros((EP - E,), jnp.int32)]
    ).reshape(IDXROWS, CH)
    nf = jnp.zeros((NPAD, 16), _f32).at[:N, :NF].set(node_features)

    ne = p['node_enc']
    w1n_enc = jnp.zeros((16, LATENT), _f32).at[:NF].set(ne['w1'])
    nw = _mlp_weights(ne, w1n_enc)
    nl = _tc_call(
        _enc_body, NPAD // NBLK,
        (nf,) + nw,
        [_row_spec(NBLK, 16)] + [_full_spec(w.shape) for w in nw],
        jax.ShapeDtypeStruct((NPAD, LATENT), _f32),
        _row_spec(NBLK, LATENT),
    )
    ee = p['edge_enc']
    ew = _mlp_weights(ee, ee['w1'])
    el0 = pl.pallas_call(
        _edge_enc_body,
        grid=(ENC_GRID,),
        in_specs=[pl.BlockSpec(memory_space=pl.ANY)]
        + [_full_spec(w.shape) for w in ew],
        out_specs=_row_spec(1000, LATENT),
        out_shape=jax.ShapeDtypeStruct((EP, LATENT), _bf16),
        scratch_shapes=[
            pltpu.VMEM((1000, EF), _f32),
            pltpu.VMEM((1000, EF), _f32),
            pltpu.SemaphoreType.DMA,
            pltpu.SemaphoreType.DMA,
        ],
    )(mesh_edge_features, *ew)

    el_halves = [el0, el0]
    for bi, blk in enumerate(p['blocks']):
        bw = blk['edge']
        P, Q = _tc_call(
            _proj_body, NPAD // NBLK,
            (nl, bw['w1'][:LATENT], bw['w1'][LATENT:2 * LATENT]),
            [_row_spec(NBLK, LATENT), _full_spec((LATENT, LATENT)),
             _full_spec((LATENT, LATENT))],
            [jax.ShapeDtypeStruct((NPAD, LATENT), _f32)] * 2,
            [_row_spec(NBLK, LATENT)] * 2,
        )
        eweights = _mlp_weights(bw, bw['w1'][2 * LATENT:])
        gs0, gr0 = _gather_calls[0](P, Q, si, ri)
        gs1, gr1 = _gather_calls[1](P, Q, si, ri)
        el1_halves, partials = [], []
        for h, (gs, gr) in enumerate(((gs0, gr0), (gs1, gr1))):
            if bi == 0:
                ne_h, el1_h = _edge_half(
                    _edge1_body, h, 2, (gs, gr, el_halves[h]), eweights,
                    [jax.ShapeDtypeStruct((EP, LATENT), _f32),
                     jax.ShapeDtypeStruct((EP, LATENT), _bf16)],
                )
                el1_halves.append(el1_h)
            else:
                (ne_h,) = _edge_half(
                    _edge2_body, h, 1, (gs, gr, el_halves[h]), eweights,
                    [jax.ShapeDtypeStruct((EP, LATENT), _f32)],
                )
            partials.append(_scatter_calls[h](ne_h, ri))
        if bi == 0:
            el_halves = el1_halves
        nb = blk['node']
        nweights = _mlp_weights(nb, nb['w1'][LATENT:])
        nl = _tc_call(
            _node_body, NPAD // NBLK,
            (nl, partials[0][0], partials[0][1], partials[1][0],
             partials[1][1], nb['w1'][:LATENT]) + nweights,
            [_row_spec(NBLK, LATENT)] * 5 + [_full_spec((LATENT, LATENT))]
            + [_full_spec(w.shape) for w in nweights],
            jax.ShapeDtypeStruct((NPAD, LATENT), _f32),
            _row_spec(NBLK, LATENT),
        )

    out = _tc_call(
        _dec_body, N // 1000,
        (nl, p['c1w'], p['c1b'].reshape(1, -1), p['c2w'], p['c2b'].reshape(1, -1)),
        [_row_spec(1000, LATENT), _full_spec((LATENT, 8)), _full_spec((1, 8)),
         _full_spec((8, TW)), _full_spec((1, TW))],
        jax.ShapeDtypeStruct((N, TW), _f32),
        _row_spec(1000, TW),
    )
    return out

# --- scband reference (transcript-rebuilt; emitter-appended) ---
"""Pipeline reference for scband-encode-process-decode-51333449122058 (READ-ONLY COPY).

The authoritative reference and input builder live on the scoring server;
editing this copy changes nothing except your own understanding.
"""

import jax, jax.numpy as jnp
import numpy as np

LATENT = 128
TW = 5
STEPS = 2
N = 10000
E = 320000
NF = 11
EF = 4


def _mlp_ln(x, p):
    # Linear -> ReLU -> Linear -> ReLU -> LayerNorm (matches torch Sequential)
    h = jax.nn.relu(x @ p['w1'] + p['b1'])
    h = jax.nn.relu(h @ p['w2'] + p['b2'])
    mu = jnp.mean(h, axis=-1, keepdims=True)
    var = jnp.var(h, axis=-1, keepdims=True)
    return (h - mu) / jnp.sqrt(var + 1e-5) * p['g'] + p['b']


def setup_inputs(seed: int = 0) -> dict:
    key = jax.random.key(seed)
    ks = jax.random.split(key, 32)

    def mlp_params(i, din):
        return {
            'w1': jax.random.normal(ks[i], (din, LATENT), dtype=jnp.float32) * 0.05,
            'b1': jnp.zeros((LATENT,), jnp.float32),
            'w2': jax.random.normal(ks[i + 1], (LATENT, LATENT), dtype=jnp.float32) * 0.05,
            'b2': jnp.zeros((LATENT,), jnp.float32),
            'g': jnp.ones((LATENT,), jnp.float32),
            'b': jnp.zeros((LATENT,), jnp.float32),
        }

    params = {
        'node_enc': mlp_params(0, NF),
        'edge_enc': mlp_params(2, EF),
        'blocks': [
            {'edge': mlp_params(4 + 4 * i, 3 * LATENT), 'node': mlp_params(6 + 4 * i, 2 * LATENT)}
            for i in range(STEPS)
        ],
        'c1w': jax.random.normal(ks[20], (LATENT, 8), dtype=jnp.float32) * 0.05,
        'c1b': jnp.zeros((8,), jnp.float32),
        'c2w': jax.random.normal(ks[21], (8, TW), dtype=jnp.float32) * 0.05,
        'c2b': jnp.zeros((TW,), jnp.float32),
    }
    node_features = jax.random.normal(ks[22], (N, NF), dtype=jnp.float32)
    mesh_edge_features = jax.random.normal(ks[23], (E, EF), dtype=jnp.float32)
    senders = jax.random.randint(ks[24], (E,), 0, N)
    receivers = jax.random.randint(ks[25], (E,), 0, N)
    return {
        'node_features': node_features,
        'mesh_edge_features': mesh_edge_features,
        'senders': senders,
        'receivers': receivers,
        'params': params,
    }


def reference(node_features, mesh_edge_features, senders, receivers, params):
    # Encoder
    nl = _mlp_ln(node_features, params['node_enc'])
    el = _mlp_ln(mesh_edge_features, params['edge_enc'])
    # Process: GraphNetBlocks with residual connections
    for blk in params['blocks']:
        edge_in = jnp.concatenate([nl[senders], nl[receivers], el], axis=-1)
        new_e = _mlp_ln(edge_in, blk['edge'])
        aggr = jnp.zeros_like(nl).at[receivers].add(new_e)  # scatter_add, dim_size=N
        new_n = _mlp_ln(jnp.concatenate([nl, aggr], axis=-1), blk['node'])
        nl = new_n + nl
        el = new_e + el
    # Decoder: Conv1d(latent,8,1) -> Swish -> Conv1d(8,TW,1), kernel-1 convs == linear
    h = nl @ params['c1w'] + params['c1b']
    h = h * jax.nn.sigmoid(h)  # Swish, beta=1
    decoded = h @ params['c2w'] + params['c2b']
    dt = jnp.cumsum(jnp.ones((1, TW), jnp.float32), axis=1)
    delta_T = decoded * dt
    return delta_T

if __name__ == "__main__":
    import jax
    _d = setup_inputs()
    print(jax.jit(kernel)(*tuple(_d.values())))

</pallas_src>

<mosaic_0001>
#map = affine_map<(d0, d1) -> (0, 0)>
#map1 = affine_map<(d0, d1) -> (0, 0, 0)>
module attributes {stable_mosaic.version = 14 : i64} {
  func.func @_scatter_body(%arg0: i32, %arg1: i32, %arg2: memref<327680x128xf32, #tpu.memory_space<hbm>>, %arg3: memref<2560x128xi32, #tpu.memory_space<hbm>>, %arg4: memref<2x10240x128xf32, #tpu.memory_space<hbm>>, %arg5: memref<40x128xi32, #tpu.memory_space<vmem>>, %arg6: memref<128x128xf32, #tpu.memory_space<vmem>>, %arg7: memref<128x128xf32, #tpu.memory_space<vmem>>, %arg8: memref<10240x128xf32, #tpu.memory_space<vmem_shared>>, %arg9: memref<!tpu.dma_semaphore, #tpu.memory_space<semaphore_mem>>) attributes {dimension_semantics = [#tpu.dimension_semantics<core_parallel>, #tpu.dimension_semantics<subcore_parallel>], iteration_bounds = array<i64: 2, 16>, scalar_prefetch = 0 : i64, scratch_operands = 5 : i64, tpu.core_type = #tpu.core_type<sc_vector_subcore>, window_params = [{transform_indices = #map}, {transform_indices = #map}, {transform_indices = #map1}]} {
    %mul3A = arith.constant 2 : i32
    %mul3A_0 = arith.muli %arg1, %mul3A : i32
    %add3A = arith.addi %mul3A_0, %arg0 : i32
    %scan3A = arith.constant 0 : i32
    %scan3A_1 = arith.constant 128 : i32
    %scan3A_2 = arith.addi %scan3A, %scan3A_1 : i32
    %scan3A_3 = arith.constant 1 : i32
    scf.for %scan3A_25 = %scan3A to %scan3A_2 step %scan3A_3  : i32 {
      %mul3A_26 = arith.constant 1 : i32
      %mul3A_27 = arith.muli %scan3A_25, %mul3A_26 : i32
      %add3A_28 = arith.constant 0 : i32
      %add3A_29 = arith.addi %add3A_28, %mul3A_27 : i32
      %scan3A_30 = arith.constant 0 : i32
      %scan3A_31 = arith.constant 8 : i32
      %scan3A_32 = arith.addi %scan3A_30, %scan3A_31 : i32
      %scan3A_33 = arith.constant 1 : i32
      scf.for %scan3A_35 = %scan3A_30 to %scan3A_32 step %scan3A_33  : i32 {
        %mul3A_36 = arith.constant 1 : i32
        %mul3A_37 = arith.muli %scan3A_35, %mul3A_36 : i32
        %add3A_38 = arith.constant 0 : i32
        %add3A_39 = arith.addi %add3A_38, %mul3A_37 : i32
        %broadcast_in_dim3A = arith.constant 0.000000e+00 : f32
        %broadcast_in_dim3A_40 = vector.broadcast %broadcast_in_dim3A : f32 to vector<16xf32>
        %mul3A_41 = arith.constant 16 : i32
        %mul3A_42 = arith.muli %add3A_39, %mul3A_41 : i32
        %swap3A = arith.index_cast %add3A_29 : i32 to index
        %swap3A_43 = arith.index_cast %mul3A_42 : i32 to index
        %swap3A_44 = tpu.vector_load %arg7[%swap3A, %swap3A_43] {strides = array<i32>} : memref<128x128xf32, #tpu.memory_space<vmem>>, vector<1x16xf32>,
        %swap3A_45 = vector.shape_cast %swap3A_44 : vector<1x16xf32> to vector<16xf32>
        %swap3A_46 = vector.shape_cast %broadcast_in_dim3A_40 : vector<16xf32> to vector<1x16xf32>
        tpu.vector_store %arg7[%swap3A, %swap3A_43], %swap3A_46 {strides = array<i32>} : memref<128x128xf32, #tpu.memory_space<vmem>>, vector<1x16xf32>,
      }
      %scan3A_34 = arith.constant 8 : i32
    }
    %scan3A_4 = arith.constant 128 : i32
    %scan3A_5 = arith.constant 0 : i32
    %scan3A_6 = arith.constant 5 : i32
    %scan3A_7 = arith.addi %scan3A_5, %scan3A_6 : i32
    %scan3A_8 = arith.constant 1 : i32
    scf.for %scan3A_25 = %scan3A_5 to %scan3A_7 step %scan3A_8  : i32 {
      %mul3A_26 = arith.constant 1 : i32
      %mul3A_27 = arith.muli %scan3A_25, %mul3A_26 : i32
      %add3A_28 = arith.constant 0 : i32
      %add3A_29 = arith.addi %add3A_28, %mul3A_27 : i32
      %mul3A_30 = arith.constant 640 : i32
      %mul3A_31 = arith.muli %arg1, %mul3A_30 : i32
      %mul3A_32 = arith.constant 128 : i32
      %mul3A_33 = arith.muli %add3A_29, %mul3A_32 : i32
      %add3A_34 = arith.addi %mul3A_31, %mul3A_33 : i32
      "tpu.region"() ({
        %run_scoped3A = tpu.sem_alloc : memref<!tpu.dma_semaphore, #tpu.memory_space<semaphore_mem>>
        %dma_start3A = arith.constant 0 : i32
        %dma_start3A_35 = tpu.memref_slice %arg8[%add3A_34, %dma_start3A] : memref<10240x128xf32, #tpu.memory_space<vmem_shared>> -> memref<128x128xf32, #tpu.memory_space<vmem_shared>>
        %dma_start3A_36 = arith.constant 0 : i32
        %dma_start3A_37 = tpu.memref_slice %arg8[%add3A_34, %dma_start3A_36] : memref<10240x128xf32, #tpu.memory_space<vmem_shared>> -> memref<128x128xf32, #tpu.memory_space<vmem_shared>>
        tpu.enqueue_dma source(%arg7 : memref<128x128xf32, #tpu.memory_space<vmem>>) target(%dma_start3A_37 : memref<128x128xf32, #tpu.memory_space<vmem_shared>>) target_semaphore(%run_scoped3A : memref<!tpu.dma_semaphore, #tpu.memory_space<semaphore_mem>>)
        %dma_wait3A = arith.constant 0 : i32
        %dma_wait3A_38 = tpu.memref_slice %arg8[%add3A_34, %dma_wait3A] : memref<10240x128xf32, #tpu.memory_space<vmem_shared>> -> memref<128x128xf32, #tpu.memory_space<vmem_shared>>
        %dma_wait3A_39 = arith.constant 0 : i32
        %dma_wait3A_40 = tpu.memref_slice %arg8[%add3A_34, %dma_wait3A_39] : memref<10240x128xf32, #tpu.memory_space<vmem_shared>> -> memref<128x128xf32, #tpu.memory_space<vmem_shared>>
        tpu.wait_dma2 semaphore(%run_scoped3A : memref<!tpu.dma_semaphore, #tpu.memory_space<semaphore_mem>>) src(%arg7 : memref<128x128xf32, #tpu.memory_space<vmem>>) dst(%dma_wait3A_40 : memref<128x128xf32, #tpu.memory_space<vmem_shared>>)
        tpu.yield
      }) : () -> ()
    }
    %scan3A_9 = arith.constant 5 : i32
    %barrier3A = arith.constant 0 : index
    tpu.barrier barrier_id(%barrier3A)
    %mul3A_10 = arith.constant 40 : i32
    %mul3A_11 = arith.muli %add3A, %mul3A_10 : i32
    %add3A_12 = arith.constant 1280 : i32
    %add3A_13 = arith.addi %add3A_12, %mul3A_11 : i32
    "tpu.region"() ({
      %run_scoped3A = tpu.sem_alloc : memref<!tpu.dma_semaphore, #tpu.memory_space<semaphore_mem>>
      %dma_start3A = arith.constant 0 : i32
      %dma_start3A_25 = tpu.memref_slice %arg3[%add3A_13, %dma_start3A] : memref<2560x128xi32, #tpu.memory_space<hbm>> -> memref<40x128xi32, #tpu.memory_space<hbm>>
      %dma_start3A_26 = arith.constant 0 : i32
      %dma_start3A_27 = tpu.memref_slice %arg3[%add3A_13, %dma_start3A_26] : memref<2560x128xi32, #tpu.memory_space<hbm>> -> memref<40x128xi32, #tpu.memory_space<hbm>>
      tpu.enqueue_dma source(%dma_start3A_27 : memref<40x128xi32, #tpu.memory_space<hbm>>) target(%arg5 : memref<40x128xi32, #tpu.memory_space<vmem>>) target_semaphore(%run_scoped3A : memref<!tpu.dma_semaphore, #tpu.memory_space<semaphore_mem>>)
      %dma_wait3A = arith.constant 0 : i32
      %dma_wait3A_28 = tpu.memref_slice %arg3[%add3A_13, %dma_wait3A] : memref<2560x128xi32, #tpu.memory_space<hbm>> -> memref<40x128xi32, #tpu.memory_space<hbm>>
      %dma_wait3A_29 = arith.constant 0 : i32
      %dma_wait3A_30 = tpu.memref_slice %arg3[%add3A_13, %dma_wait3A_29] : memref<2560x128xi32, #tpu.memory_space<hbm>> -> memref<40x128xi32, #tpu.memory_space<hbm>>
      tpu.wait_dma2 semaphore(%run_scoped3A : memref<!tpu.dma_semaphore, #tpu.memory_space<semaphore_mem>>) src(%dma_wait3A_30 : memref<40x128xi32, #tpu.memory_space<hbm>>) dst(%arg5 : memref<40x128xi32, #tpu.memory_space<vmem>>)
      tpu.yield
    }) : () -> ()
    %scan3A_14 = arith.constant 0 : i32
    %scan3A_15 = arith.constant 40 : i32
    %scan3A_16 = arith.addi %scan3A_14, %scan3A_15 : i32
    %scan3A_17 = arith.constant 1 : i32
    scf.for %scan3A_25 = %scan3A_14 to %scan3A_16 step %scan3A_17  : i32 {
      %mul3A_26 = arith.constant 1 : i32
      %mul3A_27 = arith.muli %scan3A_25, %mul3A_26 : i32
      %add3A_28 = arith.constant 0 : i32
      %add3A_29 = arith.addi %add3A_28, %mul3A_27 : i32
      %add3A_30 = arith.addi %add3A_13, %add3A_29 : i32
      %mul3A_31 = arith.constant 128 : i32
      %mul3A_32 = arith.muli %add3A_30, %mul3A_31 : i32
      "tpu.region"() ({
        %run_scoped3A = tpu.sem_alloc : memref<!tpu.dma_semaphore, #tpu.memory_space<semaphore_mem>>
        %dma_start3A = arith.constant 0 : i32
        %dma_start3A_33 = tpu.memref_slice %arg2[%mul3A_32, %dma_start3A] : memref<327680x128xf32, #tpu.memory_space<hbm>> -> memref<128x128xf32, #tpu.memory_space<hbm>>
        %dma_start3A_34 = arith.constant 0 : i32
        %dma_start3A_35 = tpu.memref_slice %arg2[%mul3A_32, %dma_start3A_34] : memref<327680x128xf32, #tpu.memory_space<hbm>> -> memref<128x128xf32, #tpu.memory_space<hbm>>
        tpu.enqueue_dma source(%dma_start3A_35 : memref<128x128xf32, #tpu.memory_space<hbm>>) target(%arg6 : memref<128x128xf32, #tpu.memory_space<vmem>>) target_semaphore(%run_scoped3A : memref<!tpu.dma_semaphore, #tpu.memory_space<semaphore_mem>>)
        %dma_wait3A = arith.constant 0 : i32
        %dma_wait3A_36 = tpu.memref_slice %arg2[%mul3A_32, %dma_wait3A] : memref<327680x128xf32, #tpu.memory_space<hbm>> -> memref<128x128xf32, #tpu.memory_space<hbm>>
        %dma_wait3A_37 = arith.constant 0 : i32
        %dma_wait3A_38 = tpu.memref_slice %arg2[%mul3A_32, %dma_wait3A_37] : memref<327680x128xf32, #tpu.memory_space<hbm>> -> memref<128x128xf32, #tpu.memory_space<hbm>>
        tpu.wait_dma2 semaphore(%run_scoped3A : memref<!tpu.dma_semaphore, #tpu.memory_space<semaphore_mem>>) src(%dma_wait3A_38 : memref<128x128xf32, #tpu.memory_space<hbm>>) dst(%arg6 : memref<128x128xf32, #tpu.memory_space<vmem>>)
        tpu.yield
      }) : () -> ()
      "tpu.region"() ({
        %run_scoped3A = tpu.sem_alloc : memref<!tpu.dma_semaphore, #tpu.memory_space<semaphore_mem>>
        %dma_start3A = arith.constant 0 : i32
        %dma_start3A_33 = tpu.memref_slice %arg5[%add3A_29, %dma_start3A] : memref<40x128xi32, #tpu.memory_space<vmem>> -> memref<1x128xi32, #tpu.memory_space<vmem>>
        %dma_start3A_34 = tpu.memref_squeeze %dma_start3A_33 : memref<1x128xi32, #tpu.memory_space<vmem>> -> memref<128xi32, #tpu.memory_space<vmem>>
        %dma_start3A_35 = arith.constant 0 : i32
        %dma_start3A_36 = arith.constant 0 : i32
        %dma_start3A_37 = tpu.memref_slice %arg8[%dma_start3A_35, %dma_start3A_36] : memref<10240x128xf32, #tpu.memory_space<vmem_shared>> -> memref<10240x128xf32, #tpu.memory_space<vmem_shared>>
        tpu.enqueue_indirect_dma source(%arg6 : memref<128x128xf32, #tpu.memory_space<vmem>>) target(%dma_start3A_37 : memref<10240x128xf32, #tpu.memory_space<vmem_shared>>) offsets(%dma_start3A_34 : memref<128xi32, #tpu.memory_space<vmem>>) semaphore(%run_scoped3A : memref<!tpu.dma_semaphore, #tpu.memory_space<semaphore_mem>>) {add = true}
        %dma_wait3A = arith.constant 0 : i32
        %dma_wait3A_38 = tpu.memref_slice %arg5[%add3A_29, %dma_wait3A] : memref<40x128xi32, #tpu.memory_space<vmem>> -> memref<1x128xi32, #tpu.memory_space<vmem>>
        %dma_wait3A_39 = tpu.memref_squeeze %dma_wait3A_38 : memref<1x128xi32, #tpu.memory_space<vmem>> -> memref<128xi32, #tpu.memory_space<vmem>>
        %dma_wait3A_40 = arith.constant 0 : i32
        %dma_wait3A_41 = arith.constant 0 : i32
        %dma_wait3A_42 = tpu.memref_slice %arg8[%dma_wait3A_40, %dma_wait3A_41] : memref<10240x128xf32, #tpu.memory_space<vmem_shared>> -> memref<10240x128xf32, #tpu.memory_space<vmem_shared>>
        tpu.wait_indirect_dma semaphore(%run_scoped3A : memref<!tpu.dma_semaphore, #tpu.memory_space<semaphore_mem>>) src(%arg6 : memref<128x128xf32, #tpu.memory_space<vmem>>) dst(%dma_wait3A_42 : memref<10240x128xf32, #tpu.memory_space<vmem_shared>>)
        tpu.yield
      }) : () -> ()
    }
    %scan3A_18 = arith.constant 40 : i32
    %barrier3A_19 = arith.constant 0 : index
    tpu.barrier barrier_id(%barrier3A_19)
    %scan3A_20 = arith.constant 0 : i32
    %scan3A_21 = arith.constant 5 : i32
    %scan3A_22 = arith.addi %scan3A_20, %scan3A_21 : i32
    %scan3A_23 = arith.constant 1 : i32
    scf.for %scan3A_25 = %scan3A_20 to %scan3A_22 step %scan3A_23  : i32 {
      %mul3A_26 = arith.constant 1 : i32
      %mul3A_27 = arith.muli %scan3A_25, %mul3A_26 : i32
      %add3A_28 = arith.constant 0 : i32
      %add3A_29 = arith.addi %add3A_28, %mul3A_27 : i32
      %mul3A_30 = arith.constant 640 : i32
      %mul3A_31 = arith.muli %arg1, %mul3A_30 : i32
      %mul3A_32 = arith.constant 128 : i32
      %mul3A_33 = arith.muli %add3A_29, %mul3A_32 : i32
      %add3A_34 = arith.addi %mul3A_31, %mul3A_33 : i32
      "tpu.region"() ({
        %run_scoped3A = tpu.sem_alloc : memref<!tpu.dma_semaphore, #tpu.memory_space<semaphore_mem>>
        %dma_start3A = arith.constant 0 : i32
        %dma_start3A_35 = arith.constant 0 : i32
        %dma_start3A_36 = tpu.memref_slice %arg4[%arg0, %dma_start3A, %dma_start3A_35] : memref<2x10240x128xf32, #tpu.memory_space<hbm>> -> memref<1x10240x128xf32, #tpu.memory_space<hbm>>
        %dma_start3A_37 = tpu.memref_squeeze %dma_start3A_36 : memref<1x10240x128xf32, #tpu.memory_space<hbm>> -> memref<10240x128xf32, #tpu.memory_space<hbm>>
        %dma_start3A_38 = arith.constant 0 : i32
        %dma_start3A_39 = tpu.memref_slice %dma_start3A_37[%add3A_34, %dma_start3A_38] : memref<10240x128xf32, #tpu.memory_space<hbm>> -> memref<128x128xf32, #tpu.memory_space<hbm>>
        %dma_start3A_40 = arith.constant 0 : i32
        %dma_start3A_41 = tpu.memref_slice %arg8[%add3A_34, %dma_start3A_40] : memref<10240x128xf32, #tpu.memory_space<vmem_shared>> -> memref<128x128xf32, #tpu.memory_space<vmem_shared>>
        tpu.enqueue_dma source(%dma_start3A_41 : memref<128x128xf32, #tpu.memory_space<vmem_shared>>) target(%dma_start3A_39 : memref<128x128xf32, #tpu.memory_space<hbm>>) target_semaphore(%run_scoped3A : memref<!tpu.dma_semaphore, #tpu.memory_space<semaphore_mem>>)
        %dma_wait3A = arith.constant 0 : i32
        %dma_wait3A_42 = arith.constant 0 : i32
        %dma_wait3A_43 = tpu.memref_slice %arg4[%arg0, %dma_wait3A, %dma_wait3A_42] : memref<2x10240x128xf32, #tpu.memory_space<hbm>> -> memref<1x10240x128xf32, #tpu.memory_space<hbm>>
        %dma_wait3A_44 = tpu.memref_squeeze %dma_wait3A_43 : memref<1x10240x128xf32, #tpu.memory_space<hbm>> -> memref<10240x128xf32, #tpu.memory_space<hbm>>
        %dma_wait3A_45 = arith.constant 0 : i32
        %dma_wait3A_46 = tpu.memref_slice %dma_wait3A_44[%add3A_34, %dma_wait3A_45] : memref<10240x128xf32, #tpu.memory_space<hbm>> -> memref<128x128xf32, #tpu.memory_space<hbm>>
        %dma_wait3A_47 = arith.constant 0 : i32
        %dma_wait3A_48 = tpu.memref_slice %arg8[%add3A_34, %dma_wait3A_47] : memref<10240x128xf32, #tpu.memory_space<vmem_shared>> -> memref<128x128xf32, #tpu.memory_space<vmem_shared>>
        tpu.wait_dma2 semaphore(%run_scoped3A : memref<!tpu.dma_semaphore, #tpu.memory_space<semaphore_mem>>) src(%dma_wait3A_48 : memref<128x128xf32, #tpu.memory_space<vmem_shared>>) dst(%dma_wait3A_46 : memref<128x128xf32, #tpu.memory_space<hbm>>)
        tpu.yield
      }) : () -> ()
    }
    %scan3A_24 = arith.constant 5 : i32
    return
  }
}

#map = affine_map<(d0, d1) -> (0, 0)>
module attributes {stable_mosaic.version = 14 : i64} {
  func.func @_gather_body(%arg0: i32, %arg1: i32, %arg2: memref<10240x128xf32, #tpu.memory_space<hbm>>, %arg3: memref<10240x128xf32, #tpu.memory_space<hbm>>, %arg4: memref<2560x128xi32, #tpu.memory_space<hbm>>, %arg5: memref<2560x128xi32, #tpu.memory_space<hbm>>, %arg6: memref<327680x128xf32, #tpu.memory_space<hbm>>, %arg7: memref<327680x128xf32, #tpu.memory_space<hbm>>, %arg8: memref<80x128xi32, #tpu.memory_space<vmem>>, %arg9: memref<128x128xf32, #tpu.memory_space<vmem>>, %arg10: memref<128x128xf32, #tpu.memory_space<vmem>>, %arg11: memref<10240x128xf32, #tpu.memory_space<vmem_shared>>, %arg12: memref<!tpu.dma_semaphore, #tpu.memory_space<semaphore_mem>>, %arg13: memref<!tpu.dma_semaphore, #tpu.memory_space<semaphore_mem>>, %arg14: memref<!tpu.dma_semaphore, #tpu.memory_space<semaphore_mem>>, %arg15: memref<!tpu.dma_semaphore, #tpu.memory_space<semaphore_mem>>) attributes {dimension_semantics = [#tpu.dimension_semantics<core_parallel>, #tpu.dimension_semantics<subcore_parallel>], iteration_bounds = array<i64: 2, 16>, scalar_prefetch = 0 : i64, scratch_operands = 8 : i64, tpu.core_type = #tpu.core_type<sc_vector_subcore>, window_params = [{transform_indices = #map}, {transform_indices = #map}, {transform_indices = #map}, {transform_indices = #map}, {transform_indices = #map}, {transform_indices = #map}]} {
    %eq3A = arith.constant 0 : i32
    %eq3A_0 = arith.cmpi eq, %arg0, %eq3A : i32
    %convert_element_type3A = arith.extui %eq3A_0 : i1 to i32
    %cond3A = arith.constant 0 : i32
    %cond3A_1 = arith.cmpi ne, %convert_element_type3A, %cond3A : i32
    scf.if %cond3A_1 {
      %mul3A_19 = arith.constant 640 : i32
      %mul3A_20 = arith.muli %arg1, %mul3A_19 : i32
      %mul3A_21 = arith.constant 640 : i32
      %mul3A_22 = arith.muli %arg1, %mul3A_21 : i32
      "tpu.region"() ({
        %run_scoped3A = tpu.sem_alloc : memref<!tpu.dma_semaphore, #tpu.memory_space<semaphore_mem>>
        %dma_start3A = arith.constant 0 : i32
        %dma_start3A_23 = tpu.memref_slice %arg11[%mul3A_22, %dma_start3A] : memref<10240x128xf32, #tpu.memory_space<vmem_shared>> -> memref<640x128xf32, #tpu.memory_space<vmem_shared>>
        %dma_start3A_24 = arith.constant 0 : i32
        %dma_start3A_25 = tpu.memref_slice %arg2[%mul3A_20, %dma_start3A_24] : memref<10240x128xf32, #tpu.memory_space<hbm>> -> memref<640x128xf32, #tpu.memory_space<hbm>>
        tpu.enqueue_dma source(%dma_start3A_25 : memref<640x128xf32, #tpu.memory_space<hbm>>) target(%dma_start3A_23 : memref<640x128xf32, #tpu.memory_space<vmem_shared>>) target_semaphore(%run_scoped3A : memref<!tpu.dma_semaphore, #tpu.memory_space<semaphore_mem>>)
        %dma_wait3A = arith.constant 0 : i32
        %dma_wait3A_26 = tpu.memref_slice %arg11[%mul3A_22, %dma_wait3A] : memref<10240x128xf32, #tpu.memory_space<vmem_shared>> -> memref<640x128xf32, #tpu.memory_space<vmem_shared>>
        %dma_wait3A_27 = arith.constant 0 : i32
        %dma_wait3A_28 = tpu.memref_slice %arg2[%mul3A_20, %dma_wait3A_27] : memref<10240x128xf32, #tpu.memory_space<hbm>> -> memref<640x128xf32, #tpu.memory_space<hbm>>
        tpu.wait_dma2 semaphore(%run_scoped3A : memref<!tpu.dma_semaphore, #tpu.memory_space<semaphore_mem>>) src(%dma_wait3A_28 : memref<640x128xf32, #tpu.memory_space<hbm>>) dst(%dma_wait3A_26 : memref<640x128xf32, #tpu.memory_space<vmem_shared>>)
        tpu.yield
      }) : () -> ()
    } else {
    }
    %eq3A_2 = arith.constant 1 : i32
    %eq3A_3 = arith.cmpi eq, %arg0, %eq3A_2 : i32
    %convert_element_type3A_4 = arith.extui %eq3A_3 : i1 to i32
    %cond3A_5 = arith.constant 0 : i32
    %cond3A_6 = arith.cmpi ne, %convert_element_type3A_4, %cond3A_5 : i32
    scf.if %cond3A_6 {
      %mul3A_19 = arith.constant 640 : i32
      %mul3A_20 = arith.muli %arg1, %mul3A_19 : i32
      %mul3A_21 = arith.constant 640 : i32
      %mul3A_22 = arith.muli %arg1, %mul3A_21 : i32
      "tpu.region"() ({
        %run_scoped3A = tpu.sem_alloc : memref<!tpu.dma_semaphore, #tpu.memory_space<semaphore_mem>>
        %dma_start3A = arith.constant 0 : i32
        %dma_start3A_23 = tpu.memref_slice %arg11[%mul3A_22, %dma_start3A] : memref<10240x128xf32, #tpu.memory_space<vmem_shared>> -> memref<640x128xf32, #tpu.memory_space<vmem_shared>>
        %dma_start3A_24 = arith.constant 0 : i32
        %dma_start3A_25 = tpu.memref_slice %arg3[%mul3A_20, %dma_start3A_24] : memref<10240x128xf32, #tpu.memory_space<hbm>> -> memref<640x128xf32, #tpu.memory_space<hbm>>
        tpu.enqueue_dma source(%dma_start3A_25 : memref<640x128xf32, #tpu.memory_space<hbm>>) target(%dma_start3A_23 : memref<640x128xf32, #tpu.memory_space<vmem_shared>>) target_semaphore(%run_scoped3A : memref<!tpu.dma_semaphore, #tpu.memory_space<semaphore_mem>>)
        %dma_wait3A = arith.constant 0 : i32
        %dma_wait3A_26 = tpu.memref_slice %arg11[%mul3A_22, %dma_wait3A] : memref<10240x128xf32, #tpu.memory_space<vmem_shared>> -> memref<640x128xf32, #tpu.memory_space<vmem_shared>>
        %dma_wait3A_27 = arith.constant 0 : i32
        %dma_wait3A_28 = tpu.memref_slice %arg3[%mul3A_20, %dma_wait3A_27] : memref<10240x128xf32, #tpu.memory_space<hbm>> -> memref<640x128xf32, #tpu.memory_space<hbm>>
        tpu.wait_dma2 semaphore(%run_scoped3A : memref<!tpu.dma_semaphore, #tpu.memory_space<semaphore_mem>>) src(%dma_wait3A_28 : memref<640x128xf32, #tpu.memory_space<hbm>>) dst(%dma_wait3A_26 : memref<640x128xf32, #tpu.memory_space<vmem_shared>>)
        tpu.yield
      }) : () -> ()
    } else {
    }
    %barrier3A = arith.constant 0 : index
    tpu.barrier barrier_id(%barrier3A)
    %mul3A = arith.constant 80 : i32
    %mul3A_7 = arith.muli %arg1, %mul3A : i32
    %add3A = arith.constant 0 : i32
    %add3A_8 = arith.addi %add3A, %mul3A_7 : i32
    %eq3A_9 = arith.constant 0 : i32
    %eq3A_10 = arith.cmpi eq, %arg0, %eq3A_9 : i32
    %convert_element_type3A_11 = arith.extui %eq3A_10 : i1 to i32
    %cond3A_12 = arith.constant 0 : i32
    %cond3A_13 = arith.cmpi ne, %convert_element_type3A_11, %cond3A_12 : i32
    scf.if %cond3A_13 {
      "tpu.region"() ({
        %run_scoped3A = tpu.sem_alloc : memref<!tpu.dma_semaphore, #tpu.memory_space<semaphore_mem>>
        %dma_start3A_34 = arith.constant 0 : i32
        %dma_start3A_35 = tpu.memref_slice %arg4[%add3A_8, %dma_start3A_34] : memref<2560x128xi32, #tpu.memory_space<hbm>> -> memref<80x128xi32, #tpu.memory_space<hbm>>
        %dma_start3A_36 = arith.constant 0 : i32
        %dma_start3A_37 = tpu.memref_slice %arg4[%add3A_8, %dma_start3A_36] : memref<2560x128xi32, #tpu.memory_space<hbm>> -> memref<80x128xi32, #tpu.memory_space<hbm>>
        tpu.enqueue_dma source(%dma_start3A_37 : memref<80x128xi32, #tpu.memory_space<hbm>>) target(%arg8 : memref<80x128xi32, #tpu.memory_space<vmem>>) target_semaphore(%run_scoped3A : memref<!tpu.dma_semaphore, #tpu.memory_space<semaphore_mem>>)
        %dma_wait3A_38 = arith.constant 0 : i32
        %dma_wait3A_39 = tpu.memref_slice %arg4[%add3A_8, %dma_wait3A_38] : memref<2560x128xi32, #tpu.memory_space<hbm>> -> memref<80x128xi32, #tpu.memory_space<hbm>>
        %dma_wait3A_40 = arith.constant 0 : i32
        %dma_wait3A_41 = tpu.memref_slice %arg4[%add3A_8, %dma_wait3A_40] : memref<2560x128xi32, #tpu.memory_space<hbm>> -> memref<80x128xi32, #tpu.memory_space<hbm>>
        tpu.wait_dma2 semaphore(%run_scoped3A : memref<!tpu.dma_semaphore, #tpu.memory_space<semaphore_mem>>) src(%dma_wait3A_41 : memref<80x128xi32, #tpu.memory_space<hbm>>) dst(%arg8 : memref<80x128xi32, #tpu.memory_space<vmem>>)
        tpu.yield
      }) : () -> ()
      %dma_start3A = arith.constant 0 : i32
      %dma_start3A_19 = arith.constant 0 : i32
      %dma_start3A_20 = tpu.memref_slice %arg8[%dma_start3A, %dma_start3A_19] : memref<80x128xi32, #tpu.memory_space<vmem>> -> memref<1x128xi32, #tpu.memory_space<vmem>>
      %dma_start3A_21 = tpu.memref_squeeze %dma_start3A_20 : memref<1x128xi32, #tpu.memory_space<vmem>> -> memref<128xi32, #tpu.memory_space<vmem>>
      %dma_start3A_22 = arith.constant 0 : i32
      %dma_start3A_23 = arith.constant 0 : i32
      %dma_start3A_24 = tpu.memref_slice %arg11[%dma_start3A_22, %dma_start3A_23] : memref<10240x128xf32, #tpu.memory_space<vmem_shared>> -> memref<10240x128xf32, #tpu.memory_space<vmem_shared>>
      tpu.enqueue_indirect_dma source(%dma_start3A_24 : memref<10240x128xf32, #tpu.memory_space<vmem_shared>>) target(%arg9 : memref<128x128xf32, #tpu.memory_space<vmem>>) offsets(%dma_start3A_21 : memref<128xi32, #tpu.memory_space<vmem>>) semaphore(%arg12 : memref<!tpu.dma_semaphore, #tpu.memory_space<semaphore_mem>>)
      %scan3A = arith.constant 0 : i32
      %scan3A_25 = arith.constant 40 : i32
      %scan3A_26 = arith.addi %scan3A, %scan3A_25 : i32
      %scan3A_27 = arith.constant 1 : i32
      scf.for %scan3A_34 = %scan3A to %scan3A_26 step %scan3A_27  : i32 {
        %mul3A_35 = arith.constant 1 : i32
        %mul3A_36 = arith.muli %scan3A_34, %mul3A_35 : i32
        %add3A_37 = arith.constant 0 : i32
        %add3A_38 = arith.addi %add3A_37, %mul3A_36 : i32
        %mul3A_39 = arith.constant 2 : i32
        %mul3A_40 = arith.muli %add3A_38, %mul3A_39 : i32
        %add3A_41 = arith.constant 0 : i32
        %add3A_42 = arith.addi %mul3A_40, %add3A_41 : i32
        %ge3A = arith.constant 1 : i32
        %ge3A_43 = arith.cmpi sge, %add3A_38, %ge3A : i32
        %convert_element_type3A_44 = arith.extui %ge3A_43 : i1 to i32
        %cond3A_45 = arith.constant 0 : i32
        %cond3A_46 = arith.cmpi ne, %convert_element_type3A_44, %cond3A_45 : i32
        scf.if %cond3A_46 {
          %dma_wait3A_99 = arith.constant 0 : i32
          %dma_wait3A_100 = arith.constant 0 : i32
          %dma_wait3A_101 = tpu.memref_slice %arg6[%dma_wait3A_99, %dma_wait3A_100] : memref<327680x128xf32, #tpu.memory_space<hbm>> -> memref<128x128xf32, #tpu.memory_space<hbm>>
          %dma_wait3A_102 = arith.constant 0 : i32
          %dma_wait3A_103 = arith.constant 0 : i32
          %dma_wait3A_104 = tpu.memref_slice %arg6[%dma_wait3A_102, %dma_wait3A_103] : memref<327680x128xf32, #tpu.memory_space<hbm>> -> memref<128x128xf32, #tpu.memory_space<hbm>>
          tpu.wait_dma2 semaphore(%arg15 : memref<!tpu.dma_semaphore, #tpu.memory_space<semaphore_mem>>) src(%arg10 : memref<128x128xf32, #tpu.memory_space<vmem>>) dst(%dma_wait3A_104 : memref<128x128xf32, #tpu.memory_space<hbm>>)
        } else {
        }
        %dma_wait3A_47 = arith.constant 0 : i32
        %dma_wait3A_48 = arith.constant 0 : i32
        %dma_wait3A_49 = tpu.memref_slice %arg8[%dma_wait3A_47, %dma_wait3A_48] : memref<80x128xi32, #tpu.memory_space<vmem>> -> memref<1x128xi32, #tpu.memory_space<vmem>>
        %dma_wait3A_50 = tpu.memref_squeeze %dma_wait3A_49 : memref<1x128xi32, #tpu.memory_space<vmem>> -> memref<128xi32, #tpu.memory_space<vmem>>
        %dma_wait3A_51 = arith.constant 0 : i32
        %dma_wait3A_52 = arith.constant 0 : i32
        %dma_wait3A_53 = tpu.memref_slice %arg11[%dma_wait3A_51, %dma_wait3A_52] : memref<10240x128xf32, #tpu.memory_space<vmem_shared>> -> memref<10240x128xf32, #tpu.memory_space<vmem_shared>>
        tpu.wait_indirect_dma semaphore(%arg12 : memref<!tpu.dma_semaphore, #tpu.memory_space<semaphore_mem>>) src(%dma_wait3A_53 : memref<10240x128xf32, #tpu.memory_space<vmem_shared>>) dst(%arg9 : memref<128x128xf32, #tpu.memory_space<vmem>>)
        %add3A_54 = arith.constant 1 : i32
        %add3A_55 = arith.addi %add3A_42, %add3A_54 : i32
        %dma_start3A_56 = arith.constant 0 : i32
        %dma_start3A_57 = tpu.memref_slice %arg8[%add3A_55, %dma_start3A_56] : memref<80x128xi32, #tpu.memory_space<vmem>> -> memref<1x128xi32, #tpu.memory_space<vmem>>
        %dma_start3A_58 = tpu.memref_squeeze %dma_start3A_57 : memref<1x128xi32, #tpu.memory_space<vmem>> -> memref<128xi32, #tpu.memory_space<vmem>>
        %dma_start3A_59 = arith.constant 0 : i32
        %dma_start3A_60 = arith.constant 0 : i32
        %dma_start3A_61 = tpu.memref_slice %arg11[%dma_start3A_59, %dma_start3A_60] : memref<10240x128xf32, #tpu.memory_space<vmem_shared>> -> memref<10240x128xf32, #tpu.memory_space<vmem_shared>>
        tpu.enqueue_indirect_dma source(%dma_start3A_61 : memref<10240x128xf32, #tpu.memory_space<vmem_shared>>) target(%arg10 : memref<128x128xf32, #tpu.memory_space<vmem>>) offsets(%dma_start3A_58 : memref<128xi32, #tpu.memory_space<vmem>>) semaphore(%arg13 : memref<!tpu.dma_semaphore, #tpu.memory_space<semaphore_mem>>)
        %add3A_62 = arith.addi %add3A_8, %add3A_42 : i32
        %mul3A_63 = arith.constant 128 : i32
        %mul3A_64 = arith.muli %add3A_62, %mul3A_63 : i32
        %dma_start3A_65 = arith.constant 0 : i32
        %dma_start3A_66 = tpu.memref_slice %arg6[%mul3A_64, %dma_start3A_65] : memref<327680x128xf32, #tpu.memory_space<hbm>> -> memref<128x128xf32, #tpu.memory_space<hbm>>
        %dma_start3A_67 = arith.constant 0 : i32
        %dma_start3A_68 = tpu.memref_slice %arg6[%mul3A_64, %dma_start3A_67] : memref<327680x128xf32, #tpu.memory_space<hbm>> -> memref<128x128xf32, #tpu.memory_space<hbm>>
        tpu.enqueue_dma source(%arg9 : memref<128x128xf32, #tpu.memory_space<vmem>>) target(%dma_start3A_68 : memref<128x128xf32, #tpu.memory_space<hbm>>) target_semaphore(%arg14 : memref<!tpu.dma_semaphore, #tpu.memory_space<semaphore_mem>>)
        %mul3A_69 = arith.constant 2 : i32
        %mul3A_70 = arith.muli %add3A_38, %mul3A_69 : i32
        %add3A_71 = arith.constant 1 : i32
        %add3A_72 = arith.addi %mul3A_70, %add3A_71 : i32
        %dma_wait3A_73 = arith.constant 0 : i32
        %dma_wait3A_74 = arith.constant 0 : i32
        %dma_wait3A_75 = tpu.memref_slice %arg6[%dma_wait3A_73, %dma_wait3A_74] : memref<327680x128xf32, #tpu.memory_space<hbm>> -> memref<128x128xf32, #tpu.memory_space<hbm>>
        %dma_wait3A_76 = arith.constant 0 : i32
        %dma_wait3A_77 = arith.constant 0 : i32
        %dma_wait3A_78 = tpu.memref_slice %arg6[%dma_wait3A_76, %dma_wait3A_77] : memref<327680x128xf32, #tpu.memory_space<hbm>> -> memref<128x128xf32, #tpu.memory_space<hbm>>
        tpu.wait_dma2 semaphore(%arg14 : memref<!tpu.dma_semaphore, #tpu.memory_space<semaphore_mem>>) src(%arg9 : memref<128x128xf32, #tpu.memory_space<vmem>>) dst(%dma_wait3A_78 : memref<128x128xf32, #tpu.memory_space<hbm>>)
        %dma_wait3A_79 = arith.constant 0 : i32
        %dma_wait3A_80 = arith.constant 0 : i32
        %dma_wait3A_81 = tpu.memref_slice %arg8[%dma_wait3A_79, %dma_wait3A_80] : memref<80x128xi32, #tpu.memory_space<vmem>> -> memref<1x128xi32, #tpu.memory_space<vmem>>
        %dma_wait3A_82 = tpu.memref_squeeze %dma_wait3A_81 : memref<1x128xi32, #tpu.memory_space<vmem>> -> memref<128xi32, #tpu.memory_space<vmem>>
        %dma_wait3A_83 = arith.constant 0 : i32
        %dma_wait3A_84 = arith.constant 0 : i32
        %dma_wait3A_85 = tpu.memref_slice %arg11[%dma_wait3A_83, %dma_wait3A_84] : memref<10240x128xf32, #tpu.memory_space<vmem_shared>> -> memref<10240x128xf32, #tpu.memory_space<vmem_shared>>
        tpu.wait_indirect_dma semaphore(%arg13 : memref<!tpu.dma_semaphore, #tpu.memory_space<semaphore_mem>>) src(%dma_wait3A_85 : memref<10240x128xf32, #tpu.memory_space<vmem_shared>>) dst(%arg10 : memref<128x128xf32, #tpu.memory_space<vmem>>)
        %add3A_86 = arith.constant 1 : i32
        %add3A_87 = arith.addi %add3A_72, %add3A_86 : i32
        %lt3A = arith.constant 80 : i32
        %lt3A_88 = arith.cmpi slt, %add3A_87, %lt3A : i32
        %convert_element_type3A_89 = arith.extui %lt3A_88 : i1 to i32
        %cond3A_90 = arith.constant 0 : i32
        %cond3A_91 = arith.cmpi ne, %convert_element_type3A_89, %cond3A_90 : i32
        scf.if %cond3A_91 {
          %add3A_99 = arith.constant 1 : i32
          %add3A_100 = arith.addi %add3A_72, %add3A_99 : i32
          %dma_start3A_101 = arith.constant 0 : i32
          %dma_start3A_102 = tpu.memref_slice %arg8[%add3A_100, %dma_start3A_101] : memref<80x128xi32, #tpu.memory_space<vmem>> -> memref<1x128xi32, #tpu.memory_space<vmem>>
          %dma_start3A_103 = tpu.memref_squeeze %dma_start3A_102 : memref<1x128xi32, #tpu.memory_space<vmem>> -> memref<128xi32, #tpu.memory_space<vmem>>
          %dma_start3A_104 = arith.constant 0 : i32
          %dma_start3A_105 = arith.constant 0 : i32
          %dma_start3A_106 = tpu.memref_slice %arg11[%dma_start3A_104, %dma_start3A_105] : memref<10240x128xf32, #tpu.memory_space<vmem_shared>> -> memref<10240x128xf32, #tpu.memory_space<vmem_shared>>
          tpu.enqueue_indirect_dma source(%dma_start3A_106 : memref<10240x128xf32, #tpu.memory_space<vmem_shared>>) target(%arg9 : memref<128x128xf32, #tpu.memory_space<vmem>>) offsets(%dma_start3A_103 : memref<128xi32, #tpu.memory_space<vmem>>) semaphore(%arg12 : memref<!tpu.dma_semaphore, #tpu.memory_space<semaphore_mem>>)
        } else {
        }
        %add3A_92 = arith.addi %add3A_8, %add3A_72 : i32
        %mul3A_93 = arith.constant 128 : i32
        %mul3A_94 = arith.muli %add3A_92, %mul3A_93 : i32
        %dma_start3A_95 = arith.constant 0 : i32
        %dma_start3A_96 = tpu.memref_slice %arg6[%mul3A_94, %dma_start3A_95] : memref<327680x128xf32, #tpu.memory_space<hbm>> -> memref<128x128xf32, #tpu.memory_space<hbm>>
        %dma_start3A_97 = arith.constant 0 : i32
        %dma_start3A_98 = tpu.memref_slice %arg6[%mul3A_94, %dma_start3A_97] : memref<327680x128xf32, #tpu.memory_space<hbm>> -> memref<128x128xf32, #tpu.memory_space<hbm>>
        tpu.enqueue_dma source(%arg10 : memref<128x128xf32, #tpu.memory_space<vmem>>) target(%dma_start3A_98 : memref<128x128xf32, #tpu.memory_space<hbm>>) target_semaphore(%arg15 : memref<!tpu.dma_semaphore, #tpu.memory_space<semaphore_mem>>)
      }
      %scan3A_28 = arith.constant 40 : i32
      %dma_wait3A = arith.constant 0 : i32
      %dma_wait3A_29 = arith.constant 0 : i32
      %dma_wait3A_30 = tpu.memref_slice %arg6[%dma_wait3A, %dma_wait3A_29] : memref<327680x128xf32, #tpu.memory_space<hbm>> -> memref<128x128xf32, #tpu.memory_space<hbm>>
      %dma_wait3A_31 = arith.constant 0 : i32
      %dma_wait3A_32 = arith.constant 0 : i32
      %dma_wait3A_33 = tpu.memref_slice %arg6[%dma_wait3A_31, %dma_wait3A_32] : memref<327680x128xf32, #tpu.memory_space<hbm>> -> memref<128x128xf32, #tpu.memory_space<hbm>>
      tpu.wait_dma2 semaphore(%arg15 : memref<!tpu.dma_semaphore, #tpu.memory_space<semaphore_mem>>) src(%arg10 : memref<128x128xf32, #tpu.memory_space<vmem>>) dst(%dma_wait3A_33 : memref<128x128xf32, #tpu.memory_space<hbm>>)
    } else {
    }
    %eq3A_14 = arith.constant 1 : i32
    %eq3A_15 = arith.cmpi eq, %arg0, %eq3A_14 : i32
    %convert_element_type3A_16 = arith.extui %eq3A_15 : i1 to i32
    %cond3A_17 = arith.constant 0 : i32
    %cond3A_18 = arith.cmpi ne, %convert_element_type3A_16, %cond3A_17 : i32
    scf.if %cond3A_18 {
      "tpu.region"() ({
        %run_scoped3A = tpu.sem_alloc : memref<!tpu.dma_semaphore, #tpu.memory_space<semaphore_mem>>
        %dma_start3A_34 = arith.constant 0 : i32
        %dma_start3A_35 = tpu.memref_slice %arg5[%add3A_8, %dma_start3A_34] : memref<2560x128xi32, #tpu.memory_space<hbm>> -> memref<80x128xi32, #tpu.memory_space<hbm>>
        %dma_start3A_36 = arith.constant 0 : i32
        %dma_start3A_37 = tpu.memref_slice %arg5[%add3A_8, %dma_start3A_36] : memref<2560x128xi32, #tpu.memory_space<hbm>> -> memref<80x128xi32, #tpu.memory_space<hbm>>
        tpu.enqueue_dma source(%dma_start3A_37 : memref<80x128xi32, #tpu.memory_space<hbm>>) target(%arg8 : memref<80x128xi32, #tpu.memory_space<vmem>>) target_semaphore(%run_scoped3A : memref<!tpu.dma_semaphore, #tpu.memory_space<semaphore_mem>>)
        %dma_wait3A_38 = arith.constant 0 : i32
        %dma_wait3A_39 = tpu.memref_slice %arg5[%add3A_8, %dma_wait3A_38] : memref<2560x128xi32, #tpu.memory_space<hbm>> -> memref<80x128xi32, #tpu.memory_space<hbm>>
        %dma_wait3A_40 = arith.constant 0 : i32
        %dma_wait3A_41 = tpu.memref_slice %arg5[%add3A_8, %dma_wait3A_40] : memref<2560x128xi32, #tpu.memory_space<hbm>> -> memref<80x128xi32, #tpu.memory_space<hbm>>
        tpu.wait_dma2 semaphore(%run_scoped3A : memref<!tpu.dma_semaphore, #tpu.memory_space<semaphore_mem>>) src(%dma_wait3A_41 : memref<80x128xi32, #tpu.memory_space<hbm>>) dst(%arg8 : memref<80x128xi32, #tpu.memory_space<vmem>>)
        tpu.yield
      }) : () -> ()
      %dma_start3A = arith.constant 0 : i32
      %dma_start3A_19 = arith.constant 0 : i32
      %dma_start3A_20 = tpu.memref_slice %arg8[%dma_start3A, %dma_start3A_19] : memref<80x128xi32, #tpu.memory_space<vmem>> -> memref<1x128xi32, #tpu.memory_space<vmem>>
      %dma_start3A_21 = tpu.memref_squeeze %dma_start3A_20 : memref<1x128xi32, #tpu.memory_space<vmem>> -> memref<128xi32, #tpu.memory_space<vmem>>
      %dma_start3A_22 = arith.constant 0 : i32
      %dma_start3A_23 = arith.constant 0 : i32
      %dma_start3A_24 = tpu.memref_slice %arg11[%dma_start3A_22, %dma_start3A_23] : memref<10240x128xf32, #tpu.memory_space<vmem_shared>> -> memref<10240x128xf32, #tpu.memory_space<vmem_shared>>
      tpu.enqueue_indirect_dma source(%dma_start3A_24 : memref<10240x128xf32, #tpu.memory_space<vmem_shared>>) target(%arg9 : memref<128x128xf32, #tpu.memory_space<vmem>>) offsets(%dma_start3A_21 : memref<128xi32, #tpu.memory_space<vmem>>) semaphore(%arg12 : memref<!tpu.dma_semaphore, #tpu.memory_space<semaphore_mem>>)
      %scan3A = arith.constant 0 : i32
      %scan3A_25 = arith.constant 40 : i32
      %scan3A_26 = arith.addi %scan3A, %scan3A_25 : i32
      %scan3A_27 = arith.constant 1 : i32
      scf.for %scan3A_34 = %scan3A to %scan3A_26 step %scan3A_27  : i32 {
        %mul3A_35 = arith.constant 1 : i32
        %mul3A_36 = arith.muli %scan3A_34, %mul3A_35 : i32
        %add3A_37 = arith.constant 0 : i32
        %add3A_38 = arith.addi %add3A_37, %mul3A_36 : i32
        %mul3A_39 = arith.constant 2 : i32
        %mul3A_40 = arith.muli %add3A_38, %mul3A_39 : i32
        %add3A_41 = arith.constant 0 : i32
        %add3A_42 = arith.addi %mul3A_40, %add3A_41 : i32
        %ge3A = arith.constant 1 : i32
        %ge3A_43 = arith.cmpi sge, %add3A_38, %ge3A : i32
        %convert_element_type3A_44 = arith.extui %ge3A_43 : i1 to i32
        %cond3A_45 = arith.constant 0 : i32
        %cond3A_46 = arith.cmpi ne, %convert_element_type3A_44, %cond3A_45 : i32
        scf.if %cond3A_46 {
          %dma_wait3A_99 = arith.constant 0 : i32
          %dma_wait3A_100 = arith.constant 0 : i32
          %dma_wait3A_101 = tpu.memref_slice %arg7[%dma_wait3A_99, %dma_wait3A_100] : memref<327680x128xf32, #tpu.memory_space<hbm>> -> memref<128x128xf32, #tpu.memory_space<hbm>>
          %dma_wait3A_102 = arith.constant 0 : i32
          %dma_wait3A_103 = arith.constant 0 : i32
          %dma_wait3A_104 = tpu.memref_slice %arg7[%dma_wait3A_102, %dma_wait3A_103] : memref<327680x128xf32, #tpu.memory_space<hbm>> -> memref<128x128xf32, #tpu.memory_space<hbm>>
          tpu.wait_dma2 semaphore(%arg15 : memref<!tpu.dma_semaphore, #tpu.memory_space<semaphore_mem>>) src(%arg10 : memref<128x128xf32, #tpu.memory_space<vmem>>) dst(%dma_wait3A_104 : memref<128x128xf32, #tpu.memory_space<hbm>>)
        } else {
        }
        %dma_wait3A_47 = arith.constant 0 : i32
        %dma_wait3A_48 = arith.constant 0 : i32
        %dma_wait3A_49 = tpu.memref_slice %arg8[%dma_wait3A_47, %dma_wait3A_48] : memref<80x128xi32, #tpu.memory_space<vmem>> -> memref<1x128xi32, #tpu.memory_space<vmem>>
        %dma_wait3A_50 = tpu.memref_squeeze %dma_wait3A_49 : memref<1x128xi32, #tpu.memory_space<vmem>> -> memref<128xi32, #tpu.memory_space<vmem>>
        %dma_wait3A_51 = arith.constant 0 : i32
        %dma_wait3A_52 = arith.constant 0 : i32
        %dma_wait3A_53 = tpu.memref_slice %arg11[%dma_wait3A_51, %dma_wait3A_52] : memref<10240x128xf32, #tpu.memory_space<vmem_shared>> -> memref<10240x128xf32, #tpu.memory_space<vmem_shared>>
        tpu.wait_indirect_dma semaphore(%arg12 : memref<!tpu.dma_semaphore, #tpu.memory_space<semaphore_mem>>) src(%dma_wait3A_53 : memref<10240x128xf32, #tpu.memory_space<vmem_shared>>) dst(%arg9 : memref<128x128xf32, #tpu.memory_space<vmem>>)
        %add3A_54 = arith.constant 1 : i32
        %add3A_55 = arith.addi %add3A_42, %add3A_54 : i32
        %dma_start3A_56 = arith.constant 0 : i32
        %dma_start3A_57 = tpu.memref_slice %arg8[%add3A_55, %dma_start3A_56] : memref<80x128xi32, #tpu.memory_space<vmem>> -> memref<1x128xi32, #tpu.memory_space<vmem>>
        %dma_start3A_58 = tpu.memref_squeeze %dma_start3A_57 : memref<1x128xi32, #tpu.memory_space<vmem>> -> memref<128xi32, #tpu.memory_space<vmem>>
        %dma_start3A_59 = arith.constant 0 : i32
        %dma_start3A_60 = arith.constant 0 : i32
        %dma_start3A_61 = tpu.memref_slice %arg11[%dma_start3A_59, %dma_start3A_60] : memref<10240x128xf32, #tpu.memory_space<vmem_shared>> -> memref<10240x128xf32, #tpu.memory_space<vmem_shared>>
        tpu.enqueue_indirect_dma source(%dma_start3A_61 : memref<10240x128xf32, #tpu.memory_space<vmem_shared>>) target(%arg10 : memref<128x128xf32, #tpu.memory_space<vmem>>) offsets(%dma_start3A_58 : memref<128xi32, #tpu.memory_space<vmem>>) semaphore(%arg13 : memref<!tpu.dma_semaphore, #tpu.memory_space<semaphore_mem>>)
        %add3A_62 = arith.addi %add3A_8, %add3A_42 : i32
        %mul3A_63 = arith.constant 128 : i32
        %mul3A_64 = arith.muli %add3A_62, %mul3A_63 : i32
        %dma_start3A_65 = arith.constant 0 : i32
        %dma_start3A_66 = tpu.memref_slice %arg7[%mul3A_64, %dma_start3A_65] : memref<327680x128xf32, #tpu.memory_space<hbm>> -> memref<128x128xf32, #tpu.memory_space<hbm>>
        %dma_start3A_67 = arith.constant 0 : i32
        %dma_start3A_68 = tpu.memref_slice %arg7[%mul3A_64, %dma_start3A_67] : memref<327680x128xf32, #tpu.memory_space<hbm>> -> memref<128x128xf32, #tpu.memory_space<hbm>>
        tpu.enqueue_dma source(%arg9 : memref<128x128xf32, #tpu.memory_space<vmem>>) target(%dma_start3A_68 : memref<128x128xf32, #tpu.memory_space<hbm>>) target_semaphore(%arg14 : memref<!tpu.dma_semaphore, #tpu.memory_space<semaphore_mem>>)
        %mul3A_69 = arith.constant 2 : i32
        %mul3A_70 = arith.muli %add3A_38, %mul3A_69 : i32
        %add3A_71 = arith.constant 1 : i32
        %add3A_72 = arith.addi %mul3A_70, %add3A_71 : i32
        %dma_wait3A_73 = arith.constant 0 : i32
        %dma_wait3A_74 = arith.constant 0 : i32
        %dma_wait3A_75 = tpu.memref_slice %arg7[%dma_wait3A_73, %dma_wait3A_74] : memref<327680x128xf32, #tpu.memory_space<hbm>> -> memref<128x128xf32, #tpu.memory_space<hbm>>
        %dma_wait3A_76 = arith.constant 0 : i32
        %dma_wait3A_77 = arith.constant 0 : i32
        %dma_wait3A_78 = tpu.memref_slice %arg7[%dma_wait3A_76, %dma_wait3A_77] : memref<327680x128xf32, #tpu.memory_space<hbm>> -> memref<128x128xf32, #tpu.memory_space<hbm>>
        tpu.wait_dma2 semaphore(%arg14 : memref<!tpu.dma_semaphore, #tpu.memory_space<semaphore_mem>>) src(%arg9 : memref<128x128xf32, #tpu.memory_space<vmem>>) dst(%dma_wait3A_78 : memref<128x128xf32, #tpu.memory_space<hbm>>)
        %dma_wait3A_79 = arith.constant 0 : i32
        %dma_wait3A_80 = arith.constant 0 : i32
        %dma_wait3A_81 = tpu.memref_slice %arg8[%dma_wait3A_79, %dma_wait3A_80] : memref<80x128xi32, #tpu.memory_space<vmem>> -> memref<1x128xi32, #tpu.memory_space<vmem>>
        %dma_wait3A_82 = tpu.memref_squeeze %dma_wait3A_81 : memref<1x128xi32, #tpu.memory_space<vmem>> -> memref<128xi32, #tpu.memory_space<vmem>>
        %dma_wait3A_83 = arith.constant 0 : i32
        %dma_wait3A_84 = arith.constant 0 : i32
        %dma_wait3A_85 = tpu.memref_slice %arg11[%dma_wait3A_83, %dma_wait3A_84] : memref<10240x128xf32, #tpu.memory_space<vmem_shared>> -> memref<10240x128xf32, #tpu.memory_space<vmem_shared>>
        tpu.wait_indirect_dma semaphore(%arg13 : memref<!tpu.dma_semaphore, #tpu.memory_space<semaphore_mem>>) src(%dma_wait3A_85 : memref<10240x128xf32, #tpu.memory_space<vmem_shared>>) dst(%arg10 : memref<128x128xf32, #tpu.memory_space<vmem>>)
        %add3A_86 = arith.constant 1 : i32
        %add3A_87 = arith.addi %add3A_72, %add3A_86 : i32
        %lt3A = arith.constant 80 : i32
        %lt3A_88 = arith.cmpi slt, %add3A_87, %lt3A : i32
        %convert_element_type3A_89 = arith.extui %lt3A_88 : i1 to i32
        %cond3A_90 = arith.constant 0 : i32
        %cond3A_91 = arith.cmpi ne, %convert_element_type3A_89, %cond3A_90 : i32
        scf.if %cond3A_91 {
          %add3A_99 = arith.constant 1 : i32
          %add3A_100 = arith.addi %add3A_72, %add3A_99 : i32
          %dma_start3A_101 = arith.constant 0 : i32
          %dma_start3A_102 = tpu.memref_slice %arg8[%add3A_100, %dma_start3A_101] : memref<80x128xi32, #tpu.memory_space<vmem>> -> memref<1x128xi32, #tpu.memory_space<vmem>>
          %dma_start3A_103 = tpu.memref_squeeze %dma_start3A_102 : memref<1x128xi32, #tpu.memory_space<vmem>> -> memref<128xi32, #tpu.memory_space<vmem>>
          %dma_start3A_104 = arith.constant 0 : i32
          %dma_start3A_105 = arith.constant 0 : i32
          %dma_start3A_106 = tpu.memref_slice %arg11[%dma_start3A_104, %dma_start3A_105] : memref<10240x128xf32, #tpu.memory_space<vmem_shared>> -> memref<10240x128xf32, #tpu.memory_space<vmem_shared>>
          tpu.enqueue_indirect_dma source(%dma_start3A_106 : memref<10240x128xf32, #tpu.memory_space<vmem_shared>>) target(%arg9 : memref<128x128xf32, #tpu.memory_space<vmem>>) offsets(%dma_start3A_103 : memref<128xi32, #tpu.memory_space<vmem>>) semaphore(%arg12 : memref<!tpu.dma_semaphore, #tpu.memory_space<semaphore_mem>>)
        } else {
        }
        %add3A_92 = arith.addi %add3A_8, %add3A_72 : i32
        %mul3A_93 = arith.constant 128 : i32
        %mul3A_94 = arith.muli %add3A_92, %mul3A_93 : i32
        %dma_start3A_95 = arith.constant 0 : i32
        %dma_start3A_96 = tpu.memref_slice %arg7[%mul3A_94, %dma_start3A_95] : memref<327680x128xf32, #tpu.memory_space<hbm>> -> memref<128x128xf32, #tpu.memory_space<hbm>>
        %dma_start3A_97 = arith.constant 0 : i32
        %dma_start3A_98 = tpu.memref_slice %arg7[%mul3A_94, %dma_start3A_97] : memref<327680x128xf32, #tpu.memory_space<hbm>> -> memref<128x128xf32, #tpu.memory_space<hbm>>
        tpu.enqueue_dma source(%arg10 : memref<128x128xf32, #tpu.memory_space<vmem>>) target(%dma_start3A_98 : memref<128x128xf32, #tpu.memory_space<hbm>>) target_semaphore(%arg15 : memref<!tpu.dma_semaphore, #tpu.memory_space<semaphore_mem>>)
      }
      %scan3A_28 = arith.constant 40 : i32
      %dma_wait3A = arith.constant 0 : i32
      %dma_wait3A_29 = arith.constant 0 : i32
      %dma_wait3A_30 = tpu.memref_slice %arg7[%dma_wait3A, %dma_wait3A_29] : memref<327680x128xf32, #tpu.memory_space<hbm>> -> memref<128x128xf32, #tpu.memory_space<hbm>>
      %dma_wait3A_31 = arith.constant 0 : i32
      %dma_wait3A_32 = arith.constant 0 : i32
      %dma_wait3A_33 = tpu.memref_slice %arg7[%dma_wait3A_31, %dma_wait3A_32] : memref<327680x128xf32, #tpu.memory_space<hbm>> -> memref<128x128xf32, #tpu.memory_space<hbm>>
      tpu.wait_dma2 semaphore(%arg15 : memref<!tpu.dma_semaphore, #tpu.memory_space<semaphore_mem>>) src(%arg10 : memref<128x128xf32, #tpu.memory_space<vmem>>) dst(%dma_wait3A_33 : memref<128x128xf32, #tpu.memory_space<hbm>>)
    } else {
    }
    return
  }
}

#map = affine_map<(d0, d1) -> (0, 0)>
module attributes {stable_mosaic.version = 14 : i64} {
  func.func @_gather_body(%arg0: i32, %arg1: i32, %arg2: memref<10240x128xf32, #tpu.memory_space<hbm>>, %arg3: memref<10240x128xf32, #tpu.memory_space<hbm>>, %arg4: memref<2560x128xi32, #tpu.memory_space<hbm>>, %arg5: memref<2560x128xi32, #tpu.memory_space<hbm>>, %arg6: memref<327680x128xf32, #tpu.memory_space<hbm>>, %arg7: memref<327680x128xf32, #tpu.memory_space<hbm>>, %arg8: memref<80x128xi32, #tpu.memory_space<vmem>>, %arg9: memref<128x128xf32, #tpu.memory_space<vmem>>, %arg10: memref<128x128xf32, #tpu.memory_space<vmem>>, %arg11: memref<10240x128xf32, #tpu.memory_space<vmem_shared>>, %arg12: memref<!tpu.dma_semaphore, #tpu.memory_space<semaphore_mem>>, %arg13: memref<!tpu.dma_semaphore, #tpu.memory_space<semaphore_mem>>, %arg14: memref<!tpu.dma_semaphore, #tpu.memory_space<semaphore_mem>>, %arg15: memref<!tpu.dma_semaphore, #tpu.memory_space<semaphore_mem>>) attributes {dimension_semantics = [#tpu.dimension_semantics<core_parallel>, #tpu.dimension_semantics<subcore_parallel>], iteration_bounds = array<i64: 2, 16>, scalar_prefetch = 0 : i64, scratch_operands = 8 : i64, tpu.core_type = #tpu.core_type<sc_vector_subcore>, window_params = [{transform_indices = #map}, {transform_indices = #map}, {transform_indices = #map}, {transform_indices = #map}, {transform_indices = #map}, {transform_indices = #map}]} {
    %eq3A = arith.constant 0 : i32
    %eq3A_0 = arith.cmpi eq, %arg0, %eq3A : i32
    %convert_element_type3A = arith.extui %eq3A_0 : i1 to i32
    %cond3A = arith.constant 0 : i32
    %cond3A_1 = arith.cmpi ne, %convert_element_type3A, %cond3A : i32
    scf.if %cond3A_1 {
      %mul3A_19 = arith.constant 640 : i32
      %mul3A_20 = arith.muli %arg1, %mul3A_19 : i32
      %mul3A_21 = arith.constant 640 : i32
      %mul3A_22 = arith.muli %arg1, %mul3A_21 : i32
      "tpu.region"() ({
        %run_scoped3A = tpu.sem_alloc : memref<!tpu.dma_semaphore, #tpu.memory_space<semaphore_mem>>
        %dma_start3A = arith.constant 0 : i32
        %dma_start3A_23 = tpu.memref_slice %arg11[%mul3A_22, %dma_start3A] : memref<10240x128xf32, #tpu.memory_space<vmem_shared>> -> memref<640x128xf32, #tpu.memory_space<vmem_shared>>
        %dma_start3A_24 = arith.constant 0 : i32
        %dma_start3A_25 = tpu.memref_slice %arg2[%mul3A_20, %dma_start3A_24] : memref<10240x128xf32, #tpu.memory_space<hbm>> -> memref<640x128xf32, #tpu.memory_space<hbm>>
        tpu.enqueue_dma source(%dma_start3A_25 : memref<640x128xf32, #tpu.memory_space<hbm>>) target(%dma_start3A_23 : memref<640x128xf32, #tpu.memory_space<vmem_shared>>) target_semaphore(%run_scoped3A : memref<!tpu.dma_semaphore, #tpu.memory_space<semaphore_mem>>)
        %dma_wait3A = arith.constant 0 : i32
        %dma_wait3A_26 = tpu.memref_slice %arg11[%mul3A_22, %dma_wait3A] : memref<10240x128xf32, #tpu.memory_space<vmem_shared>> -> memref<640x128xf32, #tpu.memory_space<vmem_shared>>
        %dma_wait3A_27 = arith.constant 0 : i32
        %dma_wait3A_28 = tpu.memref_slice %arg2[%mul3A_20, %dma_wait3A_27] : memref<10240x128xf32, #tpu.memory_space<hbm>> -> memref<640x128xf32, #tpu.memory_space<hbm>>
        tpu.wait_dma2 semaphore(%run_scoped3A : memref<!tpu.dma_semaphore, #tpu.memory_space<semaphore_mem>>) src(%dma_wait3A_28 : memref<640x128xf32, #tpu.memory_space<hbm>>) dst(%dma_wait3A_26 : memref<640x128xf32, #tpu.memory_space<vmem_shared>>)
        tpu.yield
      }) : () -> ()
    } else {
    }
    %eq3A_2 = arith.constant 1 : i32
    %eq3A_3 = arith.cmpi eq, %arg0, %eq3A_2 : i32
    %convert_element_type3A_4 = arith.extui %eq3A_3 : i1 to i32
    %cond3A_5 = arith.constant 0 : i32
    %cond3A_6 = arith.cmpi ne, %convert_element_type3A_4, %cond3A_5 : i32
    scf.if %cond3A_6 {
      %mul3A_19 = arith.constant 640 : i32
      %mul3A_20 = arith.muli %arg1, %mul3A_19 : i32
      %mul3A_21 = arith.constant 640 : i32
      %mul3A_22 = arith.muli %arg1, %mul3A_21 : i32
      "tpu.region"() ({
        %run_scoped3A = tpu.sem_alloc : memref<!tpu.dma_semaphore, #tpu.memory_space<semaphore_mem>>
        %dma_start3A = arith.constant 0 : i32
        %dma_start3A_23 = tpu.memref_slice %arg11[%mul3A_22, %dma_start3A] : memref<10240x128xf32, #tpu.memory_space<vmem_shared>> -> memref<640x128xf32, #tpu.memory_space<vmem_shared>>
        %dma_start3A_24 = arith.constant 0 : i32
        %dma_start3A_25 = tpu.memref_slice %arg3[%mul3A_20, %dma_start3A_24] : memref<10240x128xf32, #tpu.memory_space<hbm>> -> memref<640x128xf32, #tpu.memory_space<hbm>>
        tpu.enqueue_dma source(%dma_start3A_25 : memref<640x128xf32, #tpu.memory_space<hbm>>) target(%dma_start3A_23 : memref<640x128xf32, #tpu.memory_space<vmem_shared>>) target_semaphore(%run_scoped3A : memref<!tpu.dma_semaphore, #tpu.memory_space<semaphore_mem>>)
        %dma_wait3A = arith.constant 0 : i32
        %dma_wait3A_26 = tpu.memref_slice %arg11[%mul3A_22, %dma_wait3A] : memref<10240x128xf32, #tpu.memory_space<vmem_shared>> -> memref<640x128xf32, #tpu.memory_space<vmem_shared>>
        %dma_wait3A_27 = arith.constant 0 : i32
        %dma_wait3A_28 = tpu.memref_slice %arg3[%mul3A_20, %dma_wait3A_27] : memref<10240x128xf32, #tpu.memory_space<hbm>> -> memref<640x128xf32, #tpu.memory_space<hbm>>
        tpu.wait_dma2 semaphore(%run_scoped3A : memref<!tpu.dma_semaphore, #tpu.memory_space<semaphore_mem>>) src(%dma_wait3A_28 : memref<640x128xf32, #tpu.memory_space<hbm>>) dst(%dma_wait3A_26 : memref<640x128xf32, #tpu.memory_space<vmem_shared>>)
        tpu.yield
      }) : () -> ()
    } else {
    }
    %barrier3A = arith.constant 0 : index
    tpu.barrier barrier_id(%barrier3A)
    %mul3A = arith.constant 80 : i32
    %mul3A_7 = arith.muli %arg1, %mul3A : i32
    %add3A = arith.constant 1280 : i32
    %add3A_8 = arith.addi %add3A, %mul3A_7 : i32
    %eq3A_9 = arith.constant 0 : i32
    %eq3A_10 = arith.cmpi eq, %arg0, %eq3A_9 : i32
    %convert_element_type3A_11 = arith.extui %eq3A_10 : i1 to i32
    %cond3A_12 = arith.constant 0 : i32
    %cond3A_13 = arith.cmpi ne, %convert_element_type3A_11, %cond3A_12 : i32
    scf.if %cond3A_13 {
      "tpu.region"() ({
        %run_scoped3A = tpu.sem_alloc : memref<!tpu.dma_semaphore, #tpu.memory_space<semaphore_mem>>
        %dma_start3A_34 = arith.constant 0 : i32
        %dma_start3A_35 = tpu.memref_slice %arg4[%add3A_8, %dma_start3A_34] : memref<2560x128xi32, #tpu.memory_space<hbm>> -> memref<80x128xi32, #tpu.memory_space<hbm>>
        %dma_start3A_36 = arith.constant 0 : i32
        %dma_start3A_37 = tpu.memref_slice %arg4[%add3A_8, %dma_start3A_36] : memref<2560x128xi32, #tpu.memory_space<hbm>> -> memref<80x128xi32, #tpu.memory_space<hbm>>
        tpu.enqueue_dma source(%dma_start3A_37 : memref<80x128xi32, #tpu.memory_space<hbm>>) target(%arg8 : memref<80x128xi32, #tpu.memory_space<vmem>>) target_semaphore(%run_scoped3A : memref<!tpu.dma_semaphore, #tpu.memory_space<semaphore_mem>>)
        %dma_wait3A_38 = arith.constant 0 : i32
        %dma_wait3A_39 = tpu.memref_slice %arg4[%add3A_8, %dma_wait3A_38] : memref<2560x128xi32, #tpu.memory_space<hbm>> -> memref<80x128xi32, #tpu.memory_space<hbm>>
        %dma_wait3A_40 = arith.constant 0 : i32
        %dma_wait3A_41 = tpu.memref_slice %arg4[%add3A_8, %dma_wait3A_40] : memref<2560x128xi32, #tpu.memory_space<hbm>> -> memref<80x128xi32, #tpu.memory_space<hbm>>
        tpu.wait_dma2 semaphore(%run_scoped3A : memref<!tpu.dma_semaphore, #tpu.memory_space<semaphore_mem>>) src(%dma_wait3A_41 : memref<80x128xi32, #tpu.memory_space<hbm>>) dst(%arg8 : memref<80x128xi32, #tpu.memory_space<vmem>>)
        tpu.yield
      }) : () -> ()
      %dma_start3A = arith.constant 0 : i32
      %dma_start3A_19 = arith.constant 0 : i32
      %dma_start3A_20 = tpu.memref_slice %arg8[%dma_start3A, %dma_start3A_19] : memref<80x128xi32, #tpu.memory_space<vmem>> -> memref<1x128xi32, #tpu.memory_space<vmem>>
      %dma_start3A_21 = tpu.memref_squeeze %dma_start3A_20 : memref<1x128xi32, #tpu.memory_space<vmem>> -> memref<128xi32, #tpu.memory_space<vmem>>
      %dma_start3A_22 = arith.constant 0 : i32
      %dma_start3A_23 = arith.constant 0 : i32
      %dma_start3A_24 = tpu.memref_slice %arg11[%dma_start3A_22, %dma_start3A_23] : memref<10240x128xf32, #tpu.memory_space<vmem_shared>> -> memref<10240x128xf32, #tpu.memory_space<vmem_shared>>
      tpu.enqueue_indirect_dma source(%dma_start3A_24 : memref<10240x128xf32, #tpu.memory_space<vmem_shared>>) target(%arg9 : memref<128x128xf32, #tpu.memory_space<vmem>>) offsets(%dma_start3A_21 : memref<128xi32, #tpu.memory_space<vmem>>) semaphore(%arg12 : memref<!tpu.dma_semaphore, #tpu.memory_space<semaphore_mem>>)
      %scan3A = arith.constant 0 : i32
      %scan3A_25 = arith.constant 40 : i32
      %scan3A_26 = arith.addi %scan3A, %scan3A_25 : i32
      %scan3A_27 = arith.constant 1 : i32
      scf.for %scan3A_34 = %scan3A to %scan3A_26 step %scan3A_27  : i32 {
        %mul3A_35 = arith.constant 1 : i32
        %mul3A_36 = arith.muli %scan3A_34, %mul3A_35 : i32
        %add3A_37 = arith.constant 0 : i32
        %add3A_38 = arith.addi %add3A_37, %mul3A_36 : i32
        %mul3A_39 = arith.constant 2 : i32
        %mul3A_40 = arith.muli %add3A_38, %mul3A_39 : i32
        %add3A_41 = arith.constant 0 : i32
        %add3A_42 = arith.addi %mul3A_40, %add3A_41 : i32
        %ge3A = arith.constant 1 : i32
        %ge3A_43 = arith.cmpi sge, %add3A_38, %ge3A : i32
        %convert_element_type3A_44 = arith.extui %ge3A_43 : i1 to i32
        %cond3A_45 = arith.constant 0 : i32
        %cond3A_46 = arith.cmpi ne, %convert_element_type3A_44, %cond3A_45 : i32
        scf.if %cond3A_46 {
          %dma_wait3A_99 = arith.constant 0 : i32
          %dma_wait3A_100 = arith.constant 0 : i32
          %dma_wait3A_101 = tpu.memref_slice %arg6[%dma_wait3A_99, %dma_wait3A_100] : memref<327680x128xf32, #tpu.memory_space<hbm>> -> memref<128x128xf32, #tpu.memory_space<hbm>>
          %dma_wait3A_102 = arith.constant 0 : i32
          %dma_wait3A_103 = arith.constant 0 : i32
          %dma_wait3A_104 = tpu.memref_slice %arg6[%dma_wait3A_102, %dma_wait3A_103] : memref<327680x128xf32, #tpu.memory_space<hbm>> -> memref<128x128xf32, #tpu.memory_space<hbm>>
          tpu.wait_dma2 semaphore(%arg15 : memref<!tpu.dma_semaphore, #tpu.memory_space<semaphore_mem>>) src(%arg10 : memref<128x128xf32, #tpu.memory_space<vmem>>) dst(%dma_wait3A_104 : memref<128x128xf32, #tpu.memory_space<hbm>>)
        } else {
        }
        %dma_wait3A_47 = arith.constant 0 : i32
        %dma_wait3A_48 = arith.constant 0 : i32
        %dma_wait3A_49 = tpu.memref_slice %arg8[%dma_wait3A_47, %dma_wait3A_48] : memref<80x128xi32, #tpu.memory_space<vmem>> -> memref<1x128xi32, #tpu.memory_space<vmem>>
        %dma_wait3A_50 = tpu.memref_squeeze %dma_wait3A_49 : memref<1x128xi32, #tpu.memory_space<vmem>> -> memref<128xi32, #tpu.memory_space<vmem>>
        %dma_wait3A_51 = arith.constant 0 : i32
        %dma_wait3A_52 = arith.constant 0 : i32
        %dma_wait3A_53 = tpu.memref_slice %arg11[%dma_wait3A_51, %dma_wait3A_52] : memref<10240x128xf32, #tpu.memory_space<vmem_shared>> -> memref<10240x128xf32, #tpu.memory_space<vmem_shared>>
        tpu.wait_indirect_dma semaphore(%arg12 : memref<!tpu.dma_semaphore, #tpu.memory_space<semaphore_mem>>) src(%dma_wait3A_53 : memref<10240x128xf32, #tpu.memory_space<vmem_shared>>) dst(%arg9 : memref<128x128xf32, #tpu.memory_space<vmem>>)
        %add3A_54 = arith.constant 1 : i32
        %add3A_55 = arith.addi %add3A_42, %add3A_54 : i32
        %dma_start3A_56 = arith.constant 0 : i32
        %dma_start3A_57 = tpu.memref_slice %arg8[%add3A_55, %dma_start3A_56] : memref<80x128xi32, #tpu.memory_space<vmem>> -> memref<1x128xi32, #tpu.memory_space<vmem>>
        %dma_start3A_58 = tpu.memref_squeeze %dma_start3A_57 : memref<1x128xi32, #tpu.memory_space<vmem>> -> memref<128xi32, #tpu.memory_space<vmem>>
        %dma_start3A_59 = arith.constant 0 : i32
        %dma_start3A_60 = arith.constant 0 : i32
        %dma_start3A_61 = tpu.memref_slice %arg11[%dma_start3A_59, %dma_start3A_60] : memref<10240x128xf32, #tpu.memory_space<vmem_shared>> -> memref<10240x128xf32, #tpu.memory_space<vmem_shared>>
        tpu.enqueue_indirect_dma source(%dma_start3A_61 : memref<10240x128xf32, #tpu.memory_space<vmem_shared>>) target(%arg10 : memref<128x128xf32, #tpu.memory_space<vmem>>) offsets(%dma_start3A_58 : memref<128xi32, #tpu.memory_space<vmem>>) semaphore(%arg13 : memref<!tpu.dma_semaphore, #tpu.memory_space<semaphore_mem>>)
        %add3A_62 = arith.addi %add3A_8, %add3A_42 : i32
        %mul3A_63 = arith.constant 128 : i32
        %mul3A_64 = arith.muli %add3A_62, %mul3A_63 : i32
        %dma_start3A_65 = arith.constant 0 : i32
        %dma_start3A_66 = tpu.memref_slice %arg6[%mul3A_64, %dma_start3A_65] : memref<327680x128xf32, #tpu.memory_space<hbm>> -> memref<128x128xf32, #tpu.memory_space<hbm>>
        %dma_start3A_67 = arith.constant 0 : i32
        %dma_start3A_68 = tpu.memref_slice %arg6[%mul3A_64, %dma_start3A_67] : memref<327680x128xf32, #tpu.memory_space<hbm>> -> memref<128x128xf32, #tpu.memory_space<hbm>>
        tpu.enqueue_dma source(%arg9 : memref<128x128xf32, #tpu.memory_space<vmem>>) target(%dma_start3A_68 : memref<128x128xf32, #tpu.memory_space<hbm>>) target_semaphore(%arg14 : memref<!tpu.dma_semaphore, #tpu.memory_space<semaphore_mem>>)
        %mul3A_69 = arith.constant 2 : i32
        %mul3A_70 = arith.muli %add3A_38, %mul3A_69 : i32
        %add3A_71 = arith.constant 1 : i32
        %add3A_72 = arith.addi %mul3A_70, %add3A_71 : i32
        %dma_wait3A_73 = arith.constant 0 : i32
        %dma_wait3A_74 = arith.constant 0 : i32
        %dma_wait3A_75 = tpu.memref_slice %arg6[%dma_wait3A_73, %dma_wait3A_74] : memref<327680x128xf32, #tpu.memory_space<hbm>> -> memref<128x128xf32, #tpu.memory_space<hbm>>
        %dma_wait3A_76 = arith.constant 0 : i32
        %dma_wait3A_77 = arith.constant 0 : i32
        %dma_wait3A_78 = tpu.memref_slice %arg6[%dma_wait3A_76, %dma_wait3A_77] : memref<327680x128xf32, #tpu.memory_space<hbm>> -> memref<128x128xf32, #tpu.memory_space<hbm>>
        tpu.wait_dma2 semaphore(%arg14 : memref<!tpu.dma_semaphore, #tpu.memory_space<semaphore_mem>>) src(%arg9 : memref<128x128xf32, #tpu.memory_space<vmem>>) dst(%dma_wait3A_78 : memref<128x128xf32, #tpu.memory_space<hbm>>)
        %dma_wait3A_79 = arith.constant 0 : i32
        %dma_wait3A_80 = arith.constant 0 : i32
        %dma_wait3A_81 = tpu.memref_slice %arg8[%dma_wait3A_79, %dma_wait3A_80] : memref<80x128xi32, #tpu.memory_space<vmem>> -> memref<1x128xi32, #tpu.memory_space<vmem>>
        %dma_wait3A_82 = tpu.memref_squeeze %dma_wait3A_81 : memref<1x128xi32, #tpu.memory_space<vmem>> -> memref<128xi32, #tpu.memory_space<vmem>>
        %dma_wait3A_83 = arith.constant 0 : i32
        %dma_wait3A_84 = arith.constant 0 : i32
        %dma_wait3A_85 = tpu.memref_slice %arg11[%dma_wait3A_83, %dma_wait3A_84] : memref<10240x128xf32, #tpu.memory_space<vmem_shared>> -> memref<10240x128xf32, #tpu.memory_space<vmem_shared>>
        tpu.wait_indirect_dma semaphore(%arg13 : memref<!tpu.dma_semaphore, #tpu.memory_space<semaphore_mem>>) src(%dma_wait3A_85 : memref<10240x128xf32, #tpu.memory_space<vmem_shared>>) dst(%arg10 : memref<128x128xf32, #tpu.memory_space<vmem>>)
        %add3A_86 = arith.constant 1 : i32
        %add3A_87 = arith.addi %add3A_72, %add3A_86 : i32
        %lt3A = arith.constant 80 : i32
        %lt3A_88 = arith.cmpi slt, %add3A_87, %lt3A : i32
        %convert_element_type3A_89 = arith.extui %lt3A_88 : i1 to i32
        %cond3A_90 = arith.constant 0 : i32
        %cond3A_91 = arith.cmpi ne, %convert_element_type3A_89, %cond3A_90 : i32
        scf.if %cond3A_91 {
          %add3A_99 = arith.constant 1 : i32
          %add3A_100 = arith.addi %add3A_72, %add3A_99 : i32
          %dma_start3A_101 = arith.constant 0 : i32
          %dma_start3A_102 = tpu.memref_slice %arg8[%add3A_100, %dma_start3A_101] : memref<80x128xi32, #tpu.memory_space<vmem>> -> memref<1x128xi32, #tpu.memory_space<vmem>>
          %dma_start3A_103 = tpu.memref_squeeze %dma_start3A_102 : memref<1x128xi32, #tpu.memory_space<vmem>> -> memref<128xi32, #tpu.memory_space<vmem>>
          %dma_start3A_104 = arith.constant 0 : i32
          %dma_start3A_105 = arith.constant 0 : i32
          %dma_start3A_106 = tpu.memref_slice %arg11[%dma_start3A_104, %dma_start3A_105] : memref<10240x128xf32, #tpu.memory_space<vmem_shared>> -> memref<10240x128xf32, #tpu.memory_space<vmem_shared>>
          tpu.enqueue_indirect_dma source(%dma_start3A_106 : memref<10240x128xf32, #tpu.memory_space<vmem_shared>>) target(%arg9 : memref<128x128xf32, #tpu.memory_space<vmem>>) offsets(%dma_start3A_103 : memref<128xi32, #tpu.memory_space<vmem>>) semaphore(%arg12 : memref<!tpu.dma_semaphore, #tpu.memory_space<semaphore_mem>>)
        } else {
        }
        %add3A_92 = arith.addi %add3A_8, %add3A_72 : i32
        %mul3A_93 = arith.constant 128 : i32
        %mul3A_94 = arith.muli %add3A_92, %mul3A_93 : i32
        %dma_start3A_95 = arith.constant 0 : i32
        %dma_start3A_96 = tpu.memref_slice %arg6[%mul3A_94, %dma_start3A_95] : memref<327680x128xf32, #tpu.memory_space<hbm>> -> memref<128x128xf32, #tpu.memory_space<hbm>>
        %dma_start3A_97 = arith.constant 0 : i32
        %dma_start3A_98 = tpu.memref_slice %arg6[%mul3A_94, %dma_start3A_97] : memref<327680x128xf32, #tpu.memory_space<hbm>> -> memref<128x128xf32, #tpu.memory_space<hbm>>
        tpu.enqueue_dma source(%arg10 : memref<128x128xf32, #tpu.memory_space<vmem>>) target(%dma_start3A_98 : memref<128x128xf32, #tpu.memory_space<hbm>>) target_semaphore(%arg15 : memref<!tpu.dma_semaphore, #tpu.memory_space<semaphore_mem>>)
      }
      %scan3A_28 = arith.constant 40 : i32
      %dma_wait3A = arith.constant 0 : i32
      %dma_wait3A_29 = arith.constant 0 : i32
      %dma_wait3A_30 = tpu.memref_slice %arg6[%dma_wait3A, %dma_wait3A_29] : memref<327680x128xf32, #tpu.memory_space<hbm>> -> memref<128x128xf32, #tpu.memory_space<hbm>>
      %dma_wait3A_31 = arith.constant 0 : i32
      %dma_wait3A_32 = arith.constant 0 : i32
      %dma_wait3A_33 = tpu.memref_slice %arg6[%dma_wait3A_31, %dma_wait3A_32] : memref<327680x128xf32, #tpu.memory_space<hbm>> -> memref<128x128xf32, #tpu.memory_space<hbm>>
      tpu.wait_dma2 semaphore(%arg15 : memref<!tpu.dma_semaphore, #tpu.memory_space<semaphore_mem>>) src(%arg10 : memref<128x128xf32, #tpu.memory_space<vmem>>) dst(%dma_wait3A_33 : memref<128x128xf32, #tpu.memory_space<hbm>>)
    } else {
    }
    %eq3A_14 = arith.constant 1 : i32
    %eq3A_15 = arith.cmpi eq, %arg0, %eq3A_14 : i32
    %convert_element_type3A_16 = arith.extui %eq3A_15 : i1 to i32
    %cond3A_17 = arith.constant 0 : i32
    %cond3A_18 = arith.cmpi ne, %convert_element_type3A_16, %cond3A_17 : i32
    scf.if %cond3A_18 {
      "tpu.region"() ({
        %run_scoped3A = tpu.sem_alloc : memref<!tpu.dma_semaphore, #tpu.memory_space<semaphore_mem>>
        %dma_start3A_34 = arith.constant 0 : i32
        %dma_start3A_35 = tpu.memref_slice %arg5[%add3A_8, %dma_start3A_34] : memref<2560x128xi32, #tpu.memory_space<hbm>> -> memref<80x128xi32, #tpu.memory_space<hbm>>
        %dma_start3A_36 = arith.constant 0 : i32
        %dma_start3A_37 = tpu.memref_slice %arg5[%add3A_8, %dma_start3A_36] : memref<2560x128xi32, #tpu.memory_space<hbm>> -> memref<80x128xi32, #tpu.memory_space<hbm>>
        tpu.enqueue_dma source(%dma_start3A_37 : memref<80x128xi32, #tpu.memory_space<hbm>>) target(%arg8 : memref<80x128xi32, #tpu.memory_space<vmem>>) target_semaphore(%run_scoped3A : memref<!tpu.dma_semaphore, #tpu.memory_space<semaphore_mem>>)
        %dma_wait3A_38 = arith.constant 0 : i32
        %dma_wait3A_39 = tpu.memref_slice %arg5[%add3A_8, %dma_wait3A_38] : memref<2560x128xi32, #tpu.memory_space<hbm>> -> memref<80x128xi32, #tpu.memory_space<hbm>>
        %dma_wait3A_40 = arith.constant 0 : i32
        %dma_wait3A_41 = tpu.memref_slice %arg5[%add3A_8, %dma_wait3A_40] : memref<2560x128xi32, #tpu.memory_space<hbm>> -> memref<80x128xi32, #tpu.memory_space<hbm>>
        tpu.wait_dma2 semaphore(%run_scoped3A : memref<!tpu.dma_semaphore, #tpu.memory_space<semaphore_mem>>) src(%dma_wait3A_41 : memref<80x128xi32, #tpu.memory_space<hbm>>) dst(%arg8 : memref<80x128xi32, #tpu.memory_space<vmem>>)
        tpu.yield
      }) : () -> ()
      %dma_start3A = arith.constant 0 : i32
      %dma_start3A_19 = arith.constant 0 : i32
      %dma_start3A_20 = tpu.memref_slice %arg8[%dma_start3A, %dma_start3A_19] : memref<80x128xi32, #tpu.memory_space<vmem>> -> memref<1x128xi32, #tpu.memory_space<vmem>>
      %dma_start3A_21 = tpu.memref_squeeze %dma_start3A_20 : memref<1x128xi32, #tpu.memory_space<vmem>> -> memref<128xi32, #tpu.memory_space<vmem>>
      %dma_start3A_22 = arith.constant 0 : i32
      %dma_start3A_23 = arith.constant 0 : i32
      %dma_start3A_24 = tpu.memref_slice %arg11[%dma_start3A_22, %dma_start3A_23] : memref<10240x128xf32, #tpu.memory_space<vmem_shared>> -> memref<10240x128xf32, #tpu.memory_space<vmem_shared>>
      tpu.enqueue_indirect_dma source(%dma_start3A_24 : memref<10240x128xf32, #tpu.memory_space<vmem_shared>>) target(%arg9 : memref<128x128xf32, #tpu.memory_space<vmem>>) offsets(%dma_start3A_21 : memref<128xi32, #tpu.memory_space<vmem>>) semaphore(%arg12 : memref<!tpu.dma_semaphore, #tpu.memory_space<semaphore_mem>>)
      %scan3A = arith.constant 0 : i32
      %scan3A_25 = arith.constant 40 : i32
      %scan3A_26 = arith.addi %scan3A, %scan3A_25 : i32
      %scan3A_27 = arith.constant 1 : i32
      scf.for %scan3A_34 = %scan3A to %scan3A_26 step %scan3A_27  : i32 {
        %mul3A_35 = arith.constant 1 : i32
        %mul3A_36 = arith.muli %scan3A_34, %mul3A_35 : i32
        %add3A_37 = arith.constant 0 : i32
        %add3A_38 = arith.addi %add3A_37, %mul3A_36 : i32
        %mul3A_39 = arith.constant 2 : i32
        %mul3A_40 = arith.muli %add3A_38, %mul3A_39 : i32
        %add3A_41 = arith.constant 0 : i32
        %add3A_42 = arith.addi %mul3A_40, %add3A_41 : i32
        %ge3A = arith.constant 1 : i32
        %ge3A_43 = arith.cmpi sge, %add3A_38, %ge3A : i32
        %convert_element_type3A_44 = arith.extui %ge3A_43 : i1 to i32
        %cond3A_45 = arith.constant 0 : i32
        %cond3A_46 = arith.cmpi ne, %convert_element_type3A_44, %cond3A_45 : i32
        scf.if %cond3A_46 {
          %dma_wait3A_99 = arith.constant 0 : i32
          %dma_wait3A_100 = arith.constant 0 : i32
          %dma_wait3A_101 = tpu.memref_slice %arg7[%dma_wait3A_99, %dma_wait3A_100] : memref<327680x128xf32, #tpu.memory_space<hbm>> -> memref<128x128xf32, #tpu.memory_space<hbm>>
          %dma_wait3A_102 = arith.constant 0 : i32
          %dma_wait3A_103 = arith.constant 0 : i32
          %dma_wait3A_104 = tpu.memref_slice %arg7[%dma_wait3A_102, %dma_wait3A_103] : memref<327680x128xf32, #tpu.memory_space<hbm>> -> memref<128x128xf32, #tpu.memory_space<hbm>>
          tpu.wait_dma2 semaphore(%arg15 : memref<!tpu.dma_semaphore, #tpu.memory_space<semaphore_mem>>) src(%arg10 : memref<128x128xf32, #tpu.memory_space<vmem>>) dst(%dma_wait3A_104 : memref<128x128xf32, #tpu.memory_space<hbm>>)
        } else {
        }
        %dma_wait3A_47 = arith.constant 0 : i32
        %dma_wait3A_48 = arith.constant 0 : i32
        %dma_wait3A_49 = tpu.memref_slice %arg8[%dma_wait3A_47, %dma_wait3A_48] : memref<80x128xi32, #tpu.memory_space<vmem>> -> memref<1x128xi32, #tpu.memory_space<vmem>>
        %dma_wait3A_50 = tpu.memref_squeeze %dma_wait3A_49 : memref<1x128xi32, #tpu.memory_space<vmem>> -> memref<128xi32, #tpu.memory_space<vmem>>
        %dma_wait3A_51 = arith.constant 0 : i32
        %dma_wait3A_52 = arith.constant 0 : i32
        %dma_wait3A_53 = tpu.memref_slice %arg11[%dma_wait3A_51, %dma_wait3A_52] : memref<10240x128xf32, #tpu.memory_space<vmem_shared>> -> memref<10240x128xf32, #tpu.memory_space<vmem_shared>>
        tpu.wait_indirect_dma semaphore(%arg12 : memref<!tpu.dma_semaphore, #tpu.memory_space<semaphore_mem>>) src(%dma_wait3A_53 : memref<10240x128xf32, #tpu.memory_space<vmem_shared>>) dst(%arg9 : memref<128x128xf32, #tpu.memory_space<vmem>>)
        %add3A_54 = arith.constant 1 : i32
        %add3A_55 = arith.addi %add3A_42, %add3A_54 : i32
        %dma_start3A_56 = arith.constant 0 : i32
        %dma_start3A_57 = tpu.memref_slice %arg8[%add3A_55, %dma_start3A_56] : memref<80x128xi32, #tpu.memory_space<vmem>> -> memref<1x128xi32, #tpu.memory_space<vmem>>
        %dma_start3A_58 = tpu.memref_squeeze %dma_start3A_57 : memref<1x128xi32, #tpu.memory_space<vmem>> -> memref<128xi32, #tpu.memory_space<vmem>>
        %dma_start3A_59 = arith.constant 0 : i32
        %dma_start3A_60 = arith.constant 0 : i32
        %dma_start3A_61 = tpu.memref_slice %arg11[%dma_start3A_59, %dma_start3A_60] : memref<10240x128xf32, #tpu.memory_space<vmem_shared>> -> memref<10240x128xf32, #tpu.memory_space<vmem_shared>>
        tpu.enqueue_indirect_dma source(%dma_start3A_61 : memref<10240x128xf32, #tpu.memory_space<vmem_shared>>) target(%arg10 : memref<128x128xf32, #tpu.memory_space<vmem>>) offsets(%dma_start3A_58 : memref<128xi32, #tpu.memory_space<vmem>>) semaphore(%arg13 : memref<!tpu.dma_semaphore, #tpu.memory_space<semaphore_mem>>)
        %add3A_62 = arith.addi %add3A_8, %add3A_42 : i32
        %mul3A_63 = arith.constant 128 : i32
        %mul3A_64 = arith.muli %add3A_62, %mul3A_63 : i32
        %dma_start3A_65 = arith.constant 0 : i32
        %dma_start3A_66 = tpu.memref_slice %arg7[%mul3A_64, %dma_start3A_65] : memref<327680x128xf32, #tpu.memory_space<hbm>> -> memref<128x128xf32, #tpu.memory_space<hbm>>
        %dma_start3A_67 = arith.constant 0 : i32
        %dma_start3A_68 = tpu.memref_slice %arg7[%mul3A_64, %dma_start3A_67] : memref<327680x128xf32, #tpu.memory_space<hbm>> -> memref<128x128xf32, #tpu.memory_space<hbm>>
        tpu.enqueue_dma source(%arg9 : memref<128x128xf32, #tpu.memory_space<vmem>>) target(%dma_start3A_68 : memref<128x128xf32, #tpu.memory_space<hbm>>) target_semaphore(%arg14 : memref<!tpu.dma_semaphore, #tpu.memory_space<semaphore_mem>>)
        %mul3A_69 = arith.constant 2 : i32
        %mul3A_70 = arith.muli %add3A_38, %mul3A_69 : i32
        %add3A_71 = arith.constant 1 : i32
        %add3A_72 = arith.addi %mul3A_70, %add3A_71 : i32
        %dma_wait3A_73 = arith.constant 0 : i32
        %dma_wait3A_74 = arith.constant 0 : i32
        %dma_wait3A_75 = tpu.memref_slice %arg7[%dma_wait3A_73, %dma_wait3A_74] : memref<327680x128xf32, #tpu.memory_space<hbm>> -> memref<128x128xf32, #tpu.memory_space<hbm>>
        %dma_wait3A_76 = arith.constant 0 : i32
        %dma_wait3A_77 = arith.constant 0 : i32
        %dma_wait3A_78 = tpu.memref_slice %arg7[%dma_wait3A_76, %dma_wait3A_77] : memref<327680x128xf32, #tpu.memory_space<hbm>> -> memref<128x128xf32, #tpu.memory_space<hbm>>
        tpu.wait_dma2 semaphore(%arg14 : memref<!tpu.dma_semaphore, #tpu.memory_space<semaphore_mem>>) src(%arg9 : memref<128x128xf32, #tpu.memory_space<vmem>>) dst(%dma_wait3A_78 : memref<128x128xf32, #tpu.memory_space<hbm>>)
        %dma_wait3A_79 = arith.constant 0 : i32
        %dma_wait3A_80 = arith.constant 0 : i32
        %dma_wait3A_81 = tpu.memref_slice %arg8[%dma_wait3A_79, %dma_wait3A_80] : memref<80x128xi32, #tpu.memory_space<vmem>> -> memref<1x128xi32, #tpu.memory_space<vmem>>
        %dma_wait3A_82 = tpu.memref_squeeze %dma_wait3A_81 : memref<1x128xi32, #tpu.memory_space<vmem>> -> memref<128xi32, #tpu.memory_space<vmem>>
        %dma_wait3A_83 = arith.constant 0 : i32
        %dma_wait3A_84 = arith.constant 0 : i32
        %dma_wait3A_85 = tpu.memref_slice %arg11[%dma_wait3A_83, %dma_wait3A_84] : memref<10240x128xf32, #tpu.memory_space<vmem_shared>> -> memref<10240x128xf32, #tpu.memory_space<vmem_shared>>
        tpu.wait_indirect_dma semaphore(%arg13 : memref<!tpu.dma_semaphore, #tpu.memory_space<semaphore_mem>>) src(%dma_wait3A_85 : memref<10240x128xf32, #tpu.memory_space<vmem_shared>>) dst(%arg10 : memref<128x128xf32, #tpu.memory_space<vmem>>)
        %add3A_86 = arith.constant 1 : i32
        %add3A_87 = arith.addi %add3A_72, %add3A_86 : i32
        %lt3A = arith.constant 80 : i32
        %lt3A_88 = arith.cmpi slt, %add3A_87, %lt3A : i32
        %convert_element_type3A_89 = arith.extui %lt3A_88 : i1 to i32
        %cond3A_90 = arith.constant 0 : i32
        %cond3A_91 = arith.cmpi ne, %convert_element_type3A_89, %cond3A_90 : i32
        scf.if %cond3A_91 {
          %add3A_99 = arith.constant 1 : i32
          %add3A_100 = arith.addi %add3A_72, %add3A_99 : i32
          %dma_start3A_101 = arith.constant 0 : i32
          %dma_start3A_102 = tpu.memref_slice %arg8[%add3A_100, %dma_start3A_101] : memref<80x128xi32, #tpu.memory_space<vmem>> -> memref<1x128xi32, #tpu.memory_space<vmem>>
          %dma_start3A_103 = tpu.memref_squeeze %dma_start3A_102 : memref<1x128xi32, #tpu.memory_space<vmem>> -> memref<128xi32, #tpu.memory_space<vmem>>
          %dma_start3A_104 = arith.constant 0 : i32
          %dma_start3A_105 = arith.constant 0 : i32
          %dma_start3A_106 = tpu.memref_slice %arg11[%dma_start3A_104, %dma_start3A_105] : memref<10240x128xf32, #tpu.memory_space<vmem_shared>> -> memref<10240x128xf32, #tpu.memory_space<vmem_shared>>
          tpu.enqueue_indirect_dma source(%dma_start3A_106 : memref<10240x128xf32, #tpu.memory_space<vmem_shared>>) target(%arg9 : memref<128x128xf32, #tpu.memory_space<vmem>>) offsets(%dma_start3A_103 : memref<128xi32, #tpu.memory_space<vmem>>) semaphore(%arg12 : memref<!tpu.dma_semaphore, #tpu.memory_space<semaphore_mem>>)
        } else {
        }
        %add3A_92 = arith.addi %add3A_8, %add3A_72 : i32
        %mul3A_93 = arith.constant 128 : i32
        %mul3A_94 = arith.muli %add3A_92, %mul3A_93 : i32
        %dma_start3A_95 = arith.constant 0 : i32
        %dma_start3A_96 = tpu.memref_slice %arg7[%mul3A_94, %dma_start3A_95] : memref<327680x128xf32, #tpu.memory_space<hbm>> -> memref<128x128xf32, #tpu.memory_space<hbm>>
        %dma_start3A_97 = arith.constant 0 : i32
        %dma_start3A_98 = tpu.memref_slice %arg7[%mul3A_94, %dma_start3A_97] : memref<327680x128xf32, #tpu.memory_space<hbm>> -> memref<128x128xf32, #tpu.memory_space<hbm>>
        tpu.enqueue_dma source(%arg10 : memref<128x128xf32, #tpu.memory_space<vmem>>) target(%dma_start3A_98 : memref<128x128xf32, #tpu.memory_space<hbm>>) target_semaphore(%arg15 : memref<!tpu.dma_semaphore, #tpu.memory_space<semaphore_mem>>)
      }
      %scan3A_28 = arith.constant 40 : i32
      %dma_wait3A = arith.constant 0 : i32
      %dma_wait3A_29 = arith.constant 0 : i32
      %dma_wait3A_30 = tpu.memref_slice %arg7[%dma_wait3A, %dma_wait3A_29] : memref<327680x128xf32, #tpu.memory_space<hbm>> -> memref<128x128xf32, #tpu.memory_space<hbm>>
      %dma_wait3A_31 = arith.constant 0 : i32
      %dma_wait3A_32 = arith.constant 0 : i32
      %dma_wait3A_33 = tpu.memref_slice %arg7[%dma_wait3A_31, %dma_wait3A_32] : memref<327680x128xf32, #tpu.memory_space<hbm>> -> memref<128x128xf32, #tpu.memory_space<hbm>>
      tpu.wait_dma2 semaphore(%arg15 : memref<!tpu.dma_semaphore, #tpu.memory_space<semaphore_mem>>) src(%arg10 : memref<128x128xf32, #tpu.memory_space<vmem>>) dst(%dma_wait3A_33 : memref<128x128xf32, #tpu.memory_space<hbm>>)
    } else {
    }
    return
  }
}

#map = affine_map<(d0, d1) -> (0, 0)>
#map1 = affine_map<(d0, d1) -> (0, 0, 0)>
module attributes {stable_mosaic.version = 14 : i64} {
  func.func @_scatter_body(%arg0: i32, %arg1: i32, %arg2: memref<327680x128xf32, #tpu.memory_space<hbm>>, %arg3: memref<2560x128xi32, #tpu.memory_space<hbm>>, %arg4: memref<2x10240x128xf32, #tpu.memory_space<hbm>>, %arg5: memref<40x128xi32, #tpu.memory_space<vmem>>, %arg6: memref<128x128xf32, #tpu.memory_space<vmem>>, %arg7: memref<128x128xf32, #tpu.memory_space<vmem>>, %arg8: memref<10240x128xf32, #tpu.memory_space<vmem_shared>>, %arg9: memref<!tpu.dma_semaphore, #tpu.memory_space<semaphore_mem>>) attributes {dimension_semantics = [#tpu.dimension_semantics<core_parallel>, #tpu.dimension_semantics<subcore_parallel>], iteration_bounds = array<i64: 2, 16>, scalar_prefetch = 0 : i64, scratch_operands = 5 : i64, tpu.core_type = #tpu.core_type<sc_vector_subcore>, window_params = [{transform_indices = #map}, {transform_indices = #map}, {transform_indices = #map1}]} {
    %mul3A = arith.constant 2 : i32
    %mul3A_0 = arith.muli %arg1, %mul3A : i32
    %add3A = arith.addi %mul3A_0, %arg0 : i32
    %scan3A = arith.constant 0 : i32
    %scan3A_1 = arith.constant 128 : i32
    %scan3A_2 = arith.addi %scan3A, %scan3A_1 : i32
    %scan3A_3 = arith.constant 1 : i32
    scf.for %scan3A_25 = %scan3A to %scan3A_2 step %scan3A_3  : i32 {
      %mul3A_26 = arith.constant 1 : i32
      %mul3A_27 = arith.muli %scan3A_25, %mul3A_26 : i32
      %add3A_28 = arith.constant 0 : i32
      %add3A_29 = arith.addi %add3A_28, %mul3A_27 : i32
      %scan3A_30 = arith.constant 0 : i32
      %scan3A_31 = arith.constant 8 : i32
      %scan3A_32 = arith.addi %scan3A_30, %scan3A_31 : i32
      %scan3A_33 = arith.constant 1 : i32
      scf.for %scan3A_35 = %scan3A_30 to %scan3A_32 step %scan3A_33  : i32 {
        %mul3A_36 = arith.constant 1 : i32
        %mul3A_37 = arith.muli %scan3A_35, %mul3A_36 : i32
        %add3A_38 = arith.constant 0 : i32
        %add3A_39 = arith.addi %add3A_38, %mul3A_37 : i32
        %broadcast_in_dim3A = arith.constant 0.000000e+00 : f32
        %broadcast_in_dim3A_40 = vector.broadcast %broadcast_in_dim3A : f32 to vector<16xf32>
        %mul3A_41 = arith.constant 16 : i32
        %mul3A_42 = arith.muli %add3A_39, %mul3A_41 : i32
        %swap3A = arith.index_cast %add3A_29 : i32 to index
        %swap3A_43 = arith.index_cast %mul3A_42 : i32 to index
        %swap3A_44 = tpu.vector_load %arg7[%swap3A, %swap3A_43] {strides = array<i32>} : memref<128x128xf32, #tpu.memory_space<vmem>>, vector<1x16xf32>,
        %swap3A_45 = vector.shape_cast %swap3A_44 : vector<1x16xf32> to vector<16xf32>
        %swap3A_46 = vector.shape_cast %broadcast_in_dim3A_40 : vector<16xf32> to vector<1x16xf32>
        tpu.vector_store %arg7[%swap3A, %swap3A_43], %swap3A_46 {strides = array<i32>} : memref<128x128xf32, #tpu.memory_space<vmem>>, vector<1x16xf32>,
      }
      %scan3A_34 = arith.constant 8 : i32
    }
    %scan3A_4 = arith.constant 128 : i32
    %scan3A_5 = arith.constant 0 : i32
    %scan3A_6 = arith.constant 5 : i32
    %scan3A_7 = arith.addi %scan3A_5, %scan3A_6 : i32
    %scan3A_8 = arith.constant 1 : i32
    scf.for %scan3A_25 = %scan3A_5 to %scan3A_7 step %scan3A_8  : i32 {
      %mul3A_26 = arith.constant 1 : i32
      %mul3A_27 = arith.muli %scan3A_25, %mul3A_26 : i32
      %add3A_28 = arith.constant 0 : i32
      %add3A_29 = arith.addi %add3A_28, %mul3A_27 : i32
      %mul3A_30 = arith.constant 640 : i32
      %mul3A_31 = arith.muli %arg1, %mul3A_30 : i32
      %mul3A_32 = arith.constant 128 : i32
      %mul3A_33 = arith.muli %add3A_29, %mul3A_32 : i32
      %add3A_34 = arith.addi %mul3A_31, %mul3A_33 : i32
      "tpu.region"() ({
        %run_scoped3A = tpu.sem_alloc : memref<!tpu.dma_semaphore, #tpu.memory_space<semaphore_mem>>
        %dma_start3A = arith.constant 0 : i32
        %dma_start3A_35 = tpu.memref_slice %arg8[%add3A_34, %dma_start3A] : memref<10240x128xf32, #tpu.memory_space<vmem_shared>> -> memref<128x128xf32, #tpu.memory_space<vmem_shared>>
        %dma_start3A_36 = arith.constant 0 : i32
        %dma_start3A_37 = tpu.memref_slice %arg8[%add3A_34, %dma_start3A_36] : memref<10240x128xf32, #tpu.memory_space<vmem_shared>> -> memref<128x128xf32, #tpu.memory_space<vmem_shared>>
        tpu.enqueue_dma source(%arg7 : memref<128x128xf32, #tpu.memory_space<vmem>>) target(%dma_start3A_37 : memref<128x128xf32, #tpu.memory_space<vmem_shared>>) target_semaphore(%run_scoped3A : memref<!tpu.dma_semaphore, #tpu.memory_space<semaphore_mem>>)
        %dma_wait3A = arith.constant 0 : i32
        %dma_wait3A_38 = tpu.memref_slice %arg8[%add3A_34, %dma_wait3A] : memref<10240x128xf32, #tpu.memory_space<vmem_shared>> -> memref<128x128xf32, #tpu.memory_space<vmem_shared>>
        %dma_wait3A_39 = arith.constant 0 : i32
        %dma_wait3A_40 = tpu.memref_slice %arg8[%add3A_34, %dma_wait3A_39] : memref<10240x128xf32, #tpu.memory_space<vmem_shared>> -> memref<128x128xf32, #tpu.memory_space<vmem_shared>>
        tpu.wait_dma2 semaphore(%run_scoped3A : memref<!tpu.dma_semaphore, #tpu.memory_space<semaphore_mem>>) src(%arg7 : memref<128x128xf32, #tpu.memory_space<vmem>>) dst(%dma_wait3A_40 : memref<128x128xf32, #tpu.memory_space<vmem_shared>>)
        tpu.yield
      }) : () -> ()
    }
    %scan3A_9 = arith.constant 5 : i32
    %barrier3A = arith.constant 0 : index
    tpu.barrier barrier_id(%barrier3A)
    %mul3A_10 = arith.constant 40 : i32
    %mul3A_11 = arith.muli %add3A, %mul3A_10 : i32
    %add3A_12 = arith.constant 0 : i32
    %add3A_13 = arith.addi %add3A_12, %mul3A_11 : i32
    "tpu.region"() ({
      %run_scoped3A = tpu.sem_alloc : memref<!tpu.dma_semaphore, #tpu.memory_space<semaphore_mem>>
      %dma_start3A = arith.constant 0 : i32
      %dma_start3A_25 = tpu.memref_slice %arg3[%add3A_13, %dma_start3A] : memref<2560x128xi32, #tpu.memory_space<hbm>> -> memref<40x128xi32, #tpu.memory_space<hbm>>
      %dma_start3A_26 = arith.constant 0 : i32
      %dma_start3A_27 = tpu.memref_slice %arg3[%add3A_13, %dma_start3A_26] : memref<2560x128xi32, #tpu.memory_space<hbm>> -> memref<40x128xi32, #tpu.memory_space<hbm>>
      tpu.enqueue_dma source(%dma_start3A_27 : memref<40x128xi32, #tpu.memory_space<hbm>>) target(%arg5 : memref<40x128xi32, #tpu.memory_space<vmem>>) target_semaphore(%run_scoped3A : memref<!tpu.dma_semaphore, #tpu.memory_space<semaphore_mem>>)
      %dma_wait3A = arith.constant 0 : i32
      %dma_wait3A_28 = tpu.memref_slice %arg3[%add3A_13, %dma_wait3A] : memref<2560x128xi32, #tpu.memory_space<hbm>> -> memref<40x128xi32, #tpu.memory_space<hbm>>
      %dma_wait3A_29 = arith.constant 0 : i32
      %dma_wait3A_30 = tpu.memref_slice %arg3[%add3A_13, %dma_wait3A_29] : memref<2560x128xi32, #tpu.memory_space<hbm>> -> memref<40x128xi32, #tpu.memory_space<hbm>>
      tpu.wait_dma2 semaphore(%run_scoped3A : memref<!tpu.dma_semaphore, #tpu.memory_space<semaphore_mem>>) src(%dma_wait3A_30 : memref<40x128xi32, #tpu.memory_space<hbm>>) dst(%arg5 : memref<40x128xi32, #tpu.memory_space<vmem>>)
      tpu.yield
    }) : () -> ()
    %scan3A_14 = arith.constant 0 : i32
    %scan3A_15 = arith.constant 40 : i32
    %scan3A_16 = arith.addi %scan3A_14, %scan3A_15 : i32
    %scan3A_17 = arith.constant 1 : i32
    scf.for %scan3A_25 = %scan3A_14 to %scan3A_16 step %scan3A_17  : i32 {
      %mul3A_26 = arith.constant 1 : i32
      %mul3A_27 = arith.muli %scan3A_25, %mul3A_26 : i32
      %add3A_28 = arith.constant 0 : i32
      %add3A_29 = arith.addi %add3A_28, %mul3A_27 : i32
      %add3A_30 = arith.addi %add3A_13, %add3A_29 : i32
      %mul3A_31 = arith.constant 128 : i32
      %mul3A_32 = arith.muli %add3A_30, %mul3A_31 : i32
      "tpu.region"() ({
        %run_scoped3A = tpu.sem_alloc : memref<!tpu.dma_semaphore, #tpu.memory_space<semaphore_mem>>
        %dma_start3A = arith.constant 0 : i32
        %dma_start3A_33 = tpu.memref_slice %arg2[%mul3A_32, %dma_start3A] : memref<327680x128xf32, #tpu.memory_space<hbm>> -> memref<128x128xf32, #tpu.memory_space<hbm>>
        %dma_start3A_34 = arith.constant 0 : i32
        %dma_start3A_35 = tpu.memref_slice %arg2[%mul3A_32, %dma_start3A_34] : memref<327680x128xf32, #tpu.memory_space<hbm>> -> memref<128x128xf32, #tpu.memory_space<hbm>>
        tpu.enqueue_dma source(%dma_start3A_35 : memref<128x128xf32, #tpu.memory_space<hbm>>) target(%arg6 : memref<128x128xf32, #tpu.memory_space<vmem>>) target_semaphore(%run_scoped3A : memref<!tpu.dma_semaphore, #tpu.memory_space<semaphore_mem>>)
        %dma_wait3A = arith.constant 0 : i32
        %dma_wait3A_36 = tpu.memref_slice %arg2[%mul3A_32, %dma_wait3A] : memref<327680x128xf32, #tpu.memory_space<hbm>> -> memref<128x128xf32, #tpu.memory_space<hbm>>
        %dma_wait3A_37 = arith.constant 0 : i32
        %dma_wait3A_38 = tpu.memref_slice %arg2[%mul3A_32, %dma_wait3A_37] : memref<327680x128xf32, #tpu.memory_space<hbm>> -> memref<128x128xf32, #tpu.memory_space<hbm>>
        tpu.wait_dma2 semaphore(%run_scoped3A : memref<!tpu.dma_semaphore, #tpu.memory_space<semaphore_mem>>) src(%dma_wait3A_38 : memref<128x128xf32, #tpu.memory_space<hbm>>) dst(%arg6 : memref<128x128xf32, #tpu.memory_space<vmem>>)
        tpu.yield
      }) : () -> ()
      "tpu.region"() ({
        %run_scoped3A = tpu.sem_alloc : memref<!tpu.dma_semaphore, #tpu.memory_space<semaphore_mem>>
        %dma_start3A = arith.constant 0 : i32
        %dma_start3A_33 = tpu.memref_slice %arg5[%add3A_29, %dma_start3A] : memref<40x128xi32, #tpu.memory_space<vmem>> -> memref<1x128xi32, #tpu.memory_space<vmem>>
        %dma_start3A_34 = tpu.memref_squeeze %dma_start3A_33 : memref<1x128xi32, #tpu.memory_space<vmem>> -> memref<128xi32, #tpu.memory_space<vmem>>
        %dma_start3A_35 = arith.constant 0 : i32
        %dma_start3A_36 = arith.constant 0 : i32
        %dma_start3A_37 = tpu.memref_slice %arg8[%dma_start3A_35, %dma_start3A_36] : memref<10240x128xf32, #tpu.memory_space<vmem_shared>> -> memref<10240x128xf32, #tpu.memory_space<vmem_shared>>
        tpu.enqueue_indirect_dma source(%arg6 : memref<128x128xf32, #tpu.memory_space<vmem>>) target(%dma_start3A_37 : memref<10240x128xf32, #tpu.memory_space<vmem_shared>>) offsets(%dma_start3A_34 : memref<128xi32, #tpu.memory_space<vmem>>) semaphore(%run_scoped3A : memref<!tpu.dma_semaphore, #tpu.memory_space<semaphore_mem>>) {add = true}
        %dma_wait3A = arith.constant 0 : i32
        %dma_wait3A_38 = tpu.memref_slice %arg5[%add3A_29, %dma_wait3A] : memref<40x128xi32, #tpu.memory_space<vmem>> -> memref<1x128xi32, #tpu.memory_space<vmem>>
        %dma_wait3A_39 = tpu.memref_squeeze %dma_wait3A_38 : memref<1x128xi32, #tpu.memory_space<vmem>> -> memref<128xi32, #tpu.memory_space<vmem>>
        %dma_wait3A_40 = arith.constant 0 : i32
        %dma_wait3A_41 = arith.constant 0 : i32
        %dma_wait3A_42 = tpu.memref_slice %arg8[%dma_wait3A_40, %dma_wait3A_41] : memref<10240x128xf32, #tpu.memory_space<vmem_shared>> -> memref<10240x128xf32, #tpu.memory_space<vmem_shared>>
        tpu.wait_indirect_dma semaphore(%run_scoped3A : memref<!tpu.dma_semaphore, #tpu.memory_space<semaphore_mem>>) src(%arg6 : memref<128x128xf32, #tpu.memory_space<vmem>>) dst(%dma_wait3A_42 : memref<10240x128xf32, #tpu.memory_space<vmem_shared>>)
        tpu.yield
      }) : () -> ()
    }
    %scan3A_18 = arith.constant 40 : i32
    %barrier3A_19 = arith.constant 0 : index
    tpu.barrier barrier_id(%barrier3A_19)
    %scan3A_20 = arith.constant 0 : i32
    %scan3A_21 = arith.constant 5 : i32
    %scan3A_22 = arith.addi %scan3A_20, %scan3A_21 : i32
    %scan3A_23 = arith.constant 1 : i32
    scf.for %scan3A_25 = %scan3A_20 to %scan3A_22 step %scan3A_23  : i32 {
      %mul3A_26 = arith.constant 1 : i32
      %mul3A_27 = arith.muli %scan3A_25, %mul3A_26 : i32
      %add3A_28 = arith.constant 0 : i32
      %add3A_29 = arith.addi %add3A_28, %mul3A_27 : i32
      %mul3A_30 = arith.constant 640 : i32
      %mul3A_31 = arith.muli %arg1, %mul3A_30 : i32
      %mul3A_32 = arith.constant 128 : i32
      %mul3A_33 = arith.muli %add3A_29, %mul3A_32 : i32
      %add3A_34 = arith.addi %mul3A_31, %mul3A_33 : i32
      "tpu.region"() ({
        %run_scoped3A = tpu.sem_alloc : memref<!tpu.dma_semaphore, #tpu.memory_space<semaphore_mem>>
        %dma_start3A = arith.constant 0 : i32
        %dma_start3A_35 = arith.constant 0 : i32
        %dma_start3A_36 = tpu.memref_slice %arg4[%arg0, %dma_start3A, %dma_start3A_35] : memref<2x10240x128xf32, #tpu.memory_space<hbm>> -> memref<1x10240x128xf32, #tpu.memory_space<hbm>>
        %dma_start3A_37 = tpu.memref_squeeze %dma_start3A_36 : memref<1x10240x128xf32, #tpu.memory_space<hbm>> -> memref<10240x128xf32, #tpu.memory_space<hbm>>
        %dma_start3A_38 = arith.constant 0 : i32
        %dma_start3A_39 = tpu.memref_slice %dma_start3A_37[%add3A_34, %dma_start3A_38] : memref<10240x128xf32, #tpu.memory_space<hbm>> -> memref<128x128xf32, #tpu.memory_space<hbm>>
        %dma_start3A_40 = arith.constant 0 : i32
        %dma_start3A_41 = tpu.memref_slice %arg8[%add3A_34, %dma_start3A_40] : memref<10240x128xf32, #tpu.memory_space<vmem_shared>> -> memref<128x128xf32, #tpu.memory_space<vmem_shared>>
        tpu.enqueue_dma source(%dma_start3A_41 : memref<128x128xf32, #tpu.memory_space<vmem_shared>>) target(%dma_start3A_39 : memref<128x128xf32, #tpu.memory_space<hbm>>) target_semaphore(%run_scoped3A : memref<!tpu.dma_semaphore, #tpu.memory_space<semaphore_mem>>)
        %dma_wait3A = arith.constant 0 : i32
        %dma_wait3A_42 = arith.constant 0 : i32
        %dma_wait3A_43 = tpu.memref_slice %arg4[%arg0, %dma_wait3A, %dma_wait3A_42] : memref<2x10240x128xf32, #tpu.memory_space<hbm>> -> memref<1x10240x128xf32, #tpu.memory_space<hbm>>
        %dma_wait3A_44 = tpu.memref_squeeze %dma_wait3A_43 : memref<1x10240x128xf32, #tpu.memory_space<hbm>> -> memref<10240x128xf32, #tpu.memory_space<hbm>>
        %dma_wait3A_45 = arith.constant 0 : i32
        %dma_wait3A_46 = tpu.memref_slice %dma_wait3A_44[%add3A_34, %dma_wait3A_45] : memref<10240x128xf32, #tpu.memory_space<hbm>> -> memref<128x128xf32, #tpu.memory_space<hbm>>
        %dma_wait3A_47 = arith.constant 0 : i32
        %dma_wait3A_48 = tpu.memref_slice %arg8[%add3A_34, %dma_wait3A_47] : memref<10240x128xf32, #tpu.memory_space<vmem_shared>> -> memref<128x128xf32, #tpu.memory_space<vmem_shared>>
        tpu.wait_dma2 semaphore(%run_scoped3A : memref<!tpu.dma_semaphore, #tpu.memory_space<semaphore_mem>>) src(%dma_wait3A_48 : memref<128x128xf32, #tpu.memory_space<vmem_shared>>) dst(%dma_wait3A_46 : memref<128x128xf32, #tpu.memory_space<hbm>>)
        tpu.yield
      }) : () -> ()
    }
    %scan3A_24 = arith.constant 5 : i32
    return
  }
}

#map = affine_map<(d0, d1) -> (0, 0)>
module attributes {stable_mosaic.version = 14 : i64} {
  func.func @_gather_body(%arg0: i32, %arg1: i32, %arg2: memref<10240x128xf32, #tpu.memory_space<hbm>>, %arg3: memref<10240x128xf32, #tpu.memory_space<hbm>>, %arg4: memref<2560x128xi32, #tpu.memory_space<hbm>>, %arg5: memref<2560x128xi32, #tpu.memory_space<hbm>>, %arg6: memref<327680x128xf32, #tpu.memory_space<hbm>>, %arg7: memref<327680x128xf32, #tpu.memory_space<hbm>>, %arg8: memref<80x128xi32, #tpu.memory_space<vmem>>, %arg9: memref<128x128xf32, #tpu.memory_space<vmem>>, %arg10: memref<128x128xf32, #tpu.memory_space<vmem>>, %arg11: memref<10240x128xf32, #tpu.memory_space<vmem_shared>>, %arg12: memref<!tpu.dma_semaphore, #tpu.memory_space<semaphore_mem>>, %arg13: memref<!tpu.dma_semaphore, #tpu.memory_space<semaphore_mem>>, %arg14: memref<!tpu.dma_semaphore, #tpu.memory_space<semaphore_mem>>, %arg15: memref<!tpu.dma_semaphore, #tpu.memory_space<semaphore_mem>>) attributes {dimension_semantics = [#tpu.dimension_semantics<core_parallel>, #tpu.dimension_semantics<subcore_parallel>], iteration_bounds = array<i64: 2, 16>, scalar_prefetch = 0 : i64, scratch_operands = 8 : i64, tpu.core_type = #tpu.core_type<sc_vector_subcore>, window_params = [{transform_indices = #map}, {transform_indices = #map}, {transform_indices = #map}, {transform_indices = #map}, {transform_indices = #map}, {transform_indices = #map}]} {
    %eq3A = arith.constant 0 : i32
    %eq3A_0 = arith.cmpi eq, %arg0, %eq3A : i32
    %convert_element_type3A = arith.extui %eq3A_0 : i1 to i32
    %cond3A = arith.constant 0 : i32
    %cond3A_1 = arith.cmpi ne, %convert_element_type3A, %cond3A : i32
    scf.if %cond3A_1 {
      %mul3A_19 = arith.constant 640 : i32
      %mul3A_20 = arith.muli %arg1, %mul3A_19 : i32
      %mul3A_21 = arith.constant 640 : i32
      %mul3A_22 = arith.muli %arg1, %mul3A_21 : i32
      "tpu.region"() ({
        %run_scoped3A = tpu.sem_alloc : memref<!tpu.dma_semaphore, #tpu.memory_space<semaphore_mem>>
        %dma_start3A = arith.constant 0 : i32
        %dma_start3A_23 = tpu.memref_slice %arg11[%mul3A_22, %dma_start3A] : memref<10240x128xf32, #tpu.memory_space<vmem_shared>> -> memref<640x128xf32, #tpu.memory_space<vmem_shared>>
        %dma_start3A_24 = arith.constant 0 : i32
        %dma_start3A_25 = tpu.memref_slice %arg2[%mul3A_20, %dma_start3A_24] : memref<10240x128xf32, #tpu.memory_space<hbm>> -> memref<640x128xf32, #tpu.memory_space<hbm>>
        tpu.enqueue_dma source(%dma_start3A_25 : memref<640x128xf32, #tpu.memory_space<hbm>>) target(%dma_start3A_23 : memref<640x128xf32, #tpu.memory_space<vmem_shared>>) target_semaphore(%run_scoped3A : memref<!tpu.dma_semaphore, #tpu.memory_space<semaphore_mem>>)
        %dma_wait3A = arith.constant 0 : i32
        %dma_wait3A_26 = tpu.memref_slice %arg11[%mul3A_22, %dma_wait3A] : memref<10240x128xf32, #tpu.memory_space<vmem_shared>> -> memref<640x128xf32, #tpu.memory_space<vmem_shared>>
        %dma_wait3A_27 = arith.constant 0 : i32
        %dma_wait3A_28 = tpu.memref_slice %arg2[%mul3A_20, %dma_wait3A_27] : memref<10240x128xf32, #tpu.memory_space<hbm>> -> memref<640x128xf32, #tpu.memory_space<hbm>>
        tpu.wait_dma2 semaphore(%run_scoped3A : memref<!tpu.dma_semaphore, #tpu.memory_space<semaphore_mem>>) src(%dma_wait3A_28 : memref<640x128xf32, #tpu.memory_space<hbm>>) dst(%dma_wait3A_26 : memref<640x128xf32, #tpu.memory_space<vmem_shared>>)
        tpu.yield
      }) : () -> ()
    } else {
    }
    %eq3A_2 = arith.constant 1 : i32
    %eq3A_3 = arith.cmpi eq, %arg0, %eq3A_2 : i32
    %convert_element_type3A_4 = arith.extui %eq3A_3 : i1 to i32
    %cond3A_5 = arith.constant 0 : i32
    %cond3A_6 = arith.cmpi ne, %convert_element_type3A_4, %cond3A_5 : i32
    scf.if %cond3A_6 {
      %mul3A_19 = arith.constant 640 : i32
      %mul3A_20 = arith.muli %arg1, %mul3A_19 : i32
      %mul3A_21 = arith.constant 640 : i32
      %mul3A_22 = arith.muli %arg1, %mul3A_21 : i32
      "tpu.region"() ({
        %run_scoped3A = tpu.sem_alloc : memref<!tpu.dma_semaphore, #tpu.memory_space<semaphore_mem>>
        %dma_start3A = arith.constant 0 : i32
        %dma_start3A_23 = tpu.memref_slice %arg11[%mul3A_22, %dma_start3A] : memref<10240x128xf32, #tpu.memory_space<vmem_shared>> -> memref<640x128xf32, #tpu.memory_space<vmem_shared>>
        %dma_start3A_24 = arith.constant 0 : i32
        %dma_start3A_25 = tpu.memref_slice %arg3[%mul3A_20, %dma_start3A_24] : memref<10240x128xf32, #tpu.memory_space<hbm>> -> memref<640x128xf32, #tpu.memory_space<hbm>>
        tpu.enqueue_dma source(%dma_start3A_25 : memref<640x128xf32, #tpu.memory_space<hbm>>) target(%dma_start3A_23 : memref<640x128xf32, #tpu.memory_space<vmem_shared>>) target_semaphore(%run_scoped3A : memref<!tpu.dma_semaphore, #tpu.memory_space<semaphore_mem>>)
        %dma_wait3A = arith.constant 0 : i32
        %dma_wait3A_26 = tpu.memref_slice %arg11[%mul3A_22, %dma_wait3A] : memref<10240x128xf32, #tpu.memory_space<vmem_shared>> -> memref<640x128xf32, #tpu.memory_space<vmem_shared>>
        %dma_wait3A_27 = arith.constant 0 : i32
        %dma_wait3A_28 = tpu.memref_slice %arg3[%mul3A_20, %dma_wait3A_27] : memref<10240x128xf32, #tpu.memory_space<hbm>> -> memref<640x128xf32, #tpu.memory_space<hbm>>
        tpu.wait_dma2 semaphore(%run_scoped3A : memref<!tpu.dma_semaphore, #tpu.memory_space<semaphore_mem>>) src(%dma_wait3A_28 : memref<640x128xf32, #tpu.memory_space<hbm>>) dst(%dma_wait3A_26 : memref<640x128xf32, #tpu.memory_space<vmem_shared>>)
        tpu.yield
      }) : () -> ()
    } else {
    }
    %barrier3A = arith.constant 0 : index
    tpu.barrier barrier_id(%barrier3A)
    %mul3A = arith.constant 80 : i32
    %mul3A_7 = arith.muli %arg1, %mul3A : i32
    %add3A = arith.constant 1280 : i32
    %add3A_8 = arith.addi %add3A, %mul3A_7 : i32
    %eq3A_9 = arith.constant 0 : i32
    %eq3A_10 = arith.cmpi eq, %arg0, %eq3A_9 : i32
    %convert_element_type3A_11 = arith.extui %eq3A_10 : i1 to i32
    %cond3A_12 = arith.constant 0 : i32
    %cond3A_13 = arith.cmpi ne, %convert_element_type3A_11, %cond3A_12 : i32
    scf.if %cond3A_13 {
      "tpu.region"() ({
        %run_scoped3A = tpu.sem_alloc : memref<!tpu.dma_semaphore, #tpu.memory_space<semaphore_mem>>
        %dma_start3A_34 = arith.constant 0 : i32
        %dma_start3A_35 = tpu.memref_slice %arg4[%add3A_8, %dma_start3A_34] : memref<2560x128xi32, #tpu.memory_space<hbm>> -> memref<80x128xi32, #tpu.memory_space<hbm>>
        %dma_start3A_36 = arith.constant 0 : i32
        %dma_start3A_37 = tpu.memref_slice %arg4[%add3A_8, %dma_start3A_36] : memref<2560x128xi32, #tpu.memory_space<hbm>> -> memref<80x128xi32, #tpu.memory_space<hbm>>
        tpu.enqueue_dma source(%dma_start3A_37 : memref<80x128xi32, #tpu.memory_space<hbm>>) target(%arg8 : memref<80x128xi32, #tpu.memory_space<vmem>>) target_semaphore(%run_scoped3A : memref<!tpu.dma_semaphore, #tpu.memory_space<semaphore_mem>>)
        %dma_wait3A_38 = arith.constant 0 : i32
        %dma_wait3A_39 = tpu.memref_slice %arg4[%add3A_8, %dma_wait3A_38] : memref<2560x128xi32, #tpu.memory_space<hbm>> -> memref<80x128xi32, #tpu.memory_space<hbm>>
        %dma_wait3A_40 = arith.constant 0 : i32
        %dma_wait3A_41 = tpu.memref_slice %arg4[%add3A_8, %dma_wait3A_40] : memref<2560x128xi32, #tpu.memory_space<hbm>> -> memref<80x128xi32, #tpu.memory_space<hbm>>
        tpu.wait_dma2 semaphore(%run_scoped3A : memref<!tpu.dma_semaphore, #tpu.memory_space<semaphore_mem>>) src(%dma_wait3A_41 : memref<80x128xi32, #tpu.memory_space<hbm>>) dst(%arg8 : memref<80x128xi32, #tpu.memory_space<vmem>>)
        tpu.yield
      }) : () -> ()
      %dma_start3A = arith.constant 0 : i32
      %dma_start3A_19 = arith.constant 0 : i32
      %dma_start3A_20 = tpu.memref_slice %arg8[%dma_start3A, %dma_start3A_19] : memref<80x128xi32, #tpu.memory_space<vmem>> -> memref<1x128xi32, #tpu.memory_space<vmem>>
      %dma_start3A_21 = tpu.memref_squeeze %dma_start3A_20 : memref<1x128xi32, #tpu.memory_space<vmem>> -> memref<128xi32, #tpu.memory_space<vmem>>
      %dma_start3A_22 = arith.constant 0 : i32
      %dma_start3A_23 = arith.constant 0 : i32
      %dma_start3A_24 = tpu.memref_slice %arg11[%dma_start3A_22, %dma_start3A_23] : memref<10240x128xf32, #tpu.memory_space<vmem_shared>> -> memref<10240x128xf32, #tpu.memory_space<vmem_shared>>
      tpu.enqueue_indirect_dma source(%dma_start3A_24 : memref<10240x128xf32, #tpu.memory_space<vmem_shared>>) target(%arg9 : memref<128x128xf32, #tpu.memory_space<vmem>>) offsets(%dma_start3A_21 : memref<128xi32, #tpu.memory_space<vmem>>) semaphore(%arg12 : memref<!tpu.dma_semaphore, #tpu.memory_space<semaphore_mem>>)
      %scan3A = arith.constant 0 : i32
      %scan3A_25 = arith.constant 40 : i32
      %scan3A_26 = arith.addi %scan3A, %scan3A_25 : i32
      %scan3A_27 = arith.constant 1 : i32
      scf.for %scan3A_34 = %scan3A to %scan3A_26 step %scan3A_27  : i32 {
        %mul3A_35 = arith.constant 1 : i32
        %mul3A_36 = arith.muli %scan3A_34, %mul3A_35 : i32
        %add3A_37 = arith.constant 0 : i32
        %add3A_38 = arith.addi %add3A_37, %mul3A_36 : i32
        %mul3A_39 = arith.constant 2 : i32
        %mul3A_40 = arith.muli %add3A_38, %mul3A_39 : i32
        %add3A_41 = arith.constant 0 : i32
        %add3A_42 = arith.addi %mul3A_40, %add3A_41 : i32
        %ge3A = arith.constant 1 : i32
        %ge3A_43 = arith.cmpi sge, %add3A_38, %ge3A : i32
        %convert_element_type3A_44 = arith.extui %ge3A_43 : i1 to i32
        %cond3A_45 = arith.constant 0 : i32
        %cond3A_46 = arith.cmpi ne, %convert_element_type3A_44, %cond3A_45 : i32
        scf.if %cond3A_46 {
          %dma_wait3A_99 = arith.constant 0 : i32
          %dma_wait3A_100 = arith.constant 0 : i32
          %dma_wait3A_101 = tpu.memref_slice %arg6[%dma_wait3A_99, %dma_wait3A_100] : memref<327680x128xf32, #tpu.memory_space<hbm>> -> memref<128x128xf32, #tpu.memory_space<hbm>>
          %dma_wait3A_102 = arith.constant 0 : i32
          %dma_wait3A_103 = arith.constant 0 : i32
          %dma_wait3A_104 = tpu.memref_slice %arg6[%dma_wait3A_102, %dma_wait3A_103] : memref<327680x128xf32, #tpu.memory_space<hbm>> -> memref<128x128xf32, #tpu.memory_space<hbm>>
          tpu.wait_dma2 semaphore(%arg15 : memref<!tpu.dma_semaphore, #tpu.memory_space<semaphore_mem>>) src(%arg10 : memref<128x128xf32, #tpu.memory_space<vmem>>) dst(%dma_wait3A_104 : memref<128x128xf32, #tpu.memory_space<hbm>>)
        } else {
        }
        %dma_wait3A_47 = arith.constant 0 : i32
        %dma_wait3A_48 = arith.constant 0 : i32
        %dma_wait3A_49 = tpu.memref_slice %arg8[%dma_wait3A_47, %dma_wait3A_48] : memref<80x128xi32, #tpu.memory_space<vmem>> -> memref<1x128xi32, #tpu.memory_space<vmem>>
        %dma_wait3A_50 = tpu.memref_squeeze %dma_wait3A_49 : memref<1x128xi32, #tpu.memory_space<vmem>> -> memref<128xi32, #tpu.memory_space<vmem>>
        %dma_wait3A_51 = arith.constant 0 : i32
        %dma_wait3A_52 = arith.constant 0 : i32
        %dma_wait3A_53 = tpu.memref_slice %arg11[%dma_wait3A_51, %dma_wait3A_52] : memref<10240x128xf32, #tpu.memory_space<vmem_shared>> -> memref<10240x128xf32, #tpu.memory_space<vmem_shared>>
        tpu.wait_indirect_dma semaphore(%arg12 : memref<!tpu.dma_semaphore, #tpu.memory_space<semaphore_mem>>) src(%dma_wait3A_53 : memref<10240x128xf32, #tpu.memory_space<vmem_shared>>) dst(%arg9 : memref<128x128xf32, #tpu.memory_space<vmem>>)
        %add3A_54 = arith.constant 1 : i32
        %add3A_55 = arith.addi %add3A_42, %add3A_54 : i32
        %dma_start3A_56 = arith.constant 0 : i32
        %dma_start3A_57 = tpu.memref_slice %arg8[%add3A_55, %dma_start3A_56] : memref<80x128xi32, #tpu.memory_space<vmem>> -> memref<1x128xi32, #tpu.memory_space<vmem>>
        %dma_start3A_58 = tpu.memref_squeeze %dma_start3A_57 : memref<1x128xi32, #tpu.memory_space<vmem>> -> memref<128xi32, #tpu.memory_space<vmem>>
        %dma_start3A_59 = arith.constant 0 : i32
        %dma_start3A_60 = arith.constant 0 : i32
        %dma_start3A_61 = tpu.memref_slice %arg11[%dma_start3A_59, %dma_start3A_60] : memref<10240x128xf32, #tpu.memory_space<vmem_shared>> -> memref<10240x128xf32, #tpu.memory_space<vmem_shared>>
        tpu.enqueue_indirect_dma source(%dma_start3A_61 : memref<10240x128xf32, #tpu.memory_space<vmem_shared>>) target(%arg10 : memref<128x128xf32, #tpu.memory_space<vmem>>) offsets(%dma_start3A_58 : memref<128xi32, #tpu.memory_space<vmem>>) semaphore(%arg13 : memref<!tpu.dma_semaphore, #tpu.memory_space<semaphore_mem>>)
        %add3A_62 = arith.addi %add3A_8, %add3A_42 : i32
        %mul3A_63 = arith.constant 128 : i32
        %mul3A_64 = arith.muli %add3A_62, %mul3A_63 : i32
        %dma_start3A_65 = arith.constant 0 : i32
        %dma_start3A_66 = tpu.memref_slice %arg6[%mul3A_64, %dma_start3A_65] : memref<327680x128xf32, #tpu.memory_space<hbm>> -> memref<128x128xf32, #tpu.memory_space<hbm>>
        %dma_start3A_67 = arith.constant 0 : i32
        %dma_start3A_68 = tpu.memref_slice %arg6[%mul3A_64, %dma_start3A_67] : memref<327680x128xf32, #tpu.memory_space<hbm>> -> memref<128x128xf32, #tpu.memory_space<hbm>>
        tpu.enqueue_dma source(%arg9 : memref<128x128xf32, #tpu.memory_space<vmem>>) target(%dma_start3A_68 : memref<128x128xf32, #tpu.memory_space<hbm>>) target_semaphore(%arg14 : memref<!tpu.dma_semaphore, #tpu.memory_space<semaphore_mem>>)
        %mul3A_69 = arith.constant 2 : i32
        %mul3A_70 = arith.muli %add3A_38, %mul3A_69 : i32
        %add3A_71 = arith.constant 1 : i32
        %add3A_72 = arith.addi %mul3A_70, %add3A_71 : i32
        %dma_wait3A_73 = arith.constant 0 : i32
        %dma_wait3A_74 = arith.constant 0 : i32
        %dma_wait3A_75 = tpu.memref_slice %arg6[%dma_wait3A_73, %dma_wait3A_74] : memref<327680x128xf32, #tpu.memory_space<hbm>> -> memref<128x128xf32, #tpu.memory_space<hbm>>
        %dma_wait3A_76 = arith.constant 0 : i32
        %dma_wait3A_77 = arith.constant 0 : i32
        %dma_wait3A_78 = tpu.memref_slice %arg6[%dma_wait3A_76, %dma_wait3A_77] : memref<327680x128xf32, #tpu.memory_space<hbm>> -> memref<128x128xf32, #tpu.memory_space<hbm>>
        tpu.wait_dma2 semaphore(%arg14 : memref<!tpu.dma_semaphore, #tpu.memory_space<semaphore_mem>>) src(%arg9 : memref<128x128xf32, #tpu.memory_space<vmem>>) dst(%dma_wait3A_78 : memref<128x128xf32, #tpu.memory_space<hbm>>)
        %dma_wait3A_79 = arith.constant 0 : i32
        %dma_wait3A_80 = arith.constant 0 : i32
        %dma_wait3A_81 = tpu.memref_slice %arg8[%dma_wait3A_79, %dma_wait3A_80] : memref<80x128xi32, #tpu.memory_space<vmem>> -> memref<1x128xi32, #tpu.memory_space<vmem>>
        %dma_wait3A_82 = tpu.memref_squeeze %dma_wait3A_81 : memref<1x128xi32, #tpu.memory_space<vmem>> -> memref<128xi32, #tpu.memory_space<vmem>>
        %dma_wait3A_83 = arith.constant 0 : i32
        %dma_wait3A_84 = arith.constant 0 : i32
        %dma_wait3A_85 = tpu.memref_slice %arg11[%dma_wait3A_83, %dma_wait3A_84] : memref<10240x128xf32, #tpu.memory_space<vmem_shared>> -> memref<10240x128xf32, #tpu.memory_space<vmem_shared>>
        tpu.wait_indirect_dma semaphore(%arg13 : memref<!tpu.dma_semaphore, #tpu.memory_space<semaphore_mem>>) src(%dma_wait3A_85 : memref<10240x128xf32, #tpu.memory_space<vmem_shared>>) dst(%arg10 : memref<128x128xf32, #tpu.memory_space<vmem>>)
        %add3A_86 = arith.constant 1 : i32
        %add3A_87 = arith.addi %add3A_72, %add3A_86 : i32
        %lt3A = arith.constant 80 : i32
        %lt3A_88 = arith.cmpi slt, %add3A_87, %lt3A : i32
        %convert_element_type3A_89 = arith.extui %lt3A_88 : i1 to i32
        %cond3A_90 = arith.constant 0 : i32
        %cond3A_91 = arith.cmpi ne, %convert_element_type3A_89, %cond3A_90 : i32
        scf.if %cond3A_91 {
          %add3A_99 = arith.constant 1 : i32
          %add3A_100 = arith.addi %add3A_72, %add3A_99 : i32
          %dma_start3A_101 = arith.constant 0 : i32
          %dma_start3A_102 = tpu.memref_slice %arg8[%add3A_100, %dma_start3A_101] : memref<80x128xi32, #tpu.memory_space<vmem>> -> memref<1x128xi32, #tpu.memory_space<vmem>>
          %dma_start3A_103 = tpu.memref_squeeze %dma_start3A_102 : memref<1x128xi32, #tpu.memory_space<vmem>> -> memref<128xi32, #tpu.memory_space<vmem>>
          %dma_start3A_104 = arith.constant 0 : i32
          %dma_start3A_105 = arith.constant 0 : i32
          %dma_start3A_106 = tpu.memref_slice %arg11[%dma_start3A_104, %dma_start3A_105] : memref<10240x128xf32, #tpu.memory_space<vmem_shared>> -> memref<10240x128xf32, #tpu.memory_space<vmem_shared>>
          tpu.enqueue_indirect_dma source(%dma_start3A_106 : memref<10240x128xf32, #tpu.memory_space<vmem_shared>>) target(%arg9 : memref<128x128xf32, #tpu.memory_space<vmem>>) offsets(%dma_start3A_103 : memref<128xi32, #tpu.memory_space<vmem>>) semaphore(%arg12 : memref<!tpu.dma_semaphore, #tpu.memory_space<semaphore_mem>>)
        } else {
        }
        %add3A_92 = arith.addi %add3A_8, %add3A_72 : i32
        %mul3A_93 = arith.constant 128 : i32
        %mul3A_94 = arith.muli %add3A_92, %mul3A_93 : i32
        %dma_start3A_95 = arith.constant 0 : i32
        %dma_start3A_96 = tpu.memref_slice %arg6[%mul3A_94, %dma_start3A_95] : memref<327680x128xf32, #tpu.memory_space<hbm>> -> memref<128x128xf32, #tpu.memory_space<hbm>>
        %dma_start3A_97 = arith.constant 0 : i32
        %dma_start3A_98 = tpu.memref_slice %arg6[%mul3A_94, %dma_start3A_97] : memref<327680x128xf32, #tpu.memory_space<hbm>> -> memref<128x128xf32, #tpu.memory_space<hbm>>
        tpu.enqueue_dma source(%arg10 : memref<128x128xf32, #tpu.memory_space<vmem>>) target(%dma_start3A_98 : memref<128x128xf32, #tpu.memory_space<hbm>>) target_semaphore(%arg15 : memref<!tpu.dma_semaphore, #tpu.memory_space<semaphore_mem>>)
      }
      %scan3A_28 = arith.constant 40 : i32
      %dma_wait3A = arith.constant 0 : i32
      %dma_wait3A_29 = arith.constant 0 : i32
      %dma_wait3A_30 = tpu.memref_slice %arg6[%dma_wait3A, %dma_wait3A_29] : memref<327680x128xf32, #tpu.memory_space<hbm>> -> memref<128x128xf32, #tpu.memory_space<hbm>>
      %dma_wait3A_31 = arith.constant 0 : i32
      %dma_wait3A_32 = arith.constant 0 : i32
      %dma_wait3A_33 = tpu.memref_slice %arg6[%dma_wait3A_31, %dma_wait3A_32] : memref<327680x128xf32, #tpu.memory_space<hbm>> -> memref<128x128xf32, #tpu.memory_space<hbm>>
      tpu.wait_dma2 semaphore(%arg15 : memref<!tpu.dma_semaphore, #tpu.memory_space<semaphore_mem>>) src(%arg10 : memref<128x128xf32, #tpu.memory_space<vmem>>) dst(%dma_wait3A_33 : memref<128x128xf32, #tpu.memory_space<hbm>>)
    } else {
    }
    %eq3A_14 = arith.constant 1 : i32
    %eq3A_15 = arith.cmpi eq, %arg0, %eq3A_14 : i32
    %convert_element_type3A_16 = arith.extui %eq3A_15 : i1 to i32
    %cond3A_17 = arith.constant 0 : i32
    %cond3A_18 = arith.cmpi ne, %convert_element_type3A_16, %cond3A_17 : i32
    scf.if %cond3A_18 {
      "tpu.region"() ({
        %run_scoped3A = tpu.sem_alloc : memref<!tpu.dma_semaphore, #tpu.memory_space<semaphore_mem>>
        %dma_start3A_34 = arith.constant 0 : i32
        %dma_start3A_35 = tpu.memref_slice %arg5[%add3A_8, %dma_start3A_34] : memref<2560x128xi32, #tpu.memory_space<hbm>> -> memref<80x128xi32, #tpu.memory_space<hbm>>
        %dma_start3A_36 = arith.constant 0 : i32
        %dma_start3A_37 = tpu.memref_slice %arg5[%add3A_8, %dma_start3A_36] : memref<2560x128xi32, #tpu.memory_space<hbm>> -> memref<80x128xi32, #tpu.memory_space<hbm>>
        tpu.enqueue_dma source(%dma_start3A_37 : memref<80x128xi32, #tpu.memory_space<hbm>>) target(%arg8 : memref<80x128xi32, #tpu.memory_space<vmem>>) target_semaphore(%run_scoped3A : memref<!tpu.dma_semaphore, #tpu.memory_space<semaphore_mem>>)
        %dma_wait3A_38 = arith.constant 0 : i32
        %dma_wait3A_39 = tpu.memref_slice %arg5[%add3A_8, %dma_wait3A_38] : memref<2560x128xi32, #tpu.memory_space<hbm>> -> memref<80x128xi32, #tpu.memory_space<hbm>>
        %dma_wait3A_40 = arith.constant 0 : i32
        %dma_wait3A_41 = tpu.memref_slice %arg5[%add3A_8, %dma_wait3A_40] : memref<2560x128xi32, #tpu.memory_space<hbm>> -> memref<80x128xi32, #tpu.memory_space<hbm>>
        tpu.wait_dma2 semaphore(%run_scoped3A : memref<!tpu.dma_semaphore, #tpu.memory_space<semaphore_mem>>) src(%dma_wait3A_41 : memref<80x128xi32, #tpu.memory_space<hbm>>) dst(%arg8 : memref<80x128xi32, #tpu.memory_space<vmem>>)
        tpu.yield
      }) : () -> ()
      %dma_start3A = arith.constant 0 : i32
      %dma_start3A_19 = arith.constant 0 : i32
      %dma_start3A_20 = tpu.memref_slice %arg8[%dma_start3A, %dma_start3A_19] : memref<80x128xi32, #tpu.memory_space<vmem>> -> memref<1x128xi32, #tpu.memory_space<vmem>>
      %dma_start3A_21 = tpu.memref_squeeze %dma_start3A_20 : memref<1x128xi32, #tpu.memory_space<vmem>> -> memref<128xi32, #tpu.memory_space<vmem>>
      %dma_start3A_22 = arith.constant 0 : i32
      %dma_start3A_23 = arith.constant 0 : i32
      %dma_start3A_24 = tpu.memref_slice %arg11[%dma_start3A_22, %dma_start3A_23] : memref<10240x128xf32, #tpu.memory_space<vmem_shared>> -> memref<10240x128xf32, #tpu.memory_space<vmem_shared>>
      tpu.enqueue_indirect_dma source(%dma_start3A_24 : memref<10240x128xf32, #tpu.memory_space<vmem_shared>>) target(%arg9 : memref<128x128xf32, #tpu.memory_space<vmem>>) offsets(%dma_start3A_21 : memref<128xi32, #tpu.memory_space<vmem>>) semaphore(%arg12 : memref<!tpu.dma_semaphore, #tpu.memory_space<semaphore_mem>>)
      %scan3A = arith.constant 0 : i32
      %scan3A_25 = arith.constant 40 : i32
      %scan3A_26 = arith.addi %scan3A, %scan3A_25 : i32
      %scan3A_27 = arith.constant 1 : i32
      scf.for %scan3A_34 = %scan3A to %scan3A_26 step %scan3A_27  : i32 {
        %mul3A_35 = arith.constant 1 : i32
        %mul3A_36 = arith.muli %scan3A_34, %mul3A_35 : i32
        %add3A_37 = arith.constant 0 : i32
        %add3A_38 = arith.addi %add3A_37, %mul3A_36 : i32
        %mul3A_39 = arith.constant 2 : i32
        %mul3A_40 = arith.muli %add3A_38, %mul3A_39 : i32
        %add3A_41 = arith.constant 0 : i32
        %add3A_42 = arith.addi %mul3A_40, %add3A_41 : i32
        %ge3A = arith.constant 1 : i32
        %ge3A_43 = arith.cmpi sge, %add3A_38, %ge3A : i32
        %convert_element_type3A_44 = arith.extui %ge3A_43 : i1 to i32
        %cond3A_45 = arith.constant 0 : i32
        %cond3A_46 = arith.cmpi ne, %convert_element_type3A_44, %cond3A_45 : i32
        scf.if %cond3A_46 {
          %dma_wait3A_99 = arith.constant 0 : i32
          %dma_wait3A_100 = arith.constant 0 : i32
          %dma_wait3A_101 = tpu.memref_slice %arg7[%dma_wait3A_99, %dma_wait3A_100] : memref<327680x128xf32, #tpu.memory_space<hbm>> -> memref<128x128xf32, #tpu.memory_space<hbm>>
          %dma_wait3A_102 = arith.constant 0 : i32
          %dma_wait3A_103 = arith.constant 0 : i32
          %dma_wait3A_104 = tpu.memref_slice %arg7[%dma_wait3A_102, %dma_wait3A_103] : memref<327680x128xf32, #tpu.memory_space<hbm>> -> memref<128x128xf32, #tpu.memory_space<hbm>>
          tpu.wait_dma2 semaphore(%arg15 : memref<!tpu.dma_semaphore, #tpu.memory_space<semaphore_mem>>) src(%arg10 : memref<128x128xf32, #tpu.memory_space<vmem>>) dst(%dma_wait3A_104 : memref<128x128xf32, #tpu.memory_space<hbm>>)
        } else {
        }
        %dma_wait3A_47 = arith.constant 0 : i32
        %dma_wait3A_48 = arith.constant 0 : i32
        %dma_wait3A_49 = tpu.memref_slice %arg8[%dma_wait3A_47, %dma_wait3A_48] : memref<80x128xi32, #tpu.memory_space<vmem>> -> memref<1x128xi32, #tpu.memory_space<vmem>>
        %dma_wait3A_50 = tpu.memref_squeeze %dma_wait3A_49 : memref<1x128xi32, #tpu.memory_space<vmem>> -> memref<128xi32, #tpu.memory_space<vmem>>
        %dma_wait3A_51 = arith.constant 0 : i32
        %dma_wait3A_52 = arith.constant 0 : i32
        %dma_wait3A_53 = tpu.memref_slice %arg11[%dma_wait3A_51, %dma_wait3A_52] : memref<10240x128xf32, #tpu.memory_space<vmem_shared>> -> memref<10240x128xf32, #tpu.memory_space<vmem_shared>>
        tpu.wait_indirect_dma semaphore(%arg12 : memref<!tpu.dma_semaphore, #tpu.memory_space<semaphore_mem>>) src(%dma_wait3A_53 : memref<10240x128xf32, #tpu.memory_space<vmem_shared>>) dst(%arg9 : memref<128x128xf32, #tpu.memory_space<vmem>>)
        %add3A_54 = arith.constant 1 : i32
        %add3A_55 = arith.addi %add3A_42, %add3A_54 : i32
        %dma_start3A_56 = arith.constant 0 : i32
        %dma_start3A_57 = tpu.memref_slice %arg8[%add3A_55, %dma_start3A_56] : memref<80x128xi32, #tpu.memory_space<vmem>> -> memref<1x128xi32, #tpu.memory_space<vmem>>
        %dma_start3A_58 = tpu.memref_squeeze %dma_start3A_57 : memref<1x128xi32, #tpu.memory_space<vmem>> -> memref<128xi32, #tpu.memory_space<vmem>>
        %dma_start3A_59 = arith.constant 0 : i32
        %dma_start3A_60 = arith.constant 0 : i32
        %dma_start3A_61 = tpu.memref_slice %arg11[%dma_start3A_59, %dma_start3A_60] : memref<10240x128xf32, #tpu.memory_space<vmem_shared>> -> memref<10240x128xf32, #tpu.memory_space<vmem_shared>>
        tpu.enqueue_indirect_dma source(%dma_start3A_61 : memref<10240x128xf32, #tpu.memory_space<vmem_shared>>) target(%arg10 : memref<128x128xf32, #tpu.memory_space<vmem>>) offsets(%dma_start3A_58 : memref<128xi32, #tpu.memory_space<vmem>>) semaphore(%arg13 : memref<!tpu.dma_semaphore, #tpu.memory_space<semaphore_mem>>)
        %add3A_62 = arith.addi %add3A_8, %add3A_42 : i32
        %mul3A_63 = arith.constant 128 : i32
        %mul3A_64 = arith.muli %add3A_62, %mul3A_63 : i32
        %dma_start3A_65 = arith.constant 0 : i32
        %dma_start3A_66 = tpu.memref_slice %arg7[%mul3A_64, %dma_start3A_65] : memref<327680x128xf32, #tpu.memory_space<hbm>> -> memref<128x128xf32, #tpu.memory_space<hbm>>
        %dma_start3A_67 = arith.constant 0 : i32
        %dma_start3A_68 = tpu.memref_slice %arg7[%mul3A_64, %dma_start3A_67] : memref<327680x128xf32, #tpu.memory_space<hbm>> -> memref<128x128xf32, #tpu.memory_space<hbm>>
        tpu.enqueue_dma source(%arg9 : memref<128x128xf32, #tpu.memory_space<vmem>>) target(%dma_start3A_68 : memref<128x128xf32, #tpu.memory_space<hbm>>) target_semaphore(%arg14 : memref<!tpu.dma_semaphore, #tpu.memory_space<semaphore_mem>>)
        %mul3A_69 = arith.constant 2 : i32
        %mul3A_70 = arith.muli %add3A_38, %mul3A_69 : i32
        %add3A_71 = arith.constant 1 : i32
        %add3A_72 = arith.addi %mul3A_70, %add3A_71 : i32
        %dma_wait3A_73 = arith.constant 0 : i32
        %dma_wait3A_74 = arith.constant 0 : i32
        %dma_wait3A_75 = tpu.memref_slice %arg7[%dma_wait3A_73, %dma_wait3A_74] : memref<327680x128xf32, #tpu.memory_space<hbm>> -> memref<128x128xf32, #tpu.memory_space<hbm>>
        %dma_wait3A_76 = arith.constant 0 : i32
        %dma_wait3A_77 = arith.constant 0 : i32
        %dma_wait3A_78 = tpu.memref_slice %arg7[%dma_wait3A_76, %dma_wait3A_77] : memref<327680x128xf32, #tpu.memory_space<hbm>> -> memref<128x128xf32, #tpu.memory_space<hbm>>
        tpu.wait_dma2 semaphore(%arg14 : memref<!tpu.dma_semaphore, #tpu.memory_space<semaphore_mem>>) src(%arg9 : memref<128x128xf32, #tpu.memory_space<vmem>>) dst(%dma_wait3A_78 : memref<128x128xf32, #tpu.memory_space<hbm>>)
        %dma_wait3A_79 = arith.constant 0 : i32
        %dma_wait3A_80 = arith.constant 0 : i32
        %dma_wait3A_81 = tpu.memref_slice %arg8[%dma_wait3A_79, %dma_wait3A_80] : memref<80x128xi32, #tpu.memory_space<vmem>> -> memref<1x128xi32, #tpu.memory_space<vmem>>
        %dma_wait3A_82 = tpu.memref_squeeze %dma_wait3A_81 : memref<1x128xi32, #tpu.memory_space<vmem>> -> memref<128xi32, #tpu.memory_space<vmem>>
        %dma_wait3A_83 = arith.constant 0 : i32
        %dma_wait3A_84 = arith.constant 0 : i32
        %dma_wait3A_85 = tpu.memref_slice %arg11[%dma_wait3A_83, %dma_wait3A_84] : memref<10240x128xf32, #tpu.memory_space<vmem_shared>> -> memref<10240x128xf32, #tpu.memory_space<vmem_shared>>
        tpu.wait_indirect_dma semaphore(%arg13 : memref<!tpu.dma_semaphore, #tpu.memory_space<semaphore_mem>>) src(%dma_wait3A_85 : memref<10240x128xf32, #tpu.memory_space<vmem_shared>>) dst(%arg10 : memref<128x128xf32, #tpu.memory_space<vmem>>)
        %add3A_86 = arith.constant 1 : i32
        %add3A_87 = arith.addi %add3A_72, %add3A_86 : i32
        %lt3A = arith.constant 80 : i32
        %lt3A_88 = arith.cmpi slt, %add3A_87, %lt3A : i32
        %convert_element_type3A_89 = arith.extui %lt3A_88 : i1 to i32
        %cond3A_90 = arith.constant 0 : i32
        %cond3A_91 = arith.cmpi ne, %convert_element_type3A_89, %cond3A_90 : i32
        scf.if %cond3A_91 {
          %add3A_99 = arith.constant 1 : i32
          %add3A_100 = arith.addi %add3A_72, %add3A_99 : i32
          %dma_start3A_101 = arith.constant 0 : i32
          %dma_start3A_102 = tpu.memref_slice %arg8[%add3A_100, %dma_start3A_101] : memref<80x128xi32, #tpu.memory_space<vmem>> -> memref<1x128xi32, #tpu.memory_space<vmem>>
          %dma_start3A_103 = tpu.memref_squeeze %dma_start3A_102 : memref<1x128xi32, #tpu.memory_space<vmem>> -> memref<128xi32, #tpu.memory_space<vmem>>
          %dma_start3A_104 = arith.constant 0 : i32
          %dma_start3A_105 = arith.constant 0 : i32
          %dma_start3A_106 = tpu.memref_slice %arg11[%dma_start3A_104, %dma_start3A_105] : memref<10240x128xf32, #tpu.memory_space<vmem_shared>> -> memref<10240x128xf32, #tpu.memory_space<vmem_shared>>
          tpu.enqueue_indirect_dma source(%dma_start3A_106 : memref<10240x128xf32, #tpu.memory_space<vmem_shared>>) target(%arg9 : memref<128x128xf32, #tpu.memory_space<vmem>>) offsets(%dma_start3A_103 : memref<128xi32, #tpu.memory_space<vmem>>) semaphore(%arg12 : memref<!tpu.dma_semaphore, #tpu.memory_space<semaphore_mem>>)
        } else {
        }
        %add3A_92 = arith.addi %add3A_8, %add3A_72 : i32
        %mul3A_93 = arith.constant 128 : i32
        %mul3A_94 = arith.muli %add3A_92, %mul3A_93 : i32
        %dma_start3A_95 = arith.constant 0 : i32
        %dma_start3A_96 = tpu.memref_slice %arg7[%mul3A_94, %dma_start3A_95] : memref<327680x128xf32, #tpu.memory_space<hbm>> -> memref<128x128xf32, #tpu.memory_space<hbm>>
        %dma_start3A_97 = arith.constant 0 : i32
        %dma_start3A_98 = tpu.memref_slice %arg7[%mul3A_94, %dma_start3A_97] : memref<327680x128xf32, #tpu.memory_space<hbm>> -> memref<128x128xf32, #tpu.memory_space<hbm>>
        tpu.enqueue_dma source(%arg10 : memref<128x128xf32, #tpu.memory_space<vmem>>) target(%dma_start3A_98 : memref<128x128xf32, #tpu.memory_space<hbm>>) target_semaphore(%arg15 : memref<!tpu.dma_semaphore, #tpu.memory_space<semaphore_mem>>)
      }
      %scan3A_28 = arith.constant 40 : i32
      %dma_wait3A = arith.constant 0 : i32
      %dma_wait3A_29 = arith.constant 0 : i32
      %dma_wait3A_30 = tpu.memref_slice %arg7[%dma_wait3A, %dma_wait3A_29] : memref<327680x128xf32, #tpu.memory_space<hbm>> -> memref<128x128xf32, #tpu.memory_space<hbm>>
      %dma_wait3A_31 = arith.constant 0 : i32
      %dma_wait3A_32 = arith.constant 0 : i32
      %dma_wait3A_33 = tpu.memref_slice %arg7[%dma_wait3A_31, %dma_wait3A_32] : memref<327680x128xf32, #tpu.memory_space<hbm>> -> memref<128x128xf32, #tpu.memory_space<hbm>>
      tpu.wait_dma2 semaphore(%arg15 : memref<!tpu.dma_semaphore, #tpu.memory_space<semaphore_mem>>) src(%arg10 : memref<128x128xf32, #tpu.memory_space<vmem>>) dst(%dma_wait3A_33 : memref<128x128xf32, #tpu.memory_space<hbm>>)
    } else {
    }
    return
  }
}

#map = affine_map<(d0, d1) -> (0, 0)>
#map1 = affine_map<(d0, d1) -> (0, 0, 0)>
module attributes {stable_mosaic.version = 14 : i64} {
  func.func @_scatter_body(%arg0: i32, %arg1: i32, %arg2: memref<327680x128xf32, #tpu.memory_space<hbm>>, %arg3: memref<2560x128xi32, #tpu.memory_space<hbm>>, %arg4: memref<2x10240x128xf32, #tpu.memory_space<hbm>>, %arg5: memref<40x128xi32, #tpu.memory_space<vmem>>, %arg6: memref<128x128xf32, #tpu.memory_space<vmem>>, %arg7: memref<128x128xf32, #tpu.memory_space<vmem>>, %arg8: memref<10240x128xf32, #tpu.memory_space<vmem_shared>>, %arg9: memref<!tpu.dma_semaphore, #tpu.memory_space<semaphore_mem>>) attributes {dimension_semantics = [#tpu.dimension_semantics<core_parallel>, #tpu.dimension_semantics<subcore_parallel>], iteration_bounds = array<i64: 2, 16>, scalar_prefetch = 0 : i64, scratch_operands = 5 : i64, tpu.core_type = #tpu.core_type<sc_vector_subcore>, window_params = [{transform_indices = #map}, {transform_indices = #map}, {transform_indices = #map1}]} {
    %mul3A = arith.constant 2 : i32
    %mul3A_0 = arith.muli %arg1, %mul3A : i32
    %add3A = arith.addi %mul3A_0, %arg0 : i32
    %scan3A = arith.constant 0 : i32
    %scan3A_1 = arith.constant 128 : i32
    %scan3A_2 = arith.addi %scan3A, %scan3A_1 : i32
    %scan3A_3 = arith.constant 1 : i32
    scf.for %scan3A_25 = %scan3A to %scan3A_2 step %scan3A_3  : i32 {
      %mul3A_26 = arith.constant 1 : i32
      %mul3A_27 = arith.muli %scan3A_25, %mul3A_26 : i32
      %add3A_28 = arith.constant 0 : i32
      %add3A_29 = arith.addi %add3A_28, %mul3A_27 : i32
      %scan3A_30 = arith.constant 0 : i32
      %scan3A_31 = arith.constant 8 : i32
      %scan3A_32 = arith.addi %scan3A_30, %scan3A_31 : i32
      %scan3A_33 = arith.constant 1 : i32
      scf.for %scan3A_35 = %scan3A_30 to %scan3A_32 step %scan3A_33  : i32 {
        %mul3A_36 = arith.constant 1 : i32
        %mul3A_37 = arith.muli %scan3A_35, %mul3A_36 : i32
        %add3A_38 = arith.constant 0 : i32
        %add3A_39 = arith.addi %add3A_38, %mul3A_37 : i32
        %broadcast_in_dim3A = arith.constant 0.000000e+00 : f32
        %broadcast_in_dim3A_40 = vector.broadcast %broadcast_in_dim3A : f32 to vector<16xf32>
        %mul3A_41 = arith.constant 16 : i32
        %mul3A_42 = arith.muli %add3A_39, %mul3A_41 : i32
        %swap3A = arith.index_cast %add3A_29 : i32 to index
        %swap3A_43 = arith.index_cast %mul3A_42 : i32 to index
        %swap3A_44 = tpu.vector_load %arg7[%swap3A, %swap3A_43] {strides = array<i32>} : memref<128x128xf32, #tpu.memory_space<vmem>>, vector<1x16xf32>,
        %swap3A_45 = vector.shape_cast %swap3A_44 : vector<1x16xf32> to vector<16xf32>
        %swap3A_46 = vector.shape_cast %broadcast_in_dim3A_40 : vector<16xf32> to vector<1x16xf32>
        tpu.vector_store %arg7[%swap3A, %swap3A_43], %swap3A_46 {strides = array<i32>} : memref<128x128xf32, #tpu.memory_space<vmem>>, vector<1x16xf32>,
      }
      %scan3A_34 = arith.constant 8 : i32
    }
    %scan3A_4 = arith.constant 128 : i32
    %scan3A_5 = arith.constant 0 : i32
    %scan3A_6 = arith.constant 5 : i32
    %scan3A_7 = arith.addi %scan3A_5, %scan3A_6 : i32
    %scan3A_8 = arith.constant 1 : i32
    scf.for %scan3A_25 = %scan3A_5 to %scan3A_7 step %scan3A_8  : i32 {
      %mul3A_26 = arith.constant 1 : i32
      %mul3A_27 = arith.muli %scan3A_25, %mul3A_26 : i32
      %add3A_28 = arith.constant 0 : i32
      %add3A_29 = arith.addi %add3A_28, %mul3A_27 : i32
      %mul3A_30 = arith.constant 640 : i32
      %mul3A_31 = arith.muli %arg1, %mul3A_30 : i32
      %mul3A_32 = arith.constant 128 : i32
      %mul3A_33 = arith.muli %add3A_29, %mul3A_32 : i32
      %add3A_34 = arith.addi %mul3A_31, %mul3A_33 : i32
      "tpu.region"() ({
        %run_scoped3A = tpu.sem_alloc : memref<!tpu.dma_semaphore, #tpu.memory_space<semaphore_mem>>
        %dma_start3A = arith.constant 0 : i32
        %dma_start3A_35 = tpu.memref_slice %arg8[%add3A_34, %dma_start3A] : memref<10240x128xf32, #tpu.memory_space<vmem_shared>> -> memref<128x128xf32, #tpu.memory_space<vmem_shared>>
        %dma_start3A_36 = arith.constant 0 : i32
        %dma_start3A_37 = tpu.memref_slice %arg8[%add3A_34, %dma_start3A_36] : memref<10240x128xf32, #tpu.memory_space<vmem_shared>> -> memref<128x128xf32, #tpu.memory_space<vmem_shared>>
        tpu.enqueue_dma source(%arg7 : memref<128x128xf32, #tpu.memory_space<vmem>>) target(%dma_start3A_37 : memref<128x128xf32, #tpu.memory_space<vmem_shared>>) target_semaphore(%run_scoped3A : memref<!tpu.dma_semaphore, #tpu.memory_space<semaphore_mem>>)
        %dma_wait3A = arith.constant 0 : i32
        %dma_wait3A_38 = tpu.memref_slice %arg8[%add3A_34, %dma_wait3A] : memref<10240x128xf32, #tpu.memory_space<vmem_shared>> -> memref<128x128xf32, #tpu.memory_space<vmem_shared>>
        %dma_wait3A_39 = arith.constant 0 : i32
        %dma_wait3A_40 = tpu.memref_slice %arg8[%add3A_34, %dma_wait3A_39] : memref<10240x128xf32, #tpu.memory_space<vmem_shared>> -> memref<128x128xf32, #tpu.memory_space<vmem_shared>>
        tpu.wait_dma2 semaphore(%run_scoped3A : memref<!tpu.dma_semaphore, #tpu.memory_space<semaphore_mem>>) src(%arg7 : memref<128x128xf32, #tpu.memory_space<vmem>>) dst(%dma_wait3A_40 : memref<128x128xf32, #tpu.memory_space<vmem_shared>>)
        tpu.yield
      }) : () -> ()
    }
    %scan3A_9 = arith.constant 5 : i32
    %barrier3A = arith.constant 0 : index
    tpu.barrier barrier_id(%barrier3A)
    %mul3A_10 = arith.constant 40 : i32
    %mul3A_11 = arith.muli %add3A, %mul3A_10 : i32
    %add3A_12 = arith.constant 1280 : i32
    %add3A_13 = arith.addi %add3A_12, %mul3A_11 : i32
    "tpu.region"() ({
      %run_scoped3A = tpu.sem_alloc : memref<!tpu.dma_semaphore, #tpu.memory_space<semaphore_mem>>
      %dma_start3A = arith.constant 0 : i32
      %dma_start3A_25 = tpu.memref_slice %arg3[%add3A_13, %dma_start3A] : memref<2560x128xi32, #tpu.memory_space<hbm>> -> memref<40x128xi32, #tpu.memory_space<hbm>>
      %dma_start3A_26 = arith.constant 0 : i32
      %dma_start3A_27 = tpu.memref_slice %arg3[%add3A_13, %dma_start3A_26] : memref<2560x128xi32, #tpu.memory_space<hbm>> -> memref<40x128xi32, #tpu.memory_space<hbm>>
      tpu.enqueue_dma source(%dma_start3A_27 : memref<40x128xi32, #tpu.memory_space<hbm>>) target(%arg5 : memref<40x128xi32, #tpu.memory_space<vmem>>) target_semaphore(%run_scoped3A : memref<!tpu.dma_semaphore, #tpu.memory_space<semaphore_mem>>)
      %dma_wait3A = arith.constant 0 : i32
      %dma_wait3A_28 = tpu.memref_slice %arg3[%add3A_13, %dma_wait3A] : memref<2560x128xi32, #tpu.memory_space<hbm>> -> memref<40x128xi32, #tpu.memory_space<hbm>>
      %dma_wait3A_29 = arith.constant 0 : i32
      %dma_wait3A_30 = tpu.memref_slice %arg3[%add3A_13, %dma_wait3A_29] : memref<2560x128xi32, #tpu.memory_space<hbm>> -> memref<40x128xi32, #tpu.memory_space<hbm>>
      tpu.wait_dma2 semaphore(%run_scoped3A : memref<!tpu.dma_semaphore, #tpu.memory_space<semaphore_mem>>) src(%dma_wait3A_30 : memref<40x128xi32, #tpu.memory_space<hbm>>) dst(%arg5 : memref<40x128xi32, #tpu.memory_space<vmem>>)
      tpu.yield
    }) : () -> ()
    %scan3A_14 = arith.constant 0 : i32
    %scan3A_15 = arith.constant 40 : i32
    %scan3A_16 = arith.addi %scan3A_14, %scan3A_15 : i32
    %scan3A_17 = arith.constant 1 : i32
    scf.for %scan3A_25 = %scan3A_14 to %scan3A_16 step %scan3A_17  : i32 {
      %mul3A_26 = arith.constant 1 : i32
      %mul3A_27 = arith.muli %scan3A_25, %mul3A_26 : i32
      %add3A_28 = arith.constant 0 : i32
      %add3A_29 = arith.addi %add3A_28, %mul3A_27 : i32
      %add3A_30 = arith.addi %add3A_13, %add3A_29 : i32
      %mul3A_31 = arith.constant 128 : i32
      %mul3A_32 = arith.muli %add3A_30, %mul3A_31 : i32
      "tpu.region"() ({
        %run_scoped3A = tpu.sem_alloc : memref<!tpu.dma_semaphore, #tpu.memory_space<semaphore_mem>>
        %dma_start3A = arith.constant 0 : i32
        %dma_start3A_33 = tpu.memref_slice %arg2[%mul3A_32, %dma_start3A] : memref<327680x128xf32, #tpu.memory_space<hbm>> -> memref<128x128xf32, #tpu.memory_space<hbm>>
        %dma_start3A_34 = arith.constant 0 : i32
        %dma_start3A_35 = tpu.memref_slice %arg2[%mul3A_32, %dma_start3A_34] : memref<327680x128xf32, #tpu.memory_space<hbm>> -> memref<128x128xf32, #tpu.memory_space<hbm>>
        tpu.enqueue_dma source(%dma_start3A_35 : memref<128x128xf32, #tpu.memory_space<hbm>>) target(%arg6 : memref<128x128xf32, #tpu.memory_space<vmem>>) target_semaphore(%run_scoped3A : memref<!tpu.dma_semaphore, #tpu.memory_space<semaphore_mem>>)
        %dma_wait3A = arith.constant 0 : i32
        %dma_wait3A_36 = tpu.memref_slice %arg2[%mul3A_32, %dma_wait3A] : memref<327680x128xf32, #tpu.memory_space<hbm>> -> memref<128x128xf32, #tpu.memory_space<hbm>>
        %dma_wait3A_37 = arith.constant 0 : i32
        %dma_wait3A_38 = tpu.memref_slice %arg2[%mul3A_32, %dma_wait3A_37] : memref<327680x128xf32, #tpu.memory_space<hbm>> -> memref<128x128xf32, #tpu.memory_space<hbm>>
        tpu.wait_dma2 semaphore(%run_scoped3A : memref<!tpu.dma_semaphore, #tpu.memory_space<semaphore_mem>>) src(%dma_wait3A_38 : memref<128x128xf32, #tpu.memory_space<hbm>>) dst(%arg6 : memref<128x128xf32, #tpu.memory_space<vmem>>)
        tpu.yield
      }) : () -> ()
      "tpu.region"() ({
        %run_scoped3A = tpu.sem_alloc : memref<!tpu.dma_semaphore, #tpu.memory_space<semaphore_mem>>
        %dma_start3A = arith.constant 0 : i32
        %dma_start3A_33 = tpu.memref_slice %arg5[%add3A_29, %dma_start3A] : memref<40x128xi32, #tpu.memory_space<vmem>> -> memref<1x128xi32, #tpu.memory_space<vmem>>
        %dma_start3A_34 = tpu.memref_squeeze %dma_start3A_33 : memref<1x128xi32, #tpu.memory_space<vmem>> -> memref<128xi32, #tpu.memory_space<vmem>>
        %dma_start3A_35 = arith.constant 0 : i32
        %dma_start3A_36 = arith.constant 0 : i32
        %dma_start3A_37 = tpu.memref_slice %arg8[%dma_start3A_35, %dma_start3A_36] : memref<10240x128xf32, #tpu.memory_space<vmem_shared>> -> memref<10240x128xf32, #tpu.memory_space<vmem_shared>>
        tpu.enqueue_indirect_dma source(%arg6 : memref<128x128xf32, #tpu.memory_space<vmem>>) target(%dma_start3A_37 : memref<10240x128xf32, #tpu.memory_space<vmem_shared>>) offsets(%dma_start3A_34 : memref<128xi32, #tpu.memory_space<vmem>>) semaphore(%run_scoped3A : memref<!tpu.dma_semaphore, #tpu.memory_space<semaphore_mem>>) {add = true}
        %dma_wait3A = arith.constant 0 : i32
        %dma_wait3A_38 = tpu.memref_slice %arg5[%add3A_29, %dma_wait3A] : memref<40x128xi32, #tpu.memory_space<vmem>> -> memref<1x128xi32, #tpu.memory_space<vmem>>
        %dma_wait3A_39 = tpu.memref_squeeze %dma_wait3A_38 : memref<1x128xi32, #tpu.memory_space<vmem>> -> memref<128xi32, #tpu.memory_space<vmem>>
        %dma_wait3A_40 = arith.constant 0 : i32
        %dma_wait3A_41 = arith.constant 0 : i32
        %dma_wait3A_42 = tpu.memref_slice %arg8[%dma_wait3A_40, %dma_wait3A_41] : memref<10240x128xf32, #tpu.memory_space<vmem_shared>> -> memref<10240x128xf32, #tpu.memory_space<vmem_shared>>
        tpu.wait_indirect_dma semaphore(%run_scoped3A : memref<!tpu.dma_semaphore, #tpu.memory_space<semaphore_mem>>) src(%arg6 : memref<128x128xf32, #tpu.memory_space<vmem>>) dst(%dma_wait3A_42 : memref<10240x128xf32, #tpu.memory_space<vmem_shared>>)
        tpu.yield
      }) : () -> ()
    }
    %scan3A_18 = arith.constant 40 : i32
    %barrier3A_19 = arith.constant 0 : index
    tpu.barrier barrier_id(%barrier3A_19)
    %scan3A_20 = arith.constant 0 : i32
    %scan3A_21 = arith.constant 5 : i32
    %scan3A_22 = arith.addi %scan3A_20, %scan3A_21 : i32
    %scan3A_23 = arith.constant 1 : i32
    scf.for %scan3A_25 = %scan3A_20 to %scan3A_22 step %scan3A_23  : i32 {
      %mul3A_26 = arith.constant 1 : i32
      %mul3A_27 = arith.muli %scan3A_25, %mul3A_26 : i32
      %add3A_28 = arith.constant 0 : i32
      %add3A_29 = arith.addi %add3A_28, %mul3A_27 : i32
      %mul3A_30 = arith.constant 640 : i32
      %mul3A_31 = arith.muli %arg1, %mul3A_30 : i32
      %mul3A_32 = arith.constant 128 : i32
      %mul3A_33 = arith.muli %add3A_29, %mul3A_32 : i32
      %add3A_34 = arith.addi %mul3A_31, %mul3A_33 : i32
      "tpu.region"() ({
        %run_scoped3A = tpu.sem_alloc : memref<!tpu.dma_semaphore, #tpu.memory_space<semaphore_mem>>
        %dma_start3A = arith.constant 0 : i32
        %dma_start3A_35 = arith.constant 0 : i32
        %dma_start3A_36 = tpu.memref_slice %arg4[%arg0, %dma_start3A, %dma_start3A_35] : memref<2x10240x128xf32, #tpu.memory_space<hbm>> -> memref<1x10240x128xf32, #tpu.memory_space<hbm>>
        %dma_start3A_37 = tpu.memref_squeeze %dma_start3A_36 : memref<1x10240x128xf32, #tpu.memory_space<hbm>> -> memref<10240x128xf32, #tpu.memory_space<hbm>>
        %dma_start3A_38 = arith.constant 0 : i32
        %dma_start3A_39 = tpu.memref_slice %dma_start3A_37[%add3A_34, %dma_start3A_38] : memref<10240x128xf32, #tpu.memory_space<hbm>> -> memref<128x128xf32, #tpu.memory_space<hbm>>
        %dma_start3A_40 = arith.constant 0 : i32
        %dma_start3A_41 = tpu.memref_slice %arg8[%add3A_34, %dma_start3A_40] : memref<10240x128xf32, #tpu.memory_space<vmem_shared>> -> memref<128x128xf32, #tpu.memory_space<vmem_shared>>
        tpu.enqueue_dma source(%dma_start3A_41 : memref<128x128xf32, #tpu.memory_space<vmem_shared>>) target(%dma_start3A_39 : memref<128x128xf32, #tpu.memory_space<hbm>>) target_semaphore(%run_scoped3A : memref<!tpu.dma_semaphore, #tpu.memory_space<semaphore_mem>>)
        %dma_wait3A = arith.constant 0 : i32
        %dma_wait3A_42 = arith.constant 0 : i32
        %dma_wait3A_43 = tpu.memref_slice %arg4[%arg0, %dma_wait3A, %dma_wait3A_42] : memref<2x10240x128xf32, #tpu.memory_space<hbm>> -> memref<1x10240x128xf32, #tpu.memory_space<hbm>>
        %dma_wait3A_44 = tpu.memref_squeeze %dma_wait3A_43 : memref<1x10240x128xf32, #tpu.memory_space<hbm>> -> memref<10240x128xf32, #tpu.memory_space<hbm>>
        %dma_wait3A_45 = arith.constant 0 : i32
        %dma_wait3A_46 = tpu.memref_slice %dma_wait3A_44[%add3A_34, %dma_wait3A_45] : memref<10240x128xf32, #tpu.memory_space<hbm>> -> memref<128x128xf32, #tpu.memory_space<hbm>>
        %dma_wait3A_47 = arith.constant 0 : i32
        %dma_wait3A_48 = tpu.memref_slice %arg8[%add3A_34, %dma_wait3A_47] : memref<10240x128xf32, #tpu.memory_space<vmem_shared>> -> memref<128x128xf32, #tpu.memory_space<vmem_shared>>
        tpu.wait_dma2 semaphore(%run_scoped3A : memref<!tpu.dma_semaphore, #tpu.memory_space<semaphore_mem>>) src(%dma_wait3A_48 : memref<128x128xf32, #tpu.memory_space<vmem_shared>>) dst(%dma_wait3A_46 : memref<128x128xf32, #tpu.memory_space<hbm>>)
        tpu.yield
      }) : () -> ()
    }
    %scan3A_24 = arith.constant 5 : i32
    return
  }
}

#map = affine_map<(d0, d1) -> (0, 0)>
module attributes {stable_mosaic.version = 14 : i64} {
  func.func @_gather_body(%arg0: i32, %arg1: i32, %arg2: memref<10240x128xf32, #tpu.memory_space<hbm>>, %arg3: memref<10240x128xf32, #tpu.memory_space<hbm>>, %arg4: memref<2560x128xi32, #tpu.memory_space<hbm>>, %arg5: memref<2560x128xi32, #tpu.memory_space<hbm>>, %arg6: memref<327680x128xf32, #tpu.memory_space<hbm>>, %arg7: memref<327680x128xf32, #tpu.memory_space<hbm>>, %arg8: memref<80x128xi32, #tpu.memory_space<vmem>>, %arg9: memref<128x128xf32, #tpu.memory_space<vmem>>, %arg10: memref<128x128xf32, #tpu.memory_space<vmem>>, %arg11: memref<10240x128xf32, #tpu.memory_space<vmem_shared>>, %arg12: memref<!tpu.dma_semaphore, #tpu.memory_space<semaphore_mem>>, %arg13: memref<!tpu.dma_semaphore, #tpu.memory_space<semaphore_mem>>, %arg14: memref<!tpu.dma_semaphore, #tpu.memory_space<semaphore_mem>>, %arg15: memref<!tpu.dma_semaphore, #tpu.memory_space<semaphore_mem>>) attributes {dimension_semantics = [#tpu.dimension_semantics<core_parallel>, #tpu.dimension_semantics<subcore_parallel>], iteration_bounds = array<i64: 2, 16>, scalar_prefetch = 0 : i64, scratch_operands = 8 : i64, tpu.core_type = #tpu.core_type<sc_vector_subcore>, window_params = [{transform_indices = #map}, {transform_indices = #map}, {transform_indices = #map}, {transform_indices = #map}, {transform_indices = #map}, {transform_indices = #map}]} {
    %eq3A = arith.constant 0 : i32
    %eq3A_0 = arith.cmpi eq, %arg0, %eq3A : i32
    %convert_element_type3A = arith.extui %eq3A_0 : i1 to i32
    %cond3A = arith.constant 0 : i32
    %cond3A_1 = arith.cmpi ne, %convert_element_type3A, %cond3A : i32
    scf.if %cond3A_1 {
      %mul3A_19 = arith.constant 640 : i32
      %mul3A_20 = arith.muli %arg1, %mul3A_19 : i32
      %mul3A_21 = arith.constant 640 : i32
      %mul3A_22 = arith.muli %arg1, %mul3A_21 : i32
      "tpu.region"() ({
        %run_scoped3A = tpu.sem_alloc : memref<!tpu.dma_semaphore, #tpu.memory_space<semaphore_mem>>
        %dma_start3A = arith.constant 0 : i32
        %dma_start3A_23 = tpu.memref_slice %arg11[%mul3A_22, %dma_start3A] : memref<10240x128xf32, #tpu.memory_space<vmem_shared>> -> memref<640x128xf32, #tpu.memory_space<vmem_shared>>
        %dma_start3A_24 = arith.constant 0 : i32
        %dma_start3A_25 = tpu.memref_slice %arg2[%mul3A_20, %dma_start3A_24] : memref<10240x128xf32, #tpu.memory_space<hbm>> -> memref<640x128xf32, #tpu.memory_space<hbm>>
        tpu.enqueue_dma source(%dma_start3A_25 : memref<640x128xf32, #tpu.memory_space<hbm>>) target(%dma_start3A_23 : memref<640x128xf32, #tpu.memory_space<vmem_shared>>) target_semaphore(%run_scoped3A : memref<!tpu.dma_semaphore, #tpu.memory_space<semaphore_mem>>)
        %dma_wait3A = arith.constant 0 : i32
        %dma_wait3A_26 = tpu.memref_slice %arg11[%mul3A_22, %dma_wait3A] : memref<10240x128xf32, #tpu.memory_space<vmem_shared>> -> memref<640x128xf32, #tpu.memory_space<vmem_shared>>
        %dma_wait3A_27 = arith.constant 0 : i32
        %dma_wait3A_28 = tpu.memref_slice %arg2[%mul3A_20, %dma_wait3A_27] : memref<10240x128xf32, #tpu.memory_space<hbm>> -> memref<640x128xf32, #tpu.memory_space<hbm>>
        tpu.wait_dma2 semaphore(%run_scoped3A : memref<!tpu.dma_semaphore, #tpu.memory_space<semaphore_mem>>) src(%dma_wait3A_28 : memref<640x128xf32, #tpu.memory_space<hbm>>) dst(%dma_wait3A_26 : memref<640x128xf32, #tpu.memory_space<vmem_shared>>)
        tpu.yield
      }) : () -> ()
    } else {
    }
    %eq3A_2 = arith.constant 1 : i32
    %eq3A_3 = arith.cmpi eq, %arg0, %eq3A_2 : i32
    %convert_element_type3A_4 = arith.extui %eq3A_3 : i1 to i32
    %cond3A_5 = arith.constant 0 : i32
    %cond3A_6 = arith.cmpi ne, %convert_element_type3A_4, %cond3A_5 : i32
    scf.if %cond3A_6 {
      %mul3A_19 = arith.constant 640 : i32
      %mul3A_20 = arith.muli %arg1, %mul3A_19 : i32
      %mul3A_21 = arith.constant 640 : i32
      %mul3A_22 = arith.muli %arg1, %mul3A_21 : i32
      "tpu.region"() ({
        %run_scoped3A = tpu.sem_alloc : memref<!tpu.dma_semaphore, #tpu.memory_space<semaphore_mem>>
        %dma_start3A = arith.constant 0 : i32
        %dma_start3A_23 = tpu.memref_slice %arg11[%mul3A_22, %dma_start3A] : memref<10240x128xf32, #tpu.memory_space<vmem_shared>> -> memref<640x128xf32, #tpu.memory_space<vmem_shared>>
        %dma_start3A_24 = arith.constant 0 : i32
        %dma_start3A_25 = tpu.memref_slice %arg3[%mul3A_20, %dma_start3A_24] : memref<10240x128xf32, #tpu.memory_space<hbm>> -> memref<640x128xf32, #tpu.memory_space<hbm>>
        tpu.enqueue_dma source(%dma_start3A_25 : memref<640x128xf32, #tpu.memory_space<hbm>>) target(%dma_start3A_23 : memref<640x128xf32, #tpu.memory_space<vmem_shared>>) target_semaphore(%run_scoped3A : memref<!tpu.dma_semaphore, #tpu.memory_space<semaphore_mem>>)
        %dma_wait3A = arith.constant 0 : i32
        %dma_wait3A_26 = tpu.memref_slice %arg11[%mul3A_22, %dma_wait3A] : memref<10240x128xf32, #tpu.memory_space<vmem_shared>> -> memref<640x128xf32, #tpu.memory_space<vmem_shared>>
        %dma_wait3A_27 = arith.constant 0 : i32
        %dma_wait3A_28 = tpu.memref_slice %arg3[%mul3A_20, %dma_wait3A_27] : memref<10240x128xf32, #tpu.memory_space<hbm>> -> memref<640x128xf32, #tpu.memory_space<hbm>>
        tpu.wait_dma2 semaphore(%run_scoped3A : memref<!tpu.dma_semaphore, #tpu.memory_space<semaphore_mem>>) src(%dma_wait3A_28 : memref<640x128xf32, #tpu.memory_space<hbm>>) dst(%dma_wait3A_26 : memref<640x128xf32, #tpu.memory_space<vmem_shared>>)
        tpu.yield
      }) : () -> ()
    } else {
    }
    %barrier3A = arith.constant 0 : index
    tpu.barrier barrier_id(%barrier3A)
    %mul3A = arith.constant 80 : i32
    %mul3A_7 = arith.muli %arg1, %mul3A : i32
    %add3A = arith.constant 0 : i32
    %add3A_8 = arith.addi %add3A, %mul3A_7 : i32
    %eq3A_9 = arith.constant 0 : i32
    %eq3A_10 = arith.cmpi eq, %arg0, %eq3A_9 : i32
    %convert_element_type3A_11 = arith.extui %eq3A_10 : i1 to i32
    %cond3A_12 = arith.constant 0 : i32
    %cond3A_13 = arith.cmpi ne, %convert_element_type3A_11, %cond3A_12 : i32
    scf.if %cond3A_13 {
      "tpu.region"() ({
        %run_scoped3A = tpu.sem_alloc : memref<!tpu.dma_semaphore, #tpu.memory_space<semaphore_mem>>
        %dma_start3A_34 = arith.constant 0 : i32
        %dma_start3A_35 = tpu.memref_slice %arg4[%add3A_8, %dma_start3A_34] : memref<2560x128xi32, #tpu.memory_space<hbm>> -> memref<80x128xi32, #tpu.memory_space<hbm>>
        %dma_start3A_36 = arith.constant 0 : i32
        %dma_start3A_37 = tpu.memref_slice %arg4[%add3A_8, %dma_start3A_36] : memref<2560x128xi32, #tpu.memory_space<hbm>> -> memref<80x128xi32, #tpu.memory_space<hbm>>
        tpu.enqueue_dma source(%dma_start3A_37 : memref<80x128xi32, #tpu.memory_space<hbm>>) target(%arg8 : memref<80x128xi32, #tpu.memory_space<vmem>>) target_semaphore(%run_scoped3A : memref<!tpu.dma_semaphore, #tpu.memory_space<semaphore_mem>>)
        %dma_wait3A_38 = arith.constant 0 : i32
        %dma_wait3A_39 = tpu.memref_slice %arg4[%add3A_8, %dma_wait3A_38] : memref<2560x128xi32, #tpu.memory_space<hbm>> -> memref<80x128xi32, #tpu.memory_space<hbm>>
        %dma_wait3A_40 = arith.constant 0 : i32
        %dma_wait3A_41 = tpu.memref_slice %arg4[%add3A_8, %dma_wait3A_40] : memref<2560x128xi32, #tpu.memory_space<hbm>> -> memref<80x128xi32, #tpu.memory_space<hbm>>
        tpu.wait_dma2 semaphore(%run_scoped3A : memref<!tpu.dma_semaphore, #tpu.memory_space<semaphore_mem>>) src(%dma_wait3A_41 : memref<80x128xi32, #tpu.memory_space<hbm>>) dst(%arg8 : memref<80x128xi32, #tpu.memory_space<vmem>>)
        tpu.yield
      }) : () -> ()
      %dma_start3A = arith.constant 0 : i32
      %dma_start3A_19 = arith.constant 0 : i32
      %dma_start3A_20 = tpu.memref_slice %arg8[%dma_start3A, %dma_start3A_19] : memref<80x128xi32, #tpu.memory_space<vmem>> -> memref<1x128xi32, #tpu.memory_space<vmem>>
      %dma_start3A_21 = tpu.memref_squeeze %dma_start3A_20 : memref<1x128xi32, #tpu.memory_space<vmem>> -> memref<128xi32, #tpu.memory_space<vmem>>
      %dma_start3A_22 = arith.constant 0 : i32
      %dma_start3A_23 = arith.constant 0 : i32
      %dma_start3A_24 = tpu.memref_slice %arg11[%dma_start3A_22, %dma_start3A_23] : memref<10240x128xf32, #tpu.memory_space<vmem_shared>> -> memref<10240x128xf32, #tpu.memory_space<vmem_shared>>
      tpu.enqueue_indirect_dma source(%dma_start3A_24 : memref<10240x128xf32, #tpu.memory_space<vmem_shared>>) target(%arg9 : memref<128x128xf32, #tpu.memory_space<vmem>>) offsets(%dma_start3A_21 : memref<128xi32, #tpu.memory_space<vmem>>) semaphore(%arg12 : memref<!tpu.dma_semaphore, #tpu.memory_space<semaphore_mem>>)
      %scan3A = arith.constant 0 : i32
      %scan3A_25 = arith.constant 40 : i32
      %scan3A_26 = arith.addi %scan3A, %scan3A_25 : i32
      %scan3A_27 = arith.constant 1 : i32
      scf.for %scan3A_34 = %scan3A to %scan3A_26 step %scan3A_27  : i32 {
        %mul3A_35 = arith.constant 1 : i32
        %mul3A_36 = arith.muli %scan3A_34, %mul3A_35 : i32
        %add3A_37 = arith.constant 0 : i32
        %add3A_38 = arith.addi %add3A_37, %mul3A_36 : i32
        %mul3A_39 = arith.constant 2 : i32
        %mul3A_40 = arith.muli %add3A_38, %mul3A_39 : i32
        %add3A_41 = arith.constant 0 : i32
        %add3A_42 = arith.addi %mul3A_40, %add3A_41 : i32
        %ge3A = arith.constant 1 : i32
        %ge3A_43 = arith.cmpi sge, %add3A_38, %ge3A : i32
        %convert_element_type3A_44 = arith.extui %ge3A_43 : i1 to i32
        %cond3A_45 = arith.constant 0 : i32
        %cond3A_46 = arith.cmpi ne, %convert_element_type3A_44, %cond3A_45 : i32
        scf.if %cond3A_46 {
          %dma_wait3A_99 = arith.constant 0 : i32
          %dma_wait3A_100 = arith.constant 0 : i32
          %dma_wait3A_101 = tpu.memref_slice %arg6[%dma_wait3A_99, %dma_wait3A_100] : memref<327680x128xf32, #tpu.memory_space<hbm>> -> memref<128x128xf32, #tpu.memory_space<hbm>>
          %dma_wait3A_102 = arith.constant 0 : i32
          %dma_wait3A_103 = arith.constant 0 : i32
          %dma_wait3A_104 = tpu.memref_slice %arg6[%dma_wait3A_102, %dma_wait3A_103] : memref<327680x128xf32, #tpu.memory_space<hbm>> -> memref<128x128xf32, #tpu.memory_space<hbm>>
          tpu.wait_dma2 semaphore(%arg15 : memref<!tpu.dma_semaphore, #tpu.memory_space<semaphore_mem>>) src(%arg10 : memref<128x128xf32, #tpu.memory_space<vmem>>) dst(%dma_wait3A_104 : memref<128x128xf32, #tpu.memory_space<hbm>>)
        } else {
        }
        %dma_wait3A_47 = arith.constant 0 : i32
        %dma_wait3A_48 = arith.constant 0 : i32
        %dma_wait3A_49 = tpu.memref_slice %arg8[%dma_wait3A_47, %dma_wait3A_48] : memref<80x128xi32, #tpu.memory_space<vmem>> -> memref<1x128xi32, #tpu.memory_space<vmem>>
        %dma_wait3A_50 = tpu.memref_squeeze %dma_wait3A_49 : memref<1x128xi32, #tpu.memory_space<vmem>> -> memref<128xi32, #tpu.memory_space<vmem>>
        %dma_wait3A_51 = arith.constant 0 : i32
        %dma_wait3A_52 = arith.constant 0 : i32
        %dma_wait3A_53 = tpu.memref_slice %arg11[%dma_wait3A_51, %dma_wait3A_52] : memref<10240x128xf32, #tpu.memory_space<vmem_shared>> -> memref<10240x128xf32, #tpu.memory_space<vmem_shared>>
        tpu.wait_indirect_dma semaphore(%arg12 : memref<!tpu.dma_semaphore, #tpu.memory_space<semaphore_mem>>) src(%dma_wait3A_53 : memref<10240x128xf32, #tpu.memory_space<vmem_shared>>) dst(%arg9 : memref<128x128xf32, #tpu.memory_space<vmem>>)
        %add3A_54 = arith.constant 1 : i32
        %add3A_55 = arith.addi %add3A_42, %add3A_54 : i32
        %dma_start3A_56 = arith.constant 0 : i32
        %dma_start3A_57 = tpu.memref_slice %arg8[%add3A_55, %dma_start3A_56] : memref<80x128xi32, #tpu.memory_space<vmem>> -> memref<1x128xi32, #tpu.memory_space<vmem>>
        %dma_start3A_58 = tpu.memref_squeeze %dma_start3A_57 : memref<1x128xi32, #tpu.memory_space<vmem>> -> memref<128xi32, #tpu.memory_space<vmem>>
        %dma_start3A_59 = arith.constant 0 : i32
        %dma_start3A_60 = arith.constant 0 : i32
        %dma_start3A_61 = tpu.memref_slice %arg11[%dma_start3A_59, %dma_start3A_60] : memref<10240x128xf32, #tpu.memory_space<vmem_shared>> -> memref<10240x128xf32, #tpu.memory_space<vmem_shared>>
        tpu.enqueue_indirect_dma source(%dma_start3A_61 : memref<10240x128xf32, #tpu.memory_space<vmem_shared>>) target(%arg10 : memref<128x128xf32, #tpu.memory_space<vmem>>) offsets(%dma_start3A_58 : memref<128xi32, #tpu.memory_space<vmem>>) semaphore(%arg13 : memref<!tpu.dma_semaphore, #tpu.memory_space<semaphore_mem>>)
        %add3A_62 = arith.addi %add3A_8, %add3A_42 : i32
        %mul3A_63 = arith.constant 128 : i32
        %mul3A_64 = arith.muli %add3A_62, %mul3A_63 : i32
        %dma_start3A_65 = arith.constant 0 : i32
        %dma_start3A_66 = tpu.memref_slice %arg6[%mul3A_64, %dma_start3A_65] : memref<327680x128xf32, #tpu.memory_space<hbm>> -> memref<128x128xf32, #tpu.memory_space<hbm>>
        %dma_start3A_67 = arith.constant 0 : i32
        %dma_start3A_68 = tpu.memref_slice %arg6[%mul3A_64, %dma_start3A_67] : memref<327680x128xf32, #tpu.memory_space<hbm>> -> memref<128x128xf32, #tpu.memory_space<hbm>>
        tpu.enqueue_dma source(%arg9 : memref<128x128xf32, #tpu.memory_space<vmem>>) target(%dma_start3A_68 : memref<128x128xf32, #tpu.memory_space<hbm>>) target_semaphore(%arg14 : memref<!tpu.dma_semaphore, #tpu.memory_space<semaphore_mem>>)
        %mul3A_69 = arith.constant 2 : i32
        %mul3A_70 = arith.muli %add3A_38, %mul3A_69 : i32
        %add3A_71 = arith.constant 1 : i32
        %add3A_72 = arith.addi %mul3A_70, %add3A_71 : i32
        %dma_wait3A_73 = arith.constant 0 : i32
        %dma_wait3A_74 = arith.constant 0 : i32
        %dma_wait3A_75 = tpu.memref_slice %arg6[%dma_wait3A_73, %dma_wait3A_74] : memref<327680x128xf32, #tpu.memory_space<hbm>> -> memref<128x128xf32, #tpu.memory_space<hbm>>
        %dma_wait3A_76 = arith.constant 0 : i32
        %dma_wait3A_77 = arith.constant 0 : i32
        %dma_wait3A_78 = tpu.memref_slice %arg6[%dma_wait3A_76, %dma_wait3A_77] : memref<327680x128xf32, #tpu.memory_space<hbm>> -> memref<128x128xf32, #tpu.memory_space<hbm>>
        tpu.wait_dma2 semaphore(%arg14 : memref<!tpu.dma_semaphore, #tpu.memory_space<semaphore_mem>>) src(%arg9 : memref<128x128xf32, #tpu.memory_space<vmem>>) dst(%dma_wait3A_78 : memref<128x128xf32, #tpu.memory_space<hbm>>)
        %dma_wait3A_79 = arith.constant 0 : i32
        %dma_wait3A_80 = arith.constant 0 : i32
        %dma_wait3A_81 = tpu.memref_slice %arg8[%dma_wait3A_79, %dma_wait3A_80] : memref<80x128xi32, #tpu.memory_space<vmem>> -> memref<1x128xi32, #tpu.memory_space<vmem>>
        %dma_wait3A_82 = tpu.memref_squeeze %dma_wait3A_81 : memref<1x128xi32, #tpu.memory_space<vmem>> -> memref<128xi32, #tpu.memory_space<vmem>>
        %dma_wait3A_83 = arith.constant 0 : i32
        %dma_wait3A_84 = arith.constant 0 : i32
        %dma_wait3A_85 = tpu.memref_slice %arg11[%dma_wait3A_83, %dma_wait3A_84] : memref<10240x128xf32, #tpu.memory_space<vmem_shared>> -> memref<10240x128xf32, #tpu.memory_space<vmem_shared>>
        tpu.wait_indirect_dma semaphore(%arg13 : memref<!tpu.dma_semaphore, #tpu.memory_space<semaphore_mem>>) src(%dma_wait3A_85 : memref<10240x128xf32, #tpu.memory_space<vmem_shared>>) dst(%arg10 : memref<128x128xf32, #tpu.memory_space<vmem>>)
        %add3A_86 = arith.constant 1 : i32
        %add3A_87 = arith.addi %add3A_72, %add3A_86 : i32
        %lt3A = arith.constant 80 : i32
        %lt3A_88 = arith.cmpi slt, %add3A_87, %lt3A : i32
        %convert_element_type3A_89 = arith.extui %lt3A_88 : i1 to i32
        %cond3A_90 = arith.constant 0 : i32
        %cond3A_91 = arith.cmpi ne, %convert_element_type3A_89, %cond3A_90 : i32
        scf.if %cond3A_91 {
          %add3A_99 = arith.constant 1 : i32
          %add3A_100 = arith.addi %add3A_72, %add3A_99 : i32
          %dma_start3A_101 = arith.constant 0 : i32
          %dma_start3A_102 = tpu.memref_slice %arg8[%add3A_100, %dma_start3A_101] : memref<80x128xi32, #tpu.memory_space<vmem>> -> memref<1x128xi32, #tpu.memory_space<vmem>>
          %dma_start3A_103 = tpu.memref_squeeze %dma_start3A_102 : memref<1x128xi32, #tpu.memory_space<vmem>> -> memref<128xi32, #tpu.memory_space<vmem>>
          %dma_start3A_104 = arith.constant 0 : i32
          %dma_start3A_105 = arith.constant 0 : i32
          %dma_start3A_106 = tpu.memref_slice %arg11[%dma_start3A_104, %dma_start3A_105] : memref<10240x128xf32, #tpu.memory_space<vmem_shared>> -> memref<10240x128xf32, #tpu.memory_space<vmem_shared>>
          tpu.enqueue_indirect_dma source(%dma_start3A_106 : memref<10240x128xf32, #tpu.memory_space<vmem_shared>>) target(%arg9 : memref<128x128xf32, #tpu.memory_space<vmem>>) offsets(%dma_start3A_103 : memref<128xi32, #tpu.memory_space<vmem>>) semaphore(%arg12 : memref<!tpu.dma_semaphore, #tpu.memory_space<semaphore_mem>>)
        } else {
        }
        %add3A_92 = arith.addi %add3A_8, %add3A_72 : i32
        %mul3A_93 = arith.constant 128 : i32
        %mul3A_94 = arith.muli %add3A_92, %mul3A_93 : i32
        %dma_start3A_95 = arith.constant 0 : i32
        %dma_start3A_96 = tpu.memref_slice %arg6[%mul3A_94, %dma_start3A_95] : memref<327680x128xf32, #tpu.memory_space<hbm>> -> memref<128x128xf32, #tpu.memory_space<hbm>>
        %dma_start3A_97 = arith.constant 0 : i32
        %dma_start3A_98 = tpu.memref_slice %arg6[%mul3A_94, %dma_start3A_97] : memref<327680x128xf32, #tpu.memory_space<hbm>> -> memref<128x128xf32, #tpu.memory_space<hbm>>
        tpu.enqueue_dma source(%arg10 : memref<128x128xf32, #tpu.memory_space<vmem>>) target(%dma_start3A_98 : memref<128x128xf32, #tpu.memory_space<hbm>>) target_semaphore(%arg15 : memref<!tpu.dma_semaphore, #tpu.memory_space<semaphore_mem>>)
      }
      %scan3A_28 = arith.constant 40 : i32
      %dma_wait3A = arith.constant 0 : i32
      %dma_wait3A_29 = arith.constant 0 : i32
      %dma_wait3A_30 = tpu.memref_slice %arg6[%dma_wait3A, %dma_wait3A_29] : memref<327680x128xf32, #tpu.memory_space<hbm>> -> memref<128x128xf32, #tpu.memory_space<hbm>>
      %dma_wait3A_31 = arith.constant 0 : i32
      %dma_wait3A_32 = arith.constant 0 : i32
      %dma_wait3A_33 = tpu.memref_slice %arg6[%dma_wait3A_31, %dma_wait3A_32] : memref<327680x128xf32, #tpu.memory_space<hbm>> -> memref<128x128xf32, #tpu.memory_space<hbm>>
      tpu.wait_dma2 semaphore(%arg15 : memref<!tpu.dma_semaphore, #tpu.memory_space<semaphore_mem>>) src(%arg10 : memref<128x128xf32, #tpu.memory_space<vmem>>) dst(%dma_wait3A_33 : memref<128x128xf32, #tpu.memory_space<hbm>>)
    } else {
    }
    %eq3A_14 = arith.constant 1 : i32
    %eq3A_15 = arith.cmpi eq, %arg0, %eq3A_14 : i32
    %convert_element_type3A_16 = arith.extui %eq3A_15 : i1 to i32
    %cond3A_17 = arith.constant 0 : i32
    %cond3A_18 = arith.cmpi ne, %convert_element_type3A_16, %cond3A_17 : i32
    scf.if %cond3A_18 {
      "tpu.region"() ({
        %run_scoped3A = tpu.sem_alloc : memref<!tpu.dma_semaphore, #tpu.memory_space<semaphore_mem>>
        %dma_start3A_34 = arith.constant 0 : i32
        %dma_start3A_35 = tpu.memref_slice %arg5[%add3A_8, %dma_start3A_34] : memref<2560x128xi32, #tpu.memory_space<hbm>> -> memref<80x128xi32, #tpu.memory_space<hbm>>
        %dma_start3A_36 = arith.constant 0 : i32
        %dma_start3A_37 = tpu.memref_slice %arg5[%add3A_8, %dma_start3A_36] : memref<2560x128xi32, #tpu.memory_space<hbm>> -> memref<80x128xi32, #tpu.memory_space<hbm>>
        tpu.enqueue_dma source(%dma_start3A_37 : memref<80x128xi32, #tpu.memory_space<hbm>>) target(%arg8 : memref<80x128xi32, #tpu.memory_space<vmem>>) target_semaphore(%run_scoped3A : memref<!tpu.dma_semaphore, #tpu.memory_space<semaphore_mem>>)
        %dma_wait3A_38 = arith.constant 0 : i32
        %dma_wait3A_39 = tpu.memref_slice %arg5[%add3A_8, %dma_wait3A_38] : memref<2560x128xi32, #tpu.memory_space<hbm>> -> memref<80x128xi32, #tpu.memory_space<hbm>>
        %dma_wait3A_40 = arith.constant 0 : i32
        %dma_wait3A_41 = tpu.memref_slice %arg5[%add3A_8, %dma_wait3A_40] : memref<2560x128xi32, #tpu.memory_space<hbm>> -> memref<80x128xi32, #tpu.memory_space<hbm>>
        tpu.wait_dma2 semaphore(%run_scoped3A : memref<!tpu.dma_semaphore, #tpu.memory_space<semaphore_mem>>) src(%dma_wait3A_41 : memref<80x128xi32, #tpu.memory_space<hbm>>) dst(%arg8 : memref<80x128xi32, #tpu.memory_space<vmem>>)
        tpu.yield
      }) : () -> ()
      %dma_start3A = arith.constant 0 : i32
      %dma_start3A_19 = arith.constant 0 : i32
      %dma_start3A_20 = tpu.memref_slice %arg8[%dma_start3A, %dma_start3A_19] : memref<80x128xi32, #tpu.memory_space<vmem>> -> memref<1x128xi32, #tpu.memory_space<vmem>>
      %dma_start3A_21 = tpu.memref_squeeze %dma_start3A_20 : memref<1x128xi32, #tpu.memory_space<vmem>> -> memref<128xi32, #tpu.memory_space<vmem>>
      %dma_start3A_22 = arith.constant 0 : i32
      %dma_start3A_23 = arith.constant 0 : i32
      %dma_start3A_24 = tpu.memref_slice %arg11[%dma_start3A_22, %dma_start3A_23] : memref<10240x128xf32, #tpu.memory_space<vmem_shared>> -> memref<10240x128xf32, #tpu.memory_space<vmem_shared>>
      tpu.enqueue_indirect_dma source(%dma_start3A_24 : memref<10240x128xf32, #tpu.memory_space<vmem_shared>>) target(%arg9 : memref<128x128xf32, #tpu.memory_space<vmem>>) offsets(%dma_start3A_21 : memref<128xi32, #tpu.memory_space<vmem>>) semaphore(%arg12 : memref<!tpu.dma_semaphore, #tpu.memory_space<semaphore_mem>>)
      %scan3A = arith.constant 0 : i32
      %scan3A_25 = arith.constant 40 : i32
      %scan3A_26 = arith.addi %scan3A, %scan3A_25 : i32
      %scan3A_27 = arith.constant 1 : i32
      scf.for %scan3A_34 = %scan3A to %scan3A_26 step %scan3A_27  : i32 {
        %mul3A_35 = arith.constant 1 : i32
        %mul3A_36 = arith.muli %scan3A_34, %mul3A_35 : i32
        %add3A_37 = arith.constant 0 : i32
        %add3A_38 = arith.addi %add3A_37, %mul3A_36 : i32
        %mul3A_39 = arith.constant 2 : i32
        %mul3A_40 = arith.muli %add3A_38, %mul3A_39 : i32
        %add3A_41 = arith.constant 0 : i32
        %add3A_42 = arith.addi %mul3A_40, %add3A_41 : i32
        %ge3A = arith.constant 1 : i32
        %ge3A_43 = arith.cmpi sge, %add3A_38, %ge3A : i32
        %convert_element_type3A_44 = arith.extui %ge3A_43 : i1 to i32
        %cond3A_45 = arith.constant 0 : i32
        %cond3A_46 = arith.cmpi ne, %convert_element_type3A_44, %cond3A_45 : i32
        scf.if %cond3A_46 {
          %dma_wait3A_99 = arith.constant 0 : i32
          %dma_wait3A_100 = arith.constant 0 : i32
          %dma_wait3A_101 = tpu.memref_slice %arg7[%dma_wait3A_99, %dma_wait3A_100] : memref<327680x128xf32, #tpu.memory_space<hbm>> -> memref<128x128xf32, #tpu.memory_space<hbm>>
          %dma_wait3A_102 = arith.constant 0 : i32
          %dma_wait3A_103 = arith.constant 0 : i32
          %dma_wait3A_104 = tpu.memref_slice %arg7[%dma_wait3A_102, %dma_wait3A_103] : memref<327680x128xf32, #tpu.memory_space<hbm>> -> memref<128x128xf32, #tpu.memory_space<hbm>>
          tpu.wait_dma2 semaphore(%arg15 : memref<!tpu.dma_semaphore, #tpu.memory_space<semaphore_mem>>) src(%arg10 : memref<128x128xf32, #tpu.memory_space<vmem>>) dst(%dma_wait3A_104 : memref<128x128xf32, #tpu.memory_space<hbm>>)
        } else {
        }
        %dma_wait3A_47 = arith.constant 0 : i32
        %dma_wait3A_48 = arith.constant 0 : i32
        %dma_wait3A_49 = tpu.memref_slice %arg8[%dma_wait3A_47, %dma_wait3A_48] : memref<80x128xi32, #tpu.memory_space<vmem>> -> memref<1x128xi32, #tpu.memory_space<vmem>>
        %dma_wait3A_50 = tpu.memref_squeeze %dma_wait3A_49 : memref<1x128xi32, #tpu.memory_space<vmem>> -> memref<128xi32, #tpu.memory_space<vmem>>
        %dma_wait3A_51 = arith.constant 0 : i32
        %dma_wait3A_52 = arith.constant 0 : i32
        %dma_wait3A_53 = tpu.memref_slice %arg11[%dma_wait3A_51, %dma_wait3A_52] : memref<10240x128xf32, #tpu.memory_space<vmem_shared>> -> memref<10240x128xf32, #tpu.memory_space<vmem_shared>>
        tpu.wait_indirect_dma semaphore(%arg12 : memref<!tpu.dma_semaphore, #tpu.memory_space<semaphore_mem>>) src(%dma_wait3A_53 : memref<10240x128xf32, #tpu.memory_space<vmem_shared>>) dst(%arg9 : memref<128x128xf32, #tpu.memory_space<vmem>>)
        %add3A_54 = arith.constant 1 : i32
        %add3A_55 = arith.addi %add3A_42, %add3A_54 : i32
        %dma_start3A_56 = arith.constant 0 : i32
        %dma_start3A_57 = tpu.memref_slice %arg8[%add3A_55, %dma_start3A_56] : memref<80x128xi32, #tpu.memory_space<vmem>> -> memref<1x128xi32, #tpu.memory_space<vmem>>
        %dma_start3A_58 = tpu.memref_squeeze %dma_start3A_57 : memref<1x128xi32, #tpu.memory_space<vmem>> -> memref<128xi32, #tpu.memory_space<vmem>>
        %dma_start3A_59 = arith.constant 0 : i32
        %dma_start3A_60 = arith.constant 0 : i32
        %dma_start3A_61 = tpu.memref_slice %arg11[%dma_start3A_59, %dma_start3A_60] : memref<10240x128xf32, #tpu.memory_space<vmem_shared>> -> memref<10240x128xf32, #tpu.memory_space<vmem_shared>>
        tpu.enqueue_indirect_dma source(%dma_start3A_61 : memref<10240x128xf32, #tpu.memory_space<vmem_shared>>) target(%arg10 : memref<128x128xf32, #tpu.memory_space<vmem>>) offsets(%dma_start3A_58 : memref<128xi32, #tpu.memory_space<vmem>>) semaphore(%arg13 : memref<!tpu.dma_semaphore, #tpu.memory_space<semaphore_mem>>)
        %add3A_62 = arith.addi %add3A_8, %add3A_42 : i32
        %mul3A_63 = arith.constant 128 : i32
        %mul3A_64 = arith.muli %add3A_62, %mul3A_63 : i32
        %dma_start3A_65 = arith.constant 0 : i32
        %dma_start3A_66 = tpu.memref_slice %arg7[%mul3A_64, %dma_start3A_65] : memref<327680x128xf32, #tpu.memory_space<hbm>> -> memref<128x128xf32, #tpu.memory_space<hbm>>
        %dma_start3A_67 = arith.constant 0 : i32
        %dma_start3A_68 = tpu.memref_slice %arg7[%mul3A_64, %dma_start3A_67] : memref<327680x128xf32, #tpu.memory_space<hbm>> -> memref<128x128xf32, #tpu.memory_space<hbm>>
        tpu.enqueue_dma source(%arg9 : memref<128x128xf32, #tpu.memory_space<vmem>>) target(%dma_start3A_68 : memref<128x128xf32, #tpu.memory_space<hbm>>) target_semaphore(%arg14 : memref<!tpu.dma_semaphore, #tpu.memory_space<semaphore_mem>>)
        %mul3A_69 = arith.constant 2 : i32
        %mul3A_70 = arith.muli %add3A_38, %mul3A_69 : i32
        %add3A_71 = arith.constant 1 : i32
        %add3A_72 = arith.addi %mul3A_70, %add3A_71 : i32
        %dma_wait3A_73 = arith.constant 0 : i32
        %dma_wait3A_74 = arith.constant 0 : i32
        %dma_wait3A_75 = tpu.memref_slice %arg7[%dma_wait3A_73, %dma_wait3A_74] : memref<327680x128xf32, #tpu.memory_space<hbm>> -> memref<128x128xf32, #tpu.memory_space<hbm>>
        %dma_wait3A_76 = arith.constant 0 : i32
        %dma_wait3A_77 = arith.constant 0 : i32
        %dma_wait3A_78 = tpu.memref_slice %arg7[%dma_wait3A_76, %dma_wait3A_77] : memref<327680x128xf32, #tpu.memory_space<hbm>> -> memref<128x128xf32, #tpu.memory_space<hbm>>
        tpu.wait_dma2 semaphore(%arg14 : memref<!tpu.dma_semaphore, #tpu.memory_space<semaphore_mem>>) src(%arg9 : memref<128x128xf32, #tpu.memory_space<vmem>>) dst(%dma_wait3A_78 : memref<128x128xf32, #tpu.memory_space<hbm>>)
        %dma_wait3A_79 = arith.constant 0 : i32
        %dma_wait3A_80 = arith.constant 0 : i32
        %dma_wait3A_81 = tpu.memref_slice %arg8[%dma_wait3A_79, %dma_wait3A_80] : memref<80x128xi32, #tpu.memory_space<vmem>> -> memref<1x128xi32, #tpu.memory_space<vmem>>
        %dma_wait3A_82 = tpu.memref_squeeze %dma_wait3A_81 : memref<1x128xi32, #tpu.memory_space<vmem>> -> memref<128xi32, #tpu.memory_space<vmem>>
        %dma_wait3A_83 = arith.constant 0 : i32
        %dma_wait3A_84 = arith.constant 0 : i32
        %dma_wait3A_85 = tpu.memref_slice %arg11[%dma_wait3A_83, %dma_wait3A_84] : memref<10240x128xf32, #tpu.memory_space<vmem_shared>> -> memref<10240x128xf32, #tpu.memory_space<vmem_shared>>
        tpu.wait_indirect_dma semaphore(%arg13 : memref<!tpu.dma_semaphore, #tpu.memory_space<semaphore_mem>>) src(%dma_wait3A_85 : memref<10240x128xf32, #tpu.memory_space<vmem_shared>>) dst(%arg10 : memref<128x128xf32, #tpu.memory_space<vmem>>)
        %add3A_86 = arith.constant 1 : i32
        %add3A_87 = arith.addi %add3A_72, %add3A_86 : i32
        %lt3A = arith.constant 80 : i32
        %lt3A_88 = arith.cmpi slt, %add3A_87, %lt3A : i32
        %convert_element_type3A_89 = arith.extui %lt3A_88 : i1 to i32
        %cond3A_90 = arith.constant 0 : i32
        %cond3A_91 = arith.cmpi ne, %convert_element_type3A_89, %cond3A_90 : i32
        scf.if %cond3A_91 {
          %add3A_99 = arith.constant 1 : i32
          %add3A_100 = arith.addi %add3A_72, %add3A_99 : i32
          %dma_start3A_101 = arith.constant 0 : i32
          %dma_start3A_102 = tpu.memref_slice %arg8[%add3A_100, %dma_start3A_101] : memref<80x128xi32, #tpu.memory_space<vmem>> -> memref<1x128xi32, #tpu.memory_space<vmem>>
          %dma_start3A_103 = tpu.memref_squeeze %dma_start3A_102 : memref<1x128xi32, #tpu.memory_space<vmem>> -> memref<128xi32, #tpu.memory_space<vmem>>
          %dma_start3A_104 = arith.constant 0 : i32
          %dma_start3A_105 = arith.constant 0 : i32
          %dma_start3A_106 = tpu.memref_slice %arg11[%dma_start3A_104, %dma_start3A_105] : memref<10240x128xf32, #tpu.memory_space<vmem_shared>> -> memref<10240x128xf32, #tpu.memory_space<vmem_shared>>
          tpu.enqueue_indirect_dma source(%dma_start3A_106 : memref<10240x128xf32, #tpu.memory_space<vmem_shared>>) target(%arg9 : memref<128x128xf32, #tpu.memory_space<vmem>>) offsets(%dma_start3A_103 : memref<128xi32, #tpu.memory_space<vmem>>) semaphore(%arg12 : memref<!tpu.dma_semaphore, #tpu.memory_space<semaphore_mem>>)
        } else {
        }
        %add3A_92 = arith.addi %add3A_8, %add3A_72 : i32
        %mul3A_93 = arith.constant 128 : i32
        %mul3A_94 = arith.muli %add3A_92, %mul3A_93 : i32
        %dma_start3A_95 = arith.constant 0 : i32
        %dma_start3A_96 = tpu.memref_slice %arg7[%mul3A_94, %dma_start3A_95] : memref<327680x128xf32, #tpu.memory_space<hbm>> -> memref<128x128xf32, #tpu.memory_space<hbm>>
        %dma_start3A_97 = arith.constant 0 : i32
        %dma_start3A_98 = tpu.memref_slice %arg7[%mul3A_94, %dma_start3A_97] : memref<327680x128xf32, #tpu.memory_space<hbm>> -> memref<128x128xf32, #tpu.memory_space<hbm>>
        tpu.enqueue_dma source(%arg10 : memref<128x128xf32, #tpu.memory_space<vmem>>) target(%dma_start3A_98 : memref<128x128xf32, #tpu.memory_space<hbm>>) target_semaphore(%arg15 : memref<!tpu.dma_semaphore, #tpu.memory_space<semaphore_mem>>)
      }
      %scan3A_28 = arith.constant 40 : i32
      %dma_wait3A = arith.constant 0 : i32
      %dma_wait3A_29 = arith.constant 0 : i32
      %dma_wait3A_30 = tpu.memref_slice %arg7[%dma_wait3A, %dma_wait3A_29] : memref<327680x128xf32, #tpu.memory_space<hbm>> -> memref<128x128xf32, #tpu.memory_space<hbm>>
      %dma_wait3A_31 = arith.constant 0 : i32
      %dma_wait3A_32 = arith.constant 0 : i32
      %dma_wait3A_33 = tpu.memref_slice %arg7[%dma_wait3A_31, %dma_wait3A_32] : memref<327680x128xf32, #tpu.memory_space<hbm>> -> memref<128x128xf32, #tpu.memory_space<hbm>>
      tpu.wait_dma2 semaphore(%arg15 : memref<!tpu.dma_semaphore, #tpu.memory_space<semaphore_mem>>) src(%arg10 : memref<128x128xf32, #tpu.memory_space<vmem>>) dst(%dma_wait3A_33 : memref<128x128xf32, #tpu.memory_space<hbm>>)
    } else {
    }
    return
  }
}

#map = affine_map<(d0, d1) -> (0, 0)>
#map1 = affine_map<(d0, d1) -> (0, 0, 0)>
module attributes {stable_mosaic.version = 14 : i64} {
  func.func @_scatter_body(%arg0: i32, %arg1: i32, %arg2: memref<327680x128xf32, #tpu.memory_space<hbm>>, %arg3: memref<2560x128xi32, #tpu.memory_space<hbm>>, %arg4: memref<2x10240x128xf32, #tpu.memory_space<hbm>>, %arg5: memref<40x128xi32, #tpu.memory_space<vmem>>, %arg6: memref<128x128xf32, #tpu.memory_space<vmem>>, %arg7: memref<128x128xf32, #tpu.memory_space<vmem>>, %arg8: memref<10240x128xf32, #tpu.memory_space<vmem_shared>>, %arg9: memref<!tpu.dma_semaphore, #tpu.memory_space<semaphore_mem>>) attributes {dimension_semantics = [#tpu.dimension_semantics<core_parallel>, #tpu.dimension_semantics<subcore_parallel>], iteration_bounds = array<i64: 2, 16>, scalar_prefetch = 0 : i64, scratch_operands = 5 : i64, tpu.core_type = #tpu.core_type<sc_vector_subcore>, window_params = [{transform_indices = #map}, {transform_indices = #map}, {transform_indices = #map1}]} {
    %mul3A = arith.constant 2 : i32
    %mul3A_0 = arith.muli %arg1, %mul3A : i32
    %add3A = arith.addi %mul3A_0, %arg0 : i32
    %scan3A = arith.constant 0 : i32
    %scan3A_1 = arith.constant 128 : i32
    %scan3A_2 = arith.addi %scan3A, %scan3A_1 : i32
    %scan3A_3 = arith.constant 1 : i32
    scf.for %scan3A_25 = %scan3A to %scan3A_2 step %scan3A_3  : i32 {
      %mul3A_26 = arith.constant 1 : i32
      %mul3A_27 = arith.muli %scan3A_25, %mul3A_26 : i32
      %add3A_28 = arith.constant 0 : i32
      %add3A_29 = arith.addi %add3A_28, %mul3A_27 : i32
      %scan3A_30 = arith.constant 0 : i32
      %scan3A_31 = arith.constant 8 : i32
      %scan3A_32 = arith.addi %scan3A_30, %scan3A_31 : i32
      %scan3A_33 = arith.constant 1 : i32
      scf.for %scan3A_35 = %scan3A_30 to %scan3A_32 step %scan3A_33  : i32 {
        %mul3A_36 = arith.constant 1 : i32
        %mul3A_37 = arith.muli %scan3A_35, %mul3A_36 : i32
        %add3A_38 = arith.constant 0 : i32
        %add3A_39 = arith.addi %add3A_38, %mul3A_37 : i32
        %broadcast_in_dim3A = arith.constant 0.000000e+00 : f32
        %broadcast_in_dim3A_40 = vector.broadcast %broadcast_in_dim3A : f32 to vector<16xf32>
        %mul3A_41 = arith.constant 16 : i32
        %mul3A_42 = arith.muli %add3A_39, %mul3A_41 : i32
        %swap3A = arith.index_cast %add3A_29 : i32 to index
        %swap3A_43 = arith.index_cast %mul3A_42 : i32 to index
        %swap3A_44 = tpu.vector_load %arg7[%swap3A, %swap3A_43] {strides = array<i32>} : memref<128x128xf32, #tpu.memory_space<vmem>>, vector<1x16xf32>,
        %swap3A_45 = vector.shape_cast %swap3A_44 : vector<1x16xf32> to vector<16xf32>
        %swap3A_46 = vector.shape_cast %broadcast_in_dim3A_40 : vector<16xf32> to vector<1x16xf32>
        tpu.vector_store %arg7[%swap3A, %swap3A_43], %swap3A_46 {strides = array<i32>} : memref<128x128xf32, #tpu.memory_space<vmem>>, vector<1x16xf32>,
      }
      %scan3A_34 = arith.constant 8 : i32
    }
    %scan3A_4 = arith.constant 128 : i32
    %scan3A_5 = arith.constant 0 : i32
    %scan3A_6 = arith.constant 5 : i32
    %scan3A_7 = arith.addi %scan3A_5, %scan3A_6 : i32
    %scan3A_8 = arith.constant 1 : i32
    scf.for %scan3A_25 = %scan3A_5 to %scan3A_7 step %scan3A_8  : i32 {
      %mul3A_26 = arith.constant 1 : i32
      %mul3A_27 = arith.muli %scan3A_25, %mul3A_26 : i32
      %add3A_28 = arith.constant 0 : i32
      %add3A_29 = arith.addi %add3A_28, %mul3A_27 : i32
      %mul3A_30 = arith.constant 640 : i32
      %mul3A_31 = arith.muli %arg1, %mul3A_30 : i32
      %mul3A_32 = arith.constant 128 : i32
      %mul3A_33 = arith.muli %add3A_29, %mul3A_32 : i32
      %add3A_34 = arith.addi %mul3A_31, %mul3A_33 : i32
      "tpu.region"() ({
        %run_scoped3A = tpu.sem_alloc : memref<!tpu.dma_semaphore, #tpu.memory_space<semaphore_mem>>
        %dma_start3A = arith.constant 0 : i32
        %dma_start3A_35 = tpu.memref_slice %arg8[%add3A_34, %dma_start3A] : memref<10240x128xf32, #tpu.memory_space<vmem_shared>> -> memref<128x128xf32, #tpu.memory_space<vmem_shared>>
        %dma_start3A_36 = arith.constant 0 : i32
        %dma_start3A_37 = tpu.memref_slice %arg8[%add3A_34, %dma_start3A_36] : memref<10240x128xf32, #tpu.memory_space<vmem_shared>> -> memref<128x128xf32, #tpu.memory_space<vmem_shared>>
        tpu.enqueue_dma source(%arg7 : memref<128x128xf32, #tpu.memory_space<vmem>>) target(%dma_start3A_37 : memref<128x128xf32, #tpu.memory_space<vmem_shared>>) target_semaphore(%run_scoped3A : memref<!tpu.dma_semaphore, #tpu.memory_space<semaphore_mem>>)
        %dma_wait3A = arith.constant 0 : i32
        %dma_wait3A_38 = tpu.memref_slice %arg8[%add3A_34, %dma_wait3A] : memref<10240x128xf32, #tpu.memory_space<vmem_shared>> -> memref<128x128xf32, #tpu.memory_space<vmem_shared>>
        %dma_wait3A_39 = arith.constant 0 : i32
        %dma_wait3A_40 = tpu.memref_slice %arg8[%add3A_34, %dma_wait3A_39] : memref<10240x128xf32, #tpu.memory_space<vmem_shared>> -> memref<128x128xf32, #tpu.memory_space<vmem_shared>>
        tpu.wait_dma2 semaphore(%run_scoped3A : memref<!tpu.dma_semaphore, #tpu.memory_space<semaphore_mem>>) src(%arg7 : memref<128x128xf32, #tpu.memory_space<vmem>>) dst(%dma_wait3A_40 : memref<128x128xf32, #tpu.memory_space<vmem_shared>>)
        tpu.yield
      }) : () -> ()
    }
    %scan3A_9 = arith.constant 5 : i32
    %barrier3A = arith.constant 0 : index
    tpu.barrier barrier_id(%barrier3A)
    %mul3A_10 = arith.constant 40 : i32
    %mul3A_11 = arith.muli %add3A, %mul3A_10 : i32
    %add3A_12 = arith.constant 0 : i32
    %add3A_13 = arith.addi %add3A_12, %mul3A_11 : i32
    "tpu.region"() ({
      %run_scoped3A = tpu.sem_alloc : memref<!tpu.dma_semaphore, #tpu.memory_space<semaphore_mem>>
      %dma_start3A = arith.constant 0 : i32
      %dma_start3A_25 = tpu.memref_slice %arg3[%add3A_13, %dma_start3A] : memref<2560x128xi32, #tpu.memory_space<hbm>> -> memref<40x128xi32, #tpu.memory_space<hbm>>
      %dma_start3A_26 = arith.constant 0 : i32
      %dma_start3A_27 = tpu.memref_slice %arg3[%add3A_13, %dma_start3A_26] : memref<2560x128xi32, #tpu.memory_space<hbm>> -> memref<40x128xi32, #tpu.memory_space<hbm>>
      tpu.enqueue_dma source(%dma_start3A_27 : memref<40x128xi32, #tpu.memory_space<hbm>>) target(%arg5 : memref<40x128xi32, #tpu.memory_space<vmem>>) target_semaphore(%run_scoped3A : memref<!tpu.dma_semaphore, #tpu.memory_space<semaphore_mem>>)
      %dma_wait3A = arith.constant 0 : i32
      %dma_wait3A_28 = tpu.memref_slice %arg3[%add3A_13, %dma_wait3A] : memref<2560x128xi32, #tpu.memory_space<hbm>> -> memref<40x128xi32, #tpu.memory_space<hbm>>
      %dma_wait3A_29 = arith.constant 0 : i32
      %dma_wait3A_30 = tpu.memref_slice %arg3[%add3A_13, %dma_wait3A_29] : memref<2560x128xi32, #tpu.memory_space<hbm>> -> memref<40x128xi32, #tpu.memory_space<hbm>>
      tpu.wait_dma2 semaphore(%run_scoped3A : memref<!tpu.dma_semaphore, #tpu.memory_space<semaphore_mem>>) src(%dma_wait3A_30 : memref<40x128xi32, #tpu.memory_space<hbm>>) dst(%arg5 : memref<40x128xi32, #tpu.memory_space<vmem>>)
      tpu.yield
    }) : () -> ()
    %scan3A_14 = arith.constant 0 : i32
    %scan3A_15 = arith.constant 40 : i32
    %scan3A_16 = arith.addi %scan3A_14, %scan3A_15 : i32
    %scan3A_17 = arith.constant 1 : i32
    scf.for %scan3A_25 = %scan3A_14 to %scan3A_16 step %scan3A_17  : i32 {
      %mul3A_26 = arith.constant 1 : i32
      %mul3A_27 = arith.muli %scan3A_25, %mul3A_26 : i32
      %add3A_28 = arith.constant 0 : i32
      %add3A_29 = arith.addi %add3A_28, %mul3A_27 : i32
      %add3A_30 = arith.addi %add3A_13, %add3A_29 : i32
      %mul3A_31 = arith.constant 128 : i32
      %mul3A_32 = arith.muli %add3A_30, %mul3A_31 : i32
      "tpu.region"() ({
        %run_scoped3A = tpu.sem_alloc : memref<!tpu.dma_semaphore, #tpu.memory_space<semaphore_mem>>
        %dma_start3A = arith.constant 0 : i32
        %dma_start3A_33 = tpu.memref_slice %arg2[%mul3A_32, %dma_start3A] : memref<327680x128xf32, #tpu.memory_space<hbm>> -> memref<128x128xf32, #tpu.memory_space<hbm>>
        %dma_start3A_34 = arith.constant 0 : i32
        %dma_start3A_35 = tpu.memref_slice %arg2[%mul3A_32, %dma_start3A_34] : memref<327680x128xf32, #tpu.memory_space<hbm>> -> memref<128x128xf32, #tpu.memory_space<hbm>>
        tpu.enqueue_dma source(%dma_start3A_35 : memref<128x128xf32, #tpu.memory_space<hbm>>) target(%arg6 : memref<128x128xf32, #tpu.memory_space<vmem>>) target_semaphore(%run_scoped3A : memref<!tpu.dma_semaphore, #tpu.memory_space<semaphore_mem>>)
        %dma_wait3A = arith.constant 0 : i32
        %dma_wait3A_36 = tpu.memref_slice %arg2[%mul3A_32, %dma_wait3A] : memref<327680x128xf32, #tpu.memory_space<hbm>> -> memref<128x128xf32, #tpu.memory_space<hbm>>
        %dma_wait3A_37 = arith.constant 0 : i32
        %dma_wait3A_38 = tpu.memref_slice %arg2[%mul3A_32, %dma_wait3A_37] : memref<327680x128xf32, #tpu.memory_space<hbm>> -> memref<128x128xf32, #tpu.memory_space<hbm>>
        tpu.wait_dma2 semaphore(%run_scoped3A : memref<!tpu.dma_semaphore, #tpu.memory_space<semaphore_mem>>) src(%dma_wait3A_38 : memref<128x128xf32, #tpu.memory_space<hbm>>) dst(%arg6 : memref<128x128xf32, #tpu.memory_space<vmem>>)
        tpu.yield
      }) : () -> ()
      "tpu.region"() ({
        %run_scoped3A = tpu.sem_alloc : memref<!tpu.dma_semaphore, #tpu.memory_space<semaphore_mem>>
        %dma_start3A = arith.constant 0 : i32
        %dma_start3A_33 = tpu.memref_slice %arg5[%add3A_29, %dma_start3A] : memref<40x128xi32, #tpu.memory_space<vmem>> -> memref<1x128xi32, #tpu.memory_space<vmem>>
        %dma_start3A_34 = tpu.memref_squeeze %dma_start3A_33 : memref<1x128xi32, #tpu.memory_space<vmem>> -> memref<128xi32, #tpu.memory_space<vmem>>
        %dma_start3A_35 = arith.constant 0 : i32
        %dma_start3A_36 = arith.constant 0 : i32
        %dma_start3A_37 = tpu.memref_slice %arg8[%dma_start3A_35, %dma_start3A_36] : memref<10240x128xf32, #tpu.memory_space<vmem_shared>> -> memref<10240x128xf32, #tpu.memory_space<vmem_shared>>
        tpu.enqueue_indirect_dma source(%arg6 : memref<128x128xf32, #tpu.memory_space<vmem>>) target(%dma_start3A_37 : memref<10240x128xf32, #tpu.memory_space<vmem_shared>>) offsets(%dma_start3A_34 : memref<128xi32, #tpu.memory_space<vmem>>) semaphore(%run_scoped3A : memref<!tpu.dma_semaphore, #tpu.memory_space<semaphore_mem>>) {add = true}
        %dma_wait3A = arith.constant 0 : i32
        %dma_wait3A_38 = tpu.memref_slice %arg5[%add3A_29, %dma_wait3A] : memref<40x128xi32, #tpu.memory_space<vmem>> -> memref<1x128xi32, #tpu.memory_space<vmem>>
        %dma_wait3A_39 = tpu.memref_squeeze %dma_wait3A_38 : memref<1x128xi32, #tpu.memory_space<vmem>> -> memref<128xi32, #tpu.memory_space<vmem>>
        %dma_wait3A_40 = arith.constant 0 : i32
        %dma_wait3A_41 = arith.constant 0 : i32
        %dma_wait3A_42 = tpu.memref_slice %arg8[%dma_wait3A_40, %dma_wait3A_41] : memref<10240x128xf32, #tpu.memory_space<vmem_shared>> -> memref<10240x128xf32, #tpu.memory_space<vmem_shared>>
        tpu.wait_indirect_dma semaphore(%run_scoped3A : memref<!tpu.dma_semaphore, #tpu.memory_space<semaphore_mem>>) src(%arg6 : memref<128x128xf32, #tpu.memory_space<vmem>>) dst(%dma_wait3A_42 : memref<10240x128xf32, #tpu.memory_space<vmem_shared>>)
        tpu.yield
      }) : () -> ()
    }
    %scan3A_18 = arith.constant 40 : i32
    %barrier3A_19 = arith.constant 0 : index
    tpu.barrier barrier_id(%barrier3A_19)
    %scan3A_20 = arith.constant 0 : i32
    %scan3A_21 = arith.constant 5 : i32
    %scan3A_22 = arith.addi %scan3A_20, %scan3A_21 : i32
    %scan3A_23 = arith.constant 1 : i32
    scf.for %scan3A_25 = %scan3A_20 to %scan3A_22 step %scan3A_23  : i32 {
      %mul3A_26 = arith.constant 1 : i32
      %mul3A_27 = arith.muli %scan3A_25, %mul3A_26 : i32
      %add3A_28 = arith.constant 0 : i32
      %add3A_29 = arith.addi %add3A_28, %mul3A_27 : i32
      %mul3A_30 = arith.constant 640 : i32
      %mul3A_31 = arith.muli %arg1, %mul3A_30 : i32
      %mul3A_32 = arith.constant 128 : i32
      %mul3A_33 = arith.muli %add3A_29, %mul3A_32 : i32
      %add3A_34 = arith.addi %mul3A_31, %mul3A_33 : i32
      "tpu.region"() ({
        %run_scoped3A = tpu.sem_alloc : memref<!tpu.dma_semaphore, #tpu.memory_space<semaphore_mem>>
        %dma_start3A = arith.constant 0 : i32
        %dma_start3A_35 = arith.constant 0 : i32
        %dma_start3A_36 = tpu.memref_slice %arg4[%arg0, %dma_start3A, %dma_start3A_35] : memref<2x10240x128xf32, #tpu.memory_space<hbm>> -> memref<1x10240x128xf32, #tpu.memory_space<hbm>>
        %dma_start3A_37 = tpu.memref_squeeze %dma_start3A_36 : memref<1x10240x128xf32, #tpu.memory_space<hbm>> -> memref<10240x128xf32, #tpu.memory_space<hbm>>
        %dma_start3A_38 = arith.constant 0 : i32
        %dma_start3A_39 = tpu.memref_slice %dma_start3A_37[%add3A_34, %dma_start3A_38] : memref<10240x128xf32, #tpu.memory_space<hbm>> -> memref<128x128xf32, #tpu.memory_space<hbm>>
        %dma_start3A_40 = arith.constant 0 : i32
        %dma_start3A_41 = tpu.memref_slice %arg8[%add3A_34, %dma_start3A_40] : memref<10240x128xf32, #tpu.memory_space<vmem_shared>> -> memref<128x128xf32, #tpu.memory_space<vmem_shared>>
        tpu.enqueue_dma source(%dma_start3A_41 : memref<128x128xf32, #tpu.memory_space<vmem_shared>>) target(%dma_start3A_39 : memref<128x128xf32, #tpu.memory_space<hbm>>) target_semaphore(%run_scoped3A : memref<!tpu.dma_semaphore, #tpu.memory_space<semaphore_mem>>)
        %dma_wait3A = arith.constant 0 : i32
        %dma_wait3A_42 = arith.constant 0 : i32
        %dma_wait3A_43 = tpu.memref_slice %arg4[%arg0, %dma_wait3A, %dma_wait3A_42] : memref<2x10240x128xf32, #tpu.memory_space<hbm>> -> memref<1x10240x128xf32, #tpu.memory_space<hbm>>
        %dma_wait3A_44 = tpu.memref_squeeze %dma_wait3A_43 : memref<1x10240x128xf32, #tpu.memory_space<hbm>> -> memref<10240x128xf32, #tpu.memory_space<hbm>>
        %dma_wait3A_45 = arith.constant 0 : i32
        %dma_wait3A_46 = tpu.memref_slice %dma_wait3A_44[%add3A_34, %dma_wait3A_45] : memref<10240x128xf32, #tpu.memory_space<hbm>> -> memref<128x128xf32, #tpu.memory_space<hbm>>
        %dma_wait3A_47 = arith.constant 0 : i32
        %dma_wait3A_48 = tpu.memref_slice %arg8[%add3A_34, %dma_wait3A_47] : memref<10240x128xf32, #tpu.memory_space<vmem_shared>> -> memref<128x128xf32, #tpu.memory_space<vmem_shared>>
        tpu.wait_dma2 semaphore(%run_scoped3A : memref<!tpu.dma_semaphore, #tpu.memory_space<semaphore_mem>>) src(%dma_wait3A_48 : memref<128x128xf32, #tpu.memory_space<vmem_shared>>) dst(%dma_wait3A_46 : memref<128x128xf32, #tpu.memory_space<hbm>>)
        tpu.yield
      }) : () -> ()
    }
    %scan3A_24 = arith.constant 5 : i32
    return
  }
}

module attributes {stable_mosaic.version = 14 : i64} {
  func.func @_enc_body(%arg0: i32, %arg1: memref<1024x16xf32, #tpu.memory_space<vmem>>, %arg2: memref<16x128xf32, #tpu.memory_space<vmem>>, %arg3: memref<1x128xf32, #tpu.memory_space<vmem>>, %arg4: memref<128x128xf32, #tpu.memory_space<vmem>>, %arg5: memref<1x128xf32, #tpu.memory_space<vmem>>, %arg6: memref<1x128xf32, #tpu.memory_space<vmem>>, %arg7: memref<1x128xf32, #tpu.memory_space<vmem>>, %arg8: memref<1024x128xf32, #tpu.memory_space<vmem>>) attributes {dimension_semantics = [#tpu.dimension_semantics<arbitrary>], iteration_bounds = array<i64: 10>, scalar_prefetch = 0 : i64, scratch_operands = 0 : i64, tpu.core_type = #tpu.core_type<tc>, window_params = [{transform_indices = @transform_0, window_bounds = array<i64: 1024, 16>}, {pipeline_mode = #tpu.pipeline_mode<synchronous>, transform_indices = @transform_1, window_bounds = array<i64: 16, 128>}, {pipeline_mode = #tpu.pipeline_mode<synchronous>, transform_indices = @transform_2, window_bounds = array<i64: 1, 128>}, {pipeline_mode = #tpu.pipeline_mode<synchronous>, transform_indices = @transform_3, window_bounds = array<i64: 128, 128>}, {pipeline_mode = #tpu.pipeline_mode<synchronous>, transform_indices = @transform_4, window_bounds = array<i64: 1, 128>}, {pipeline_mode = #tpu.pipeline_mode<synchronous>, transform_indices = @transform_5, window_bounds = array<i64: 1, 128>}, {pipeline_mode = #tpu.pipeline_mode<synchronous>, transform_indices = @transform_6, window_bounds = array<i64: 1, 128>}, {transform_indices = @transform_7, window_bounds = array<i64: 1024, 128>}]} {
    %get3A = arith.constant 0 : index
    %get3A_0 = arith.constant 0 : index
    %get3A_1 = vector.load %arg1[%get3A, %get3A_0] : memref<1024x16xf32, #tpu.memory_space<vmem>>, vector<1024x16xf32>
    %get3A_2 = arith.constant 0 : index
    %get3A_3 = arith.constant 0 : index
    %get3A_4 = vector.load %arg2[%get3A_2, %get3A_3] : memref<16x128xf32, #tpu.memory_space<vmem>>, vector<16x128xf32>
    %dot_general3A = arith.constant dense<0.000000e+00> : vector<1024x128xf32>
    %dot_general3A_5 = tpu.matmul %get3A_1, %get3A_4, %dot_general3A {dimension_numbers = #tpu.dot_dimension_numbers<[1], [0], [0], [1], [0, 0, 1, 1], [], []>, transpose_lhs_hint = false} : vector<1024x16xf32>, vector<16x128xf32>, vector<1024x128xf32> -> vector<1024x128xf32>
    %get3A_6 = arith.constant 0 : index
    %get3A_7 = arith.constant 0 : index
    %get3A_8 = vector.load %arg3[%get3A_6, %get3A_7] : memref<1x128xf32, #tpu.memory_space<vmem>>, vector<1x128xf32>
    %add3A = vector.broadcast %get3A_8 : vector<1x128xf32> to vector<1024x128xf32>
    %add3A_9 = arith.addf %dot_general3A_5, %add3A : vector<1024x128xf32>
    %max3A = arith.constant 0.000000e+00 : f32
    %max3A_10 = vector.broadcast %max3A : f32 to vector<1024x128xf32>
    %max3A_11 = arith.maximumf %add3A_9, %max3A_10 : vector<1024x128xf32>
    %get3A_12 = arith.constant 0 : index
    %get3A_13 = arith.constant 0 : index
    %get3A_14 = vector.load %arg4[%get3A_12, %get3A_13] : memref<128x128xf32, #tpu.memory_space<vmem>>, vector<128x128xf32>
    %dot_general3A_15 = arith.constant dense<0.000000e+00> : vector<1024x128xf32>
    %dot_general3A_16 = tpu.matmul %max3A_11, %get3A_14, %dot_general3A_15 {dimension_numbers = #tpu.dot_dimension_numbers<[1], [0], [0], [1], [0, 0, 1, 1], [], []>, transpose_lhs_hint = false} : vector<1024x128xf32>, vector<128x128xf32>, vector<1024x128xf32> -> vector<1024x128xf32>
    %get3A_17 = arith.constant 0 : index
    %get3A_18 = arith.constant 0 : index
    %get3A_19 = vector.load %arg5[%get3A_17, %get3A_18] : memref<1x128xf32, #tpu.memory_space<vmem>>, vector<1x128xf32>
    %add3A_20 = vector.broadcast %get3A_19 : vector<1x128xf32> to vector<1024x128xf32>
    %add3A_21 = arith.addf %dot_general3A_16, %add3A_20 : vector<1024x128xf32>
    %max3A_22 = arith.constant 0.000000e+00 : f32
    %max3A_23 = vector.broadcast %max3A_22 : f32 to vector<1024x128xf32>
    %max3A_24 = arith.maximumf %add3A_21, %max3A_23 : vector<1024x128xf32>
    %get3A_25 = arith.constant 0 : index
    %get3A_26 = arith.constant 0 : index
    %get3A_27 = vector.load %arg6[%get3A_25, %get3A_26] : memref<1x128xf32, #tpu.memory_space<vmem>>, vector<1x128xf32>
    %get3A_28 = arith.constant 0 : index
    %get3A_29 = arith.constant 0 : index
    %get3A_30 = vector.load %arg7[%get3A_28, %get3A_29] : memref<1x128xf32, #tpu.memory_space<vmem>>, vector<1x128xf32>
    %reduce_sum3A = arith.constant dense<0.000000e+00> : vector<1024xf32>
    %reduce_sum3A_31 = vector.multi_reduction <add>, %max3A_24, %reduce_sum3A [1] : vector<1024x128xf32> to vector<1024xf32>
    %broadcast_in_dim3A = vector.shape_cast %reduce_sum3A_31 : vector<1024xf32> to vector<1024x1xf32>
    %div3A = arith.constant 1.280000e+02 : f32
    %div3A_32 = vector.broadcast %div3A : f32 to vector<1024x1xf32>
    %div3A_33 = arith.divf %broadcast_in_dim3A, %div3A_32 : vector<1024x1xf32>
    %sub3A = vector.broadcast %div3A_33 : vector<1024x1xf32> to vector<1024x128xf32>
    %sub3A_34 = arith.subf %max3A_24, %sub3A : vector<1024x128xf32>
    %integer_pow3A = arith.mulf %sub3A_34, %sub3A_34 : vector<1024x128xf32>
    %reduce_sum3A_35 = arith.constant dense<0.000000e+00> : vector<1024xf32>
    %reduce_sum3A_36 = vector.multi_reduction <add>, %integer_pow3A, %reduce_sum3A_35 [1] : vector<1024x128xf32> to vector<1024xf32>
    %broadcast_in_dim3A_37 = vector.shape_cast %reduce_sum3A_36 : vector<1024xf32> to vector<1024x1xf32>
    %div3A_38 = arith.constant 1.280000e+02 : f32
    %div3A_39 = vector.broadcast %div3A_38 : f32 to vector<1024x1xf32>
    %div3A_40 = arith.divf %broadcast_in_dim3A_37, %div3A_39 : vector<1024x1xf32>
    %sub3A_41 = vector.broadcast %div3A_33 : vector<1024x1xf32> to vector<1024x128xf32>
    %sub3A_42 = arith.subf %max3A_24, %sub3A_41 : vector<1024x128xf32>
    %add3A_43 = arith.constant 9.99999974E-6 : f32
    %add3A_44 = vector.broadcast %add3A_43 : f32 to vector<1024x1xf32>
    %add3A_45 = arith.addf %div3A_40, %add3A_44 : vector<1024x1xf32>
    %sqrt3A = math.sqrt %add3A_45 : vector<1024x1xf32>
    %div3A_46 = vector.broadcast %sqrt3A : vector<1024x1xf32> to vector<1024x128xf32>
    %div3A_47 = arith.divf %sub3A_42, %div3A_46 : vector<1024x128xf32>
    %mul3A = vector.broadcast %get3A_27 : vector<1x128xf32> to vector<1024x128xf32>
    %mul3A_48 = arith.mulf %div3A_47, %mul3A : vector<1024x128xf32>
    %add3A_49 = vector.broadcast %get3A_30 : vector<1x128xf32> to vector<1024x128xf32>
    %add3A_50 = arith.addf %mul3A_48, %add3A_49 : vector<1024x128xf32>
    %swap3A = arith.constant 0 : index
    %swap3A_51 = arith.constant 0 : index
    %swap3A_52 = vector.load %arg8[%swap3A, %swap3A_51] : memref<1024x128xf32, #tpu.memory_space<vmem>>, vector<1024x128xf32>
    tpu.vector_store %arg8[%swap3A, %swap3A_51], %add3A_50 {strides = array<i32>} : memref<1024x128xf32, #tpu.memory_space<vmem>>, vector<1024x128xf32>,
    return
  }
  func.func @transform_0(%arg0: i32) -> (i32, i32) {
    %add3A = arith.constant 0 : i32
    %add3A_0 = arith.addi %arg0, %add3A : i32
    %c0_i32 = arith.constant 0 : i32
    %c0_i32_1 = arith.constant 0 : i32
    return %add3A_0, %c0_i32 : i32, i32
  }
  func.func @transform_1(%arg0: i32) -> (i32, i32) {
    %c0_i32 = arith.constant 0 : i32
    %c0_i32_0 = arith.constant 0 : i32
    %c0_i32_1 = arith.constant 0 : i32
    return %c0_i32, %c0_i32_0 : i32, i32
  }
  func.func @transform_2(%arg0: i32) -> (i32, i32) {
    %c0_i32 = arith.constant 0 : i32
    %c0_i32_0 = arith.constant 0 : i32
    %c0_i32_1 = arith.constant 0 : i32
    return %c0_i32, %c0_i32_0 : i32, i32
  }
  func.func @transform_3(%arg0: i32) -> (i32, i32) {
    %c0_i32 = arith.constant 0 : i32
    %c0_i32_0 = arith.constant 0 : i32
    %c0_i32_1 = arith.constant 0 : i32
    return %c0_i32, %c0_i32_0 : i32, i32
  }
  func.func @transform_4(%arg0: i32) -> (i32, i32) {
    %c0_i32 = arith.constant 0 : i32
    %c0_i32_0 = arith.constant 0 : i32
    %c0_i32_1 = arith.constant 0 : i32
    return %c0_i32, %c0_i32_0 : i32, i32
  }
  func.func @transform_5(%arg0: i32) -> (i32, i32) {
    %c0_i32 = arith.constant 0 : i32
    %c0_i32_0 = arith.constant 0 : i32
    %c0_i32_1 = arith.constant 0 : i32
    return %c0_i32, %c0_i32_0 : i32, i32
  }
  func.func @transform_6(%arg0: i32) -> (i32, i32) {
    %c0_i32 = arith.constant 0 : i32
    %c0_i32_0 = arith.constant 0 : i32
    %c0_i32_1 = arith.constant 0 : i32
    return %c0_i32, %c0_i32_0 : i32, i32
  }
  func.func @transform_7(%arg0: i32) -> (i32, i32) {
    %add3A = arith.constant 0 : i32
    %add3A_0 = arith.addi %arg0, %add3A : i32
    %c0_i32 = arith.constant 0 : i32
    %c0_i32_1 = arith.constant 0 : i32
    return %add3A_0, %c0_i32 : i32, i32
  }
}

module attributes {stable_mosaic.version = 14 : i64} {
  func.func @_proj_body(%arg0: i32, %arg1: memref<1024x128xf32, #tpu.memory_space<vmem>>, %arg2: memref<128x128xf32, #tpu.memory_space<vmem>>, %arg3: memref<128x128xf32, #tpu.memory_space<vmem>>, %arg4: memref<1024x128xf32, #tpu.memory_space<vmem>>, %arg5: memref<1024x128xf32, #tpu.memory_space<vmem>>) attributes {dimension_semantics = [#tpu.dimension_semantics<arbitrary>], iteration_bounds = array<i64: 10>, scalar_prefetch = 0 : i64, scratch_operands = 0 : i64, tpu.core_type = #tpu.core_type<tc>, window_params = [{transform_indices = @transform_0, window_bounds = array<i64: 1024, 128>}, {pipeline_mode = #tpu.pipeline_mode<synchronous>, transform_indices = @transform_1, window_bounds = array<i64: 128, 128>}, {pipeline_mode = #tpu.pipeline_mode<synchronous>, transform_indices = @transform_2, window_bounds = array<i64: 128, 128>}, {transform_indices = @transform_3, window_bounds = array<i64: 1024, 128>}, {transform_indices = @transform_4, window_bounds = array<i64: 1024, 128>}]} {
    %get3A = arith.constant 0 : index
    %get3A_0 = arith.constant 0 : index
    %get3A_1 = vector.load %arg1[%get3A, %get3A_0] : memref<1024x128xf32, #tpu.memory_space<vmem>>, vector<1024x128xf32>
    %get3A_2 = arith.constant 0 : index
    %get3A_3 = arith.constant 0 : index
    %get3A_4 = vector.load %arg2[%get3A_2, %get3A_3] : memref<128x128xf32, #tpu.memory_space<vmem>>, vector<128x128xf32>
    %dot_general3A = arith.constant dense<0.000000e+00> : vector<1024x128xf32>
    %dot_general3A_5 = tpu.matmul %get3A_1, %get3A_4, %dot_general3A {dimension_numbers = #tpu.dot_dimension_numbers<[1], [0], [0], [1], [0, 0, 1, 1], [], []>, transpose_lhs_hint = false} : vector<1024x128xf32>, vector<128x128xf32>, vector<1024x128xf32> -> vector<1024x128xf32>
    %swap3A = arith.constant 0 : index
    %swap3A_6 = arith.constant 0 : index
    %swap3A_7 = vector.load %arg4[%swap3A, %swap3A_6] : memref<1024x128xf32, #tpu.memory_space<vmem>>, vector<1024x128xf32>
    tpu.vector_store %arg4[%swap3A, %swap3A_6], %dot_general3A_5 {strides = array<i32>} : memref<1024x128xf32, #tpu.memory_space<vmem>>, vector<1024x128xf32>,
    %get3A_8 = arith.constant 0 : index
    %get3A_9 = arith.constant 0 : index
    %get3A_10 = vector.load %arg3[%get3A_8, %get3A_9] : memref<128x128xf32, #tpu.memory_space<vmem>>, vector<128x128xf32>
    %dot_general3A_11 = arith.constant dense<0.000000e+00> : vector<1024x128xf32>
    %dot_general3A_12 = tpu.matmul %get3A_1, %get3A_10, %dot_general3A_11 {dimension_numbers = #tpu.dot_dimension_numbers<[1], [0], [0], [1], [0, 0, 1, 1], [], []>, transpose_lhs_hint = false} : vector<1024x128xf32>, vector<128x128xf32>, vector<1024x128xf32> -> vector<1024x128xf32>
    %swap3A_13 = arith.constant 0 : index
    %swap3A_14 = arith.constant 0 : index
    %swap3A_15 = vector.load %arg5[%swap3A_13, %swap3A_14] : memref<1024x128xf32, #tpu.memory_space<vmem>>, vector<1024x128xf32>
    tpu.vector_store %arg5[%swap3A_13, %swap3A_14], %dot_general3A_12 {strides = array<i32>} : memref<1024x128xf32, #tpu.memory_space<vmem>>, vector<1024x128xf32>,
    return
  }
  func.func @transform_0(%arg0: i32) -> (i32, i32) {
    %add3A = arith.constant 0 : i32
    %add3A_0 = arith.addi %arg0, %add3A : i32
    %c0_i32 = arith.constant 0 : i32
    %c0_i32_1 = arith.constant 0 : i32
    return %add3A_0, %c0_i32 : i32, i32
  }
  func.func @transform_1(%arg0: i32) -> (i32, i32) {
    %c0_i32 = arith.constant 0 : i32
    %c0_i32_0 = arith.constant 0 : i32
    %c0_i32_1 = arith.constant 0 : i32
    return %c0_i32, %c0_i32_0 : i32, i32
  }
  func.func @transform_2(%arg0: i32) -> (i32, i32) {
    %c0_i32 = arith.constant 0 : i32
    %c0_i32_0 = arith.constant 0 : i32
    %c0_i32_1 = arith.constant 0 : i32
    return %c0_i32, %c0_i32_0 : i32, i32
  }
  func.func @transform_3(%arg0: i32) -> (i32, i32) {
    %add3A = arith.constant 0 : i32
    %add3A_0 = arith.addi %arg0, %add3A : i32
    %c0_i32 = arith.constant 0 : i32
    %c0_i32_1 = arith.constant 0 : i32
    return %add3A_0, %c0_i32 : i32, i32
  }
  func.func @transform_4(%arg0: i32) -> (i32, i32) {
    %add3A = arith.constant 0 : i32
    %add3A_0 = arith.addi %arg0, %add3A : i32
    %c0_i32 = arith.constant 0 : i32
    %c0_i32_1 = arith.constant 0 : i32
    return %add3A_0, %c0_i32 : i32, i32
  }
}

module attributes {stable_mosaic.version = 14 : i64} {
  func.func @_edge_enc_body(%arg0: i32, %arg1: memref<320000x4xf32, #tpu.memory_space<any>>, %arg2: memref<4x128xf32, #tpu.memory_space<vmem>>, %arg3: memref<1x128xf32, #tpu.memory_space<vmem>>, %arg4: memref<128x128xf32, #tpu.memory_space<vmem>>, %arg5: memref<1x128xf32, #tpu.memory_space<vmem>>, %arg6: memref<1x128xf32, #tpu.memory_space<vmem>>, %arg7: memref<1x128xf32, #tpu.memory_space<vmem>>, %arg8: memref<1000x128xbf16, #tpu.memory_space<vmem>>, %arg9: memref<1000x4xf32, #tpu.memory_space<vmem>>, %arg10: memref<1000x4xf32, #tpu.memory_space<vmem>>, %arg11: memref<!tpu.dma_semaphore, #tpu.memory_space<semaphore_mem>>, %arg12: memref<!tpu.dma_semaphore, #tpu.memory_space<semaphore_mem>>) attributes {dimension_semantics = [#tpu.dimension_semantics<arbitrary>], iteration_bounds = array<i64: 320>, scalar_prefetch = 0 : i64, scratch_operands = 4 : i64, tpu.core_type = #tpu.core_type<tc>, window_params = [{}, {pipeline_mode = #tpu.pipeline_mode<synchronous>, transform_indices = @transform_1, window_bounds = array<i64: 4, 128>}, {pipeline_mode = #tpu.pipeline_mode<synchronous>, transform_indices = @transform_2, window_bounds = array<i64: 1, 128>}, {pipeline_mode = #tpu.pipeline_mode<synchronous>, transform_indices = @transform_3, window_bounds = array<i64: 128, 128>}, {pipeline_mode = #tpu.pipeline_mode<synchronous>, transform_indices = @transform_4, window_bounds = array<i64: 1, 128>}, {pipeline_mode = #tpu.pipeline_mode<synchronous>, transform_indices = @transform_5, window_bounds = array<i64: 1, 128>}, {pipeline_mode = #tpu.pipeline_mode<synchronous>, transform_indices = @transform_6, window_bounds = array<i64: 1, 128>}, {transform_indices = @transform_7, window_bounds = array<i64: 1000, 128>}]} {
    %eq3A = arith.constant 0 : i32
    %eq3A_0 = arith.cmpi eq, %arg0, %eq3A : i32
    %convert_element_type3A = arith.extui %eq3A_0 : i1 to i32
    %cond3A = arith.constant 0 : i32
    %cond3A_1 = arith.cmpi ne, %convert_element_type3A, %cond3A : i32
    scf.if %cond3A_1 {
      %dma_start3A = arith.constant 0 : i32
      %dma_start3A_97 = arith.constant 0 : i32
      %dma_start3A_98 = tpu.memref_slice %arg1[%dma_start3A, %dma_start3A_97] : memref<320000x4xf32, #tpu.memory_space<any>> -> memref<1000x4xf32, #tpu.memory_space<any>>
      tpu.enqueue_dma source(%dma_start3A_98 : memref<1000x4xf32, #tpu.memory_space<any>>) target(%arg9 : memref<1000x4xf32, #tpu.memory_space<vmem>>) target_semaphore(%arg11 : memref<!tpu.dma_semaphore, #tpu.memory_space<semaphore_mem>>)
      %dma_start3A_99 = arith.constant 1000 : i32
      %dma_start3A_100 = arith.constant 0 : i32
      %dma_start3A_101 = tpu.memref_slice %arg1[%dma_start3A_99, %dma_start3A_100] : memref<320000x4xf32, #tpu.memory_space<any>> -> memref<1000x4xf32, #tpu.memory_space<any>>
      tpu.enqueue_dma source(%dma_start3A_101 : memref<1000x4xf32, #tpu.memory_space<any>>) target(%arg10 : memref<1000x4xf32, #tpu.memory_space<vmem>>) target_semaphore(%arg12 : memref<!tpu.dma_semaphore, #tpu.memory_space<semaphore_mem>>)
    } else {
    }
    %jit3A = arith.constant 2 : i32
    %eq3A_2 = arith.constant 0 : i32
    %eq3A_3 = arith.cmpi eq, %jit3A, %eq3A_2 : i32
    %jit3A_4 = arith.constant 1 : i32
    %select_n3A = arith.select %eq3A_3, %jit3A_4, %jit3A : i32
    %rem3A = arith.remsi %arg0, %select_n3A : i32
    %ne3A = arith.constant 0 : i32
    %ne3A_5 = arith.cmpi ne, %rem3A, %ne3A : i32
    %lt3A = arith.constant 0 : i32
    %lt3A_6 = arith.cmpi slt, %rem3A, %lt3A : i32
    %lt3A_7 = arith.constant 0 : i32
    %lt3A_8 = arith.cmpi slt, %select_n3A, %lt3A_7 : i32
    %ne3A_9 = arith.xori %lt3A_6, %lt3A_8 : i1
    %and3A = arith.andi %ne3A_9, %ne3A_5 : i1
    %add3A = arith.addi %rem3A, %select_n3A : i32
    %select_n3A_10 = arith.select %and3A, %add3A, %rem3A : i32
    %eq3A_11 = arith.constant 0 : i32
    %eq3A_12 = arith.cmpi eq, %select_n3A_10, %eq3A_11 : i32
    %convert_element_type3A_13 = arith.extui %eq3A_12 : i1 to i32
    %cond3A_14 = arith.constant 0 : i32
    %cond3A_15 = arith.cmpi ne, %convert_element_type3A_13, %cond3A_14 : i32
    scf.if %cond3A_15 {
      %dma_wait3A = arith.constant 0 : i32
      %dma_wait3A_97 = arith.constant 0 : i32
      %dma_wait3A_98 = tpu.memref_slice %arg1[%dma_wait3A, %dma_wait3A_97] : memref<320000x4xf32, #tpu.memory_space<any>> -> memref<1000x4xf32, #tpu.memory_space<any>>
      tpu.wait_dma2 semaphore(%arg11 : memref<!tpu.dma_semaphore, #tpu.memory_space<semaphore_mem>>) src(%dma_wait3A_98 : memref<1000x4xf32, #tpu.memory_space<any>>) dst(%arg9 : memref<1000x4xf32, #tpu.memory_space<vmem>>)
    } else {
    }
    %not3A = arith.constant true
    %not3A_16 = arith.xori %eq3A_12, %not3A : i1
    %convert_element_type3A_17 = arith.extui %not3A_16 : i1 to i32
    %cond3A_18 = arith.constant 0 : i32
    %cond3A_19 = arith.cmpi ne, %convert_element_type3A_17, %cond3A_18 : i32
    scf.if %cond3A_19 {
      %dma_wait3A = arith.constant 0 : i32
      %dma_wait3A_97 = arith.constant 0 : i32
      %dma_wait3A_98 = tpu.memref_slice %arg1[%dma_wait3A, %dma_wait3A_97] : memref<320000x4xf32, #tpu.memory_space<any>> -> memref<1000x4xf32, #tpu.memory_space<any>>
      tpu.wait_dma2 semaphore(%arg12 : memref<!tpu.dma_semaphore, #tpu.memory_space<semaphore_mem>>) src(%dma_wait3A_98 : memref<1000x4xf32, #tpu.memory_space<any>>) dst(%arg10 : memref<1000x4xf32, #tpu.memory_space<vmem>>)
    } else {
    }
    %get3A = arith.constant 0 : index
    %get3A_20 = arith.constant 0 : index
    %get3A_21 = vector.load %arg9[%get3A, %get3A_20] : memref<1000x4xf32, #tpu.memory_space<vmem>>, vector<1000x4xf32>
    %get3A_22 = arith.constant 0 : index
    %get3A_23 = arith.constant 0 : index
    %get3A_24 = vector.load %arg10[%get3A_22, %get3A_23] : memref<1000x4xf32, #tpu.memory_space<vmem>>, vector<1000x4xf32>
    %select_n3A_25 = arith.select %eq3A_12, %get3A_21, %get3A_24 : vector<1000x4xf32>
    %add3A_26 = arith.constant 2 : i32
    %add3A_27 = arith.addi %arg0, %add3A_26 : i32
    %lt3A_28 = arith.constant 320 : i32
    %lt3A_29 = arith.cmpi slt, %add3A_27, %lt3A_28 : i32
    %and3A_30 = arith.andi %eq3A_12, %lt3A_29 : i1
    %convert_element_type3A_31 = arith.extui %and3A_30 : i1 to i32
    %cond3A_32 = arith.constant 0 : i32
    %cond3A_33 = arith.cmpi ne, %convert_element_type3A_31, %cond3A_32 : i32
    scf.if %cond3A_33 {
      %add3A_97 = arith.constant 2 : i32
      %add3A_98 = arith.addi %arg0, %add3A_97 : i32
      %mul3A_99 = arith.constant 1000 : i32
      %mul3A_100 = arith.muli %add3A_98, %mul3A_99 : i32
      %dma_start3A = arith.constant 0 : i32
      %dma_start3A_101 = tpu.memref_slice %arg1[%mul3A_100, %dma_start3A] : memref<320000x4xf32, #tpu.memory_space<any>> -> memref<1000x4xf32, #tpu.memory_space<any>>
      tpu.enqueue_dma source(%dma_start3A_101 : memref<1000x4xf32, #tpu.memory_space<any>>) target(%arg9 : memref<1000x4xf32, #tpu.memory_space<vmem>>) target_semaphore(%arg11 : memref<!tpu.dma_semaphore, #tpu.memory_space<semaphore_mem>>)
    } else {
    }
    %not3A_34 = arith.constant true
    %not3A_35 = arith.xori %eq3A_12, %not3A_34 : i1
    %add3A_36 = arith.constant 2 : i32
    %add3A_37 = arith.addi %arg0, %add3A_36 : i32
    %lt3A_38 = arith.constant 320 : i32
    %lt3A_39 = arith.cmpi slt, %add3A_37, %lt3A_38 : i32
    %and3A_40 = arith.andi %not3A_35, %lt3A_39 : i1
    %convert_element_type3A_41 = arith.extui %and3A_40 : i1 to i32
    %cond3A_42 = arith.constant 0 : i32
    %cond3A_43 = arith.cmpi ne, %convert_element_type3A_41, %cond3A_42 : i32
    scf.if %cond3A_43 {
      %add3A_97 = arith.constant 2 : i32
      %add3A_98 = arith.addi %arg0, %add3A_97 : i32
      %mul3A_99 = arith.constant 1000 : i32
      %mul3A_100 = arith.muli %add3A_98, %mul3A_99 : i32
      %dma_start3A = arith.constant 0 : i32
      %dma_start3A_101 = tpu.memref_slice %arg1[%mul3A_100, %dma_start3A] : memref<320000x4xf32, #tpu.memory_space<any>> -> memref<1000x4xf32, #tpu.memory_space<any>>
      tpu.enqueue_dma source(%dma_start3A_101 : memref<1000x4xf32, #tpu.memory_space<any>>) target(%arg10 : memref<1000x4xf32, #tpu.memory_space<vmem>>) target_semaphore(%arg12 : memref<!tpu.dma_semaphore, #tpu.memory_space<semaphore_mem>>)
    } else {
    }
    %get3A_44 = arith.constant 0 : index
    %get3A_45 = arith.constant 0 : index
    %get3A_46 = vector.load %arg2[%get3A_44, %get3A_45] : memref<4x128xf32, #tpu.memory_space<vmem>>, vector<4x128xf32>
    %dot_general3A = arith.constant dense<0.000000e+00> : vector<1000x128xf32>
    %dot_general3A_47 = tpu.matmul %select_n3A_25, %get3A_46, %dot_general3A {dimension_numbers = #tpu.dot_dimension_numbers<[1], [0], [0], [1], [0, 0, 1, 1], [], []>, transpose_lhs_hint = false} : vector<1000x4xf32>, vector<4x128xf32>, vector<1000x128xf32> -> vector<1000x128xf32>
    %get3A_48 = arith.constant 0 : index
    %get3A_49 = arith.constant 0 : index
    %get3A_50 = vector.load %arg3[%get3A_48, %get3A_49] : memref<1x128xf32, #tpu.memory_space<vmem>>, vector<1x128xf32>
    %add3A_51 = vector.broadcast %get3A_50 : vector<1x128xf32> to vector<1000x128xf32>
    %add3A_52 = arith.addf %dot_general3A_47, %add3A_51 : vector<1000x128xf32>
    %max3A = arith.constant 0.000000e+00 : f32
    %max3A_53 = vector.broadcast %max3A : f32 to vector<1000x128xf32>
    %max3A_54 = arith.maximumf %add3A_52, %max3A_53 : vector<1000x128xf32>
    %get3A_55 = arith.constant 0 : index
    %get3A_56 = arith.constant 0 : index
    %get3A_57 = vector.load %arg4[%get3A_55, %get3A_56] : memref<128x128xf32, #tpu.memory_space<vmem>>, vector<128x128xf32>
    %dot_general3A_58 = arith.constant dense<0.000000e+00> : vector<1000x128xf32>
    %dot_general3A_59 = tpu.matmul %max3A_54, %get3A_57, %dot_general3A_58 {dimension_numbers = #tpu.dot_dimension_numbers<[1], [0], [0], [1], [0, 0, 1, 1], [], []>, transpose_lhs_hint = false} : vector<1000x128xf32>, vector<128x128xf32>, vector<1000x128xf32> -> vector<1000x128xf32>
    %get3A_60 = arith.constant 0 : index
    %get3A_61 = arith.constant 0 : index
    %get3A_62 = vector.load %arg5[%get3A_60, %get3A_61] : memref<1x128xf32, #tpu.memory_space<vmem>>, vector<1x128xf32>
    %add3A_63 = vector.broadcast %get3A_62 : vector<1x128xf32> to vector<1000x128xf32>
    %add3A_64 = arith.addf %dot_general3A_59, %add3A_63 : vector<1000x128xf32>
    %max3A_65 = arith.constant 0.000000e+00 : f32
    %max3A_66 = vector.broadcast %max3A_65 : f32 to vector<1000x128xf32>
    %max3A_67 = arith.maximumf %add3A_64, %max3A_66 : vector<1000x128xf32>
    %get3A_68 = arith.constant 0 : index
    %get3A_69 = arith.constant 0 : index
    %get3A_70 = vector.load %arg6[%get3A_68, %get3A_69] : memref<1x128xf32, #tpu.memory_space<vmem>>, vector<1x128xf32>
    %get3A_71 = arith.constant 0 : index
    %get3A_72 = arith.constant 0 : index
    %get3A_73 = vector.load %arg7[%get3A_71, %get3A_72] : memref<1x128xf32, #tpu.memory_space<vmem>>, vector<1x128xf32>
    %reduce_sum3A = arith.constant dense<0.000000e+00> : vector<1000xf32>
    %reduce_sum3A_74 = vector.multi_reduction <add>, %max3A_67, %reduce_sum3A [1] : vector<1000x128xf32> to vector<1000xf32>
    %broadcast_in_dim3A = vector.shape_cast %reduce_sum3A_74 : vector<1000xf32> to vector<1000x1xf32>
    %div3A = arith.constant 1.280000e+02 : f32
    %div3A_75 = vector.broadcast %div3A : f32 to vector<1000x1xf32>
    %div3A_76 = arith.divf %broadcast_in_dim3A, %div3A_75 : vector<1000x1xf32>
    %sub3A = vector.broadcast %div3A_76 : vector<1000x1xf32> to vector<1000x128xf32>
    %sub3A_77 = arith.subf %max3A_67, %sub3A : vector<1000x128xf32>
    %integer_pow3A = arith.mulf %sub3A_77, %sub3A_77 : vector<1000x128xf32>
    %reduce_sum3A_78 = arith.constant dense<0.000000e+00> : vector<1000xf32>
    %reduce_sum3A_79 = vector.multi_reduction <add>, %integer_pow3A, %reduce_sum3A_78 [1] : vector<1000x128xf32> to vector<1000xf32>
    %broadcast_in_dim3A_80 = vector.shape_cast %reduce_sum3A_79 : vector<1000xf32> to vector<1000x1xf32>
    %div3A_81 = arith.constant 1.280000e+02 : f32
    %div3A_82 = vector.broadcast %div3A_81 : f32 to vector<1000x1xf32>
    %div3A_83 = arith.divf %broadcast_in_dim3A_80, %div3A_82 : vector<1000x1xf32>
    %sub3A_84 = vector.broadcast %div3A_76 : vector<1000x1xf32> to vector<1000x128xf32>
    %sub3A_85 = arith.subf %max3A_67, %sub3A_84 : vector<1000x128xf32>
    %add3A_86 = arith.constant 9.99999974E-6 : f32
    %add3A_87 = vector.broadcast %add3A_86 : f32 to vector<1000x1xf32>
    %add3A_88 = arith.addf %div3A_83, %add3A_87 : vector<1000x1xf32>
    %sqrt3A = math.sqrt %add3A_88 : vector<1000x1xf32>
    %div3A_89 = vector.broadcast %sqrt3A : vector<1000x1xf32> to vector<1000x128xf32>
    %div3A_90 = arith.divf %sub3A_85, %div3A_89 : vector<1000x128xf32>
    %mul3A = vector.broadcast %get3A_70 : vector<1x128xf32> to vector<1000x128xf32>
    %mul3A_91 = arith.mulf %div3A_90, %mul3A : vector<1000x128xf32>
    %add3A_92 = vector.broadcast %get3A_73 : vector<1x128xf32> to vector<1000x128xf32>
    %add3A_93 = arith.addf %mul3A_91, %add3A_92 : vector<1000x128xf32>
    %convert_element_type3A_94 = arith.truncf %add3A_93 : vector<1000x128xf32> to vector<1000x128xbf16>
    %swap3A = arith.constant 0 : index
    %swap3A_95 = arith.constant 0 : index
    %swap3A_96 = vector.load %arg8[%swap3A, %swap3A_95] : memref<1000x128xbf16, #tpu.memory_space<vmem>>, vector<1000x128xbf16>
    tpu.vector_store %arg8[%swap3A, %swap3A_95], %convert_element_type3A_94 {strides = array<i32>} : memref<1000x128xbf16, #tpu.memory_space<vmem>>, vector<1000x128xbf16>,
    return
  }
  func.func @transform_1(%arg0: i32) -> (i32, i32) {
    %c0_i32 = arith.constant 0 : i32
    %c0_i32_0 = arith.constant 0 : i32
    %c0_i32_1 = arith.constant 0 : i32
    return %c0_i32, %c0_i32_0 : i32, i32
  }
  func.func @transform_2(%arg0: i32) -> (i32, i32) {
    %c0_i32 = arith.constant 0 : i32
    %c0_i32_0 = arith.constant 0 : i32
    %c0_i32_1 = arith.constant 0 : i32
    return %c0_i32, %c0_i32_0 : i32, i32
  }
  func.func @transform_3(%arg0: i32) -> (i32, i32) {
    %c0_i32 = arith.constant 0 : i32
    %c0_i32_0 = arith.constant 0 : i32
    %c0_i32_1 = arith.constant 0 : i32
    return %c0_i32, %c0_i32_0 : i32, i32
  }
  func.func @transform_4(%arg0: i32) -> (i32, i32) {
    %c0_i32 = arith.constant 0 : i32
    %c0_i32_0 = arith.constant 0 : i32
    %c0_i32_1 = arith.constant 0 : i32
    return %c0_i32, %c0_i32_0 : i32, i32
  }
  func.func @transform_5(%arg0: i32) -> (i32, i32) {
    %c0_i32 = arith.constant 0 : i32
    %c0_i32_0 = arith.constant 0 : i32
    %c0_i32_1 = arith.constant 0 : i32
    return %c0_i32, %c0_i32_0 : i32, i32
  }
  func.func @transform_6(%arg0: i32) -> (i32, i32) {
    %c0_i32 = arith.constant 0 : i32
    %c0_i32_0 = arith.constant 0 : i32
    %c0_i32_1 = arith.constant 0 : i32
    return %c0_i32, %c0_i32_0 : i32, i32
  }
  func.func @transform_7(%arg0: i32) -> (i32, i32) {
    %add3A = arith.constant 0 : i32
    %add3A_0 = arith.addi %arg0, %add3A : i32
    %c0_i32 = arith.constant 0 : i32
    %c0_i32_1 = arith.constant 0 : i32
    return %add3A_0, %c0_i32 : i32, i32
  }
}

module attributes {stable_mosaic.version = 14 : i64} {
  func.func @_edge1_body(%arg0: i32, %arg1: memref<1024x128xf32, #tpu.memory_space<vmem>>, %arg2: memref<1024x128xf32, #tpu.memory_space<vmem>>, %arg3: memref<1024x128xbf16, #tpu.memory_space<vmem>>, %arg4: memref<128x128xf32, #tpu.memory_space<vmem>>, %arg5: memref<1x128xf32, #tpu.memory_space<vmem>>, %arg6: memref<128x128xf32, #tpu.memory_space<vmem>>, %arg7: memref<1x128xf32, #tpu.memory_space<vmem>>, %arg8: memref<1x128xf32, #tpu.memory_space<vmem>>, %arg9: memref<1x128xf32, #tpu.memory_space<vmem>>, %arg10: memref<1024x128xf32, #tpu.memory_space<vmem>>, %arg11: memref<1024x128xbf16, #tpu.memory_space<vmem>>) attributes {dimension_semantics = [#tpu.dimension_semantics<arbitrary>], iteration_bounds = array<i64: 160>, scalar_prefetch = 0 : i64, scratch_operands = 0 : i64, tpu.core_type = #tpu.core_type<tc>, window_params = [{transform_indices = @transform_0, window_bounds = array<i64: 1024, 128>}, {transform_indices = @transform_1, window_bounds = array<i64: 1024, 128>}, {transform_indices = @transform_2, window_bounds = array<i64: 1024, 128>}, {pipeline_mode = #tpu.pipeline_mode<synchronous>, transform_indices = @transform_3, window_bounds = array<i64: 128, 128>}, {pipeline_mode = #tpu.pipeline_mode<synchronous>, transform_indices = @transform_4, window_bounds = array<i64: 1, 128>}, {pipeline_mode = #tpu.pipeline_mode<synchronous>, transform_indices = @transform_5, window_bounds = array<i64: 128, 128>}, {pipeline_mode = #tpu.pipeline_mode<synchronous>, transform_indices = @transform_6, window_bounds = array<i64: 1, 128>}, {pipeline_mode = #tpu.pipeline_mode<synchronous>, transform_indices = @transform_7, window_bounds = array<i64: 1, 128>}, {pipeline_mode = #tpu.pipeline_mode<synchronous>, transform_indices = @transform_8, window_bounds = array<i64: 1, 128>}, {transform_indices = @transform_9, window_bounds = array<i64: 1024, 128>}, {transform_indices = @transform_10, window_bounds = array<i64: 1024, 128>}]} {
    %get3A = arith.constant 0 : index
    %get3A_0 = arith.constant 0 : index
    %get3A_1 = vector.load %arg3[%get3A, %get3A_0] : memref<1024x128xbf16, #tpu.memory_space<vmem>>, vector<1024x128xbf16>
    %convert_element_type3A = arith.extf %get3A_1 : vector<1024x128xbf16> to vector<1024x128xf32>
    %get3A_2 = arith.constant 0 : index
    %get3A_3 = arith.constant 0 : index
    %get3A_4 = vector.load %arg1[%get3A_2, %get3A_3] : memref<1024x128xf32, #tpu.memory_space<vmem>>, vector<1024x128xf32>
    %get3A_5 = arith.constant 0 : index
    %get3A_6 = arith.constant 0 : index
    %get3A_7 = vector.load %arg2[%get3A_5, %get3A_6] : memref<1024x128xf32, #tpu.memory_space<vmem>>, vector<1024x128xf32>
    %add3A = arith.addf %get3A_4, %get3A_7 : vector<1024x128xf32>
    %get3A_8 = arith.constant 0 : index
    %get3A_9 = arith.constant 0 : index
    %get3A_10 = vector.load %arg4[%get3A_8, %get3A_9] : memref<128x128xf32, #tpu.memory_space<vmem>>, vector<128x128xf32>
    %dot_general3A = arith.constant dense<0.000000e+00> : vector<1024x128xf32>
    %dot_general3A_11 = tpu.matmul %convert_element_type3A, %get3A_10, %dot_general3A {dimension_numbers = #tpu.dot_dimension_numbers<[1], [0], [0], [1], [0, 0, 1, 1], [], []>, transpose_lhs_hint = false} : vector<1024x128xf32>, vector<128x128xf32>, vector<1024x128xf32> -> vector<1024x128xf32>
    %add3A_12 = arith.addf %add3A, %dot_general3A_11 : vector<1024x128xf32>
    %get3A_13 = arith.constant 0 : index
    %get3A_14 = arith.constant 0 : index
    %get3A_15 = vector.load %arg5[%get3A_13, %get3A_14] : memref<1x128xf32, #tpu.memory_space<vmem>>, vector<1x128xf32>
    %add3A_16 = vector.broadcast %get3A_15 : vector<1x128xf32> to vector<1024x128xf32>
    %add3A_17 = arith.addf %add3A_12, %add3A_16 : vector<1024x128xf32>
    %max3A = arith.constant 0.000000e+00 : f32
    %max3A_18 = vector.broadcast %max3A : f32 to vector<1024x128xf32>
    %max3A_19 = arith.maximumf %add3A_17, %max3A_18 : vector<1024x128xf32>
    %get3A_20 = arith.constant 0 : index
    %get3A_21 = arith.constant 0 : index
    %get3A_22 = vector.load %arg6[%get3A_20, %get3A_21] : memref<128x128xf32, #tpu.memory_space<vmem>>, vector<128x128xf32>
    %dot_general3A_23 = arith.constant dense<0.000000e+00> : vector<1024x128xf32>
    %dot_general3A_24 = tpu.matmul %max3A_19, %get3A_22, %dot_general3A_23 {dimension_numbers = #tpu.dot_dimension_numbers<[1], [0], [0], [1], [0, 0, 1, 1], [], []>, transpose_lhs_hint = false} : vector<1024x128xf32>, vector<128x128xf32>, vector<1024x128xf32> -> vector<1024x128xf32>
    %get3A_25 = arith.constant 0 : index
    %get3A_26 = arith.constant 0 : index
    %get3A_27 = vector.load %arg7[%get3A_25, %get3A_26] : memref<1x128xf32, #tpu.memory_space<vmem>>, vector<1x128xf32>
    %add3A_28 = vector.broadcast %get3A_27 : vector<1x128xf32> to vector<1024x128xf32>
    %add3A_29 = arith.addf %dot_general3A_24, %add3A_28 : vector<1024x128xf32>
    %max3A_30 = arith.constant 0.000000e+00 : f32
    %max3A_31 = vector.broadcast %max3A_30 : f32 to vector<1024x128xf32>
    %max3A_32 = arith.maximumf %add3A_29, %max3A_31 : vector<1024x128xf32>
    %get3A_33 = arith.constant 0 : index
    %get3A_34 = arith.constant 0 : index
    %get3A_35 = vector.load %arg8[%get3A_33, %get3A_34] : memref<1x128xf32, #tpu.memory_space<vmem>>, vector<1x128xf32>
    %get3A_36 = arith.constant 0 : index
    %get3A_37 = arith.constant 0 : index
    %get3A_38 = vector.load %arg9[%get3A_36, %get3A_37] : memref<1x128xf32, #tpu.memory_space<vmem>>, vector<1x128xf32>
    %reduce_sum3A = arith.constant dense<0.000000e+00> : vector<1024xf32>
    %reduce_sum3A_39 = vector.multi_reduction <add>, %max3A_32, %reduce_sum3A [1] : vector<1024x128xf32> to vector<1024xf32>
    %broadcast_in_dim3A = vector.shape_cast %reduce_sum3A_39 : vector<1024xf32> to vector<1024x1xf32>
    %div3A = arith.constant 1.280000e+02 : f32
    %div3A_40 = vector.broadcast %div3A : f32 to vector<1024x1xf32>
    %div3A_41 = arith.divf %broadcast_in_dim3A, %div3A_40 : vector<1024x1xf32>
    %sub3A = vector.broadcast %div3A_41 : vector<1024x1xf32> to vector<1024x128xf32>
    %sub3A_42 = arith.subf %max3A_32, %sub3A : vector<1024x128xf32>
    %integer_pow3A = arith.mulf %sub3A_42, %sub3A_42 : vector<1024x128xf32>
    %reduce_sum3A_43 = arith.constant dense<0.000000e+00> : vector<1024xf32>
    %reduce_sum3A_44 = vector.multi_reduction <add>, %integer_pow3A, %reduce_sum3A_43 [1] : vector<1024x128xf32> to vector<1024xf32>
    %broadcast_in_dim3A_45 = vector.shape_cast %reduce_sum3A_44 : vector<1024xf32> to vector<1024x1xf32>
    %div3A_46 = arith.constant 1.280000e+02 : f32
    %div3A_47 = vector.broadcast %div3A_46 : f32 to vector<1024x1xf32>
    %div3A_48 = arith.divf %broadcast_in_dim3A_45, %div3A_47 : vector<1024x1xf32>
    %sub3A_49 = vector.broadcast %div3A_41 : vector<1024x1xf32> to vector<1024x128xf32>
    %sub3A_50 = arith.subf %max3A_32, %sub3A_49 : vector<1024x128xf32>
    %add3A_51 = arith.constant 9.99999974E-6 : f32
    %add3A_52 = vector.broadcast %add3A_51 : f32 to vector<1024x1xf32>
    %add3A_53 = arith.addf %div3A_48, %add3A_52 : vector<1024x1xf32>
    %sqrt3A = math.sqrt %add3A_53 : vector<1024x1xf32>
    %div3A_54 = vector.broadcast %sqrt3A : vector<1024x1xf32> to vector<1024x128xf32>
    %div3A_55 = arith.divf %sub3A_50, %div3A_54 : vector<1024x128xf32>
    %mul3A = vector.broadcast %get3A_35 : vector<1x128xf32> to vector<1024x128xf32>
    %mul3A_56 = arith.mulf %div3A_55, %mul3A : vector<1024x128xf32>
    %add3A_57 = vector.broadcast %get3A_38 : vector<1x128xf32> to vector<1024x128xf32>
    %add3A_58 = arith.addf %mul3A_56, %add3A_57 : vector<1024x128xf32>
    %add3A_59 = arith.constant 160 : i32
    %add3A_60 = arith.addi %arg0, %add3A_59 : i32
    %mul3A_61 = arith.constant 1024 : i32
    %mul3A_62 = arith.muli %add3A_60, %mul3A_61 : i32
    %iota3A = tpu.iota {dimensions = array<i32: 0>} : vector<1024x1xi32>
    %add3A_63 = vector.broadcast %mul3A_62 : i32 to vector<1024x1xi32>
    %add3A_64 = arith.addi %add3A_63, %iota3A : vector<1024x1xi32>
    %lt3A = arith.constant 320000 : i32
    %lt3A_65 = vector.broadcast %lt3A : i32 to vector<1024x1xi32>
    %lt3A_66 = arith.cmpi slt, %add3A_64, %lt3A_65 : vector<1024x1xi32>
    %jit3A = arith.constant 0.000000e+00 : f32
    %broadcast_in_dim3A_67 = vector.shape_cast %lt3A_66 : vector<1024x1xi1> to vector<1024x1xi1>
    %broadcast_in_dim3A_68 = vector.broadcast %broadcast_in_dim3A_67 : vector<1024x1xi1> to vector<1024x128xi1>
    %broadcast_in_dim3A_69 = vector.broadcast %jit3A : f32 to vector<1024x128xf32>
    %select_n3A = arith.select %broadcast_in_dim3A_68, %add3A_58, %broadcast_in_dim3A_69 : vector<1024x128xi1>, vector<1024x128xf32>
    %swap3A = arith.constant 0 : index
    %swap3A_70 = arith.constant 0 : index
    %swap3A_71 = vector.load %arg10[%swap3A, %swap3A_70] : memref<1024x128xf32, #tpu.memory_space<vmem>>, vector<1024x128xf32>
    tpu.vector_store %arg10[%swap3A, %swap3A_70], %select_n3A {strides = array<i32>} : memref<1024x128xf32, #tpu.memory_space<vmem>>, vector<1024x128xf32>,
    %add3A_72 = arith.addf %convert_element_type3A, %select_n3A : vector<1024x128xf32>
    %convert_element_type3A_73 = arith.truncf %add3A_72 : vector<1024x128xf32> to vector<1024x128xbf16>
    %swap3A_74 = arith.constant 0 : index
    %swap3A_75 = arith.constant 0 : index
    %swap3A_76 = vector.load %arg11[%swap3A_74, %swap3A_75] : memref<1024x128xbf16, #tpu.memory_space<vmem>>, vector<1024x128xbf16>
    tpu.vector_store %arg11[%swap3A_74, %swap3A_75], %convert_element_type3A_73 {strides = array<i32>} : memref<1024x128xbf16, #tpu.memory_space<vmem>>, vector<1024x128xbf16>,
    return
  }
  func.func @transform_0(%arg0: i32) -> (i32, i32) {
    %add3A = arith.constant 160 : i32
    %add3A_0 = arith.addi %arg0, %add3A : i32
    %c0_i32 = arith.constant 0 : i32
    %c0_i32_1 = arith.constant 0 : i32
    return %add3A_0, %c0_i32 : i32, i32
  }
  func.func @transform_1(%arg0: i32) -> (i32, i32) {
    %add3A = arith.constant 160 : i32
    %add3A_0 = arith.addi %arg0, %add3A : i32
    %c0_i32 = arith.constant 0 : i32
    %c0_i32_1 = arith.constant 0 : i32
    return %add3A_0, %c0_i32 : i32, i32
  }
  func.func @transform_2(%arg0: i32) -> (i32, i32) {
    %add3A = arith.constant 160 : i32
    %add3A_0 = arith.addi %arg0, %add3A : i32
    %c0_i32 = arith.constant 0 : i32
    %c0_i32_1 = arith.constant 0 : i32
    return %add3A_0, %c0_i32 : i32, i32
  }
  func.func @transform_3(%arg0: i32) -> (i32, i32) {
    %c0_i32 = arith.constant 0 : i32
    %c0_i32_0 = arith.constant 0 : i32
    %c0_i32_1 = arith.constant 0 : i32
    return %c0_i32, %c0_i32_0 : i32, i32
  }
  func.func @transform_4(%arg0: i32) -> (i32, i32) {
    %c0_i32 = arith.constant 0 : i32
    %c0_i32_0 = arith.constant 0 : i32
    %c0_i32_1 = arith.constant 0 : i32
    return %c0_i32, %c0_i32_0 : i32, i32
  }
  func.func @transform_5(%arg0: i32) -> (i32, i32) {
    %c0_i32 = arith.constant 0 : i32
    %c0_i32_0 = arith.constant 0 : i32
    %c0_i32_1 = arith.constant 0 : i32
    return %c0_i32, %c0_i32_0 : i32, i32
  }
  func.func @transform_6(%arg0: i32) -> (i32, i32) {
    %c0_i32 = arith.constant 0 : i32
    %c0_i32_0 = arith.constant 0 : i32
    %c0_i32_1 = arith.constant 0 : i32
    return %c0_i32, %c0_i32_0 : i32, i32
  }
  func.func @transform_7(%arg0: i32) -> (i32, i32) {
    %c0_i32 = arith.constant 0 : i32
    %c0_i32_0 = arith.constant 0 : i32
    %c0_i32_1 = arith.constant 0 : i32
    return %c0_i32, %c0_i32_0 : i32, i32
  }
  func.func @transform_8(%arg0: i32) -> (i32, i32) {
    %c0_i32 = arith.constant 0 : i32
    %c0_i32_0 = arith.constant 0 : i32
    %c0_i32_1 = arith.constant 0 : i32
    return %c0_i32, %c0_i32_0 : i32, i32
  }
  func.func @transform_9(%arg0: i32) -> (i32, i32) {
    %add3A = arith.constant 160 : i32
    %add3A_0 = arith.addi %arg0, %add3A : i32
    %c0_i32 = arith.constant 0 : i32
    %c0_i32_1 = arith.constant 0 : i32
    return %add3A_0, %c0_i32 : i32, i32
  }
  func.func @transform_10(%arg0: i32) -> (i32, i32) {
    %add3A = arith.constant 160 : i32
    %add3A_0 = arith.addi %arg0, %add3A : i32
    %c0_i32 = arith.constant 0 : i32
    %c0_i32_1 = arith.constant 0 : i32
    return %add3A_0, %c0_i32 : i32, i32
  }
}

module attributes {stable_mosaic.version = 14 : i64} {
  func.func @_edge1_body(%arg0: i32, %arg1: memref<1024x128xf32, #tpu.memory_space<vmem>>, %arg2: memref<1024x128xf32, #tpu.memory_space<vmem>>, %arg3: memref<1024x128xbf16, #tpu.memory_space<vmem>>, %arg4: memref<128x128xf32, #tpu.memory_space<vmem>>, %arg5: memref<1x128xf32, #tpu.memory_space<vmem>>, %arg6: memref<128x128xf32, #tpu.memory_space<vmem>>, %arg7: memref<1x128xf32, #tpu.memory_space<vmem>>, %arg8: memref<1x128xf32, #tpu.memory_space<vmem>>, %arg9: memref<1x128xf32, #tpu.memory_space<vmem>>, %arg10: memref<1024x128xf32, #tpu.memory_space<vmem>>, %arg11: memref<1024x128xbf16, #tpu.memory_space<vmem>>) attributes {dimension_semantics = [#tpu.dimension_semantics<arbitrary>], iteration_bounds = array<i64: 160>, scalar_prefetch = 0 : i64, scratch_operands = 0 : i64, tpu.core_type = #tpu.core_type<tc>, window_params = [{transform_indices = @transform_0, window_bounds = array<i64: 1024, 128>}, {transform_indices = @transform_1, window_bounds = array<i64: 1024, 128>}, {transform_indices = @transform_2, window_bounds = array<i64: 1024, 128>}, {pipeline_mode = #tpu.pipeline_mode<synchronous>, transform_indices = @transform_3, window_bounds = array<i64: 128, 128>}, {pipeline_mode = #tpu.pipeline_mode<synchronous>, transform_indices = @transform_4, window_bounds = array<i64: 1, 128>}, {pipeline_mode = #tpu.pipeline_mode<synchronous>, transform_indices = @transform_5, window_bounds = array<i64: 128, 128>}, {pipeline_mode = #tpu.pipeline_mode<synchronous>, transform_indices = @transform_6, window_bounds = array<i64: 1, 128>}, {pipeline_mode = #tpu.pipeline_mode<synchronous>, transform_indices = @transform_7, window_bounds = array<i64: 1, 128>}, {pipeline_mode = #tpu.pipeline_mode<synchronous>, transform_indices = @transform_8, window_bounds = array<i64: 1, 128>}, {transform_indices = @transform_9, window_bounds = array<i64: 1024, 128>}, {transform_indices = @transform_10, window_bounds = array<i64: 1024, 128>}]} {
    %get3A = arith.constant 0 : index
    %get3A_0 = arith.constant 0 : index
    %get3A_1 = vector.load %arg3[%get3A, %get3A_0] : memref<1024x128xbf16, #tpu.memory_space<vmem>>, vector<1024x128xbf16>
    %convert_element_type3A = arith.extf %get3A_1 : vector<1024x128xbf16> to vector<1024x128xf32>
    %get3A_2 = arith.constant 0 : index
    %get3A_3 = arith.constant 0 : index
    %get3A_4 = vector.load %arg1[%get3A_2, %get3A_3] : memref<1024x128xf32, #tpu.memory_space<vmem>>, vector<1024x128xf32>
    %get3A_5 = arith.constant 0 : index
    %get3A_6 = arith.constant 0 : index
    %get3A_7 = vector.load %arg2[%get3A_5, %get3A_6] : memref<1024x128xf32, #tpu.memory_space<vmem>>, vector<1024x128xf32>
    %add3A = arith.addf %get3A_4, %get3A_7 : vector<1024x128xf32>
    %get3A_8 = arith.constant 0 : index
    %get3A_9 = arith.constant 0 : index
    %get3A_10 = vector.load %arg4[%get3A_8, %get3A_9] : memref<128x128xf32, #tpu.memory_space<vmem>>, vector<128x128xf32>
    %dot_general3A = arith.constant dense<0.000000e+00> : vector<1024x128xf32>
    %dot_general3A_11 = tpu.matmul %convert_element_type3A, %get3A_10, %dot_general3A {dimension_numbers = #tpu.dot_dimension_numbers<[1], [0], [0], [1], [0, 0, 1, 1], [], []>, transpose_lhs_hint = false} : vector<1024x128xf32>, vector<128x128xf32>, vector<1024x128xf32> -> vector<1024x128xf32>
    %add3A_12 = arith.addf %add3A, %dot_general3A_11 : vector<1024x128xf32>
    %get3A_13 = arith.constant 0 : index
    %get3A_14 = arith.constant 0 : index
    %get3A_15 = vector.load %arg5[%get3A_13, %get3A_14] : memref<1x128xf32, #tpu.memory_space<vmem>>, vector<1x128xf32>
    %add3A_16 = vector.broadcast %get3A_15 : vector<1x128xf32> to vector<1024x128xf32>
    %add3A_17 = arith.addf %add3A_12, %add3A_16 : vector<1024x128xf32>
    %max3A = arith.constant 0.000000e+00 : f32
    %max3A_18 = vector.broadcast %max3A : f32 to vector<1024x128xf32>
    %max3A_19 = arith.maximumf %add3A_17, %max3A_18 : vector<1024x128xf32>
    %get3A_20 = arith.constant 0 : index
    %get3A_21 = arith.constant 0 : index
    %get3A_22 = vector.load %arg6[%get3A_20, %get3A_21] : memref<128x128xf32, #tpu.memory_space<vmem>>, vector<128x128xf32>
    %dot_general3A_23 = arith.constant dense<0.000000e+00> : vector<1024x128xf32>
    %dot_general3A_24 = tpu.matmul %max3A_19, %get3A_22, %dot_general3A_23 {dimension_numbers = #tpu.dot_dimension_numbers<[1], [0], [0], [1], [0, 0, 1, 1], [], []>, transpose_lhs_hint = false} : vector<1024x128xf32>, vector<128x128xf32>, vector<1024x128xf32> -> vector<1024x128xf32>
    %get3A_25 = arith.constant 0 : index
    %get3A_26 = arith.constant 0 : index
    %get3A_27 = vector.load %arg7[%get3A_25, %get3A_26] : memref<1x128xf32, #tpu.memory_space<vmem>>, vector<1x128xf32>
    %add3A_28 = vector.broadcast %get3A_27 : vector<1x128xf32> to vector<1024x128xf32>
    %add3A_29 = arith.addf %dot_general3A_24, %add3A_28 : vector<1024x128xf32>
    %max3A_30 = arith.constant 0.000000e+00 : f32
    %max3A_31 = vector.broadcast %max3A_30 : f32 to vector<1024x128xf32>
    %max3A_32 = arith.maximumf %add3A_29, %max3A_31 : vector<1024x128xf32>
    %get3A_33 = arith.constant 0 : index
    %get3A_34 = arith.constant 0 : index
    %get3A_35 = vector.load %arg8[%get3A_33, %get3A_34] : memref<1x128xf32, #tpu.memory_space<vmem>>, vector<1x128xf32>
    %get3A_36 = arith.constant 0 : index
    %get3A_37 = arith.constant 0 : index
    %get3A_38 = vector.load %arg9[%get3A_36, %get3A_37] : memref<1x128xf32, #tpu.memory_space<vmem>>, vector<1x128xf32>
    %reduce_sum3A = arith.constant dense<0.000000e+00> : vector<1024xf32>
    %reduce_sum3A_39 = vector.multi_reduction <add>, %max3A_32, %reduce_sum3A [1] : vector<1024x128xf32> to vector<1024xf32>
    %broadcast_in_dim3A = vector.shape_cast %reduce_sum3A_39 : vector<1024xf32> to vector<1024x1xf32>
    %div3A = arith.constant 1.280000e+02 : f32
    %div3A_40 = vector.broadcast %div3A : f32 to vector<1024x1xf32>
    %div3A_41 = arith.divf %broadcast_in_dim3A, %div3A_40 : vector<1024x1xf32>
    %sub3A = vector.broadcast %div3A_41 : vector<1024x1xf32> to vector<1024x128xf32>
    %sub3A_42 = arith.subf %max3A_32, %sub3A : vector<1024x128xf32>
    %integer_pow3A = arith.mulf %sub3A_42, %sub3A_42 : vector<1024x128xf32>
    %reduce_sum3A_43 = arith.constant dense<0.000000e+00> : vector<1024xf32>
    %reduce_sum3A_44 = vector.multi_reduction <add>, %integer_pow3A, %reduce_sum3A_43 [1] : vector<1024x128xf32> to vector<1024xf32>
    %broadcast_in_dim3A_45 = vector.shape_cast %reduce_sum3A_44 : vector<1024xf32> to vector<1024x1xf32>
    %div3A_46 = arith.constant 1.280000e+02 : f32
    %div3A_47 = vector.broadcast %div3A_46 : f32 to vector<1024x1xf32>
    %div3A_48 = arith.divf %broadcast_in_dim3A_45, %div3A_47 : vector<1024x1xf32>
    %sub3A_49 = vector.broadcast %div3A_41 : vector<1024x1xf32> to vector<1024x128xf32>
    %sub3A_50 = arith.subf %max3A_32, %sub3A_49 : vector<1024x128xf32>
    %add3A_51 = arith.constant 9.99999974E-6 : f32
    %add3A_52 = vector.broadcast %add3A_51 : f32 to vector<1024x1xf32>
    %add3A_53 = arith.addf %div3A_48, %add3A_52 : vector<1024x1xf32>
    %sqrt3A = math.sqrt %add3A_53 : vector<1024x1xf32>
    %div3A_54 = vector.broadcast %sqrt3A : vector<1024x1xf32> to vector<1024x128xf32>
    %div3A_55 = arith.divf %sub3A_50, %div3A_54 : vector<1024x128xf32>
    %mul3A = vector.broadcast %get3A_35 : vector<1x128xf32> to vector<1024x128xf32>
    %mul3A_56 = arith.mulf %div3A_55, %mul3A : vector<1024x128xf32>
    %add3A_57 = vector.broadcast %get3A_38 : vector<1x128xf32> to vector<1024x128xf32>
    %add3A_58 = arith.addf %mul3A_56, %add3A_57 : vector<1024x128xf32>
    %add3A_59 = arith.constant 0 : i32
    %add3A_60 = arith.addi %arg0, %add3A_59 : i32
    %mul3A_61 = arith.constant 1024 : i32
    %mul3A_62 = arith.muli %add3A_60, %mul3A_61 : i32
    %iota3A = tpu.iota {dimensions = array<i32: 0>} : vector<1024x1xi32>
    %add3A_63 = vector.broadcast %mul3A_62 : i32 to vector<1024x1xi32>
    %add3A_64 = arith.addi %add3A_63, %iota3A : vector<1024x1xi32>
    %lt3A = arith.constant 320000 : i32
    %lt3A_65 = vector.broadcast %lt3A : i32 to vector<1024x1xi32>
    %lt3A_66 = arith.cmpi slt, %add3A_64, %lt3A_65 : vector<1024x1xi32>
    %jit3A = arith.constant 0.000000e+00 : f32
    %broadcast_in_dim3A_67 = vector.shape_cast %lt3A_66 : vector<1024x1xi1> to vector<1024x1xi1>
    %broadcast_in_dim3A_68 = vector.broadcast %broadcast_in_dim3A_67 : vector<1024x1xi1> to vector<1024x128xi1>
    %broadcast_in_dim3A_69 = vector.broadcast %jit3A : f32 to vector<1024x128xf32>
    %select_n3A = arith.select %broadcast_in_dim3A_68, %add3A_58, %broadcast_in_dim3A_69 : vector<1024x128xi1>, vector<1024x128xf32>
    %swap3A = arith.constant 0 : index
    %swap3A_70 = arith.constant 0 : index
    %swap3A_71 = vector.load %arg10[%swap3A, %swap3A_70] : memref<1024x128xf32, #tpu.memory_space<vmem>>, vector<1024x128xf32>
    tpu.vector_store %arg10[%swap3A, %swap3A_70], %select_n3A {strides = array<i32>} : memref<1024x128xf32, #tpu.memory_space<vmem>>, vector<1024x128xf32>,
    %add3A_72 = arith.addf %convert_element_type3A, %select_n3A : vector<1024x128xf32>
    %convert_element_type3A_73 = arith.truncf %add3A_72 : vector<1024x128xf32> to vector<1024x128xbf16>
    %swap3A_74 = arith.constant 0 : index
    %swap3A_75 = arith.constant 0 : index
    %swap3A_76 = vector.load %arg11[%swap3A_74, %swap3A_75] : memref<1024x128xbf16, #tpu.memory_space<vmem>>, vector<1024x128xbf16>
    tpu.vector_store %arg11[%swap3A_74, %swap3A_75], %convert_element_type3A_73 {strides = array<i32>} : memref<1024x128xbf16, #tpu.memory_space<vmem>>, vector<1024x128xbf16>,
    return
  }
  func.func @transform_0(%arg0: i32) -> (i32, i32) {
    %add3A = arith.constant 0 : i32
    %add3A_0 = arith.addi %arg0, %add3A : i32
    %c0_i32 = arith.constant 0 : i32
    %c0_i32_1 = arith.constant 0 : i32
    return %add3A_0, %c0_i32 : i32, i32
  }
  func.func @transform_1(%arg0: i32) -> (i32, i32) {
    %add3A = arith.constant 0 : i32
    %add3A_0 = arith.addi %arg0, %add3A : i32
    %c0_i32 = arith.constant 0 : i32
    %c0_i32_1 = arith.constant 0 : i32
    return %add3A_0, %c0_i32 : i32, i32
  }
  func.func @transform_2(%arg0: i32) -> (i32, i32) {
    %add3A = arith.constant 0 : i32
    %add3A_0 = arith.addi %arg0, %add3A : i32
    %c0_i32 = arith.constant 0 : i32
    %c0_i32_1 = arith.constant 0 : i32
    return %add3A_0, %c0_i32 : i32, i32
  }
  func.func @transform_3(%arg0: i32) -> (i32, i32) {
    %c0_i32 = arith.constant 0 : i32
    %c0_i32_0 = arith.constant 0 : i32
    %c0_i32_1 = arith.constant 0 : i32
    return %c0_i32, %c0_i32_0 : i32, i32
  }
  func.func @transform_4(%arg0: i32) -> (i32, i32) {
    %c0_i32 = arith.constant 0 : i32
    %c0_i32_0 = arith.constant 0 : i32
    %c0_i32_1 = arith.constant 0 : i32
    return %c0_i32, %c0_i32_0 : i32, i32
  }
  func.func @transform_5(%arg0: i32) -> (i32, i32) {
    %c0_i32 = arith.constant 0 : i32
    %c0_i32_0 = arith.constant 0 : i32
    %c0_i32_1 = arith.constant 0 : i32
    return %c0_i32, %c0_i32_0 : i32, i32
  }
  func.func @transform_6(%arg0: i32) -> (i32, i32) {
    %c0_i32 = arith.constant 0 : i32
    %c0_i32_0 = arith.constant 0 : i32
    %c0_i32_1 = arith.constant 0 : i32
    return %c0_i32, %c0_i32_0 : i32, i32
  }
  func.func @transform_7(%arg0: i32) -> (i32, i32) {
    %c0_i32 = arith.constant 0 : i32
    %c0_i32_0 = arith.constant 0 : i32
    %c0_i32_1 = arith.constant 0 : i32
    return %c0_i32, %c0_i32_0 : i32, i32
  }
  func.func @transform_8(%arg0: i32) -> (i32, i32) {
    %c0_i32 = arith.constant 0 : i32
    %c0_i32_0 = arith.constant 0 : i32
    %c0_i32_1 = arith.constant 0 : i32
    return %c0_i32, %c0_i32_0 : i32, i32
  }
  func.func @transform_9(%arg0: i32) -> (i32, i32) {
    %add3A = arith.constant 0 : i32
    %add3A_0 = arith.addi %arg0, %add3A : i32
    %c0_i32 = arith.constant 0 : i32
    %c0_i32_1 = arith.constant 0 : i32
    return %add3A_0, %c0_i32 : i32, i32
  }
  func.func @transform_10(%arg0: i32) -> (i32, i32) {
    %add3A = arith.constant 0 : i32
    %add3A_0 = arith.addi %arg0, %add3A : i32
    %c0_i32 = arith.constant 0 : i32
    %c0_i32_1 = arith.constant 0 : i32
    return %add3A_0, %c0_i32 : i32, i32
  }
}

module attributes {stable_mosaic.version = 14 : i64} {
  func.func @_node_body(%arg0: i32, %arg1: memref<1024x128xf32, #tpu.memory_space<vmem>>, %arg2: memref<1024x128xf32, #tpu.memory_space<vmem>>, %arg3: memref<1024x128xf32, #tpu.memory_space<vmem>>, %arg4: memref<1024x128xf32, #tpu.memory_space<vmem>>, %arg5: memref<1024x128xf32, #tpu.memory_space<vmem>>, %arg6: memref<128x128xf32, #tpu.memory_space<vmem>>, %arg7: memref<128x128xf32, #tpu.memory_space<vmem>>, %arg8: memref<1x128xf32, #tpu.memory_space<vmem>>, %arg9: memref<128x128xf32, #tpu.memory_space<vmem>>, %arg10: memref<1x128xf32, #tpu.memory_space<vmem>>, %arg11: memref<1x128xf32, #tpu.memory_space<vmem>>, %arg12: memref<1x128xf32, #tpu.memory_space<vmem>>, %arg13: memref<1024x128xf32, #tpu.memory_space<vmem>>) attributes {dimension_semantics = [#tpu.dimension_semantics<arbitrary>], iteration_bounds = array<i64: 10>, scalar_prefetch = 0 : i64, scratch_operands = 0 : i64, tpu.core_type = #tpu.core_type<tc>, window_params = [{transform_indices = @transform_0, window_bounds = array<i64: 1024, 128>}, {transform_indices = @transform_1, window_bounds = array<i64: 1024, 128>}, {transform_indices = @transform_2, window_bounds = array<i64: 1024, 128>}, {transform_indices = @transform_3, window_bounds = array<i64: 1024, 128>}, {transform_indices = @transform_4, window_bounds = array<i64: 1024, 128>}, {pipeline_mode = #tpu.pipeline_mode<synchronous>, transform_indices = @transform_5, window_bounds = array<i64: 128, 128>}, {pipeline_mode = #tpu.pipeline_mode<synchronous>, transform_indices = @transform_6, window_bounds = array<i64: 128, 128>}, {pipeline_mode = #tpu.pipeline_mode<synchronous>, transform_indices = @transform_7, window_bounds = array<i64: 1, 128>}, {pipeline_mode = #tpu.pipeline_mode<synchronous>, transform_indices = @transform_8, window_bounds = array<i64: 128, 128>}, {pipeline_mode = #tpu.pipeline_mode<synchronous>, transform_indices = @transform_9, window_bounds = array<i64: 1, 128>}, {pipeline_mode = #tpu.pipeline_mode<synchronous>, transform_indices = @transform_10, window_bounds = array<i64: 1, 128>}, {pipeline_mode = #tpu.pipeline_mode<synchronous>, transform_indices = @transform_11, window_bounds = array<i64: 1, 128>}, {transform_indices = @transform_12, window_bounds = array<i64: 1024, 128>}]} {
    %get3A = arith.constant 0 : index
    %get3A_0 = arith.constant 0 : index
    %get3A_1 = vector.load %arg1[%get3A, %get3A_0] : memref<1024x128xf32, #tpu.memory_space<vmem>>, vector<1024x128xf32>
    %get3A_2 = arith.constant 0 : index
    %get3A_3 = arith.constant 0 : index
    %get3A_4 = vector.load %arg2[%get3A_2, %get3A_3] : memref<1024x128xf32, #tpu.memory_space<vmem>>, vector<1024x128xf32>
    %get3A_5 = arith.constant 0 : index
    %get3A_6 = arith.constant 0 : index
    %get3A_7 = vector.load %arg3[%get3A_5, %get3A_6] : memref<1024x128xf32, #tpu.memory_space<vmem>>, vector<1024x128xf32>
    %add3A = arith.addf %get3A_4, %get3A_7 : vector<1024x128xf32>
    %get3A_8 = arith.constant 0 : index
    %get3A_9 = arith.constant 0 : index
    %get3A_10 = vector.load %arg4[%get3A_8, %get3A_9] : memref<1024x128xf32, #tpu.memory_space<vmem>>, vector<1024x128xf32>
    %get3A_11 = arith.constant 0 : index
    %get3A_12 = arith.constant 0 : index
    %get3A_13 = vector.load %arg5[%get3A_11, %get3A_12] : memref<1024x128xf32, #tpu.memory_space<vmem>>, vector<1024x128xf32>
    %add3A_14 = arith.addf %get3A_10, %get3A_13 : vector<1024x128xf32>
    %add3A_15 = arith.addf %add3A, %add3A_14 : vector<1024x128xf32>
    %get3A_16 = arith.constant 0 : index
    %get3A_17 = arith.constant 0 : index
    %get3A_18 = vector.load %arg6[%get3A_16, %get3A_17] : memref<128x128xf32, #tpu.memory_space<vmem>>, vector<128x128xf32>
    %dot_general3A = arith.constant dense<0.000000e+00> : vector<1024x128xf32>
    %dot_general3A_19 = tpu.matmul %get3A_1, %get3A_18, %dot_general3A {dimension_numbers = #tpu.dot_dimension_numbers<[1], [0], [0], [1], [0, 0, 1, 1], [], []>, transpose_lhs_hint = false} : vector<1024x128xf32>, vector<128x128xf32>, vector<1024x128xf32> -> vector<1024x128xf32>
    %get3A_20 = arith.constant 0 : index
    %get3A_21 = arith.constant 0 : index
    %get3A_22 = vector.load %arg7[%get3A_20, %get3A_21] : memref<128x128xf32, #tpu.memory_space<vmem>>, vector<128x128xf32>
    %dot_general3A_23 = arith.constant dense<0.000000e+00> : vector<1024x128xf32>
    %dot_general3A_24 = tpu.matmul %add3A_15, %get3A_22, %dot_general3A_23 {dimension_numbers = #tpu.dot_dimension_numbers<[1], [0], [0], [1], [0, 0, 1, 1], [], []>, transpose_lhs_hint = false} : vector<1024x128xf32>, vector<128x128xf32>, vector<1024x128xf32> -> vector<1024x128xf32>
    %add3A_25 = arith.addf %dot_general3A_19, %dot_general3A_24 : vector<1024x128xf32>
    %get3A_26 = arith.constant 0 : index
    %get3A_27 = arith.constant 0 : index
    %get3A_28 = vector.load %arg8[%get3A_26, %get3A_27] : memref<1x128xf32, #tpu.memory_space<vmem>>, vector<1x128xf32>
    %add3A_29 = vector.broadcast %get3A_28 : vector<1x128xf32> to vector<1024x128xf32>
    %add3A_30 = arith.addf %add3A_25, %add3A_29 : vector<1024x128xf32>
    %max3A = arith.constant 0.000000e+00 : f32
    %max3A_31 = vector.broadcast %max3A : f32 to vector<1024x128xf32>
    %max3A_32 = arith.maximumf %add3A_30, %max3A_31 : vector<1024x128xf32>
    %get3A_33 = arith.constant 0 : index
    %get3A_34 = arith.constant 0 : index
    %get3A_35 = vector.load %arg9[%get3A_33, %get3A_34] : memref<128x128xf32, #tpu.memory_space<vmem>>, vector<128x128xf32>
    %dot_general3A_36 = arith.constant dense<0.000000e+00> : vector<1024x128xf32>
    %dot_general3A_37 = tpu.matmul %max3A_32, %get3A_35, %dot_general3A_36 {dimension_numbers = #tpu.dot_dimension_numbers<[1], [0], [0], [1], [0, 0, 1, 1], [], []>, transpose_lhs_hint = false} : vector<1024x128xf32>, vector<128x128xf32>, vector<1024x128xf32> -> vector<1024x128xf32>
    %get3A_38 = arith.constant 0 : index
    %get3A_39 = arith.constant 0 : index
    %get3A_40 = vector.load %arg10[%get3A_38, %get3A_39] : memref<1x128xf32, #tpu.memory_space<vmem>>, vector<1x128xf32>
    %add3A_41 = vector.broadcast %get3A_40 : vector<1x128xf32> to vector<1024x128xf32>
    %add3A_42 = arith.addf %dot_general3A_37, %add3A_41 : vector<1024x128xf32>
    %max3A_43 = arith.constant 0.000000e+00 : f32
    %max3A_44 = vector.broadcast %max3A_43 : f32 to vector<1024x128xf32>
    %max3A_45 = arith.maximumf %add3A_42, %max3A_44 : vector<1024x128xf32>
    %get3A_46 = arith.constant 0 : index
    %get3A_47 = arith.constant 0 : index
    %get3A_48 = vector.load %arg11[%get3A_46, %get3A_47] : memref<1x128xf32, #tpu.memory_space<vmem>>, vector<1x128xf32>
    %get3A_49 = arith.constant 0 : index
    %get3A_50 = arith.constant 0 : index
    %get3A_51 = vector.load %arg12[%get3A_49, %get3A_50] : memref<1x128xf32, #tpu.memory_space<vmem>>, vector<1x128xf32>
    %reduce_sum3A = arith.constant dense<0.000000e+00> : vector<1024xf32>
    %reduce_sum3A_52 = vector.multi_reduction <add>, %max3A_45, %reduce_sum3A [1] : vector<1024x128xf32> to vector<1024xf32>
    %broadcast_in_dim3A = vector.shape_cast %reduce_sum3A_52 : vector<1024xf32> to vector<1024x1xf32>
    %div3A = arith.constant 1.280000e+02 : f32
    %div3A_53 = vector.broadcast %div3A : f32 to vector<1024x1xf32>
    %div3A_54 = arith.divf %broadcast_in_dim3A, %div3A_53 : vector<1024x1xf32>
    %sub3A = vector.broadcast %div3A_54 : vector<1024x1xf32> to vector<1024x128xf32>
    %sub3A_55 = arith.subf %max3A_45, %sub3A : vector<1024x128xf32>
    %integer_pow3A = arith.mulf %sub3A_55, %sub3A_55 : vector<1024x128xf32>
    %reduce_sum3A_56 = arith.constant dense<0.000000e+00> : vector<1024xf32>
    %reduce_sum3A_57 = vector.multi_reduction <add>, %integer_pow3A, %reduce_sum3A_56 [1] : vector<1024x128xf32> to vector<1024xf32>
    %broadcast_in_dim3A_58 = vector.shape_cast %reduce_sum3A_57 : vector<1024xf32> to vector<1024x1xf32>
    %div3A_59 = arith.constant 1.280000e+02 : f32
    %div3A_60 = vector.broadcast %div3A_59 : f32 to vector<1024x1xf32>
    %div3A_61 = arith.divf %broadcast_in_dim3A_58, %div3A_60 : vector<1024x1xf32>
    %sub3A_62 = vector.broadcast %div3A_54 : vector<1024x1xf32> to vector<1024x128xf32>
    %sub3A_63 = arith.subf %max3A_45, %sub3A_62 : vector<1024x128xf32>
    %add3A_64 = arith.constant 9.99999974E-6 : f32
    %add3A_65 = vector.broadcast %add3A_64 : f32 to vector<1024x1xf32>
    %add3A_66 = arith.addf %div3A_61, %add3A_65 : vector<1024x1xf32>
    %sqrt3A = math.sqrt %add3A_66 : vector<1024x1xf32>
    %div3A_67 = vector.broadcast %sqrt3A : vector<1024x1xf32> to vector<1024x128xf32>
    %div3A_68 = arith.divf %sub3A_63, %div3A_67 : vector<1024x128xf32>
    %mul3A = vector.broadcast %get3A_48 : vector<1x128xf32> to vector<1024x128xf32>
    %mul3A_69 = arith.mulf %div3A_68, %mul3A : vector<1024x128xf32>
    %add3A_70 = vector.broadcast %get3A_51 : vector<1x128xf32> to vector<1024x128xf32>
    %add3A_71 = arith.addf %mul3A_69, %add3A_70 : vector<1024x128xf32>
    %add3A_72 = arith.addf %add3A_71, %get3A_1 : vector<1024x128xf32>
    %swap3A = arith.constant 0 : index
    %swap3A_73 = arith.constant 0 : index
    %swap3A_74 = vector.load %arg13[%swap3A, %swap3A_73] : memref<1024x128xf32, #tpu.memory_space<vmem>>, vector<1024x128xf32>
    tpu.vector_store %arg13[%swap3A, %swap3A_73], %add3A_72 {strides = array<i32>} : memref<1024x128xf32, #tpu.memory_space<vmem>>, vector<1024x128xf32>,
    return
  }
  func.func @transform_0(%arg0: i32) -> (i32, i32) {
    %add3A = arith.constant 0 : i32
    %add3A_0 = arith.addi %arg0, %add3A : i32
    %c0_i32 = arith.constant 0 : i32
    %c0_i32_1 = arith.constant 0 : i32
    return %add3A_0, %c0_i32 : i32, i32
  }
  func.func @transform_1(%arg0: i32) -> (i32, i32) {
    %add3A = arith.constant 0 : i32
    %add3A_0 = arith.addi %arg0, %add3A : i32
    %c0_i32 = arith.constant 0 : i32
    %c0_i32_1 = arith.constant 0 : i32
    return %add3A_0, %c0_i32 : i32, i32
  }
  func.func @transform_2(%arg0: i32) -> (i32, i32) {
    %add3A = arith.constant 0 : i32
    %add3A_0 = arith.addi %arg0, %add3A : i32
    %c0_i32 = arith.constant 0 : i32
    %c0_i32_1 = arith.constant 0 : i32
    return %add3A_0, %c0_i32 : i32, i32
  }
  func.func @transform_3(%arg0: i32) -> (i32, i32) {
    %add3A = arith.constant 0 : i32
    %add3A_0 = arith.addi %arg0, %add3A : i32
    %c0_i32 = arith.constant 0 : i32
    %c0_i32_1 = arith.constant 0 : i32
    return %add3A_0, %c0_i32 : i32, i32
  }
  func.func @transform_4(%arg0: i32) -> (i32, i32) {
    %add3A = arith.constant 0 : i32
    %add3A_0 = arith.addi %arg0, %add3A : i32
    %c0_i32 = arith.constant 0 : i32
    %c0_i32_1 = arith.constant 0 : i32
    return %add3A_0, %c0_i32 : i32, i32
  }
  func.func @transform_5(%arg0: i32) -> (i32, i32) {
    %c0_i32 = arith.constant 0 : i32
    %c0_i32_0 = arith.constant 0 : i32
    %c0_i32_1 = arith.constant 0 : i32
    return %c0_i32, %c0_i32_0 : i32, i32
  }
  func.func @transform_6(%arg0: i32) -> (i32, i32) {
    %c0_i32 = arith.constant 0 : i32
    %c0_i32_0 = arith.constant 0 : i32
    %c0_i32_1 = arith.constant 0 : i32
    return %c0_i32, %c0_i32_0 : i32, i32
  }
  func.func @transform_7(%arg0: i32) -> (i32, i32) {
    %c0_i32 = arith.constant 0 : i32
    %c0_i32_0 = arith.constant 0 : i32
    %c0_i32_1 = arith.constant 0 : i32
    return %c0_i32, %c0_i32_0 : i32, i32
  }
  func.func @transform_8(%arg0: i32) -> (i32, i32) {
    %c0_i32 = arith.constant 0 : i32
    %c0_i32_0 = arith.constant 0 : i32
    %c0_i32_1 = arith.constant 0 : i32
    return %c0_i32, %c0_i32_0 : i32, i32
  }
  func.func @transform_9(%arg0: i32) -> (i32, i32) {
    %c0_i32 = arith.constant 0 : i32
    %c0_i32_0 = arith.constant 0 : i32
    %c0_i32_1 = arith.constant 0 : i32
    return %c0_i32, %c0_i32_0 : i32, i32
  }
  func.func @transform_10(%arg0: i32) -> (i32, i32) {
    %c0_i32 = arith.constant 0 : i32
    %c0_i32_0 = arith.constant 0 : i32
    %c0_i32_1 = arith.constant 0 : i32
    return %c0_i32, %c0_i32_0 : i32, i32
  }
  func.func @transform_11(%arg0: i32) -> (i32, i32) {
    %c0_i32 = arith.constant 0 : i32
    %c0_i32_0 = arith.constant 0 : i32
    %c0_i32_1 = arith.constant 0 : i32
    return %c0_i32, %c0_i32_0 : i32, i32
  }
  func.func @transform_12(%arg0: i32) -> (i32, i32) {
    %add3A = arith.constant 0 : i32
    %add3A_0 = arith.addi %arg0, %add3A : i32
    %c0_i32 = arith.constant 0 : i32
    %c0_i32_1 = arith.constant 0 : i32
    return %add3A_0, %c0_i32 : i32, i32
  }
}

module attributes {stable_mosaic.version = 14 : i64} {
  func.func @_edge2_body(%arg0: i32, %arg1: memref<1024x128xf32, #tpu.memory_space<vmem>>, %arg2: memref<1024x128xf32, #tpu.memory_space<vmem>>, %arg3: memref<1024x128xbf16, #tpu.memory_space<vmem>>, %arg4: memref<128x128xf32, #tpu.memory_space<vmem>>, %arg5: memref<1x128xf32, #tpu.memory_space<vmem>>, %arg6: memref<128x128xf32, #tpu.memory_space<vmem>>, %arg7: memref<1x128xf32, #tpu.memory_space<vmem>>, %arg8: memref<1x128xf32, #tpu.memory_space<vmem>>, %arg9: memref<1x128xf32, #tpu.memory_space<vmem>>, %arg10: memref<1024x128xf32, #tpu.memory_space<vmem>>) attributes {dimension_semantics = [#tpu.dimension_semantics<arbitrary>], iteration_bounds = array<i64: 160>, scalar_prefetch = 0 : i64, scratch_operands = 0 : i64, tpu.core_type = #tpu.core_type<tc>, window_params = [{transform_indices = @transform_0, window_bounds = array<i64: 1024, 128>}, {transform_indices = @transform_1, window_bounds = array<i64: 1024, 128>}, {transform_indices = @transform_2, window_bounds = array<i64: 1024, 128>}, {pipeline_mode = #tpu.pipeline_mode<synchronous>, transform_indices = @transform_3, window_bounds = array<i64: 128, 128>}, {pipeline_mode = #tpu.pipeline_mode<synchronous>, transform_indices = @transform_4, window_bounds = array<i64: 1, 128>}, {pipeline_mode = #tpu.pipeline_mode<synchronous>, transform_indices = @transform_5, window_bounds = array<i64: 128, 128>}, {pipeline_mode = #tpu.pipeline_mode<synchronous>, transform_indices = @transform_6, window_bounds = array<i64: 1, 128>}, {pipeline_mode = #tpu.pipeline_mode<synchronous>, transform_indices = @transform_7, window_bounds = array<i64: 1, 128>}, {pipeline_mode = #tpu.pipeline_mode<synchronous>, transform_indices = @transform_8, window_bounds = array<i64: 1, 128>}, {transform_indices = @transform_9, window_bounds = array<i64: 1024, 128>}]} {
    %get3A = arith.constant 0 : index
    %get3A_0 = arith.constant 0 : index
    %get3A_1 = vector.load %arg3[%get3A, %get3A_0] : memref<1024x128xbf16, #tpu.memory_space<vmem>>, vector<1024x128xbf16>
    %convert_element_type3A = arith.extf %get3A_1 : vector<1024x128xbf16> to vector<1024x128xf32>
    %get3A_2 = arith.constant 0 : index
    %get3A_3 = arith.constant 0 : index
    %get3A_4 = vector.load %arg1[%get3A_2, %get3A_3] : memref<1024x128xf32, #tpu.memory_space<vmem>>, vector<1024x128xf32>
    %get3A_5 = arith.constant 0 : index
    %get3A_6 = arith.constant 0 : index
    %get3A_7 = vector.load %arg2[%get3A_5, %get3A_6] : memref<1024x128xf32, #tpu.memory_space<vmem>>, vector<1024x128xf32>
    %add3A = arith.addf %get3A_4, %get3A_7 : vector<1024x128xf32>
    %get3A_8 = arith.constant 0 : index
    %get3A_9 = arith.constant 0 : index
    %get3A_10 = vector.load %arg4[%get3A_8, %get3A_9] : memref<128x128xf32, #tpu.memory_space<vmem>>, vector<128x128xf32>
    %dot_general3A = arith.constant dense<0.000000e+00> : vector<1024x128xf32>
    %dot_general3A_11 = tpu.matmul %convert_element_type3A, %get3A_10, %dot_general3A {dimension_numbers = #tpu.dot_dimension_numbers<[1], [0], [0], [1], [0, 0, 1, 1], [], []>, transpose_lhs_hint = false} : vector<1024x128xf32>, vector<128x128xf32>, vector<1024x128xf32> -> vector<1024x128xf32>
    %add3A_12 = arith.addf %add3A, %dot_general3A_11 : vector<1024x128xf32>
    %get3A_13 = arith.constant 0 : index
    %get3A_14 = arith.constant 0 : index
    %get3A_15 = vector.load %arg5[%get3A_13, %get3A_14] : memref<1x128xf32, #tpu.memory_space<vmem>>, vector<1x128xf32>
    %add3A_16 = vector.broadcast %get3A_15 : vector<1x128xf32> to vector<1024x128xf32>
    %add3A_17 = arith.addf %add3A_12, %add3A_16 : vector<1024x128xf32>
    %max3A = arith.constant 0.000000e+00 : f32
    %max3A_18 = vector.broadcast %max3A : f32 to vector<1024x128xf32>
    %max3A_19 = arith.maximumf %add3A_17, %max3A_18 : vector<1024x128xf32>
    %get3A_20 = arith.constant 0 : index
    %get3A_21 = arith.constant 0 : index
    %get3A_22 = vector.load %arg6[%get3A_20, %get3A_21] : memref<128x128xf32, #tpu.memory_space<vmem>>, vector<128x128xf32>
    %dot_general3A_23 = arith.constant dense<0.000000e+00> : vector<1024x128xf32>
    %dot_general3A_24 = tpu.matmul %max3A_19, %get3A_22, %dot_general3A_23 {dimension_numbers = #tpu.dot_dimension_numbers<[1], [0], [0], [1], [0, 0, 1, 1], [], []>, transpose_lhs_hint = false} : vector<1024x128xf32>, vector<128x128xf32>, vector<1024x128xf32> -> vector<1024x128xf32>
    %get3A_25 = arith.constant 0 : index
    %get3A_26 = arith.constant 0 : index
    %get3A_27 = vector.load %arg7[%get3A_25, %get3A_26] : memref<1x128xf32, #tpu.memory_space<vmem>>, vector<1x128xf32>
    %add3A_28 = vector.broadcast %get3A_27 : vector<1x128xf32> to vector<1024x128xf32>
    %add3A_29 = arith.addf %dot_general3A_24, %add3A_28 : vector<1024x128xf32>
    %max3A_30 = arith.constant 0.000000e+00 : f32
    %max3A_31 = vector.broadcast %max3A_30 : f32 to vector<1024x128xf32>
    %max3A_32 = arith.maximumf %add3A_29, %max3A_31 : vector<1024x128xf32>
    %get3A_33 = arith.constant 0 : index
    %get3A_34 = arith.constant 0 : index
    %get3A_35 = vector.load %arg8[%get3A_33, %get3A_34] : memref<1x128xf32, #tpu.memory_space<vmem>>, vector<1x128xf32>
    %get3A_36 = arith.constant 0 : index
    %get3A_37 = arith.constant 0 : index
    %get3A_38 = vector.load %arg9[%get3A_36, %get3A_37] : memref<1x128xf32, #tpu.memory_space<vmem>>, vector<1x128xf32>
    %reduce_sum3A = arith.constant dense<0.000000e+00> : vector<1024xf32>
    %reduce_sum3A_39 = vector.multi_reduction <add>, %max3A_32, %reduce_sum3A [1] : vector<1024x128xf32> to vector<1024xf32>
    %broadcast_in_dim3A = vector.shape_cast %reduce_sum3A_39 : vector<1024xf32> to vector<1024x1xf32>
    %div3A = arith.constant 1.280000e+02 : f32
    %div3A_40 = vector.broadcast %div3A : f32 to vector<1024x1xf32>
    %div3A_41 = arith.divf %broadcast_in_dim3A, %div3A_40 : vector<1024x1xf32>
    %sub3A = vector.broadcast %div3A_41 : vector<1024x1xf32> to vector<1024x128xf32>
    %sub3A_42 = arith.subf %max3A_32, %sub3A : vector<1024x128xf32>
    %integer_pow3A = arith.mulf %sub3A_42, %sub3A_42 : vector<1024x128xf32>
    %reduce_sum3A_43 = arith.constant dense<0.000000e+00> : vector<1024xf32>
    %reduce_sum3A_44 = vector.multi_reduction <add>, %integer_pow3A, %reduce_sum3A_43 [1] : vector<1024x128xf32> to vector<1024xf32>
    %broadcast_in_dim3A_45 = vector.shape_cast %reduce_sum3A_44 : vector<1024xf32> to vector<1024x1xf32>
    %div3A_46 = arith.constant 1.280000e+02 : f32
    %div3A_47 = vector.broadcast %div3A_46 : f32 to vector<1024x1xf32>
    %div3A_48 = arith.divf %broadcast_in_dim3A_45, %div3A_47 : vector<1024x1xf32>
    %sub3A_49 = vector.broadcast %div3A_41 : vector<1024x1xf32> to vector<1024x128xf32>
    %sub3A_50 = arith.subf %max3A_32, %sub3A_49 : vector<1024x128xf32>
    %add3A_51 = arith.constant 9.99999974E-6 : f32
    %add3A_52 = vector.broadcast %add3A_51 : f32 to vector<1024x1xf32>
    %add3A_53 = arith.addf %div3A_48, %add3A_52 : vector<1024x1xf32>
    %sqrt3A = math.sqrt %add3A_53 : vector<1024x1xf32>
    %div3A_54 = vector.broadcast %sqrt3A : vector<1024x1xf32> to vector<1024x128xf32>
    %div3A_55 = arith.divf %sub3A_50, %div3A_54 : vector<1024x128xf32>
    %mul3A = vector.broadcast %get3A_35 : vector<1x128xf32> to vector<1024x128xf32>
    %mul3A_56 = arith.mulf %div3A_55, %mul3A : vector<1024x128xf32>
    %add3A_57 = vector.broadcast %get3A_38 : vector<1x128xf32> to vector<1024x128xf32>
    %add3A_58 = arith.addf %mul3A_56, %add3A_57 : vector<1024x128xf32>
    %add3A_59 = arith.constant 160 : i32
    %add3A_60 = arith.addi %arg0, %add3A_59 : i32
    %mul3A_61 = arith.constant 1024 : i32
    %mul3A_62 = arith.muli %add3A_60, %mul3A_61 : i32
    %iota3A = tpu.iota {dimensions = array<i32: 0>} : vector<1024x1xi32>
    %add3A_63 = vector.broadcast %mul3A_62 : i32 to vector<1024x1xi32>
    %add3A_64 = arith.addi %add3A_63, %iota3A : vector<1024x1xi32>
    %lt3A = arith.constant 320000 : i32
    %lt3A_65 = vector.broadcast %lt3A : i32 to vector<1024x1xi32>
    %lt3A_66 = arith.cmpi slt, %add3A_64, %lt3A_65 : vector<1024x1xi32>
    %jit3A = arith.constant 0.000000e+00 : f32
    %broadcast_in_dim3A_67 = vector.shape_cast %lt3A_66 : vector<1024x1xi1> to vector<1024x1xi1>
    %broadcast_in_dim3A_68 = vector.broadcast %broadcast_in_dim3A_67 : vector<1024x1xi1> to vector<1024x128xi1>
    %broadcast_in_dim3A_69 = vector.broadcast %jit3A : f32 to vector<1024x128xf32>
    %select_n3A = arith.select %broadcast_in_dim3A_68, %add3A_58, %broadcast_in_dim3A_69 : vector<1024x128xi1>, vector<1024x128xf32>
    %swap3A = arith.constant 0 : index
    %swap3A_70 = arith.constant 0 : index
    %swap3A_71 = vector.load %arg10[%swap3A, %swap3A_70] : memref<1024x128xf32, #tpu.memory_space<vmem>>, vector<1024x128xf32>
    tpu.vector_store %arg10[%swap3A, %swap3A_70], %select_n3A {strides = array<i32>} : memref<1024x128xf32, #tpu.memory_space<vmem>>, vector<1024x128xf32>,
    return
  }
  func.func @transform_0(%arg0: i32) -> (i32, i32) {
    %add3A = arith.constant 160 : i32
    %add3A_0 = arith.addi %arg0, %add3A : i32
    %c0_i32 = arith.constant 0 : i32
    %c0_i32_1 = arith.constant 0 : i32
    return %add3A_0, %c0_i32 : i32, i32
  }
  func.func @transform_1(%arg0: i32) -> (i32, i32) {
    %add3A = arith.constant 160 : i32
    %add3A_0 = arith.addi %arg0, %add3A : i32
    %c0_i32 = arith.constant 0 : i32
    %c0_i32_1 = arith.constant 0 : i32
    return %add3A_0, %c0_i32 : i32, i32
  }
  func.func @transform_2(%arg0: i32) -> (i32, i32) {
    %add3A = arith.constant 160 : i32
    %add3A_0 = arith.addi %arg0, %add3A : i32
    %c0_i32 = arith.constant 0 : i32
    %c0_i32_1 = arith.constant 0 : i32
    return %add3A_0, %c0_i32 : i32, i32
  }
  func.func @transform_3(%arg0: i32) -> (i32, i32) {
    %c0_i32 = arith.constant 0 : i32
    %c0_i32_0 = arith.constant 0 : i32
    %c0_i32_1 = arith.constant 0 : i32
    return %c0_i32, %c0_i32_0 : i32, i32
  }
  func.func @transform_4(%arg0: i32) -> (i32, i32) {
    %c0_i32 = arith.constant 0 : i32
    %c0_i32_0 = arith.constant 0 : i32
    %c0_i32_1 = arith.constant 0 : i32
    return %c0_i32, %c0_i32_0 : i32, i32
  }
  func.func @transform_5(%arg0: i32) -> (i32, i32) {
    %c0_i32 = arith.constant 0 : i32
    %c0_i32_0 = arith.constant 0 : i32
    %c0_i32_1 = arith.constant 0 : i32
    return %c0_i32, %c0_i32_0 : i32, i32
  }
  func.func @transform_6(%arg0: i32) -> (i32, i32) {
    %c0_i32 = arith.constant 0 : i32
    %c0_i32_0 = arith.constant 0 : i32
    %c0_i32_1 = arith.constant 0 : i32
    return %c0_i32, %c0_i32_0 : i32, i32
  }
  func.func @transform_7(%arg0: i32) -> (i32, i32) {
    %c0_i32 = arith.constant 0 : i32
    %c0_i32_0 = arith.constant 0 : i32
    %c0_i32_1 = arith.constant 0 : i32
    return %c0_i32, %c0_i32_0 : i32, i32
  }
  func.func @transform_8(%arg0: i32) -> (i32, i32) {
    %c0_i32 = arith.constant 0 : i32
    %c0_i32_0 = arith.constant 0 : i32
    %c0_i32_1 = arith.constant 0 : i32
    return %c0_i32, %c0_i32_0 : i32, i32
  }
  func.func @transform_9(%arg0: i32) -> (i32, i32) {
    %add3A = arith.constant 160 : i32
    %add3A_0 = arith.addi %arg0, %add3A : i32
    %c0_i32 = arith.constant 0 : i32
    %c0_i32_1 = arith.constant 0 : i32
    return %add3A_0, %c0_i32 : i32, i32
  }
}

module attributes {stable_mosaic.version = 14 : i64} {
  func.func @_edge2_body(%arg0: i32, %arg1: memref<1024x128xf32, #tpu.memory_space<vmem>>, %arg2: memref<1024x128xf32, #tpu.memory_space<vmem>>, %arg3: memref<1024x128xbf16, #tpu.memory_space<vmem>>, %arg4: memref<128x128xf32, #tpu.memory_space<vmem>>, %arg5: memref<1x128xf32, #tpu.memory_space<vmem>>, %arg6: memref<128x128xf32, #tpu.memory_space<vmem>>, %arg7: memref<1x128xf32, #tpu.memory_space<vmem>>, %arg8: memref<1x128xf32, #tpu.memory_space<vmem>>, %arg9: memref<1x128xf32, #tpu.memory_space<vmem>>, %arg10: memref<1024x128xf32, #tpu.memory_space<vmem>>) attributes {dimension_semantics = [#tpu.dimension_semantics<arbitrary>], iteration_bounds = array<i64: 160>, scalar_prefetch = 0 : i64, scratch_operands = 0 : i64, tpu.core_type = #tpu.core_type<tc>, window_params = [{transform_indices = @transform_0, window_bounds = array<i64: 1024, 128>}, {transform_indices = @transform_1, window_bounds = array<i64: 1024, 128>}, {transform_indices = @transform_2, window_bounds = array<i64: 1024, 128>}, {pipeline_mode = #tpu.pipeline_mode<synchronous>, transform_indices = @transform_3, window_bounds = array<i64: 128, 128>}, {pipeline_mode = #tpu.pipeline_mode<synchronous>, transform_indices = @transform_4, window_bounds = array<i64: 1, 128>}, {pipeline_mode = #tpu.pipeline_mode<synchronous>, transform_indices = @transform_5, window_bounds = array<i64: 128, 128>}, {pipeline_mode = #tpu.pipeline_mode<synchronous>, transform_indices = @transform_6, window_bounds = array<i64: 1, 128>}, {pipeline_mode = #tpu.pipeline_mode<synchronous>, transform_indices = @transform_7, window_bounds = array<i64: 1, 128>}, {pipeline_mode = #tpu.pipeline_mode<synchronous>, transform_indices = @transform_8, window_bounds = array<i64: 1, 128>}, {transform_indices = @transform_9, window_bounds = array<i64: 1024, 128>}]} {
    %get3A = arith.constant 0 : index
    %get3A_0 = arith.constant 0 : index
    %get3A_1 = vector.load %arg3[%get3A, %get3A_0] : memref<1024x128xbf16, #tpu.memory_space<vmem>>, vector<1024x128xbf16>
    %convert_element_type3A = arith.extf %get3A_1 : vector<1024x128xbf16> to vector<1024x128xf32>
    %get3A_2 = arith.constant 0 : index
    %get3A_3 = arith.constant 0 : index
    %get3A_4 = vector.load %arg1[%get3A_2, %get3A_3] : memref<1024x128xf32, #tpu.memory_space<vmem>>, vector<1024x128xf32>
    %get3A_5 = arith.constant 0 : index
    %get3A_6 = arith.constant 0 : index
    %get3A_7 = vector.load %arg2[%get3A_5, %get3A_6] : memref<1024x128xf32, #tpu.memory_space<vmem>>, vector<1024x128xf32>
    %add3A = arith.addf %get3A_4, %get3A_7 : vector<1024x128xf32>
    %get3A_8 = arith.constant 0 : index
    %get3A_9 = arith.constant 0 : index
    %get3A_10 = vector.load %arg4[%get3A_8, %get3A_9] : memref<128x128xf32, #tpu.memory_space<vmem>>, vector<128x128xf32>
    %dot_general3A = arith.constant dense<0.000000e+00> : vector<1024x128xf32>
    %dot_general3A_11 = tpu.matmul %convert_element_type3A, %get3A_10, %dot_general3A {dimension_numbers = #tpu.dot_dimension_numbers<[1], [0], [0], [1], [0, 0, 1, 1], [], []>, transpose_lhs_hint = false} : vector<1024x128xf32>, vector<128x128xf32>, vector<1024x128xf32> -> vector<1024x128xf32>
    %add3A_12 = arith.addf %add3A, %dot_general3A_11 : vector<1024x128xf32>
    %get3A_13 = arith.constant 0 : index
    %get3A_14 = arith.constant 0 : index
    %get3A_15 = vector.load %arg5[%get3A_13, %get3A_14] : memref<1x128xf32, #tpu.memory_space<vmem>>, vector<1x128xf32>
    %add3A_16 = vector.broadcast %get3A_15 : vector<1x128xf32> to vector<1024x128xf32>
    %add3A_17 = arith.addf %add3A_12, %add3A_16 : vector<1024x128xf32>
    %max3A = arith.constant 0.000000e+00 : f32
    %max3A_18 = vector.broadcast %max3A : f32 to vector<1024x128xf32>
    %max3A_19 = arith.maximumf %add3A_17, %max3A_18 : vector<1024x128xf32>
    %get3A_20 = arith.constant 0 : index
    %get3A_21 = arith.constant 0 : index
    %get3A_22 = vector.load %arg6[%get3A_20, %get3A_21] : memref<128x128xf32, #tpu.memory_space<vmem>>, vector<128x128xf32>
    %dot_general3A_23 = arith.constant dense<0.000000e+00> : vector<1024x128xf32>
    %dot_general3A_24 = tpu.matmul %max3A_19, %get3A_22, %dot_general3A_23 {dimension_numbers = #tpu.dot_dimension_numbers<[1], [0], [0], [1], [0, 0, 1, 1], [], []>, transpose_lhs_hint = false} : vector<1024x128xf32>, vector<128x128xf32>, vector<1024x128xf32> -> vector<1024x128xf32>
    %get3A_25 = arith.constant 0 : index
    %get3A_26 = arith.constant 0 : index
    %get3A_27 = vector.load %arg7[%get3A_25, %get3A_26] : memref<1x128xf32, #tpu.memory_space<vmem>>, vector<1x128xf32>
    %add3A_28 = vector.broadcast %get3A_27 : vector<1x128xf32> to vector<1024x128xf32>
    %add3A_29 = arith.addf %dot_general3A_24, %add3A_28 : vector<1024x128xf32>
    %max3A_30 = arith.constant 0.000000e+00 : f32
    %max3A_31 = vector.broadcast %max3A_30 : f32 to vector<1024x128xf32>
    %max3A_32 = arith.maximumf %add3A_29, %max3A_31 : vector<1024x128xf32>
    %get3A_33 = arith.constant 0 : index
    %get3A_34 = arith.constant 0 : index
    %get3A_35 = vector.load %arg8[%get3A_33, %get3A_34] : memref<1x128xf32, #tpu.memory_space<vmem>>, vector<1x128xf32>
    %get3A_36 = arith.constant 0 : index
    %get3A_37 = arith.constant 0 : index
    %get3A_38 = vector.load %arg9[%get3A_36, %get3A_37] : memref<1x128xf32, #tpu.memory_space<vmem>>, vector<1x128xf32>
    %reduce_sum3A = arith.constant dense<0.000000e+00> : vector<1024xf32>
    %reduce_sum3A_39 = vector.multi_reduction <add>, %max3A_32, %reduce_sum3A [1] : vector<1024x128xf32> to vector<1024xf32>
    %broadcast_in_dim3A = vector.shape_cast %reduce_sum3A_39 : vector<1024xf32> to vector<1024x1xf32>
    %div3A = arith.constant 1.280000e+02 : f32
    %div3A_40 = vector.broadcast %div3A : f32 to vector<1024x1xf32>
    %div3A_41 = arith.divf %broadcast_in_dim3A, %div3A_40 : vector<1024x1xf32>
    %sub3A = vector.broadcast %div3A_41 : vector<1024x1xf32> to vector<1024x128xf32>
    %sub3A_42 = arith.subf %max3A_32, %sub3A : vector<1024x128xf32>
    %integer_pow3A = arith.mulf %sub3A_42, %sub3A_42 : vector<1024x128xf32>
    %reduce_sum3A_43 = arith.constant dense<0.000000e+00> : vector<1024xf32>
    %reduce_sum3A_44 = vector.multi_reduction <add>, %integer_pow3A, %reduce_sum3A_43 [1] : vector<1024x128xf32> to vector<1024xf32>
    %broadcast_in_dim3A_45 = vector.shape_cast %reduce_sum3A_44 : vector<1024xf32> to vector<1024x1xf32>
    %div3A_46 = arith.constant 1.280000e+02 : f32
    %div3A_47 = vector.broadcast %div3A_46 : f32 to vector<1024x1xf32>
    %div3A_48 = arith.divf %broadcast_in_dim3A_45, %div3A_47 : vector<1024x1xf32>
    %sub3A_49 = vector.broadcast %div3A_41 : vector<1024x1xf32> to vector<1024x128xf32>
    %sub3A_50 = arith.subf %max3A_32, %sub3A_49 : vector<1024x128xf32>
    %add3A_51 = arith.constant 9.99999974E-6 : f32
    %add3A_52 = vector.broadcast %add3A_51 : f32 to vector<1024x1xf32>
    %add3A_53 = arith.addf %div3A_48, %add3A_52 : vector<1024x1xf32>
    %sqrt3A = math.sqrt %add3A_53 : vector<1024x1xf32>
    %div3A_54 = vector.broadcast %sqrt3A : vector<1024x1xf32> to vector<1024x128xf32>
    %div3A_55 = arith.divf %sub3A_50, %div3A_54 : vector<1024x128xf32>
    %mul3A = vector.broadcast %get3A_35 : vector<1x128xf32> to vector<1024x128xf32>
    %mul3A_56 = arith.mulf %div3A_55, %mul3A : vector<1024x128xf32>
    %add3A_57 = vector.broadcast %get3A_38 : vector<1x128xf32> to vector<1024x128xf32>
    %add3A_58 = arith.addf %mul3A_56, %add3A_57 : vector<1024x128xf32>
    %add3A_59 = arith.constant 0 : i32
    %add3A_60 = arith.addi %arg0, %add3A_59 : i32
    %mul3A_61 = arith.constant 1024 : i32
    %mul3A_62 = arith.muli %add3A_60, %mul3A_61 : i32
    %iota3A = tpu.iota {dimensions = array<i32: 0>} : vector<1024x1xi32>
    %add3A_63 = vector.broadcast %mul3A_62 : i32 to vector<1024x1xi32>
    %add3A_64 = arith.addi %add3A_63, %iota3A : vector<1024x1xi32>
    %lt3A = arith.constant 320000 : i32
    %lt3A_65 = vector.broadcast %lt3A : i32 to vector<1024x1xi32>
    %lt3A_66 = arith.cmpi slt, %add3A_64, %lt3A_65 : vector<1024x1xi32>
    %jit3A = arith.constant 0.000000e+00 : f32
    %broadcast_in_dim3A_67 = vector.shape_cast %lt3A_66 : vector<1024x1xi1> to vector<1024x1xi1>
    %broadcast_in_dim3A_68 = vector.broadcast %broadcast_in_dim3A_67 : vector<1024x1xi1> to vector<1024x128xi1>
    %broadcast_in_dim3A_69 = vector.broadcast %jit3A : f32 to vector<1024x128xf32>
    %select_n3A = arith.select %broadcast_in_dim3A_68, %add3A_58, %broadcast_in_dim3A_69 : vector<1024x128xi1>, vector<1024x128xf32>
    %swap3A = arith.constant 0 : index
    %swap3A_70 = arith.constant 0 : index
    %swap3A_71 = vector.load %arg10[%swap3A, %swap3A_70] : memref<1024x128xf32, #tpu.memory_space<vmem>>, vector<1024x128xf32>
    tpu.vector_store %arg10[%swap3A, %swap3A_70], %select_n3A {strides = array<i32>} : memref<1024x128xf32, #tpu.memory_space<vmem>>, vector<1024x128xf32>,
    return
  }
  func.func @transform_0(%arg0: i32) -> (i32, i32) {
    %add3A = arith.constant 0 : i32
    %add3A_0 = arith.addi %arg0, %add3A : i32
    %c0_i32 = arith.constant 0 : i32
    %c0_i32_1 = arith.constant 0 : i32
    return %add3A_0, %c0_i32 : i32, i32
  }
  func.func @transform_1(%arg0: i32) -> (i32, i32) {
    %add3A = arith.constant 0 : i32
    %add3A_0 = arith.addi %arg0, %add3A : i32
    %c0_i32 = arith.constant 0 : i32
    %c0_i32_1 = arith.constant 0 : i32
    return %add3A_0, %c0_i32 : i32, i32
  }
  func.func @transform_2(%arg0: i32) -> (i32, i32) {
    %add3A = arith.constant 0 : i32
    %add3A_0 = arith.addi %arg0, %add3A : i32
    %c0_i32 = arith.constant 0 : i32
    %c0_i32_1 = arith.constant 0 : i32
    return %add3A_0, %c0_i32 : i32, i32
  }
  func.func @transform_3(%arg0: i32) -> (i32, i32) {
    %c0_i32 = arith.constant 0 : i32
    %c0_i32_0 = arith.constant 0 : i32
    %c0_i32_1 = arith.constant 0 : i32
    return %c0_i32, %c0_i32_0 : i32, i32
  }
  func.func @transform_4(%arg0: i32) -> (i32, i32) {
    %c0_i32 = arith.constant 0 : i32
    %c0_i32_0 = arith.constant 0 : i32
    %c0_i32_1 = arith.constant 0 : i32
    return %c0_i32, %c0_i32_0 : i32, i32
  }
  func.func @transform_5(%arg0: i32) -> (i32, i32) {
    %c0_i32 = arith.constant 0 : i32
    %c0_i32_0 = arith.constant 0 : i32
    %c0_i32_1 = arith.constant 0 : i32
    return %c0_i32, %c0_i32_0 : i32, i32
  }
  func.func @transform_6(%arg0: i32) -> (i32, i32) {
    %c0_i32 = arith.constant 0 : i32
    %c0_i32_0 = arith.constant 0 : i32
    %c0_i32_1 = arith.constant 0 : i32
    return %c0_i32, %c0_i32_0 : i32, i32
  }
  func.func @transform_7(%arg0: i32) -> (i32, i32) {
    %c0_i32 = arith.constant 0 : i32
    %c0_i32_0 = arith.constant 0 : i32
    %c0_i32_1 = arith.constant 0 : i32
    return %c0_i32, %c0_i32_0 : i32, i32
  }
  func.func @transform_8(%arg0: i32) -> (i32, i32) {
    %c0_i32 = arith.constant 0 : i32
    %c0_i32_0 = arith.constant 0 : i32
    %c0_i32_1 = arith.constant 0 : i32
    return %c0_i32, %c0_i32_0 : i32, i32
  }
  func.func @transform_9(%arg0: i32) -> (i32, i32) {
    %add3A = arith.constant 0 : i32
    %add3A_0 = arith.addi %arg0, %add3A : i32
    %c0_i32 = arith.constant 0 : i32
    %c0_i32_1 = arith.constant 0 : i32
    return %add3A_0, %c0_i32 : i32, i32
  }
}

module attributes {stable_mosaic.version = 14 : i64} {
  func.func @_dec_body(%arg0: i32, %arg1: memref<1000x128xf32, #tpu.memory_space<vmem>>, %arg2: memref<128x8xf32, #tpu.memory_space<vmem>>, %arg3: memref<1x8xf32, #tpu.memory_space<vmem>>, %arg4: memref<8x5xf32, #tpu.memory_space<vmem>>, %arg5: memref<1x5xf32, #tpu.memory_space<vmem>>, %arg6: memref<1000x5xf32, #tpu.memory_space<vmem>>) attributes {dimension_semantics = [#tpu.dimension_semantics<arbitrary>], iteration_bounds = array<i64: 10>, scalar_prefetch = 0 : i64, scratch_operands = 0 : i64, tpu.core_type = #tpu.core_type<tc>, window_params = [{transform_indices = @transform_0, window_bounds = array<i64: 1000, 128>}, {pipeline_mode = #tpu.pipeline_mode<synchronous>, transform_indices = @transform_1, window_bounds = array<i64: 128, 8>}, {pipeline_mode = #tpu.pipeline_mode<synchronous>, transform_indices = @transform_2, window_bounds = array<i64: 1, 8>}, {pipeline_mode = #tpu.pipeline_mode<synchronous>, transform_indices = @transform_3, window_bounds = array<i64: 8, 5>}, {pipeline_mode = #tpu.pipeline_mode<synchronous>, transform_indices = @transform_4, window_bounds = array<i64: 1, 5>}, {transform_indices = @transform_5, window_bounds = array<i64: 1000, 5>}]} {
    %get3A = arith.constant 0 : index
    %get3A_0 = arith.constant 0 : index
    %get3A_1 = vector.load %arg1[%get3A, %get3A_0] : memref<1000x128xf32, #tpu.memory_space<vmem>>, vector<1000x128xf32>
    %get3A_2 = arith.constant 0 : index
    %get3A_3 = arith.constant 0 : index
    %get3A_4 = vector.load %arg2[%get3A_2, %get3A_3] : memref<128x8xf32, #tpu.memory_space<vmem>>, vector<128x8xf32>
    %dot_general3A = arith.constant dense<0.000000e+00> : vector<1000x8xf32>
    %dot_general3A_5 = tpu.matmul %get3A_1, %get3A_4, %dot_general3A {dimension_numbers = #tpu.dot_dimension_numbers<[1], [0], [0], [1], [0, 0, 1, 1], [], []>, transpose_lhs_hint = false} : vector<1000x128xf32>, vector<128x8xf32>, vector<1000x8xf32> -> vector<1000x8xf32>
    %get3A_6 = arith.constant 0 : index
    %get3A_7 = arith.constant 0 : index
    %get3A_8 = vector.load %arg3[%get3A_6, %get3A_7] : memref<1x8xf32, #tpu.memory_space<vmem>>, vector<1x8xf32>
    %add3A = vector.broadcast %get3A_8 : vector<1x8xf32> to vector<1000x8xf32>
    %add3A_9 = arith.addf %dot_general3A_5, %add3A : vector<1000x8xf32>
    %logistic3A = arith.negf %add3A_9 : vector<1000x8xf32>
    %logistic3A_10 = math.exp %logistic3A : vector<1000x8xf32>
    %logistic3A_11 = arith.constant 1.000000e+00 : f32
    %logistic3A_12 = vector.broadcast %logistic3A_11 : f32 to vector<1000x8xf32>
    %logistic3A_13 = arith.addf %logistic3A_12, %logistic3A_10 : vector<1000x8xf32>
    %logistic3A_14 = arith.divf %logistic3A_12, %logistic3A_13 : vector<1000x8xf32>
    %mul3A = arith.mulf %add3A_9, %logistic3A_14 : vector<1000x8xf32>
    %get3A_15 = arith.constant 0 : index
    %get3A_16 = arith.constant 0 : index
    %get3A_17 = vector.load %arg4[%get3A_15, %get3A_16] : memref<8x5xf32, #tpu.memory_space<vmem>>, vector<8x5xf32>
    %dot_general3A_18 = arith.constant dense<0.000000e+00> : vector<1000x5xf32>
    %dot_general3A_19 = tpu.matmul %mul3A, %get3A_17, %dot_general3A_18 {dimension_numbers = #tpu.dot_dimension_numbers<[1], [0], [0], [1], [0, 0, 1, 1], [], []>, transpose_lhs_hint = false} : vector<1000x8xf32>, vector<8x5xf32>, vector<1000x5xf32> -> vector<1000x5xf32>
    %get3A_20 = arith.constant 0 : index
    %get3A_21 = arith.constant 0 : index
    %get3A_22 = vector.load %arg5[%get3A_20, %get3A_21] : memref<1x5xf32, #tpu.memory_space<vmem>>, vector<1x5xf32>
    %add3A_23 = vector.broadcast %get3A_22 : vector<1x5xf32> to vector<1000x5xf32>
    %add3A_24 = arith.addf %dot_general3A_19, %add3A_23 : vector<1000x5xf32>
    %iota3A = tpu.iota {dimensions = array<i32: 1>} : vector<1x5xi32>
    %convert_element_type3A = arith.sitofp %iota3A : vector<1x5xi32> to vector<1x5xf32>
    %add3A_25 = arith.constant 1.000000e+00 : f32
    %add3A_26 = vector.broadcast %add3A_25 : f32 to vector<1x5xf32>
    %add3A_27 = arith.addf %convert_element_type3A, %add3A_26 : vector<1x5xf32>
    %mul3A_28 = vector.broadcast %add3A_27 : vector<1x5xf32> to vector<1000x5xf32>
    %mul3A_29 = arith.mulf %add3A_24, %mul3A_28 : vector<1000x5xf32>
    %swap3A = arith.constant 0 : index
    %swap3A_30 = arith.constant 0 : index
    %swap3A_31 = vector.load %arg6[%swap3A, %swap3A_30] : memref<1000x5xf32, #tpu.memory_space<vmem>>, vector<1000x5xf32>
    tpu.vector_store %arg6[%swap3A, %swap3A_30], %mul3A_29 {strides = array<i32>} : memref<1000x5xf32, #tpu.memory_space<vmem>>, vector<1000x5xf32>,
    return
  }
  func.func @transform_0(%arg0: i32) -> (i32, i32) {
    %add3A = arith.constant 0 : i32
    %add3A_0 = arith.addi %arg0, %add3A : i32
    %c0_i32 = arith.constant 0 : i32
    %c0_i32_1 = arith.constant 0 : i32
    return %add3A_0, %c0_i32 : i32, i32
  }
  func.func @transform_1(%arg0: i32) -> (i32, i32) {
    %c0_i32 = arith.constant 0 : i32
    %c0_i32_0 = arith.constant 0 : i32
    %c0_i32_1 = arith.constant 0 : i32
    return %c0_i32, %c0_i32_0 : i32, i32
  }
  func.func @transform_2(%arg0: i32) -> (i32, i32) {
    %c0_i32 = arith.constant 0 : i32
    %c0_i32_0 = arith.constant 0 : i32
    %c0_i32_1 = arith.constant 0 : i32
    return %c0_i32, %c0_i32_0 : i32, i32
  }
  func.func @transform_3(%arg0: i32) -> (i32, i32) {
    %c0_i32 = arith.constant 0 : i32
    %c0_i32_0 = arith.constant 0 : i32
    %c0_i32_1 = arith.constant 0 : i32
    return %c0_i32, %c0_i32_0 : i32, i32
  }
  func.func @transform_4(%arg0: i32) -> (i32, i32) {
    %c0_i32 = arith.constant 0 : i32
    %c0_i32_0 = arith.constant 0 : i32
    %c0_i32_1 = arith.constant 0 : i32
    return %c0_i32, %c0_i32_0 : i32, i32
  }
  func.func @transform_5(%arg0: i32) -> (i32, i32) {
    %add3A = arith.constant 0 : i32
    %add3A_0 = arith.addi %arg0, %add3A : i32
    %c0_i32 = arith.constant 0 : i32
    %c0_i32_1 = arith.constant 0 : i32
    return %add3A_0, %c0_i32 : i32, i32
  }
}

</mosaic_0001>

<sc_bundles>
// kernel: kernel.21.cloned.1.call-start
scs
__scs_entry_jumppad:
0x0: {  	(pc) =	sbr.rel $0x88, $3  }
0x1: {  	(tag) =	ssettag $0x0;
	lr =	simm.s32 $0x1  }
0x2: {  	[smem:$0x3F75] =	sst lr;
	_ =	strace $0xD0000000  }
0x3: {  	_ = 	snop  }
0x4: {  	_ = 	snop  }
0x5: {  	_ = 	snop  }
0x6: {  	_ = 	snop  }
0x7: {  	_ = 	snop  }
__scs_overlays_trampoline_lowered:
0x8: {  	[smem:$0x3F84] =	sst s0  }
0x9: {  	[smem:$0x3F85] =	sst s1  }
0xa: {  	[smem:$0x3F86] =	sst s2  }
0xb: {  	[smem:$0x3F87] =	sst s3  }
0xc: {  	[smem:$0x3F88] =	sst s4  }
0xd: {  	[smem:$0x3F89] =	sst s5  }
0xe: {  	[smem:$0x3F8A] =	sst s6  }
0xf: {  	[smem:$0x3F8B] =	sst s7  }
0x10: {  	[smem:$0x3F8C] =	sst s8  }
0x11: {  	[smem:$0x3F8D] =	sst s9;
	s0 =	simm.s32 @!p0 $0x0  }
0x12: {  	s1 =	sld [smem:$0x3F73];
	s0 =	simm.s32 @p0 $0x1  }
0x13: {  	[smem:$0x3F8E] =	sst s0;
	s0 =	simm.s32 @!p1 $0x0  }
0x14: {  	s2 =	sld [smem:$0x3F72];
	s0 =	simm.s32 @p1 $0x1  }
0x15: {  	[smem:$0x3F8F] =	sst s0;
	s0 =	simm.s32 @!p2 $0x0  }
0x16: {  	s3 =	sld [smem:$0x3FDB];
	s0 =	simm.s32 @p2 $0x1  }
0x17: {  	s4 =	simm.s32 $0x1BF5;
	[smem:$0x3F91] =	sst s0  }
0x18: {  	s0 =	sld [smem:$0x3F74];
	_ =	swait.ge [sflag:s4], $0x0  }
0x19: {  	s7 =	sld [smem:$0x3F75]  }
0x1a: {  	s8 =	sadd.s32 $0xFFFFE003, lr  }
0x1b: {  	s9 =	sadd.s32 $0xFFFFFEF7, lr;
	s5 =	simm.s32 $0xFFFFFFFF;
	p2 =	slt.u32 s8, $0xFFFFF086  }
0x1c: {  	p1 =	slt.u32 s9, $0xF7A;
	s5 =	simm.s32 @!p2 $0x0  }
0x1d: {  	s5 =	simm.s32 @p1 $0x1;
	p0 =	seq.s32 s7, s2  }
0x1e: {  	s7 =	smul.u32 @!p0 $0xF7A, s2;
	p2 =	seq.s32 @!p0 s5, $0x0  }
0x1f: {  	s9 =	smul.u32 $0xF7A, s1;
	s8 =	simm.s32 @!p0 $0x1BF5;
	p2 =	por !p2, p0  }
0x20: {  	[sflag:s8] =	ssyncset.s32 @!p0 $0xFFFFF086;
	s6 =	sadd.s32 @!p0 s3, s7;
	s7 =	simm.s32 @!p0 $0x108  }
0x21: {  	s3 =	sadd.s32 s3, s9;
	s6 =	sadd.s32 @!p0 $0x88, s6;
	s7 =	simm.s32 @p2 $0x1082  }
0x22: {  	[simem:s7], [sflag:s8] =	dma.local @!p0 [hbm:s6], $0xF7A  }
0x23: {  	s9 =	sor.u32 $0xD0000000, s2;
	s6 =	simm.s32 $0x108;
	_ =	swait.ge @!p0 [sflag:s8], $0x0  }
0x24: {  	s3 =	sadd.s32 $0x88, s3;
	s6 =	simm.s32 @!p1 $0x1082;
	[sflag:s4] =	ssyncset.s32 $0xFFFFF086  }
0x25: {  	[simem:s6], [sflag:s4] =	dma.local [hbm:s3], $0xF7A  }
0x26: {  	[smem:$0x3F75] =	sst s1;
	(tag) =	ssettag s2;
	_ =	strace s9  }
0x27: {  	s1 =	sld [smem:$0x3F85]  }
0x28: {  	s2 =	sld [smem:$0x3F86]  }
0x29: {  	s4 =	sld [smem:$0x3F88]  }
0x2a: {  	p0 =	seq.s32 s5, $0x0;
	s5 =	sld [smem:$0x3F89]  }
0x2b: {  	s6 =	sld [smem:$0x3F8A]  }
0x2c: {  	s7 =	sld [smem:$0x3F8B]  }
0x2d: {  	s3 =	simm.s32 $0x108;
	s8 =	sld [smem:$0x3F8C]  }
0x2e: {  	s3 =	simm.s32 @!p0 $0x1082;
	s9 =	sld [smem:$0x3F8D]  }
0x2f: {  	lr =	sadd.s32 s0, s3;
	s0 =	sld [smem:$0x3F84]  }
0x30: {  	s3 =	sld [smem:$0x3F87]  }
0x31: {  	[smem:$0x3F90] =	sst s10  }
0x32: {  	s10 =	sld [smem:$0x3F8E];
	_ =	sdelay $0x3  }
0x33: {  	p0 =	seq.s32 s10, $0x1;
	s10 =	sld [smem:$0x3F90];
	_ =	sdelay $0x3  }
0x34: {  	[smem:$0x3F90] =	sst s10  }
0x35: {  	s10 =	sld [smem:$0x3F8F];
	_ =	sdelay $0x3  }
0x36: {  	p1 =	seq.s32 s10, $0x1;
	s10 =	sld [smem:$0x3F90];
	_ =	sdelay $0x3  }
0x37: {  	[smem:$0x3F90] =	sst s10  }
0x38: {  	s10 =	sld [smem:$0x3F91]  }
0x39: {  	_ = 	snop;
	(pc) =	sbr.ind lr, $3  }
0x3a: {  	_ = 	snop  }
0x3b: {  	_ = 	snop  }
0x3c: {  	p2 =	seq.s32 s10, $0x1;
	s10 =	sld [smem:$0x3F90]  }
0x3d: {  	_ =	shalt  }
0x3e: {  	_ =	shalt  }
0x3f: {  	_ =	shalt  }
0x40: {  	_ =	shalt  }
0x41: {  	_ =	shalt  }
0x42: {  	_ =	shalt  }
0x43: {  	_ =	shalt  }
0x44: {  	_ =	shalt  }
0x45: {  	_ =	shalt  }
0x46: {  	_ =	shalt  }
0x47: {  	_ =	shalt  }
0x48: {  	_ =	shalt  }
0x49: {  	_ =	shalt  }
0x4a: {  	_ =	shalt  }
0x4b: {  	_ =	shalt  }
0x4c: {  	_ =	shalt  }
0x4d: {  	_ =	shalt  }
0x4e: {  	_ =	shalt  }
0x4f: {  	_ =	shalt  }
0x50: {  	_ =	shalt  }
0x51: {  	_ =	shalt  }
0x52: {  	_ =	shalt  }
0x53: {  	_ =	shalt  }
0x54: {  	_ =	shalt  }
0x55: {  	_ =	shalt  }
0x56: {  	_ =	shalt  }
0x57: {  	_ =	shalt  }
0x58: {  	_ =	shalt  }
0x59: {  	_ =	shalt  }
0x5a: {  	_ =	shalt  }
0x5b: {  	_ =	shalt  }
0x5c: {  	_ =	shalt  }
0x5d: {  	_ =	shalt  }
0x5e: {  	_ =	shalt  }
0x5f: {  	_ =	shalt  }
0x60: {  	_ =	shalt  }
0x61: {  	_ =	shalt  }
0x62: {  	_ =	shalt  }
0x63: {  	_ =	shalt  }
0x64: {  	_ =	shalt  }
0x65: {  	_ =	shalt  }
0x66: {  	_ =	shalt  }
0x67: {  	_ =	shalt  }
0x68: {  	_ =	shalt  }
0x69: {  	_ =	shalt  }
0x6a: {  	_ =	shalt  }
0x6b: {  	_ =	shalt  }
0x6c: {  	_ =	shalt  }
0x6d: {  	_ =	shalt  }
0x6e: {  	_ =	shalt  }
0x6f: {  	_ =	shalt  }
0x70: {  	_ =	shalt  }
0x71: {  	_ =	shalt  }
0x72: {  	_ =	shalt  }
0x73: {  	_ =	shalt  }
0x74: {  	_ =	shalt  }
0x75: {  	_ =	shalt  }
0x76: {  	_ =	shalt  }
0x77: {  	_ =	shalt  }
0x78: {  	_ =	shalt  }
0x79: {  	_ =	shalt  }
0x7a: {  	_ =	shalt  }
0x7b: {  	_ =	shalt  }
0x7c: {  	_ =	shalt  }
0x7d: {  	_ =	shalt  }
0x7e: {  	_ =	shalt  }
0x7f: {  	_ =	shalt  }
0x80: {  	_ =	shalt  }
0x81: {  	_ =	shalt  }
0x82: {  	_ =	shalt  }
0x83: {  	_ =	shalt  }
0x84: {  	_ =	shalt  }
0x85: {  	_ =	shalt  }
0x86: {  	_ =	shalt  }
0x87: {  	_ =	shalt  }
.Lfunc_end0:
.L_simem_size_0:
called_computation_lowered:
.L_overlay_start_0:
0x88: {  	s2 =	sld [smem:$0x3FD9]  }
0x89: {  	s3 =	sld [smem:$0x3FFE];
	_ =	sdelay $0x1  }
0x8a: {  	s1 =	srdreg.scid  }
0x8b: {  	s0 =	sand.u32 $0x1, s1  }
0x8c: {  	s17 =	sshll.u32 s0, $0xA;
	s2 =	sadd.s32 s3, s2  }
0x8d: {  	s2 =	sadd.s32 s2, s17  }
0x8e: {  	[smem:$0x3F9C] =	sst s2  }
0x8f: {  	_ = 	snop  }
0x90: {  	(tm) =	ssettm $0x1  }
0x91: {  	s18 =	sld [smem:$0x3FFB];
	_ =	sdelay $0x3  }
0x92: {  	_ =	strace s18  }
0x93: {  	s2 =	sld [smem:$0x3FFC];
	_ =	sdelay $0x3  }
0x94: {  	_ =	strace s2  }
0x95: {  	s2 =	sld [smem:$0x3FFD];
	_ =	sdelay $0x3  }
0x96: {  	_ =	strace s2  }
0x97: {  	_ =	strace $0x8FFFFFFF  }
0x98: {  	s19 =	sld [smem:$0x3FDB];
	_ =	sdelay $0x1  }
0x99: {  	s20 =	simm.s32 $_scs_section_size  }
0x9a: {  	s4 =	simm.s32 $_size__tile_overlayer_lowered;
	s5 =	simm.s32 $_tile_overlayer_lowered  }
0x9b: {  	s6 =	simm.s32 $0x1BFF;
	s21 =	sshll.u32 s5, $0x1;
	s3 =	sadd.s32 s20, s19  }
0x9c: {  	s22 =	simm.s32 $0x0;
	s4 =	sshll.u32 s4, $0x1;
	s5 =	sadd.s32 s21, s3  }
0x9d: {  	[timem:s22], [sflag:s6] =	dma.local [hbm:s5], s4  }
0x9e: {  	_ =	swait.ge [sflag:s6], s4  }
0x9f: {  	s4 =	ssub.s32 $0x0, s4;
	[sflag:s6] =	ssyncset.done $0x0  }
0xa0: {  	[sflag:s6] =	ssyncadd.s32 s4;
	_ =	sdelay $0x1  }
0xa1: {  	s23 =	simm.s32 $0x1B8B  }
0xa2: {  	_ =	swait.ge [sflag:s23], $0x1  }
0xa3: {  	[sflag:s23] =	ssyncset.done $0x0  }
0xa4: {  	[sflag:s23] =	ssyncadd.s32 $0xFFFFFFFF  }
0xa5: {  	s4 =	sld [smem:$0x0]  }
0xa6: {  	s5 =	sand.u32 $0xFFFFFFFE, s1  }
0xa7: {  	p0 =	sne.s32 s1, s5  }
0xa8: {  	s5 =	sshll.u32 @p0 s5, $0xE  }
0xa9: {  	s5 =	sadd.s32 @p0 $0x11B8D, s5;
	s6 =	sshll.u32 @p0 s4, $0x11  }
0xaa: {  	s5 =	sor.u32 @p0 s6, s5  }
0xab: {  	[sflag:s5] =	ssyncadd.remote.s32 @p0 $0x1;
	_ =	sdelay $0x1  }
0xac: {  	s5 =	simm.s32 @p0 $0x1B8D  }
0xad: {  	_ =	swait.eq @p0 [sflag:s5], $0x1  }
0xae: {  	[sflag:s5] =	ssyncadd.s32 @p0 $0xFFFFFFFF  }
0xaf: {  	s6 =	sshll.u32 @!p0 s1, $0xE  }
0xb0: {  	s6 =	sor.u32 @!p0 $0x4000, s6;
	s5 =	simm.s32 @!p0 $0x1B8D  }
0xb1: {  	s4 =	sshll.u32 @!p0 s4, $0x11;
	s6 =	sadd.s32 @!p0 $0x11B8D, s6;
	_ =	swait.eq @!p0 [sflag:s5], $0x1  }
0xb2: {  	s4 =	sor.u32 @!p0 s4, s6;
	[sflag:s5] =	ssyncadd.s32 @!p0 $0xFFFFFFFF  }
0xb3: {  	s25 =	simm.s32 $0x1B8E;
	s24 =	sld [smem:$0x3FFE];
	[sflag:s4] =	ssyncadd.remote.s32 @!p0 $0x1  }
0xb4: {  	s26 =	simm.s32 $execute0_lowered;
	[smem:$0x3FD2] =	sst s25  }
0xb5: {  	s5 =	sshll.u32 s26, $0x1;
	_ =	strace $0x80000049;
	[dreg:$0x1] =	wrdreg $0xFFFFFFFF  }
0xb6: {  	s28 =	simm.s32 $_size_execute0_lowered;
	s3 =	sadd.s32 s3, s5;
	[dreg:$0x0] =	wrdreg $0x0  }
0xb7: {  	s5 =	sshll.u32 s28, $0x1;
	[dreg:$0x2] =	wrdreg s3  }
0xb8: {  	[dreg:$0x3] =	wrdreg s5  }
0xb9: {  	[dreg:$0x4] =	wrdreg $0xC0  }
0xba: {  	_ =	task [dreg:s22], $0x5FFFF  }
0xbb: {  	[dreg:$0x1] =	wrdreg $0xFFFFFFFF  }
0xbc: {  	[dreg:$0x0] =	wrdreg $0x60  }
0xbd: {  	[dreg:$0x2] =	wrdreg s24  }
0xbe: {  	[dreg:$0x3] =	wrdreg $0xA8000  }
0xbf: {  	[dreg:$0x4] =	wrdreg $0x9  }
0xc0: {  	_ =	task.clear_ibuf [dreg:s22], $0x5FFFF;
	_ =	strace $0x90000049  }
0xc1: {  	s29 =	simm.s32 $0x9;
	_ =	strace $0x8000004B  }
0xc2: {  	_ =	swait.ge [sflag:s29], $0x1  }
0xc3: {  	[sflag:s29] =	ssyncadd.s32 $0xFFFFFFFF  }
0xc4: {  	_ =	strace $0x9000004B  }
0xc5: {  	_ =	sfence  }
0xc6: {  	s30 =	sld [smem:$0x0];
	_ =	sdelay $0x2  }
0xc7: {  	s31 =	sshll.u32 s1, $0xD;
	s1 =	sshrl.u32 s1, $0x2  }
0xc8: {  	s4 =	sand.u32 $0x4000, s31;
	s1 =	sadd.s32 s1, s30  }
0xc9: {  	s0 =	sor.u32 s4, s0;
	s1 =	sshll.u32 s1, $0x11  }
0xca: {  	s0 =	sor.u32 s1, s0  }
0xcb: {  	s0 =	sadd.s32 $0x8F2B, s0  }
0xcc: {  	[sflag:s0] =	ssyncadd.remote.s32 $0x1  }
0xcd: {  	_ =	sfence.sel $0xFFFF  }
0xce: {  	[dreg:$0x0] =	wrdreg $0xFFFFFFFF;
	(pc) =	sbr.abs _section_cstart, $3  }
0xcf: {  	[dreg:$0x1] =	wrdreg $0xFFFFFFFF  }
0xd0: {  	_ =	task.clear_ibuf [dreg:s22], $0x2FFFF;
	_ =	strace $0x9FFFFFFF  }
0xd1: {  	(tm) =	ssettm $0x7FFFFFFF  }
tec
execute0_lowered:
.L_overlay_start_1:
0x0: {  	(tag) =	ssettag $0x1  }
0x1: {  	s0 =	rddreg [dreg:$0x0]  }
0x2: {  	s2 =	rddreg [dreg:$0x1]  }
0x3: {  	s3 =	simm.s32 $0x0;
	s20 =	stileid.u32;
	s5 =	srdreg.scid  }
0x4: {  	s21 =	simm.s32 $0x2800;
	s28 =	simm.s32 $0x4;
	s1 =	smul.u32 $0x2800, s20  }
0x5: {  	s29 =	simm.s32 $0x2780;
	s30 =	simm.s32 $0x0;
	s4 =	smul.u32 $0x500, s20  }
0x6: {  	[smem:$0x7FF] =	sst s3;
	s18 =	sand.u32 $0x1, s5;
	s22 =	smul.u32 $0x50000, s20  }
0x7: {  	s17 =	sadd.s32 $0xA99C00, s0;
	s14 =	smul.u32 $0x28000, s20;
	s31 =	sshll.u32 s20, $0x6  }
0x8: {  	s20 =	simm.s32 $0x80;
	_ =	strace $0x8000004A;
	s23 =	ssub.s32 $0x2, s18  }
0x9: {  	p0 =	seq.s32 s18, $0x0;
	s18 =	sor.u32 $0x1C05, s31;
	s1 =	sadd.s32 s1, s0  }
0xa: {  	s8 =	sadd.s32 s4, s0;
	s0 =	sadd.s32 $0xF99C00, s0;
	s6 =	sshrl.u32 s23, $0x1  }
0xb: {  	s5 =	sshrl.u32 s22, $0x2;
	s25 =	sor.u32 $0x800, s14;
	s12 =	sadd.s32 s17, s14  }
0xc: {  	s26 =	sadd.s32 $0x27000, s14;
	s19 =	sadd.s32 $0x27800, s14;
	s22 =	simm.s32 $0x1  }
0xd: {  	s9 =	ssub.s32 s23, s6;
	s4 =	sadd.s32 s5, s2;
	s24 =	sadd.s32 $0x71C00, s1  }
0xe: {  	s6 =	sadd.s32 $0x17C00, s8;
	s7 =	sadd.s32 $0x49C00, s1;
	s8 =	sadd.s32 $0xDC00, s8  }
.Ltmp0:
0xf: {  	s10 =	sadd.s32 s0, s14;
	s11 =	sadd.s32 s0, s25;
	(pc) =	sbr.rel .LBB2_1-.Ltmp0, $4  }
0x10: {  	s13 =	sadd.s32 s17, s25;
	s14 =	sadd.s32 s0, s26;
	s15 =	sadd.s32 s0, s19  }
0x11: {  	s16 =	sadd.s32 s17, s26;
	s17 =	sadd.s32 s17, s19;
	s19 =	simm.s32 $0x5  }
0x12: {  	s23 =	simm.s32 $0x6800;
	s25 =	simm.s32 $0x2;
	s26 =	simm.s32 $0x100  }
0x13: {  	[dreg:$0x3] =	wrdreg s24;
	s9 =	smax.u32 s9, $0x1;
	s24 =	simm.s32 $0x3  }
.LBB2_7:
0x14: {  	[hbm4b:s1+s3] =	stream.linear.scatter [tilespmem:s23], [sflag:$0x4], $0x4000, $0x38;
	[tilespmem:$0x1E800] =	vst v63  }
0x15: {  	_ =	swait.ge [sflag:s28], $0x4000  }
0x16: {  	[sflag:s28] =	ssyncset.done $0x0  }
0x17: {  	[sflag:s28] =	ssyncadd.s32 $0xFFFFC000  }
0x18: {  	_ =	swait.ge [sflag:s22], $0x4000  }
0x19: {  	[sflag:s22] =	ssyncset.done $0x0  }
0x1a: {  	[sflag:s22] =	ssyncadd.s32 $0xFFFFC000  }
0x1b: {  	[tilespmem:s23], [sflag:$0x2] =	stream.indirect.gather [spmem:s2], $0x80, s29, s20, $0xb8;
	[tilespmem:$0x1E800] =	vst v63  }
0x1c: {  	_ = 	snop  }
0x1d: {  	[hbm4b:s16+s3] =	stream.linear.scatter [tilespmem:s21], [sflag:$0x3], $0x4000, $0x38;
	[tilespmem:$0x1E800] =	vst v63  }
0x1e: {  	_ =	swait.ge [sflag:s24], $0x4000  }
0x1f: {  	[sflag:s24] =	ssyncset.done $0x0  }
0x20: {  	[sflag:s24] =	ssyncadd.s32 $0xFFFFC000  }
0x21: {  	_ =	swait.ge [sflag:s25], $0x4000  }
0x22: {  	[sflag:s25] =	ssyncset.done $0x0  }
0x23: {  	[sflag:s25] =	ssyncadd.s32 $0xFFFFC000  }
0x24: {  	[hbm4b:s17+s3] =	stream.linear.scatter [tilespmem:s23], [sflag:$0x4], $0x4000, $0x38;
	[tilespmem:$0x1E800] =	vst v63  }
.LBB2_8:
0x25: {  	s30 =	sadd.s32 $0x1, s30  }
0x26: {  	p1 =	sne.s32 s30, s9  }
.Ltmp1:
0x27: {  	_ = 	snop;
	(pc) =	sbr.rel @!p1 .LBB2_9-.Ltmp1, $4  }
0x28: {  	_ = 	snop  }
0x29: {  	_ =	swait.ge [sflag:s28], $0x4000  }
0x2a: {  	[sflag:s28] =	ssyncset.done $0x0  }
0x2b: {  	[sflag:s28] =	ssyncadd.s32 $0xFFFFC000  }
.LBB2_1:
.Ltmp2:
0x2c: {  	(pc) =	sbr.rel @!p0 .LBB2_2-.Ltmp2, $2  }
0x2d: {  	_ =	sdelay $0x2  }
0x2e: {  	s0 =	sshrl.u32 s4, $0x3  }
0x2f: {  	[spmem:s0], [sflag:s18] =	dma.local [hbm:s7], $0x2800  }
0x30: {  	_ =	swait.ge [sflag:s19], $0x2800  }
0x31: {  	[sflag:s19] =	ssyncset.done $0x0  }
0x32: {  	[sflag:s19] =	ssyncadd.s32 $0xFFFFD800  }
0x33: {  	[bflag:$0x0] =	sbarrier.arrive $0xFFFF  }
0x34: {  	[tilespmem:s3], [sflag:$0x5] =	stream.linear.gather [hbm4b:s8+s3], $0x2800, $0x38;
	[tilespmem:$0x1E800] =	vst v63  }
0x35: {  	_ =	swait.ge [sflag:s19], $0x2800  }
0x36: {  	[sflag:s19] =	ssyncset.done $0x0  }
0x37: {  	[sflag:s19] =	ssyncadd.s32 $0xFFFFD800  }
0x38: {  	[tilespmem:s21], [sflag:$0x1] =	stream.indirect.gather [spmem:s2], $0x80, s3, s20, $0xb8;
	[tilespmem:$0x1E800] =	vst v63  }
0x39: {  	_ =	swait.ge [sflag:s22], $0x4000  }
0x3a: {  	[sflag:s22] =	ssyncset.done $0x0  }
0x3b: {  	[sflag:s22] =	ssyncadd.s32 $0xFFFFC000  }
0x3c: {  	[tilespmem:s23], [sflag:$0x2] =	stream.indirect.gather [spmem:s2], $0x80, s20, s20, $0xb8;
	[tilespmem:$0x1E800] =	vst v63  }
0x3d: {  	_ = 	snop  }
0x3e: {  	[hbm4b:s12+s3] =	stream.linear.scatter [tilespmem:s21], [sflag:$0x3], $0x4000, $0x38;
	[tilespmem:$0x1E800] =	vst v63  }
0x3f: {  	_ =	swait.ge [sflag:s24], $0x4000  }
0x40: {  	[sflag:s24] =	ssyncset.done $0x0  }
0x41: {  	[sflag:s24] =	ssyncadd.s32 $0xFFFFC000  }
0x42: {  	_ =	swait.ge [sflag:s25], $0x4000  }
0x43: {  	[sflag:s25] =	ssyncset.done $0x0  }
0x44: {  	[sflag:s25] =	ssyncadd.s32 $0xFFFFC000  }
0x45: {  	[tilespmem:s21], [sflag:$0x1] =	stream.indirect.gather [spmem:s2], $0x80, s26, s20, $0xb8;
	[tilespmem:$0x1E800] =	vst v63  }
0x46: {  	_ = 	snop  }
0x47: {  	[hbm4b:s13+s3] =	stream.linear.scatter [tilespmem:s23], [sflag:$0x4], $0x4000, $0x38;
	[tilespmem:$0x1E800] =	vst v63  }
0x48: {  	_ =	swait.ge [sflag:s28], $0x4000  }
0x49: {  	[sflag:s28] =	ssyncset.done $0x0  }
0x4a: {  	[sflag:s28] =	ssyncadd.s32 $0xFFFFC000  }
0x4b: {  	_ =	swait.ge [sflag:s22], $0x4000  }
0x4c: {  	[sflag:s22] =	ssyncset.done $0x0  }
0x4d: {  	s5 =	simm.s32 $0x180;
	s1 =	sadd.s32 $0xFFFDA000, s12;
	[sflag:s22] =	ssyncadd.s32 $0xFFFFC000  }
0x4e: {  	[tilespmem:s23], [sflag:$0x2] =	stream.indirect.gather [spmem:s2], $0x80, s5, s20, $0xb8;
	[tilespmem:$0x1E800] =	vst v63  }
0x4f: {  	s5 =	sadd.s32 $0x27000, s1  }
0x50: {  	[hbm4b:s5+s3] =	stream.linear.scatter [tilespmem:s21], [sflag:$0x3], $0x4000, $0x38;
	[tilespmem:$0x1E800] =	vst v63  }
0x51: {  	_ =	swait.ge [sflag:s24], $0x4000  }
0x52: {  	[sflag:s24] =	ssyncset.done $0x0  }
0x53: {  	[sflag:s24] =	ssyncadd.s32 $0xFFFFC000  }
0x54: {  	_ =	swait.ge [sflag:s25], $0x4000  }
0x55: {  	s31 =	simm.s32 $0xFFFDB000;
	s0 =	simm.s32 $0x300;
	[sflag:s25] =	ssyncset.done $0x0  }
0x56: {  	s1 =	sadd.s32 $0x27800, s1;
	s5 =	simm.s32 $0x200;
	[sflag:s25] =	ssyncadd.s32 $0xFFFFC000  }
0x57: {  	[tilespmem:s21], [sflag:$0x1] =	stream.indirect.gather [spmem:s2], $0x80, s5, s20, $0xb8;
	[tilespmem:$0x1E800] =	vst v63  }
.LBB2_6:
0x58: {  	[hbm4b:s1+s3] =	stream.linear.scatter [tilespmem:s23], [sflag:$0x4], $0x4000, $0x38;
	[tilespmem:$0x1E800] =	vst v63  }
0x59: {  	s1 =	smov.u32 s31  }
0x5a: {  	p1 =	seq.s32 s31, $0xFFFFF000;
	s31 =	sadd.s32 $0x1000, s31;
	_ =	swait.ge [sflag:s28], $0x4000  }
0x5b: {  	[sflag:s28] =	ssyncset.done $0x0  }
0x5c: {  	[sflag:s28] =	ssyncadd.s32 $0xFFFFC000  }
0x5d: {  	_ =	swait.ge [sflag:s22], $0x4000  }
0x5e: {  	[sflag:s22] =	ssyncset.done $0x0  }
0x5f: {  	s5 =	sadd.s32 $0xFFFFFF80, s0;
	s1 =	sadd.s32 s1, s12;
	[sflag:s22] =	ssyncadd.s32 $0xFFFFC000  }
0x60: {  	[tilespmem:s23], [sflag:$0x2] =	stream.indirect.gather [spmem:s2], $0x80, s5, s20, $0xb8;
	[tilespmem:$0x1E800] =	vst v63  }
0x61: {  	s5 =	sadd.s32 $0x27000, s1  }
0x62: {  	[hbm4b:s5+s3] =	stream.linear.scatter [tilespmem:s21], [sflag:$0x3], $0x4000, $0x38;
	[tilespmem:$0x1E800] =	vst v63  }
0x63: {  	_ =	swait.ge [sflag:s24], $0x4000  }
0x64: {  	[sflag:s24] =	ssyncset.done $0x0  }
0x65: {  	[sflag:s24] =	ssyncadd.s32 $0xFFFFC000  }
.Ltmp3:
0x66: {  	_ =	swait.ge [sflag:s25], $0x4000;
	(pc) =	sbr.rel @!p1 .LBB2_6-.Ltmp3, $4  }
0x67: {  	[sflag:s25] =	ssyncset.done $0x0  }
0x68: {  	[sflag:s25] =	ssyncadd.s32 $0xFFFFC000  }
0x69: {  	[tilespmem:s21], [sflag:$0x1] =	stream.indirect.gather [spmem:s2], $0x80, s0, s20, $0xb8;
	[tilespmem:$0x1E800] =	vst v63  }
0x6a: {  	s1 =	sadd.s32 $0x27800, s1;
	s0 =	sadd.s32 $0x100, s0  }
.Ltmp4:
0x6b: {  	_ = 	snop;
	(pc) =	sbr.rel .LBB2_7-.Ltmp4, $1  }
0x6c: {  	_ =	sdelay $0x3  }
.LBB2_2:
0x6d: {  	s1 =	rddreg [dreg:$0x3]  }
0x6e: {  	[spmem:s0], [sflag:s18] =	dma.local [hbm:s1], $0x2800  }
0x6f: {  	_ =	swait.ge [sflag:s19], $0x2800  }
0x70: {  	[sflag:s19] =	ssyncset.done $0x0  }
0x71: {  	[sflag:s19] =	ssyncadd.s32 $0xFFFFD800  }
0x72: {  	[bflag:$0x0] =	sbarrier.arrive $0xFFFF  }
0x73: {  	[tilespmem:s3], [sflag:$0x5] =	stream.linear.gather [hbm4b:s6+s3], $0x2800, $0x38;
	[tilespmem:$0x1E800] =	vst v63  }
0x74: {  	_ =	swait.ge [sflag:s19], $0x2800  }
0x75: {  	[sflag:s19] =	ssyncset.done $0x0  }
0x76: {  	[sflag:s19] =	ssyncadd.s32 $0xFFFFD800  }
0x77: {  	[tilespmem:s21], [sflag:$0x1] =	stream.indirect.gather [spmem:s2], $0x80, s3, s20, $0xb8;
	[tilespmem:$0x1E800] =	vst v63  }
0x78: {  	_ =	swait.ge [sflag:s22], $0x4000  }
0x79: {  	[sflag:s22] =	ssyncset.done $0x0  }
0x7a: {  	[sflag:s22] =	ssyncadd.s32 $0xFFFFC000  }
0x7b: {  	[tilespmem:s23], [sflag:$0x2] =	stream.indirect.gather [spmem:s2], $0x80, s20, s20, $0xb8;
	[tilespmem:$0x1E800] =	vst v63  }
0x7c: {  	_ = 	snop  }
0x7d: {  	[hbm4b:s10+s3] =	stream.linear.scatter [tilespmem:s21], [sflag:$0x3], $0x4000, $0x38;
	[tilespmem:$0x1E800] =	vst v63  }
0x7e: {  	_ =	swait.ge [sflag:s24], $0x4000  }
0x7f: {  	[sflag:s24] =	ssyncset.done $0x0  }
0x80: {  	[sflag:s24] =	ssyncadd.s32 $0xFFFFC000  }
0x81: {  	_ =	swait.ge [sflag:s25], $0x4000  }
0x82: {  	[sflag:s25] =	ssyncset.done $0x0  }
0x83: {  	[sflag:s25] =	ssyncadd.s32 $0xFFFFC000  }
0x84: {  	[tilespmem:s21], [sflag:$0x1] =	stream.indirect.gather [spmem:s2], $0x80, s26, s20, $0xb8;
	[tilespmem:$0x1E800] =	vst v63  }
0x85: {  	_ = 	snop  }
0x86: {  	[hbm4b:s11+s3] =	stream.linear.scatter [tilespmem:s23], [sflag:$0x4], $0x4000, $0x38;
	[tilespmem:$0x1E800] =	vst v63  }
0x87: {  	_ =	swait.ge [sflag:s28], $0x4000  }
0x88: {  	[sflag:s28] =	ssyncset.done $0x0  }
0x89: {  	[sflag:s28] =	ssyncadd.s32 $0xFFFFC000  }
0x8a: {  	_ =	swait.ge [sflag:s22], $0x4000  }
0x8b: {  	[sflag:s22] =	ssyncset.done $0x0  }
0x8c: {  	s5 =	sadd.s32 $0xFFFDA000, s10;
	s1 =	simm.s32 $0x180;
	[sflag:s22] =	ssyncadd.s32 $0xFFFFC000  }
0x8d: {  	[tilespmem:s23], [sflag:$0x2] =	stream.indirect.gather [spmem:s2], $0x80, s1, s20, $0xb8;
	[tilespmem:$0x1E800] =	vst v63  }
0x8e: {  	s1 =	sadd.s32 $0x27000, s5  }
0x8f: {  	[hbm4b:s1+s3] =	stream.linear.scatter [tilespmem:s21], [sflag:$0x3], $0x4000, $0x38;
	[tilespmem:$0x1E800] =	vst v63  }
0x90: {  	_ =	swait.ge [sflag:s24], $0x4000  }
0x91: {  	[sflag:s24] =	ssyncset.done $0x0  }
0x92: {  	[sflag:s24] =	ssyncadd.s32 $0xFFFFC000  }
0x93: {  	_ =	swait.ge [sflag:s25], $0x4000  }
0x94: {  	[sflag:s25] =	ssyncset.done $0x0  }
0x95: {  	s0 =	simm.s32 $0x200;
	[sflag:s25] =	ssyncadd.s32 $0xFFFFC000  }
0x96: {  	[tilespmem:s21], [sflag:$0x1] =	stream.indirect.gather [spmem:s2], $0x80, s0, s20, $0xb8;
	[tilespmem:$0x1E800] =	vst v63  }
0x97: {  	s31 =	simm.s32 $0xFFFDB000;
	s1 =	sadd.s32 $0x27800, s5;
	s0 =	simm.s32 $0x300  }
.LBB2_3:
0x98: {  	[hbm4b:s1+s3] =	stream.linear.scatter [tilespmem:s23], [sflag:$0x4], $0x4000, $0x38;
	[tilespmem:$0x1E800] =	vst v63  }
0x99: {  	s1 =	smov.u32 s31  }
0x9a: {  	p1 =	seq.s32 s31, $0xFFFFF000;
	s31 =	sadd.s32 $0x1000, s31;
	_ =	swait.ge [sflag:s28], $0x4000  }
0x9b: {  	[sflag:s28] =	ssyncset.done $0x0  }
0x9c: {  	[sflag:s28] =	ssyncadd.s32 $0xFFFFC000  }
0x9d: {  	_ =	swait.ge [sflag:s22], $0x4000  }
0x9e: {  	[sflag:s22] =	ssyncset.done $0x0  }
0x9f: {  	s5 =	sadd.s32 $0xFFFFFF80, s0;
	s1 =	sadd.s32 s1, s10;
	[sflag:s22] =	ssyncadd.s32 $0xFFFFC000  }
0xa0: {  	[tilespmem:s23], [sflag:$0x2] =	stream.indirect.gather [spmem:s2], $0x80, s5, s20, $0xb8;
	[tilespmem:$0x1E800] =	vst v63  }
0xa1: {  	s5 =	sadd.s32 $0x27000, s1  }
0xa2: {  	[hbm4b:s5+s3] =	stream.linear.scatter [tilespmem:s21], [sflag:$0x3], $0x4000, $0x38;
	[tilespmem:$0x1E800] =	vst v63  }
0xa3: {  	_ =	swait.ge [sflag:s24], $0x4000  }
0xa4: {  	[sflag:s24] =	ssyncset.done $0x0  }
0xa5: {  	[sflag:s24] =	ssyncadd.s32 $0xFFFFC000  }
.Ltmp5:
0xa6: {  	_ =	swait.ge [sflag:s25], $0x4000;
	(pc) =	sbr.rel @!p1 .LBB2_3-.Ltmp5, $4  }
0xa7: {  	[sflag:s25] =	ssyncset.done $0x0  }
0xa8: {  	[sflag:s25] =	ssyncadd.s32 $0xFFFFC000  }
0xa9: {  	[tilespmem:s21], [sflag:$0x1] =	stream.indirect.gather [spmem:s2], $0x80, s0, s20, $0xb8;
	[tilespmem:$0x1E800] =	vst v63  }
0xaa: {  	s1 =	sadd.s32 $0x27800, s1;
	s0 =	sadd.s32 $0x100, s0  }
0xab: {  	[hbm4b:s1+s3] =	stream.linear.scatter [tilespmem:s23], [sflag:$0x4], $0x4000, $0x38;
	[tilespmem:$0x1E800] =	vst v63  }
0xac: {  	_ =	swait.ge [sflag:s28], $0x4000  }
0xad: {  	[sflag:s28] =	ssyncset.done $0x0  }
0xae: {  	[sflag:s28] =	ssyncadd.s32 $0xFFFFC000  }
0xaf: {  	_ =	swait.ge [sflag:s22], $0x4000  }
0xb0: {  	[sflag:s22] =	ssyncset.done $0x0  }
0xb1: {  	[sflag:s22] =	ssyncadd.s32 $0xFFFFC000  }
0xb2: {  	[tilespmem:s23], [sflag:$0x2] =	stream.indirect.gather [spmem:s2], $0x80, s29, s20, $0xb8;
	[tilespmem:$0x1E800] =	vst v63  }
0xb3: {  	_ = 	snop  }
0xb4: {  	[hbm4b:s14+s3] =	stream.linear.scatter [tilespmem:s21], [sflag:$0x3], $0x4000, $0x38;
	[tilespmem:$0x1E800] =	vst v63  }
0xb5: {  	_ =	swait.ge [sflag:s24], $0x4000  }
0xb6: {  	[sflag:s24] =	ssyncset.done $0x0  }
.Ltmp6:
0xb7: {  	[sflag:s24] =	ssyncadd.s32 $0xFFFFC000;
	(pc) =	sbr.rel .LBB2_8-.Ltmp6, $4  }
0xb8: {  	_ =	swait.ge [sflag:s25], $0x4000  }
0xb9: {  	[sflag:s25] =	ssyncset.done $0x0  }
0xba: {  	[sflag:s25] =	ssyncadd.s32 $0xFFFFC000  }
0xbb: {  	[hbm4b:s15+s3] =	stream.linear.scatter [tilespmem:s23], [sflag:$0x4], $0x4000, $0x38;
	[tilespmem:$0x1E800] =	vst v63  }
.LBB2_9:
0xbc: {  	_ =	sfence.sel $0x180000  }
0xbd: {  	[bflag:$0x0] =	sbarrier.arrive $0xFFFF  }
0xbe: {  	_ =	strace $0x9000004A  }
0xbf: {  	s0 =	stileid.u32;
	[bflag:$0x2] =	sbarrier.arrive $0xFFFF  }
0xc0: {  	p0 =	sne.s32 s0, $0x0;
	s0 =	rddreg [dreg:$0x2]  }
0xc1: {  	s0 =	sadd.s32 @!p0 $0x100000, s0  }
0xc2: {  	[sflag:s0] =	ssyncadd.tile.s32 @!p0 $0x1;
	_ =	shalt  }
.Lfunc_end2:
_tile_overlayer_lowered:
.L_overlay_start_2:
0xc3: {  	(tag) =	ssettag $0x2  }
0xc4: {  	s0 =	rddreg [dreg:$0x0];
	s2 =	stileid.u32  }
0xc5: {  	s1 =	rddreg [dreg:$0x1];
	p0 =	sne.s32 s2, $0x0  }
0xc6: {  	s3 =	rddreg [dreg:$0x2];
	[bflag:$0x3] =	sbarrier.arrive $0xFFFF;
	s2 =	simm.s32 @!p0 $0x1C05  }
0xc7: {  	[timem:s3], [sflag:s2] =	dma.local @!p0 [hbm:s0], s1  }
0xc8: {  	s0 =	simm.s32 @!p0 $0x5  }
0xc9: {  	_ =	swait.ge @!p0 [sflag:s0], s1  }
0xca: {  	s1 =	ssub.s32 @!p0 $0x0, s1;
	[sflag:s0] =	ssyncset.done @!p0 $0x0  }
0xcb: {  	[sflag:s0] =	ssyncadd.s32 @!p0 s1  }
0xcc: {  	[bflag:$0x3] =	sbarrier.arrive $0xFFFF  }
0xcd: {  	_ =	shalt  }

// kernel: kernel.24.cloned.1.call-start
scs
__scs_entry_jumppad:
0x0: {  	(pc) =	sbr.rel $0x88, $3  }
0x1: {  	(tag) =	ssettag $0x0;
	lr =	simm.s32 $0x1  }
0x2: {  	[smem:$0x3F75] =	sst lr;
	_ =	strace $0xD0000000  }
0x3: {  	_ = 	snop  }
0x4: {  	_ = 	snop  }
0x5: {  	_ = 	snop  }
0x6: {  	_ = 	snop  }
0x7: {  	_ = 	snop  }
__scs_overlays_trampoline_lowered:
0x8: {  	[smem:$0x3F84] =	sst s0  }
0x9: {  	[smem:$0x3F85] =	sst s1  }
0xa: {  	[smem:$0x3F86] =	sst s2  }
0xb: {  	[smem:$0x3F87] =	sst s3  }
0xc: {  	[smem:$0x3F88] =	sst s4  }
0xd: {  	[smem:$0x3F89] =	sst s5  }
0xe: {  	[smem:$0x3F8A] =	sst s6  }
0xf: {  	[smem:$0x3F8B] =	sst s7  }
0x10: {  	[smem:$0x3F8C] =	sst s8  }
0x11: {  	[smem:$0x3F8D] =	sst s9;
	s0 =	simm.s32 @!p0 $0x0  }
0x12: {  	s1 =	sld [smem:$0x3F73];
	s0 =	simm.s32 @p0 $0x1  }
0x13: {  	[smem:$0x3F8E] =	sst s0;
	s0 =	simm.s32 @!p1 $0x0  }
0x14: {  	s2 =	sld [smem:$0x3F72];
	s0 =	simm.s32 @p1 $0x1  }
0x15: {  	[smem:$0x3F8F] =	sst s0;
	s0 =	simm.s32 @!p2 $0x0  }
0x16: {  	s3 =	sld [smem:$0x3FDB];
	s0 =	simm.s32 @p2 $0x1  }
0x17: {  	s4 =	simm.s32 $0x1BF5;
	[smem:$0x3F91] =	sst s0  }
0x18: {  	s0 =	sld [smem:$0x3F74];
	_ =	swait.ge [sflag:s4], $0x0  }
0x19: {  	s7 =	sld [smem:$0x3F75]  }
0x1a: {  	s8 =	sadd.s32 $0xFFFFE003, lr  }
0x1b: {  	s9 =	sadd.s32 $0xFFFFFEF7, lr;
	s5 =	simm.s32 $0xFFFFFFFF;
	p2 =	slt.u32 s8, $0xFFFFF086  }
0x1c: {  	p1 =	slt.u32 s9, $0xF7A;
	s5 =	simm.s32 @!p2 $0x0  }
0x1d: {  	s5 =	simm.s32 @p1 $0x1;
	p0 =	seq.s32 s7, s2  }
0x1e: {  	s7 =	smul.u32 @!p0 $0xF7A, s2;
	p2 =	seq.s32 @!p0 s5, $0x0  }
0x1f: {  	s9 =	smul.u32 $0xF7A, s1;
	s8 =	simm.s32 @!p0 $0x1BF5;
	p2 =	por !p2, p0  }
0x20: {  	[sflag:s8] =	ssyncset.s32 @!p0 $0xFFFFF086;
	s6 =	sadd.s32 @!p0 s3, s7;
	s7 =	simm.s32 @!p0 $0x108  }
0x21: {  	s3 =	sadd.s32 s3, s9;
	s6 =	sadd.s32 @!p0 $0x88, s6;
	s7 =	simm.s32 @p2 $0x1082  }
0x22: {  	[simem:s7], [sflag:s8] =	dma.local @!p0 [hbm:s6], $0xF7A  }
0x23: {  	s9 =	sor.u32 $0xD0000000, s2;
	s6 =	simm.s32 $0x108;
	_ =	swait.ge @!p0 [sflag:s8], $0x0  }
0x24: {  	s3 =	sadd.s32 $0x88, s3;
	s6 =	simm.s32 @!p1 $0x1082;
	[sflag:s4] =	ssyncset.s32 $0xFFFFF086  }
0x25: {  	[simem:s6], [sflag:s4] =	dma.local [hbm:s3], $0xF7A  }
0x26: {  	[smem:$0x3F75] =	sst s1;
	(tag) =	ssettag s2;
	_ =	strace s9  }
0x27: {  	s1 =	sld [smem:$0x3F85]  }
0x28: {  	s2 =	sld [smem:$0x3F86]  }
0x29: {  	s4 =	sld [smem:$0x3F88]  }
0x2a: {  	p0 =	seq.s32 s5, $0x0;
	s5 =	sld [smem:$0x3F89]  }
0x2b: {  	s6 =	sld [smem:$0x3F8A]  }
0x2c: {  	s7 =	sld [smem:$0x3F8B]  }
0x2d: {  	s3 =	simm.s32 $0x108;
	s8 =	sld [smem:$0x3F8C]  }
0x2e: {  	s3 =	simm.s32 @!p0 $0x1082;
	s9 =	sld [smem:$0x3F8D]  }
0x2f: {  	lr =	sadd.s32 s0, s3;
	s0 =	sld [smem:$0x3F84]  }
0x30: {  	s3 =	sld [smem:$0x3F87]  }
0x31: {  	[smem:$0x3F90] =	sst s10  }
0x32: {  	s10 =	sld [smem:$0x3F8E];
	_ =	sdelay $0x3  }
0x33: {  	p0 =	seq.s32 s10, $0x1;
	s10 =	sld [smem:$0x3F90];
	_ =	sdelay $0x3  }
0x34: {  	[smem:$0x3F90] =	sst s10  }
0x35: {  	s10 =	sld [smem:$0x3F8F];
	_ =	sdelay $0x3  }
0x36: {  	p1 =	seq.s32 s10, $0x1;
	s10 =	sld [smem:$0x3F90];
	_ =	sdelay $0x3  }
0x37: {  	[smem:$0x3F90] =	sst s10  }
0x38: {  	s10 =	sld [smem:$0x3F91]  }
0x39: {  	_ = 	snop;
	(pc) =	sbr.ind lr, $3  }
0x3a: {  	_ = 	snop  }
0x3b: {  	_ = 	snop  }
0x3c: {  	p2 =	seq.s32 s10, $0x1;
	s10 =	sld [smem:$0x3F90]  }
0x3d: {  	_ =	shalt  }
0x3e: {  	_ =	shalt  }
0x3f: {  	_ =	shalt  }
0x40: {  	_ =	shalt  }
0x41: {  	_ =	shalt  }
0x42: {  	_ =	shalt  }
0x43: {  	_ =	shalt  }
0x44: {  	_ =	shalt  }
0x45: {  	_ =	shalt  }
0x46: {  	_ =	shalt  }
0x47: {  	_ =	shalt  }
0x48: {  	_ =	shalt  }
0x49: {  	_ =	shalt  }
0x4a: {  	_ =	shalt  }
0x4b: {  	_ =	shalt  }
0x4c: {  	_ =	shalt  }
0x4d: {  	_ =	shalt  }
0x4e: {  	_ =	shalt  }
0x4f: {  	_ =	shalt  }
0x50: {  	_ =	shalt  }
0x51: {  	_ =	shalt  }
0x52: {  	_ =	shalt  }
0x53: {  	_ =	shalt  }
0x54: {  	_ =	shalt  }
0x55: {  	_ =	shalt  }
0x56: {  	_ =	shalt  }
0x57: {  	_ =	shalt  }
0x58: {  	_ =	shalt  }
0x59: {  	_ =	shalt  }
0x5a: {  	_ =	shalt  }
0x5b: {  	_ =	shalt  }
0x5c: {  	_ =	shalt  }
0x5d: {  	_ =	shalt  }
0x5e: {  	_ =	shalt  }
0x5f: {  	_ =	shalt  }
0x60: {  	_ =	shalt  }
0x61: {  	_ =	shalt  }
0x62: {  	_ =	shalt  }
0x63: {  	_ =	shalt  }
0x64: {  	_ =	shalt  }
0x65: {  	_ =	shalt  }
0x66: {  	_ =	shalt  }
0x67: {  	_ =	shalt  }
0x68: {  	_ =	shalt  }
0x69: {  	_ =	shalt  }
0x6a: {  	_ =	shalt  }
0x6b: {  	_ =	shalt  }
0x6c: {  	_ =	shalt  }
0x6d: {  	_ =	shalt  }
0x6e: {  	_ =	shalt  }
0x6f: {  	_ =	shalt  }
0x70: {  	_ =	shalt  }
0x71: {  	_ =	shalt  }
0x72: {  	_ =	shalt  }
0x73: {  	_ =	shalt  }
0x74: {  	_ =	shalt  }
0x75: {  	_ =	shalt  }
0x76: {  	_ =	shalt  }
0x77: {  	_ =	shalt  }
0x78: {  	_ =	shalt  }
0x79: {  	_ =	shalt  }
0x7a: {  	_ =	shalt  }
0x7b: {  	_ =	shalt  }
0x7c: {  	_ =	shalt  }
0x7d: {  	_ =	shalt  }
0x7e: {  	_ =	shalt  }
0x7f: {  	_ =	shalt  }
0x80: {  	_ =	shalt  }
0x81: {  	_ =	shalt  }
0x82: {  	_ =	shalt  }
0x83: {  	_ =	shalt  }
0x84: {  	_ =	shalt  }
0x85: {  	_ =	shalt  }
0x86: {  	_ =	shalt  }
0x87: {  	_ =	shalt  }
.Lfunc_end0:
.L_simem_size_0:
called_computation.1_lowered:
.L_overlay_start_0:
0x88: {  	s2 =	sld [smem:$0x3FD9]  }
0x89: {  	s3 =	sld [smem:$0x3FFE];
	_ =	sdelay $0x1  }
0x8a: {  	s1 =	srdreg.scid  }
0x8b: {  	s0 =	sand.u32 $0x1, s1  }
0x8c: {  	s16 =	sshll.u32 s0, $0xA;
	s2 =	sadd.s32 s3, s2  }
0x8d: {  	s2 =	sadd.s32 s2, s16  }
0x8e: {  	[smem:$0x3F9C] =	sst s2  }
0x8f: {  	_ = 	snop  }
0x90: {  	(tm) =	ssettm $0x1  }
0x91: {  	s17 =	sld [smem:$0x3FFB];
	_ =	sdelay $0x3  }
0x92: {  	_ =	strace s17  }
0x93: {  	s2 =	sld [smem:$0x3FFC];
	_ =	sdelay $0x3  }
0x94: {  	_ =	strace s2  }
0x95: {  	s2 =	sld [smem:$0x3FFD];
	_ =	sdelay $0x3  }
0x96: {  	_ =	strace s2  }
0x97: {  	_ =	strace $0x8FFFFFFF  }
0x98: {  	s18 =	sld [smem:$0x3FDB];
	_ =	sdelay $0x1  }
0x99: {  	s19 =	simm.s32 $_scs_section_size  }
0x9a: {  	s4 =	simm.s32 $_size__tile_overlayer_lowered;
	s5 =	simm.s32 $_tile_overlayer_lowered  }
0x9b: {  	s22 =	simm.s32 $0x1BFF;
	s21 =	sshll.u32 s5, $0x1;
	s2 =	sadd.s32 s19, s18  }
0x9c: {  	s6 =	simm.s32 $0x0;
	s20 =	sshll.u32 s4, $0x1;
	s4 =	sadd.s32 s21, s2  }
0x9d: {  	[timem:s6], [sflag:s22] =	dma.local [hbm:s4], s20  }
0x9e: {  	_ =	swait.ge [sflag:s22], s20  }
0x9f: {  	s3 =	ssub.s32 $0x0, s20;
	[sflag:s22] =	ssyncset.done $0x0  }
0xa0: {  	[sflag:s22] =	ssyncadd.s32 s3;
	_ =	sdelay $0x1  }
0xa1: {  	s23 =	simm.s32 $0x1B8B  }
0xa2: {  	_ =	swait.ge [sflag:s23], $0x1  }
0xa3: {  	[sflag:s23] =	ssyncset.done $0x0  }
0xa4: {  	s25 =	simm.s32 $0x1B8E;
	s24 =	sld [smem:$0x3FFE];
	[sflag:s23] =	ssyncadd.s32 $0xFFFFFFFF  }
0xa5: {  	s26 =	simm.s32 $execute0_lowered;
	[smem:$0x3FD2] =	sst s25  }
0xa6: {  	s4 =	sshll.u32 s26, $0x1;
	_ =	strace $0x80000046;
	[dreg:$0x1] =	wrdreg $0xFFFFFFFF  }
0xa7: {  	s28 =	simm.s32 $_size_execute0_lowered;
	s2 =	sadd.s32 s2, s4;
	[dreg:$0x0] =	wrdreg $0x0  }
0xa8: {  	s4 =	sshll.u32 s28, $0x1;
	[dreg:$0x2] =	wrdreg s2  }
0xa9: {  	[dreg:$0x3] =	wrdreg s4  }
0xaa: {  	[dreg:$0x4] =	wrdreg $0xC0  }
0xab: {  	_ =	task [dreg:s6], $0x5FFFF  }
0xac: {  	[dreg:$0x1] =	wrdreg $0xFFFFFFFF  }
0xad: {  	[dreg:$0x0] =	wrdreg $0x60  }
0xae: {  	[dreg:$0x2] =	wrdreg s24  }
0xaf: {  	[dreg:$0x3] =	wrdreg $0xA8000  }
0xb0: {  	[dreg:$0x4] =	wrdreg $0xA  }
0xb1: {  	_ =	task.clear_ibuf [dreg:s6], $0x5FFFF;
	_ =	strace $0x90000046  }
0xb2: {  	s29 =	simm.s32 $0xA;
	_ =	strace $0x80000048  }
0xb3: {  	_ =	swait.ge [sflag:s29], $0x1  }
0xb4: {  	[sflag:s29] =	ssyncadd.s32 $0xFFFFFFFF  }
0xb5: {  	_ =	strace $0x90000048  }
0xb6: {  	_ =	sfence  }
0xb7: {  	s30 =	sld [smem:$0x0];
	_ =	sdelay $0x2  }
0xb8: {  	s31 =	sshll.u32 s1, $0xD;
	s1 =	sshrl.u32 s1, $0x2  }
0xb9: {  	s3 =	sand.u32 $0x4000, s31;
	s1 =	sadd.s32 s1, s30  }
0xba: {  	s0 =	sor.u32 s3, s0;
	s1 =	sshll.u32 s1, $0x11  }
0xbb: {  	s0 =	sor.u32 s1, s0  }
0xbc: {  	s0 =	sadd.s32 $0x8F2B, s0  }
0xbd: {  	[sflag:s0] =	ssyncadd.remote.s32 $0x1  }
0xbe: {  	_ =	sfence.sel $0xFFFF  }
0xbf: {  	[dreg:$0x0] =	wrdreg $0xFFFFFFFF;
	(pc) =	sbr.abs _section_cstart, $3  }
0xc0: {  	[dreg:$0x1] =	wrdreg $0xFFFFFFFF  }
0xc1: {  	_ =	task.clear_ibuf [dreg:s6], $0x2FFFF;
	_ =	strace $0x9FFFFFFF  }
0xc2: {  	(tm) =	ssettm $0x7FFFFFFF  }
0xc3: {  	_ =	shalt  }
tec
execute0_lowered:
.L_overlay_start_1:
0x0: {  	(tag) =	ssettag $0x1  }
0x1: {  	s0 =	rddreg [dreg:$0x0]  }
0x2: {  	s2 =	rddreg [dreg:$0x1];
	s1 =	stileid.u32;
	s3 =	simm.s32 $0x0  }
0x3: {  	s6 =	srdreg.scid;
	s28 =	simm.s32 $0x100;
	s4 =	smul.u32 $0x2800, s1  }
0x4: {  	s29 =	simm.s32 $0x4;
	s30 =	simm.s32 $0x2780;
	s5 =	smul.u32 $0x50, s1  }
0x5: {  	s31 =	simm.s32 $0x0;
	[smem:$0x7FF] =	sst s3;
	s9 =	smul.u32 $0x50000, s1  }
0x6: {  	s6 =	sand.u32 $0x1, s6;
	s19 =	sadd.s32 $0x99C00, s0;
	s20 =	smul.u32 $0x28000, s1  }
0x7: {  	_ =	strace $0x80000047;
	s8 =	ssub.s32 $0x2, s6;
	p0 =	seq.s32 s6, $0x0  }
0x8: {  	s7 =	sadd.s32 s4, s0;
	s5 =	sadd.s32 $0x500, s5;
	s22 =	sshrl.u32 s8, $0x1  }
0x9: {  	s23 =	sshrl.u32 s9, $0x2;
	s13 =	sadd.s32 $0x280800, s20;
	s26 =	sadd.s32 $0x2A7000, s20  }
0xa: {  	s17 =	sadd.s32 $0x2A7800, s20;
	s21 =	sshll.u32 s5, $0x4;
	s11 =	ssub.s32 s8, s22  }
0xb: {  	s4 =	sadd.s32 s23, s2;
	s24 =	sadd.s32 $0x71C00, s7;
	s7 =	sadd.s32 $0x49C00, s7  }
0xc: {  	s5 =	sshll.u32 s5, $0xB;
	s16 =	sadd.s32 s19, s26;
	s22 =	simm.s32 $0x2800  }
0xd: {  	s23 =	simm.s32 $0x1;
	s10 =	sadd.s32 s21, s0;
	[dreg:$0x3] =	wrdreg s24  }
0xe: {  	s0 =	sadd.s32 $0x599C00, s0;
	[dreg:$0x5] =	wrdreg s7;
	s9 =	smax.u32 s11, $0x1  }
0xf: {  	s12 =	sadd.s32 s19, s5;
	s21 =	simm.s32 $0x80;
	s24 =	simm.s32 $0x6800  }
.Ltmp0:
0x10: {  	s25 =	sadd.s32 $0x17C00, s10;
	s8 =	sadd.s32 $0xDC00, s10;
	(pc) =	sbr.rel .LBB2_1-.Ltmp0, $4  }
0x11: {  	s10 =	sadd.s32 s0, s5;
	s11 =	sadd.s32 s0, s13;
	s13 =	sadd.s32 s19, s13  }
0x12: {  	s14 =	sadd.s32 s0, s26;
	s15 =	sadd.s32 s0, s17;
	s17 =	sadd.s32 s19, s17  }
0x13: {  	s18 =	sadd.s32 s20, s0;
	s19 =	sadd.s32 s20, s19;
	s20 =	simm.s32 $0x5  }
0x14: {  	s26 =	simm.s32 $0x2;
	[dreg:$0x4] =	wrdreg s25;
	s25 =	simm.s32 $0x3  }
.LBB2_7:
0x15: {  	[hbm4b:s6+s3] =	stream.linear.scatter [tilespmem:s24], [sflag:$0x4], $0x4000, $0x38;
	[tilespmem:$0x1E800] =	vst v63  }
0x16: {  	_ =	swait.ge [sflag:s29], $0x4000  }
0x17: {  	[sflag:s29] =	ssyncset.done $0x0  }
0x18: {  	[sflag:s29] =	ssyncadd.s32 $0xFFFFC000  }
0x19: {  	_ =	swait.ge [sflag:s23], $0x4000  }
0x1a: {  	[sflag:s23] =	ssyncset.done $0x0  }
0x1b: {  	[sflag:s23] =	ssyncadd.s32 $0xFFFFC000  }
0x1c: {  	[tilespmem:s24], [sflag:$0x2] =	stream.indirect.gather [spmem:s2], $0x80, s30, s21, $0xb8;
	[tilespmem:$0x1E800] =	vst v63  }
0x1d: {  	_ = 	snop  }
0x1e: {  	[hbm4b:s16+s3] =	stream.linear.scatter [tilespmem:s22], [sflag:$0x3], $0x4000, $0x38;
	[tilespmem:$0x1E800] =	vst v63  }
0x1f: {  	_ =	swait.ge [sflag:s25], $0x4000  }
0x20: {  	[sflag:s25] =	ssyncset.done $0x0  }
0x21: {  	[sflag:s25] =	ssyncadd.s32 $0xFFFFC000  }
0x22: {  	_ =	swait.ge [sflag:s26], $0x4000  }
0x23: {  	[sflag:s26] =	ssyncset.done $0x0  }
0x24: {  	[sflag:s26] =	ssyncadd.s32 $0xFFFFC000  }
0x25: {  	[hbm4b:s17+s3] =	stream.linear.scatter [tilespmem:s24], [sflag:$0x4], $0x4000, $0x38;
	[tilespmem:$0x1E800] =	vst v63  }
.LBB2_8:
0x26: {  	s31 =	sadd.s32 $0x1, s31  }
0x27: {  	p1 =	sne.s32 s31, s9  }
.Ltmp1:
0x28: {  	_ = 	snop;
	(pc) =	sbr.rel @!p1 .LBB2_9-.Ltmp1, $4  }
0x29: {  	_ = 	snop  }
0x2a: {  	_ =	swait.ge [sflag:s29], $0x4000  }
0x2b: {  	[sflag:s29] =	ssyncset.done $0x0  }
0x2c: {  	[sflag:s29] =	ssyncadd.s32 $0xFFFFC000  }
.LBB2_1:
.Ltmp2:
0x2d: {  	(pc) =	sbr.rel @!p0 .LBB2_2-.Ltmp2, $3  }
0x2e: {  	_ =	sdelay $0x1  }
0x2f: {  	s5 =	sshll.u32 s1, $0x6  }
0x30: {  	s0 =	sshrl.u32 s4, $0x3;
	s5 =	sor.u32 $0x1C05, s5  }
0x31: {  	s6 =	rddreg [dreg:$0x5]  }
0x32: {  	[spmem:s0], [sflag:s5] =	dma.local [hbm:s6], $0x2800  }
0x33: {  	_ =	swait.ge [sflag:s20], $0x2800  }
0x34: {  	[sflag:s20] =	ssyncset.done $0x0  }
0x35: {  	[sflag:s20] =	ssyncadd.s32 $0xFFFFD800  }
0x36: {  	[bflag:$0x0] =	sbarrier.arrive $0xFFFF  }
0x37: {  	[tilespmem:s3], [sflag:$0x5] =	stream.linear.gather [hbm4b:s8+s3], $0x2800, $0x38;
	[tilespmem:$0x1E800] =	vst v63  }
0x38: {  	_ =	swait.ge [sflag:s20], $0x2800  }
0x39: {  	[sflag:s20] =	ssyncset.done $0x0  }
0x3a: {  	[sflag:s20] =	ssyncadd.s32 $0xFFFFD800  }
0x3b: {  	[tilespmem:s22], [sflag:$0x1] =	stream.indirect.gather [spmem:s2], $0x80, s3, s21, $0xb8;
	[tilespmem:$0x1E800] =	vst v63  }
0x3c: {  	_ =	swait.ge [sflag:s23], $0x4000  }
0x3d: {  	[sflag:s23] =	ssyncset.done $0x0  }
0x3e: {  	[sflag:s23] =	ssyncadd.s32 $0xFFFFC000  }
0x3f: {  	[tilespmem:s24], [sflag:$0x2] =	stream.indirect.gather [spmem:s2], $0x80, s21, s21, $0xb8;
	[tilespmem:$0x1E800] =	vst v63  }
0x40: {  	_ = 	snop  }
0x41: {  	[hbm4b:s12+s3] =	stream.linear.scatter [tilespmem:s22], [sflag:$0x3], $0x4000, $0x38;
	[tilespmem:$0x1E800] =	vst v63  }
0x42: {  	_ =	swait.ge [sflag:s25], $0x4000  }
0x43: {  	[sflag:s25] =	ssyncset.done $0x0  }
0x44: {  	[sflag:s25] =	ssyncadd.s32 $0xFFFFC000  }
0x45: {  	_ =	swait.ge [sflag:s26], $0x4000  }
0x46: {  	[sflag:s26] =	ssyncset.done $0x0  }
0x47: {  	[sflag:s26] =	ssyncadd.s32 $0xFFFFC000  }
0x48: {  	[tilespmem:s22], [sflag:$0x1] =	stream.indirect.gather [spmem:s2], $0x80, s28, s21, $0xb8;
	[tilespmem:$0x1E800] =	vst v63  }
0x49: {  	_ = 	snop  }
0x4a: {  	[hbm4b:s13+s3] =	stream.linear.scatter [tilespmem:s24], [sflag:$0x4], $0x4000, $0x38;
	[tilespmem:$0x1E800] =	vst v63  }
0x4b: {  	_ =	swait.ge [sflag:s29], $0x4000  }
0x4c: {  	[sflag:s29] =	ssyncset.done $0x0  }
0x4d: {  	[sflag:s29] =	ssyncadd.s32 $0xFFFFC000  }
0x4e: {  	_ =	swait.ge [sflag:s23], $0x4000  }
0x4f: {  	[sflag:s23] =	ssyncset.done $0x0  }
0x50: {  	s7 =	simm.s32 $0x180;
	s5 =	sadd.s32 $0xFFFDA000, s19;
	[sflag:s23] =	ssyncadd.s32 $0xFFFFC000  }
0x51: {  	[tilespmem:s24], [sflag:$0x2] =	stream.indirect.gather [spmem:s2], $0x80, s7, s21, $0xb8;
	[tilespmem:$0x1E800] =	vst v63  }
0x52: {  	s6 =	sadd.s32 $0x2A7000, s5  }
0x53: {  	[hbm4b:s6+s3] =	stream.linear.scatter [tilespmem:s22], [sflag:$0x3], $0x4000, $0x38;
	[tilespmem:$0x1E800] =	vst v63  }
0x54: {  	_ =	swait.ge [sflag:s25], $0x4000  }
0x55: {  	[sflag:s25] =	ssyncset.done $0x0  }
0x56: {  	[sflag:s25] =	ssyncadd.s32 $0xFFFFC000  }
0x57: {  	_ =	swait.ge [sflag:s26], $0x4000  }
0x58: {  	s0 =	simm.s32 $0xFFFDB000;
	s7 =	simm.s32 $0x200;
	[sflag:s26] =	ssyncset.done $0x0  }
0x59: {  	s6 =	sadd.s32 $0x2A7800, s5;
	s5 =	simm.s32 $0x300;
	[sflag:s26] =	ssyncadd.s32 $0xFFFFC000  }
0x5a: {  	[tilespmem:s22], [sflag:$0x1] =	stream.indirect.gather [spmem:s2], $0x80, s7, s21, $0xb8;
	[tilespmem:$0x1E800] =	vst v63  }
.LBB2_6:
0x5b: {  	[hbm4b:s6+s3] =	stream.linear.scatter [tilespmem:s24], [sflag:$0x4], $0x4000, $0x38;
	[tilespmem:$0x1E800] =	vst v63  }
0x5c: {  	s6 =	smov.u32 s0  }
0x5d: {  	p1 =	seq.s32 s0, $0xFFFFF000;
	s0 =	sadd.s32 $0x1000, s0;
	_ =	swait.ge [sflag:s29], $0x4000  }
0x5e: {  	[sflag:s29] =	ssyncset.done $0x0  }
0x5f: {  	[sflag:s29] =	ssyncadd.s32 $0xFFFFC000  }
0x60: {  	_ =	swait.ge [sflag:s23], $0x4000  }
0x61: {  	[sflag:s23] =	ssyncset.done $0x0  }
0x62: {  	s7 =	sadd.s32 $0xFFFFFF80, s5;
	s6 =	sadd.s32 s6, s19;
	[sflag:s23] =	ssyncadd.s32 $0xFFFFC000  }
0x63: {  	[tilespmem:s24], [sflag:$0x2] =	stream.indirect.gather [spmem:s2], $0x80, s7, s21, $0xb8;
	[tilespmem:$0x1E800] =	vst v63  }
0x64: {  	s7 =	sadd.s32 $0x2A7000, s6  }
0x65: {  	[hbm4b:s7+s3] =	stream.linear.scatter [tilespmem:s22], [sflag:$0x3], $0x4000, $0x38;
	[tilespmem:$0x1E800] =	vst v63  }
0x66: {  	_ =	swait.ge [sflag:s25], $0x4000  }
0x67: {  	[sflag:s25] =	ssyncset.done $0x0  }
0x68: {  	[sflag:s25] =	ssyncadd.s32 $0xFFFFC000  }
.Ltmp3:
0x69: {  	_ =	swait.ge [sflag:s26], $0x4000;
	(pc) =	sbr.rel @!p1 .LBB2_6-.Ltmp3, $4  }
0x6a: {  	[sflag:s26] =	ssyncset.done $0x0  }
0x6b: {  	[sflag:s26] =	ssyncadd.s32 $0xFFFFC000  }
0x6c: {  	[tilespmem:s22], [sflag:$0x1] =	stream.indirect.gather [spmem:s2], $0x80, s5, s21, $0xb8;
	[tilespmem:$0x1E800] =	vst v63  }
0x6d: {  	s6 =	sadd.s32 $0x2A7800, s6;
	s5 =	sadd.s32 $0x100, s5  }
.Ltmp4:
0x6e: {  	_ = 	snop;
	(pc) =	sbr.rel .LBB2_7-.Ltmp4, $1  }
0x6f: {  	_ =	sdelay $0x3  }
.LBB2_2:
0x70: {  	s6 =	rddreg [dreg:$0x3]  }
0x71: {  	[spmem:s0], [sflag:s5] =	dma.local [hbm:s6], $0x2800  }
0x72: {  	_ =	swait.ge [sflag:s20], $0x2800  }
0x73: {  	[sflag:s20] =	ssyncset.done $0x0  }
0x74: {  	[sflag:s20] =	ssyncadd.s32 $0xFFFFD800  }
0x75: {  	[bflag:$0x0] =	sbarrier.arrive $0xFFFF  }
0x76: {  	s6 =	rddreg [dreg:$0x4]  }
0x77: {  	[tilespmem:s3], [sflag:$0x5] =	stream.linear.gather [hbm4b:s6+s3], $0x2800, $0x38;
	[tilespmem:$0x1E800] =	vst v63  }
0x78: {  	_ =	swait.ge [sflag:s20], $0x2800  }
0x79: {  	[sflag:s20] =	ssyncset.done $0x0  }
0x7a: {  	[sflag:s20] =	ssyncadd.s32 $0xFFFFD800  }
0x7b: {  	[tilespmem:s22], [sflag:$0x1] =	stream.indirect.gather [spmem:s2], $0x80, s3, s21, $0xb8;
	[tilespmem:$0x1E800] =	vst v63  }
0x7c: {  	_ =	swait.ge [sflag:s23], $0x4000  }
0x7d: {  	[sflag:s23] =	ssyncset.done $0x0  }
0x7e: {  	[sflag:s23] =	ssyncadd.s32 $0xFFFFC000  }
0x7f: {  	[tilespmem:s24], [sflag:$0x2] =	stream.indirect.gather [spmem:s2], $0x80, s21, s21, $0xb8;
	[tilespmem:$0x1E800] =	vst v63  }
0x80: {  	_ = 	snop  }
0x81: {  	[hbm4b:s10+s3] =	stream.linear.scatter [tilespmem:s22], [sflag:$0x3], $0x4000, $0x38;
	[tilespmem:$0x1E800] =	vst v63  }
0x82: {  	_ =	swait.ge [sflag:s25], $0x4000  }
0x83: {  	[sflag:s25] =	ssyncset.done $0x0  }
0x84: {  	[sflag:s25] =	ssyncadd.s32 $0xFFFFC000  }
0x85: {  	_ =	swait.ge [sflag:s26], $0x4000  }
0x86: {  	[sflag:s26] =	ssyncset.done $0x0  }
0x87: {  	[sflag:s26] =	ssyncadd.s32 $0xFFFFC000  }
0x88: {  	[tilespmem:s22], [sflag:$0x1] =	stream.indirect.gather [spmem:s2], $0x80, s28, s21, $0xb8;
	[tilespmem:$0x1E800] =	vst v63  }
0x89: {  	_ = 	snop  }
0x8a: {  	[hbm4b:s11+s3] =	stream.linear.scatter [tilespmem:s24], [sflag:$0x4], $0x4000, $0x38;
	[tilespmem:$0x1E800] =	vst v63  }
0x8b: {  	_ =	swait.ge [sflag:s29], $0x4000  }
0x8c: {  	[sflag:s29] =	ssyncset.done $0x0  }
0x8d: {  	[sflag:s29] =	ssyncadd.s32 $0xFFFFC000  }
0x8e: {  	_ =	swait.ge [sflag:s23], $0x4000  }
0x8f: {  	[sflag:s23] =	ssyncset.done $0x0  }
0x90: {  	s7 =	simm.s32 $0x180;
	s6 =	sadd.s32 $0xFFFDA000, s18;
	[sflag:s23] =	ssyncadd.s32 $0xFFFFC000  }
0x91: {  	[tilespmem:s24], [sflag:$0x2] =	stream.indirect.gather [spmem:s2], $0x80, s7, s21, $0xb8;
	[tilespmem:$0x1E800] =	vst v63  }
0x92: {  	s7 =	sadd.s32 $0x2A7000, s6  }
0x93: {  	[hbm4b:s7+s3] =	stream.linear.scatter [tilespmem:s22], [sflag:$0x3], $0x4000, $0x38;
	[tilespmem:$0x1E800] =	vst v63  }
0x94: {  	_ =	swait.ge [sflag:s25], $0x4000  }
0x95: {  	[sflag:s25] =	ssyncset.done $0x0  }
0x96: {  	[sflag:s25] =	ssyncadd.s32 $0xFFFFC000  }
0x97: {  	_ =	swait.ge [sflag:s26], $0x4000  }
0x98: {  	[sflag:s26] =	ssyncset.done $0x0  }
0x99: {  	s0 =	simm.s32 $0x200;
	[sflag:s26] =	ssyncadd.s32 $0xFFFFC000  }
0x9a: {  	[tilespmem:s22], [sflag:$0x1] =	stream.indirect.gather [spmem:s2], $0x80, s0, s21, $0xb8;
	[tilespmem:$0x1E800] =	vst v63  }
0x9b: {  	s5 =	simm.s32 $0x300;
	s6 =	sadd.s32 $0x2A7800, s6;
	s0 =	simm.s32 $0xFFFDB000  }
.LBB2_3:
0x9c: {  	[hbm4b:s6+s3] =	stream.linear.scatter [tilespmem:s24], [sflag:$0x4], $0x4000, $0x38;
	[tilespmem:$0x1E800] =	vst v63  }
0x9d: {  	s6 =	smov.u32 s0  }
0x9e: {  	p1 =	seq.s32 s0, $0xFFFFF000;
	s0 =	sadd.s32 $0x1000, s0;
	_ =	swait.ge [sflag:s29], $0x4000  }
0x9f: {  	[sflag:s29] =	ssyncset.done $0x0  }
0xa0: {  	[sflag:s29] =	ssyncadd.s32 $0xFFFFC000  }
0xa1: {  	_ =	swait.ge [sflag:s23], $0x4000  }
0xa2: {  	[sflag:s23] =	ssyncset.done $0x0  }
0xa3: {  	s7 =	sadd.s32 $0xFFFFFF80, s5;
	s6 =	sadd.s32 s6, s18;
	[sflag:s23] =	ssyncadd.s32 $0xFFFFC000  }
0xa4: {  	[tilespmem:s24], [sflag:$0x2] =	stream.indirect.gather [spmem:s2], $0x80, s7, s21, $0xb8;
	[tilespmem:$0x1E800] =	vst v63  }
0xa5: {  	s7 =	sadd.s32 $0x2A7000, s6  }
0xa6: {  	[hbm4b:s7+s3] =	stream.linear.scatter [tilespmem:s22], [sflag:$0x3], $0x4000, $0x38;
	[tilespmem:$0x1E800] =	vst v63  }
0xa7: {  	_ =	swait.ge [sflag:s25], $0x4000  }
0xa8: {  	[sflag:s25] =	ssyncset.done $0x0  }
0xa9: {  	[sflag:s25] =	ssyncadd.s32 $0xFFFFC000  }
.Ltmp5:
0xaa: {  	_ =	swait.ge [sflag:s26], $0x4000;
	(pc) =	sbr.rel @!p1 .LBB2_3-.Ltmp5, $4  }
0xab: {  	[sflag:s26] =	ssyncset.done $0x0  }
0xac: {  	[sflag:s26] =	ssyncadd.s32 $0xFFFFC000  }
0xad: {  	[tilespmem:s22], [sflag:$0x1] =	stream.indirect.gather [spmem:s2], $0x80, s5, s21, $0xb8;
	[tilespmem:$0x1E800] =	vst v63  }
0xae: {  	s6 =	sadd.s32 $0x2A7800, s6;
	s5 =	sadd.s32 $0x100, s5  }
0xaf: {  	[hbm4b:s6+s3] =	stream.linear.scatter [tilespmem:s24], [sflag:$0x4], $0x4000, $0x38;
	[tilespmem:$0x1E800] =	vst v63  }
0xb0: {  	_ =	swait.ge [sflag:s29], $0x4000  }
0xb1: {  	[sflag:s29] =	ssyncset.done $0x0  }
0xb2: {  	[sflag:s29] =	ssyncadd.s32 $0xFFFFC000  }
0xb3: {  	_ =	swait.ge [sflag:s23], $0x4000  }
0xb4: {  	[sflag:s23] =	ssyncset.done $0x0  }
0xb5: {  	[sflag:s23] =	ssyncadd.s32 $0xFFFFC000  }
0xb6: {  	[tilespmem:s24], [sflag:$0x2] =	stream.indirect.gather [spmem:s2], $0x80, s30, s21, $0xb8;
	[tilespmem:$0x1E800] =	vst v63  }
0xb7: {  	_ = 	snop  }
0xb8: {  	[hbm4b:s14+s3] =	stream.linear.scatter [tilespmem:s22], [sflag:$0x3], $0x4000, $0x38;
	[tilespmem:$0x1E800] =	vst v63  }
0xb9: {  	_ =	swait.ge [sflag:s25], $0x4000  }
0xba: {  	[sflag:s25] =	ssyncset.done $0x0  }
.Ltmp6:
0xbb: {  	[sflag:s25] =	ssyncadd.s32 $0xFFFFC000;
	(pc) =	sbr.rel .LBB2_8-.Ltmp6, $4  }
0xbc: {  	_ =	swait.ge [sflag:s26], $0x4000  }
0xbd: {  	[sflag:s26] =	ssyncset.done $0x0  }
0xbe: {  	[sflag:s26] =	ssyncadd.s32 $0xFFFFC000  }
0xbf: {  	[hbm4b:s15+s3] =	stream.linear.scatter [tilespmem:s24], [sflag:$0x4], $0x4000, $0x38;
	[tilespmem:$0x1E800] =	vst v63  }
.LBB2_9:
0xc0: {  	_ =	sfence.sel $0x180000  }
0xc1: {  	[bflag:$0x0] =	sbarrier.arrive $0xFFFF  }
0xc2: {  	_ =	strace $0x90000047  }
0xc3: {  	[bflag:$0x2] =	sbarrier.arrive $0xFFFF  }
0xc4: {  	p0 =	sne.s32 s1, $0x0;
	s0 =	rddreg [dreg:$0x2]  }
0xc5: {  	s0 =	sadd.s32 @!p0 $0x100000, s0  }
0xc6: {  	[sflag:s0] =	ssyncadd.tile.s32 @!p0 $0x1;
	_ =	shalt  }
.Lfunc_end2:
_tile_overlayer_lowered:
.L_overlay_start_2:
0xc7: {  	(tag) =	ssettag $0x2  }
0xc8: {  	s0 =	rddreg [dreg:$0x0];
	s2 =	stileid.u32  }
0xc9: {  	s1 =	rddreg [dreg:$0x1];
	p0 =	sne.s32 s2, $0x0  }
0xca: {  	s3 =	rddreg [dreg:$0x2];
	[bflag:$0x3] =	sbarrier.arrive $0xFFFF;
	s2 =	simm.s32 @!p0 $0x1C05  }
0xcb: {  	[timem:s3], [sflag:s2] =	dma.local @!p0 [hbm:s0], s1  }
0xcc: {  	s0 =	simm.s32 @!p0 $0x5  }
0xcd: {  	_ =	swait.ge @!p0 [sflag:s0], s1  }
0xce: {  	s1 =	ssub.s32 @!p0 $0x0, s1;
	[sflag:s0] =	ssyncset.done @!p0 $0x0  }
0xcf: {  	[sflag:s0] =	ssyncadd.s32 @!p0 s1  }
0xd0: {  	[bflag:$0x3] =	sbarrier.arrive $0xFFFF  }
0xd1: {  	_ =	shalt  }

// kernel: kernel.27.cloned.1.call-start
scs
__scs_entry_jumppad:
0x0: {  	(pc) =	sbr.rel $0x88, $3  }
0x1: {  	(tag) =	ssettag $0x0;
	lr =	simm.s32 $0x1  }
0x2: {  	[smem:$0x3F75] =	sst lr;
	_ =	strace $0xD0000000  }
0x3: {  	_ = 	snop  }
0x4: {  	_ = 	snop  }
0x5: {  	_ = 	snop  }
0x6: {  	_ = 	snop  }
0x7: {  	_ = 	snop  }
__scs_overlays_trampoline_lowered:
0x8: {  	[smem:$0x3F84] =	sst s0  }
0x9: {  	[smem:$0x3F85] =	sst s1  }
0xa: {  	[smem:$0x3F86] =	sst s2  }
0xb: {  	[smem:$0x3F87] =	sst s3  }
0xc: {  	[smem:$0x3F88] =	sst s4  }
0xd: {  	[smem:$0x3F89] =	sst s5  }
0xe: {  	[smem:$0x3F8A] =	sst s6  }
0xf: {  	[smem:$0x3F8B] =	sst s7  }
0x10: {  	[smem:$0x3F8C] =	sst s8  }
0x11: {  	[smem:$0x3F8D] =	sst s9;
	s0 =	simm.s32 @!p0 $0x0  }
0x12: {  	s1 =	sld [smem:$0x3F73];
	s0 =	simm.s32 @p0 $0x1  }
0x13: {  	[smem:$0x3F8E] =	sst s0;
	s0 =	simm.s32 @!p1 $0x0  }
0x14: {  	s2 =	sld [smem:$0x3F72];
	s0 =	simm.s32 @p1 $0x1  }
0x15: {  	[smem:$0x3F8F] =	sst s0;
	s0 =	simm.s32 @!p2 $0x0  }
0x16: {  	s3 =	sld [smem:$0x3FDB];
	s0 =	simm.s32 @p2 $0x1  }
0x17: {  	s4 =	simm.s32 $0x1BF5;
	[smem:$0x3F91] =	sst s0  }
0x18: {  	s0 =	sld [smem:$0x3F74];
	_ =	swait.ge [sflag:s4], $0x0  }
0x19: {  	s7 =	sld [smem:$0x3F75]  }
0x1a: {  	s8 =	sadd.s32 $0xFFFFE003, lr  }
0x1b: {  	s9 =	sadd.s32 $0xFFFFFEF7, lr;
	s5 =	simm.s32 $0xFFFFFFFF;
	p2 =	slt.u32 s8, $0xFFFFF086  }
0x1c: {  	p1 =	slt.u32 s9, $0xF7A;
	s5 =	simm.s32 @!p2 $0x0  }
0x1d: {  	s5 =	simm.s32 @p1 $0x1;
	p0 =	seq.s32 s7, s2  }
0x1e: {  	s7 =	smul.u32 @!p0 $0xF7A, s2;
	p2 =	seq.s32 @!p0 s5, $0x0  }
0x1f: {  	s9 =	smul.u32 $0xF7A, s1;
	s8 =	simm.s32 @!p0 $0x1BF5;
	p2 =	por !p2, p0  }
0x20: {  	[sflag:s8] =	ssyncset.s32 @!p0 $0xFFFFF086;
	s6 =	sadd.s32 @!p0 s3, s7;
	s7 =	simm.s32 @!p0 $0x108  }
0x21: {  	s3 =	sadd.s32 s3, s9;
	s6 =	sadd.s32 @!p0 $0x88, s6;
	s7 =	simm.s32 @p2 $0x1082  }
0x22: {  	[simem:s7], [sflag:s8] =	dma.local @!p0 [hbm:s6], $0xF7A  }
0x23: {  	s9 =	sor.u32 $0xD0000000, s2;
	s6 =	simm.s32 $0x108;
	_ =	swait.ge @!p0 [sflag:s8], $0x0  }
0x24: {  	s3 =	sadd.s32 $0x88, s3;
	s6 =	simm.s32 @!p1 $0x1082;
	[sflag:s4] =	ssyncset.s32 $0xFFFFF086  }
0x25: {  	[simem:s6], [sflag:s4] =	dma.local [hbm:s3], $0xF7A  }
0x26: {  	[smem:$0x3F75] =	sst s1;
	(tag) =	ssettag s2;
	_ =	strace s9  }
0x27: {  	s1 =	sld [smem:$0x3F85]  }
0x28: {  	s2 =	sld [smem:$0x3F86]  }
0x29: {  	s4 =	sld [smem:$0x3F88]  }
0x2a: {  	p0 =	seq.s32 s5, $0x0;
	s5 =	sld [smem:$0x3F89]  }
0x2b: {  	s6 =	sld [smem:$0x3F8A]  }
0x2c: {  	s7 =	sld [smem:$0x3F8B]  }
0x2d: {  	s3 =	simm.s32 $0x108;
	s8 =	sld [smem:$0x3F8C]  }
0x2e: {  	s3 =	simm.s32 @!p0 $0x1082;
	s9 =	sld [smem:$0x3F8D]  }
0x2f: {  	lr =	sadd.s32 s0, s3;
	s0 =	sld [smem:$0x3F84]  }
0x30: {  	s3 =	sld [smem:$0x3F87]  }
0x31: {  	[smem:$0x3F90] =	sst s10  }
0x32: {  	s10 =	sld [smem:$0x3F8E];
	_ =	sdelay $0x3  }
0x33: {  	p0 =	seq.s32 s10, $0x1;
	s10 =	sld [smem:$0x3F90];
	_ =	sdelay $0x3  }
0x34: {  	[smem:$0x3F90] =	sst s10  }
0x35: {  	s10 =	sld [smem:$0x3F8F];
	_ =	sdelay $0x3  }
0x36: {  	p1 =	seq.s32 s10, $0x1;
	s10 =	sld [smem:$0x3F90];
	_ =	sdelay $0x3  }
0x37: {  	[smem:$0x3F90] =	sst s10  }
0x38: {  	s10 =	sld [smem:$0x3F91]  }
0x39: {  	_ = 	snop;
	(pc) =	sbr.ind lr, $3  }
0x3a: {  	_ = 	snop  }
0x3b: {  	_ = 	snop  }
0x3c: {  	p2 =	seq.s32 s10, $0x1;
	s10 =	sld [smem:$0x3F90]  }
0x3d: {  	_ =	shalt  }
0x3e: {  	_ =	shalt  }
0x3f: {  	_ =	shalt  }
0x40: {  	_ =	shalt  }
0x41: {  	_ =	shalt  }
0x42: {  	_ =	shalt  }
0x43: {  	_ =	shalt  }
0x44: {  	_ =	shalt  }
0x45: {  	_ =	shalt  }
0x46: {  	_ =	shalt  }
0x47: {  	_ =	shalt  }
0x48: {  	_ =	shalt  }
0x49: {  	_ =	shalt  }
0x4a: {  	_ =	shalt  }
0x4b: {  	_ =	shalt  }
0x4c: {  	_ =	shalt  }
0x4d: {  	_ =	shalt  }
0x4e: {  	_ =	shalt  }
0x4f: {  	_ =	shalt  }
0x50: {  	_ =	shalt  }
0x51: {  	_ =	shalt  }
0x52: {  	_ =	shalt  }
0x53: {  	_ =	shalt  }
0x54: {  	_ =	shalt  }
0x55: {  	_ =	shalt  }
0x56: {  	_ =	shalt  }
0x57: {  	_ =	shalt  }
0x58: {  	_ =	shalt  }
0x59: {  	_ =	shalt  }
0x5a: {  	_ =	shalt  }
0x5b: {  	_ =	shalt  }
0x5c: {  	_ =	shalt  }
0x5d: {  	_ =	shalt  }
0x5e: {  	_ =	shalt  }
0x5f: {  	_ =	shalt  }
0x60: {  	_ =	shalt  }
0x61: {  	_ =	shalt  }
0x62: {  	_ =	shalt  }
0x63: {  	_ =	shalt  }
0x64: {  	_ =	shalt  }
0x65: {  	_ =	shalt  }
0x66: {  	_ =	shalt  }
0x67: {  	_ =	shalt  }
0x68: {  	_ =	shalt  }
0x69: {  	_ =	shalt  }
0x6a: {  	_ =	shalt  }
0x6b: {  	_ =	shalt  }
0x6c: {  	_ =	shalt  }
0x6d: {  	_ =	shalt  }
0x6e: {  	_ =	shalt  }
0x6f: {  	_ =	shalt  }
0x70: {  	_ =	shalt  }
0x71: {  	_ =	shalt  }
0x72: {  	_ =	shalt  }
0x73: {  	_ =	shalt  }
0x74: {  	_ =	shalt  }
0x75: {  	_ =	shalt  }
0x76: {  	_ =	shalt  }
0x77: {  	_ =	shalt  }
0x78: {  	_ =	shalt  }
0x79: {  	_ =	shalt  }
0x7a: {  	_ =	shalt  }
0x7b: {  	_ =	shalt  }
0x7c: {  	_ =	shalt  }
0x7d: {  	_ =	shalt  }
0x7e: {  	_ =	shalt  }
0x7f: {  	_ =	shalt  }
0x80: {  	_ =	shalt  }
0x81: {  	_ =	shalt  }
0x82: {  	_ =	shalt  }
0x83: {  	_ =	shalt  }
0x84: {  	_ =	shalt  }
0x85: {  	_ =	shalt  }
0x86: {  	_ =	shalt  }
0x87: {  	_ =	shalt  }
.Lfunc_end0:
.L_simem_size_0:
called_computation.2_lowered:
.L_overlay_start_0:
0x88: {  	s2 =	sld [smem:$0x3FD9]  }
0x89: {  	s3 =	sld [smem:$0x3FFE];
	_ =	sdelay $0x1  }
0x8a: {  	s1 =	srdreg.scid  }
0x8b: {  	s0 =	sand.u32 $0x1, s1  }
0x8c: {  	s17 =	sshll.u32 s0, $0xA;
	s2 =	sadd.s32 s3, s2  }
0x8d: {  	s2 =	sadd.s32 s2, s17  }
0x8e: {  	[smem:$0x3F9C] =	sst s2  }
0x8f: {  	_ = 	snop  }
0x90: {  	(tm) =	ssettm $0x1  }
0x91: {  	s18 =	sld [smem:$0x3FFB];
	_ =	sdelay $0x3  }
0x92: {  	_ =	strace s18  }
0x93: {  	s2 =	sld [smem:$0x3FFC];
	_ =	sdelay $0x3  }
0x94: {  	_ =	strace s2  }
0x95: {  	s2 =	sld [smem:$0x3FFD];
	_ =	sdelay $0x3  }
0x96: {  	_ =	strace s2  }
0x97: {  	_ =	strace $0x8FFFFFFF  }
0x98: {  	s19 =	sld [smem:$0x3FDB];
	_ =	sdelay $0x1  }
0x99: {  	s20 =	simm.s32 $_scs_section_size  }
0x9a: {  	s4 =	simm.s32 $_size__tile_overlayer_lowered;
	s5 =	simm.s32 $_tile_overlayer_lowered  }
0x9b: {  	s6 =	simm.s32 $0x1BFF;
	s21 =	sshll.u32 s5, $0x1;
	s3 =	sadd.s32 s20, s19  }
0x9c: {  	s22 =	simm.s32 $0x0;
	s4 =	sshll.u32 s4, $0x1;
	s5 =	sadd.s32 s21, s3  }
0x9d: {  	[timem:s22], [sflag:s6] =	dma.local [hbm:s5], s4  }
0x9e: {  	_ =	swait.ge [sflag:s6], s4  }
0x9f: {  	s4 =	ssub.s32 $0x0, s4;
	[sflag:s6] =	ssyncset.done $0x0  }
0xa0: {  	[sflag:s6] =	ssyncadd.s32 s4;
	_ =	sdelay $0x1  }
0xa1: {  	s23 =	simm.s32 $0x1B8B  }
0xa2: {  	_ =	swait.ge [sflag:s23], $0x1  }
0xa3: {  	[sflag:s23] =	ssyncset.done $0x0  }
0xa4: {  	[sflag:s23] =	ssyncadd.s32 $0xFFFFFFFF  }
0xa5: {  	s4 =	sld [smem:$0x0]  }
0xa6: {  	s5 =	sand.u32 $0xFFFFFFFE, s1  }
0xa7: {  	p0 =	sne.s32 s1, s5  }
0xa8: {  	s5 =	sshll.u32 @p0 s5, $0xE  }
0xa9: {  	s5 =	sadd.s32 @p0 $0x11B8D, s5;
	s6 =	sshll.u32 @p0 s4, $0x11  }
0xaa: {  	s5 =	sor.u32 @p0 s6, s5  }
0xab: {  	[sflag:s5] =	ssyncadd.remote.s32 @p0 $0x1;
	_ =	sdelay $0x1  }
0xac: {  	s5 =	simm.s32 @p0 $0x1B8D  }
0xad: {  	_ =	swait.eq @p0 [sflag:s5], $0x1  }
0xae: {  	[sflag:s5] =	ssyncadd.s32 @p0 $0xFFFFFFFF  }
0xaf: {  	s6 =	sshll.u32 @!p0 s1, $0xE  }
0xb0: {  	s6 =	sor.u32 @!p0 $0x4000, s6;
	s5 =	simm.s32 @!p0 $0x1B8D  }
0xb1: {  	s4 =	sshll.u32 @!p0 s4, $0x11;
	s6 =	sadd.s32 @!p0 $0x11B8D, s6;
	_ =	swait.eq @!p0 [sflag:s5], $0x1  }
0xb2: {  	s4 =	sor.u32 @!p0 s4, s6;
	[sflag:s5] =	ssyncadd.s32 @!p0 $0xFFFFFFFF  }
0xb3: {  	s25 =	simm.s32 $0x1B8E;
	s24 =	sld [smem:$0x3FFE];
	[sflag:s4] =	ssyncadd.remote.s32 @!p0 $0x1  }
0xb4: {  	s26 =	simm.s32 $execute0_lowered;
	[smem:$0x3FD2] =	sst s25  }
0xb5: {  	s5 =	sshll.u32 s26, $0x1;
	_ =	strace $0x8000004F;
	[dreg:$0x1] =	wrdreg $0xFFFFFFFF  }
0xb6: {  	s28 =	simm.s32 $_size_execute0_lowered;
	s3 =	sadd.s32 s3, s5;
	[dreg:$0x0] =	wrdreg $0x0  }
0xb7: {  	s5 =	sshll.u32 s28, $0x1;
	[dreg:$0x2] =	wrdreg s3  }
0xb8: {  	[dreg:$0x3] =	wrdreg s5  }
0xb9: {  	[dreg:$0x4] =	wrdreg $0xC0  }
0xba: {  	_ =	task [dreg:s22], $0x5FFFF  }
0xbb: {  	[dreg:$0x1] =	wrdreg $0xFFFFFFFF  }
0xbc: {  	[dreg:$0x0] =	wrdreg $0x60  }
0xbd: {  	[dreg:$0x2] =	wrdreg s24  }
0xbe: {  	[dreg:$0x3] =	wrdreg $0x94000  }
0xbf: {  	[dreg:$0x4] =	wrdreg $0x9  }
0xc0: {  	_ =	task.clear_ibuf [dreg:s22], $0x5FFFF;
	_ =	strace $0x9000004F  }
0xc1: {  	s29 =	simm.s32 $0x9;
	_ =	strace $0x80000051  }
0xc2: {  	_ =	swait.ge [sflag:s29], $0x1  }
0xc3: {  	[sflag:s29] =	ssyncadd.s32 $0xFFFFFFFF  }
0xc4: {  	_ =	strace $0x90000051  }
0xc5: {  	_ =	sfence  }
0xc6: {  	s30 =	sld [smem:$0x0];
	_ =	sdelay $0x2  }
0xc7: {  	s31 =	sshll.u32 s1, $0xD;
	s1 =	sshrl.u32 s1, $0x2  }
0xc8: {  	s4 =	sand.u32 $0x4000, s31;
	s1 =	sadd.s32 s1, s30  }
0xc9: {  	s0 =	sor.u32 s4, s0;
	s1 =	sshll.u32 s1, $0x11  }
0xca: {  	s0 =	sor.u32 s1, s0  }
0xcb: {  	s0 =	sadd.s32 $0x8F2B, s0  }
0xcc: {  	[sflag:s0] =	ssyncadd.remote.s32 $0x1  }
0xcd: {  	_ =	sfence.sel $0xFFFF  }
0xce: {  	[dreg:$0x0] =	wrdreg $0xFFFFFFFF;
	(pc) =	sbr.abs _section_cstart, $3  }
0xcf: {  	[dreg:$0x1] =	wrdreg $0xFFFFFFFF  }
0xd0: {  	_ =	task.clear_ibuf [dreg:s22], $0x2FFFF;
	_ =	strace $0x9FFFFFFF  }
0xd1: {  	(tm) =	ssettm $0x7FFFFFFF  }
tec
execute0_lowered:
.L_overlay_start_1:
0x0: {  	(tag) =	ssettag $0x1  }
0x1: {  	s4 =	rddreg [dreg:$0x0];
	s1 =	stileid.u32  }
0x2: {  	s2 =	rddreg [dreg:$0x1];
	s6 =	smul.u32 $0x28000, s1  }
0x3: {  	s3 =	srdreg.scid;
	s7 =	smul.u32 $0x50000, s1  }
0x4: {  	s0 =	rddreg [dreg:$0x2];
	s13 =	smul.u32 $0x280, s1  }
0x5: {  	s11 =	sand.u32 $0x1, s3;
	s5 =	sshll.u32 s1, $0x1;
	s16 =	smul.u32 $0x2800, s1  }
0x6: {  	s3 =	simm.s32 $0x0;
	s5 =	sor.u32 s11, s5;
	s26 =	smul.u32 $0x28000, s11  }
0x7: {  	[smem:$0x7FF] =	sst s3;
	s8 =	ssub.s32 $0x2, s11;
	s11 =	smul.u32 $0x14000, s11  }
0x8: {  	s5 =	smul.u32 $0x280, s5;
	_ =	strace $0x80000050;
	s12 =	sadd.s32 s6, s4  }
0x9: {  	s9 =	sshrl.u32 s8, $0x1;
	s7 =	sshrl.u32 s7, $0x2;
	s14 =	sadd.s32 $0x80, s13  }
0xa: {  	s17 =	sadd.s32 $0x100, s13;
	s29 =	sadd.s32 $0x180, s13;
	s13 =	sadd.s32 $0x200, s13  }
0xb: {  	s6 =	sadd.s32 s26, s4;
	s8 =	ssub.s32 s8, s9;
	s15 =	sshll.u32 s14, $0x7  }
0xc: {  	s19 =	sshll.u32 s14, $0x4;
	s28 =	sshll.u32 s17, $0x7;
	s21 =	sshll.u32 s17, $0x4  }
0xd: {  	s30 =	sshll.u32 s29, $0x7;
	s24 =	sshll.u32 s29, $0x4;
	s31 =	sshll.u32 s13, $0x7  }
0xe: {  	s26 =	sshll.u32 s13, $0x4;
	s11 =	sadd.s32 s11, s12;
	s12 =	simm.s32 $0x5400  }
0xf: {  	s13 =	simm.s32 $0x1;
	s14 =	simm.s32 $0x1400;
	s5 =	sadd.s32 s5, s4  }
0x10: {  	s4 =	sadd.s32 s7, s2;
	s23 =	sadd.s32 $0x1769C00, s6;
	s6 =	smax.u32 s8, $0x1  }
0x11: {  	s18 =	sadd.s32 s15, s2;
	s20 =	sadd.s32 s28, s2;
	s22 =	sadd.s32 s30, s2  }
0x12: {  	s25 =	sadd.s32 s31, s2;
	s11 =	sadd.s32 $0x49C00, s11;
	s15 =	simm.s32 $0x80  }
0x13: {  	s5 =	sadd.s32 $0x17C00, s5;
	s7 =	sadd.s32 $0x4000, s4;
	s8 =	sadd.s32 $0x8000, s4  }
0x14: {  	s9 =	sadd.s32 $0xC000, s4;
	s10 =	sadd.s32 $0x10000, s4;
	s16 =	sadd.s32 s16, s23  }
0x15: {  	s17 =	sadd.s32 s19, s23;
	s18 =	sshrl.u32 s18, $0x3;
	s19 =	sadd.s32 s21, s23  }
0x16: {  	s20 =	sshrl.u32 s20, $0x3;
	s21 =	sadd.s32 s24, s23;
	s22 =	sshrl.u32 s22, $0x3  }
0x17: {  	v0 =	vimm.f32 $0.0e+00;
	s23 =	sadd.s32 s26, s23;
	s24 =	sshrl.u32 s25, $0x3;
	s25 =	simm.s32 $0x0  }
.LBB2_1:
0x18: {  	s26 =	simm.s32 $0x0;
	s28 =	simm.s32 $0x200  }
.LBB2_2:
0x19: {  	p0 =	sne.s32 s28, $0xFE00;
	[tilespmem:s26+$0x5470] =	vst v0  }
0x1a: {  	[tilespmem:s26+$0x5400] =	vst v0  }
0x1b: {  	[tilespmem:s26+$0x5410] =	vst v0  }
.Ltmp0:
0x1c: {  	[tilespmem:s26+$0x5420] =	vst v0;
	(pc) =	sbr.rel @p0 .LBB2_2-.Ltmp0, $4  }
0x1d: {  	[tilespmem:s26+$0x5430] =	vst v0  }
0x1e: {  	[tilespmem:s26+$0x5440] =	vst v0  }
0x1f: {  	[tilespmem:s26+$0x5450] =	vst v0  }
0x20: {  	[tilespmem:s26+$0x5460] =	vst v0;
	s26 =	sshra.s32 s28, $0x2;
	s28 =	sadd.s32 $0x200, s28  }
0x21: {  	[tilespmem:s26+$0x5470] =	vst v0  }
0x22: {  	[tilespmem:s26+$0x5400] =	vst v0  }
0x23: {  	[tilespmem:s26+$0x5410] =	vst v0  }
0x24: {  	[tilespmem:s26+$0x5420] =	vst v0  }
0x25: {  	[tilespmem:s26+$0x5430] =	vst v0  }
0x26: {  	[tilespmem:s26+$0x5440] =	vst v0  }
0x27: {  	[tilespmem:s26+$0x5450] =	vst v0  }
0x28: {  	[tilespmem:s26+$0x5460] =	vst v0  }
0x29: {  	[spmem:s4] =	stream.linear.scatter [tilespmem:s12], [sflag:$0x1], $0x4000, $0x38;
	[tilespmem:$0x1D400] =	vst v63  }
0x2a: {  	_ =	swait.ge [sflag:s13], $0x4000  }
0x2b: {  	[sflag:s13] =	ssyncset.done $0x0  }
0x2c: {  	[sflag:s13] =	ssyncadd.s32 $0xFFFFC000  }
0x2d: {  	[spmem:s7] =	stream.linear.scatter [tilespmem:s12], [sflag:$0x1], $0x4000, $0x38;
	[tilespmem:$0x1D400] =	vst v63  }
0x2e: {  	_ =	swait.ge [sflag:s13], $0x4000  }
0x2f: {  	[sflag:s13] =	ssyncset.done $0x0  }
0x30: {  	[sflag:s13] =	ssyncadd.s32 $0xFFFFC000  }
0x31: {  	[spmem:s8] =	stream.linear.scatter [tilespmem:s12], [sflag:$0x1], $0x4000, $0x38;
	[tilespmem:$0x1D400] =	vst v63  }
0x32: {  	_ =	swait.ge [sflag:s13], $0x4000  }
0x33: {  	[sflag:s13] =	ssyncset.done $0x0  }
0x34: {  	[sflag:s13] =	ssyncadd.s32 $0xFFFFC000  }
0x35: {  	[spmem:s9] =	stream.linear.scatter [tilespmem:s12], [sflag:$0x1], $0x4000, $0x38;
	[tilespmem:$0x1D400] =	vst v63  }
0x36: {  	_ =	swait.ge [sflag:s13], $0x4000  }
0x37: {  	[sflag:s13] =	ssyncset.done $0x0  }
0x38: {  	[sflag:s13] =	ssyncadd.s32 $0xFFFFC000  }
0x39: {  	[spmem:s10] =	stream.linear.scatter [tilespmem:s12], [sflag:$0x1], $0x4000, $0x38;
	[tilespmem:$0x1D400] =	vst v63  }
0x3a: {  	_ =	swait.ge [sflag:s13], $0x4000  }
0x3b: {  	[sflag:s13] =	ssyncset.done $0x0  }
0x3c: {  	[sflag:s13] =	ssyncadd.s32 $0xFFFFC000  }
0x3d: {  	s30 =	simm.s32 $0x0;
	[bflag:$0x0] =	sbarrier.arrive $0xFFFF  }
0x3e: {  	[tilespmem:s30], [sflag:$0x1] =	stream.linear.gather [hbm4b:s5+s30], $0x1400, $0x38;
	[tilespmem:$0x1D400] =	vst v63  }
0x3f: {  	_ =	swait.ge [sflag:s13], $0x1400  }
0x40: {  	[sflag:s13] =	ssyncset.done $0x0  }
0x41: {  	[sflag:s13] =	ssyncadd.s32 $0xFFFFEC00  }
0x42: {  	[tilespmem:s14], [sflag:$0x1] =	stream.linear.gather [hbm4b:s11+s3], $0x4000, $0x38;
	[tilespmem:$0x1D400] =	vst v63  }
0x43: {  	_ =	swait.ge [sflag:s13], $0x4000  }
0x44: {  	[sflag:s13] =	ssyncset.done $0x0  }
0x45: {  	s31 =	simm.s32 $0x0;
	[sflag:s13] =	ssyncadd.s32 $0xFFFFC000  }
0x46: {  	[spmem:s2] =	stream.indirect.scatter.add.f32 [tilespmem:s14], [sflag:$0x1], $0x80, s31, s15, $0xb8;
	[tilespmem:$0x1D400] =	vst v63  }
0x47: {  	_ =	swait.ge [sflag:s13], $0x4000  }
0x48: {  	s26 =	simm.s32 $0x200;
	s28 =	smov.u32 s11;
	[sflag:s13] =	ssyncset.done $0x0  }
.LBB2_4:
0x49: {  	p0 =	sne.s32 s26, $0x4E00;
	[sflag:s13] =	ssyncadd.s32 $0xFFFFC000;
	s28 =	sadd.s32 $0x800, s28  }
0x4a: {  	[tilespmem:s14], [sflag:$0x1] =	stream.linear.gather [hbm4b:s28+s3], $0x4000, $0x38;
	[tilespmem:$0x1D400] =	vst v63  }
0x4b: {  	s29 =	smov.u32 s26;
	s26 =	sadd.s32 $0x200, s26;
	_ =	swait.ge [sflag:s13], $0x4000  }
.Ltmp1:
0x4c: {  	[sflag:s13] =	ssyncset.done $0x0;
	(pc) =	sbr.rel @p0 .LBB2_4-.Ltmp1, $4  }
0x4d: {  	s29 =	sshra.s32 s29, $0x2;
	[sflag:s13] =	ssyncadd.s32 $0xFFFFC000  }
0x4e: {  	[spmem:s2] =	stream.indirect.scatter.add.f32 [tilespmem:s14], [sflag:$0x1], $0x80, s29, s15, $0xb8;
	[tilespmem:$0x1D400] =	vst v63  }
0x4f: {  	_ =	swait.ge [sflag:s13], $0x4000  }
0x50: {  	[sflag:s13] =	ssyncset.done $0x0  }
0x51: {  	[sflag:s13] =	ssyncadd.s32 $0xFFFFC000;
	s26 =	sshll.u32 s1, $0x6  }
0x52: {  	s28 =	sshrl.u32 s4, $0x3;
	[bflag:$0x0] =	sbarrier.arrive $0xFFFF;
	s26 =	sor.u32 $0x1C01, s26  }
0x53: {  	[hbm:s16], [sflag:s26] =	dma.local [spmem:s28], $0x800  }
0x54: {  	_ =	swait.ge [sflag:s13], $0x800  }
0x55: {  	[sflag:s13] =	ssyncset.done $0x0  }
0x56: {  	[sflag:s13] =	ssyncadd.s32 $0xFFFFF800  }
0x57: {  	[hbm:s17], [sflag:s26] =	dma.local [spmem:s18], $0x800  }
0x58: {  	_ =	swait.ge [sflag:s13], $0x800  }
0x59: {  	[sflag:s13] =	ssyncset.done $0x0  }
0x5a: {  	[sflag:s13] =	ssyncadd.s32 $0xFFFFF800  }
0x5b: {  	[hbm:s19], [sflag:s26] =	dma.local [spmem:s20], $0x800  }
0x5c: {  	_ =	swait.ge [sflag:s13], $0x800  }
0x5d: {  	[sflag:s13] =	ssyncset.done $0x0  }
0x5e: {  	[sflag:s13] =	ssyncadd.s32 $0xFFFFF800  }
0x5f: {  	[hbm:s21], [sflag:s26] =	dma.local [spmem:s22], $0x800  }
0x60: {  	s25 =	sadd.s32 $0x1, s25;
	_ =	swait.ge [sflag:s13], $0x800  }
0x61: {  	p0 =	sne.s32 s25, s6;
	[sflag:s13] =	ssyncset.done $0x0  }
.Ltmp2:
0x62: {  	[sflag:s13] =	ssyncadd.s32 $0xFFFFF800;
	(pc) =	sbr.rel @p0 .LBB2_1-.Ltmp2, $4  }
0x63: {  	[hbm:s23], [sflag:s26] =	dma.local [spmem:s24], $0x800  }
0x64: {  	_ =	swait.ge [sflag:s13], $0x800  }
0x65: {  	[sflag:s13] =	ssyncset.done $0x0  }
0x66: {  	[sflag:s13] =	ssyncadd.s32 $0xFFFFF800  }
0x67: {  	_ =	sfence.sel $0x180000  }
0x68: {  	[bflag:$0x0] =	sbarrier.arrive $0xFFFF  }
0x69: {  	p0 =	sne.s32 s1, $0x0;
	_ =	strace $0x90000050  }
0x6a: {  	s0 =	sadd.s32 @!p0 $0x100000, s0;
	[bflag:$0x2] =	sbarrier.arrive $0xFFFF  }
0x6b: {  	[sflag:s0] =	ssyncadd.tile.s32 @!p0 $0x1;
	_ =	shalt  }
.Lfunc_end2:
_tile_overlayer_lowered:
.L_overlay_start_2:
0x6c: {  	(tag) =	ssettag $0x2  }
0x6d: {  	s0 =	rddreg [dreg:$0x0];
	s2 =	stileid.u32  }
0x6e: {  	s1 =	rddreg [dreg:$0x1];
	p0 =	sne.s32 s2, $0x0  }
0x6f: {  	s3 =	rddreg [dreg:$0x2];
	[bflag:$0x3] =	sbarrier.arrive $0xFFFF;
	s2 =	simm.s32 @!p0 $0x1C01  }
0x70: {  	[timem:s3], [sflag:s2] =	dma.local @!p0 [hbm:s0], s1  }
0x71: {  	s0 =	simm.s32 @!p0 $0x1  }
0x72: {  	_ =	swait.ge @!p0 [sflag:s0], s1  }
0x73: {  	s1 =	ssub.s32 @!p0 $0x0, s1;
	[sflag:s0] =	ssyncset.done @!p0 $0x0  }
0x74: {  	[sflag:s0] =	ssyncadd.s32 @!p0 s1  }
0x75: {  	[bflag:$0x3] =	sbarrier.arrive $0xFFFF  }
0x76: {  	_ =	shalt  }

// kernel: kernel.30.cloned.1.call-start
scs
__scs_entry_jumppad:
0x0: {  	(pc) =	sbr.rel $0x88, $3  }
0x1: {  	(tag) =	ssettag $0x0;
	lr =	simm.s32 $0x1  }
0x2: {  	[smem:$0x3F75] =	sst lr;
	_ =	strace $0xD0000000  }
0x3: {  	_ = 	snop  }
0x4: {  	_ = 	snop  }
0x5: {  	_ = 	snop  }
0x6: {  	_ = 	snop  }
0x7: {  	_ = 	snop  }
__scs_overlays_trampoline_lowered:
0x8: {  	[smem:$0x3F84] =	sst s0  }
0x9: {  	[smem:$0x3F85] =	sst s1  }
0xa: {  	[smem:$0x3F86] =	sst s2  }
0xb: {  	[smem:$0x3F87] =	sst s3  }
0xc: {  	[smem:$0x3F88] =	sst s4  }
0xd: {  	[smem:$0x3F89] =	sst s5  }
0xe: {  	[smem:$0x3F8A] =	sst s6  }
0xf: {  	[smem:$0x3F8B] =	sst s7  }
0x10: {  	[smem:$0x3F8C] =	sst s8  }
0x11: {  	[smem:$0x3F8D] =	sst s9;
	s0 =	simm.s32 @!p0 $0x0  }
0x12: {  	s1 =	sld [smem:$0x3F73];
	s0 =	simm.s32 @p0 $0x1  }
0x13: {  	[smem:$0x3F8E] =	sst s0;
	s0 =	simm.s32 @!p1 $0x0  }
0x14: {  	s2 =	sld [smem:$0x3F72];
	s0 =	simm.s32 @p1 $0x1  }
0x15: {  	[smem:$0x3F8F] =	sst s0;
	s0 =	simm.s32 @!p2 $0x0  }
0x16: {  	s3 =	sld [smem:$0x3FDB];
	s0 =	simm.s32 @p2 $0x1  }
0x17: {  	s4 =	simm.s32 $0x1BF5;
	[smem:$0x3F91] =	sst s0  }
0x18: {  	s0 =	sld [smem:$0x3F74];
	_ =	swait.ge [sflag:s4], $0x0  }
0x19: {  	s7 =	sld [smem:$0x3F75]  }
0x1a: {  	s8 =	sadd.s32 $0xFFFFE003, lr  }
0x1b: {  	s9 =	sadd.s32 $0xFFFFFEF7, lr;
	s5 =	simm.s32 $0xFFFFFFFF;
	p2 =	slt.u32 s8, $0xFFFFF086  }
0x1c: {  	p1 =	slt.u32 s9, $0xF7A;
	s5 =	simm.s32 @!p2 $0x0  }
0x1d: {  	s5 =	simm.s32 @p1 $0x1;
	p0 =	seq.s32 s7, s2  }
0x1e: {  	s7 =	smul.u32 @!p0 $0xF7A, s2;
	p2 =	seq.s32 @!p0 s5, $0x0  }
0x1f: {  	s9 =	smul.u32 $0xF7A, s1;
	s8 =	simm.s32 @!p0 $0x1BF5;
	p2 =	por !p2, p0  }
0x20: {  	[sflag:s8] =	ssyncset.s32 @!p0 $0xFFFFF086;
	s6 =	sadd.s32 @!p0 s3, s7;
	s7 =	simm.s32 @!p0 $0x108  }
0x21: {  	s3 =	sadd.s32 s3, s9;
	s6 =	sadd.s32 @!p0 $0x88, s6;
	s7 =	simm.s32 @p2 $0x1082  }
0x22: {  	[simem:s7], [sflag:s8] =	dma.local @!p0 [hbm:s6], $0xF7A  }
0x23: {  	s9 =	sor.u32 $0xD0000000, s2;
	s6 =	simm.s32 $0x108;
	_ =	swait.ge @!p0 [sflag:s8], $0x0  }
0x24: {  	s3 =	sadd.s32 $0x88, s3;
	s6 =	simm.s32 @!p1 $0x1082;
	[sflag:s4] =	ssyncset.s32 $0xFFFFF086  }
0x25: {  	[simem:s6], [sflag:s4] =	dma.local [hbm:s3], $0xF7A  }
0x26: {  	[smem:$0x3F75] =	sst s1;
	(tag) =	ssettag s2;
	_ =	strace s9  }
0x27: {  	s1 =	sld [smem:$0x3F85]  }
0x28: {  	s2 =	sld [smem:$0x3F86]  }
0x29: {  	s4 =	sld [smem:$0x3F88]  }
0x2a: {  	p0 =	seq.s32 s5, $0x0;
	s5 =	sld [smem:$0x3F89]  }
0x2b: {  	s6 =	sld [smem:$0x3F8A]  }
0x2c: {  	s7 =	sld [smem:$0x3F8B]  }
0x2d: {  	s3 =	simm.s32 $0x108;
	s8 =	sld [smem:$0x3F8C]  }
0x2e: {  	s3 =	simm.s32 @!p0 $0x1082;
	s9 =	sld [smem:$0x3F8D]  }
0x2f: {  	lr =	sadd.s32 s0, s3;
	s0 =	sld [smem:$0x3F84]  }
0x30: {  	s3 =	sld [smem:$0x3F87]  }
0x31: {  	[smem:$0x3F90] =	sst s10  }
0x32: {  	s10 =	sld [smem:$0x3F8E];
	_ =	sdelay $0x3  }
0x33: {  	p0 =	seq.s32 s10, $0x1;
	s10 =	sld [smem:$0x3F90];
	_ =	sdelay $0x3  }
0x34: {  	[smem:$0x3F90] =	sst s10  }
0x35: {  	s10 =	sld [smem:$0x3F8F];
	_ =	sdelay $0x3  }
0x36: {  	p1 =	seq.s32 s10, $0x1;
	s10 =	sld [smem:$0x3F90];
	_ =	sdelay $0x3  }
0x37: {  	[smem:$0x3F90] =	sst s10  }
0x38: {  	s10 =	sld [smem:$0x3F91]  }
0x39: {  	_ = 	snop;
	(pc) =	sbr.ind lr, $3  }
0x3a: {  	_ = 	snop  }
0x3b: {  	_ = 	snop  }
0x3c: {  	p2 =	seq.s32 s10, $0x1;
	s10 =	sld [smem:$0x3F90]  }
0x3d: {  	_ =	shalt  }
0x3e: {  	_ =	shalt  }
0x3f: {  	_ =	shalt  }
0x40: {  	_ =	shalt  }
0x41: {  	_ =	shalt  }
0x42: {  	_ =	shalt  }
0x43: {  	_ =	shalt  }
0x44: {  	_ =	shalt  }
0x45: {  	_ =	shalt  }
0x46: {  	_ =	shalt  }
0x47: {  	_ =	shalt  }
0x48: {  	_ =	shalt  }
0x49: {  	_ =	shalt  }
0x4a: {  	_ =	shalt  }
0x4b: {  	_ =	shalt  }
0x4c: {  	_ =	shalt  }
0x4d: {  	_ =	shalt  }
0x4e: {  	_ =	shalt  }
0x4f: {  	_ =	shalt  }
0x50: {  	_ =	shalt  }
0x51: {  	_ =	shalt  }
0x52: {  	_ =	shalt  }
0x53: {  	_ =	shalt  }
0x54: {  	_ =	shalt  }
0x55: {  	_ =	shalt  }
0x56: {  	_ =	shalt  }
0x57: {  	_ =	shalt  }
0x58: {  	_ =	shalt  }
0x59: {  	_ =	shalt  }
0x5a: {  	_ =	shalt  }
0x5b: {  	_ =	shalt  }
0x5c: {  	_ =	shalt  }
0x5d: {  	_ =	shalt  }
0x5e: {  	_ =	shalt  }
0x5f: {  	_ =	shalt  }
0x60: {  	_ =	shalt  }
0x61: {  	_ =	shalt  }
0x62: {  	_ =	shalt  }
0x63: {  	_ =	shalt  }
0x64: {  	_ =	shalt  }
0x65: {  	_ =	shalt  }
0x66: {  	_ =	shalt  }
0x67: {  	_ =	shalt  }
0x68: {  	_ =	shalt  }
0x69: {  	_ =	shalt  }
0x6a: {  	_ =	shalt  }
0x6b: {  	_ =	shalt  }
0x6c: {  	_ =	shalt  }
0x6d: {  	_ =	shalt  }
0x6e: {  	_ =	shalt  }
0x6f: {  	_ =	shalt  }
0x70: {  	_ =	shalt  }
0x71: {  	_ =	shalt  }
0x72: {  	_ =	shalt  }
0x73: {  	_ =	shalt  }
0x74: {  	_ =	shalt  }
0x75: {  	_ =	shalt  }
0x76: {  	_ =	shalt  }
0x77: {  	_ =	shalt  }
0x78: {  	_ =	shalt  }
0x79: {  	_ =	shalt  }
0x7a: {  	_ =	shalt  }
0x7b: {  	_ =	shalt  }
0x7c: {  	_ =	shalt  }
0x7d: {  	_ =	shalt  }
0x7e: {  	_ =	shalt  }
0x7f: {  	_ =	shalt  }
0x80: {  	_ =	shalt  }
0x81: {  	_ =	shalt  }
0x82: {  	_ =	shalt  }
0x83: {  	_ =	shalt  }
0x84: {  	_ =	shalt  }
0x85: {  	_ =	shalt  }
0x86: {  	_ =	shalt  }
0x87: {  	_ =	shalt  }
.Lfunc_end0:
.L_simem_size_0:
called_computation.3_lowered:
.L_overlay_start_0:
0x88: {  	s2 =	sld [smem:$0x3FD9]  }
0x89: {  	s3 =	sld [smem:$0x3FFE];
	_ =	sdelay $0x1  }
0x8a: {  	s1 =	srdreg.scid  }
0x8b: {  	s0 =	sand.u32 $0x1, s1  }
0x8c: {  	s17 =	sshll.u32 s0, $0xA;
	s2 =	sadd.s32 s3, s2  }
0x8d: {  	s2 =	sadd.s32 s2, s17  }
0x8e: {  	[smem:$0x3F9C] =	sst s2  }
0x8f: {  	_ = 	snop  }
0x90: {  	(tm) =	ssettm $0x1  }
0x91: {  	s18 =	sld [smem:$0x3FFB];
	_ =	sdelay $0x3  }
0x92: {  	_ =	strace s18  }
0x93: {  	s2 =	sld [smem:$0x3FFC];
	_ =	sdelay $0x3  }
0x94: {  	_ =	strace s2  }
0x95: {  	s2 =	sld [smem:$0x3FFD];
	_ =	sdelay $0x3  }
0x96: {  	_ =	strace s2  }
0x97: {  	_ =	strace $0x8FFFFFFF  }
0x98: {  	s19 =	sld [smem:$0x3FDB];
	_ =	sdelay $0x1  }
0x99: {  	s20 =	simm.s32 $_scs_section_size  }
0x9a: {  	s4 =	simm.s32 $_size__tile_overlayer_lowered;
	s5 =	simm.s32 $_tile_overlayer_lowered  }
0x9b: {  	s6 =	simm.s32 $0x1BFF;
	s21 =	sshll.u32 s5, $0x1;
	s3 =	sadd.s32 s20, s19  }
0x9c: {  	s22 =	simm.s32 $0x0;
	s4 =	sshll.u32 s4, $0x1;
	s5 =	sadd.s32 s21, s3  }
0x9d: {  	[timem:s22], [sflag:s6] =	dma.local [hbm:s5], s4  }
0x9e: {  	_ =	swait.ge [sflag:s6], s4  }
0x9f: {  	s4 =	ssub.s32 $0x0, s4;
	[sflag:s6] =	ssyncset.done $0x0  }
0xa0: {  	[sflag:s6] =	ssyncadd.s32 s4;
	_ =	sdelay $0x1  }
0xa1: {  	s23 =	simm.s32 $0x1B8B  }
0xa2: {  	_ =	swait.ge [sflag:s23], $0x1  }
0xa3: {  	[sflag:s23] =	ssyncset.done $0x0  }
0xa4: {  	[sflag:s23] =	ssyncadd.s32 $0xFFFFFFFF  }
0xa5: {  	s4 =	sld [smem:$0x0]  }
0xa6: {  	s5 =	sand.u32 $0xFFFFFFFE, s1  }
0xa7: {  	p0 =	sne.s32 s1, s5  }
0xa8: {  	s5 =	sshll.u32 @p0 s5, $0xE  }
0xa9: {  	s5 =	sadd.s32 @p0 $0x11B8D, s5;
	s6 =	sshll.u32 @p0 s4, $0x11  }
0xaa: {  	s5 =	sor.u32 @p0 s6, s5  }
0xab: {  	[sflag:s5] =	ssyncadd.remote.s32 @p0 $0x1;
	_ =	sdelay $0x1  }
0xac: {  	s5 =	simm.s32 @p0 $0x1B8D  }
0xad: {  	_ =	swait.eq @p0 [sflag:s5], $0x1  }
0xae: {  	[sflag:s5] =	ssyncadd.s32 @p0 $0xFFFFFFFF  }
0xaf: {  	s6 =	sshll.u32 @!p0 s1, $0xE  }
0xb0: {  	s6 =	sor.u32 @!p0 $0x4000, s6;
	s5 =	simm.s32 @!p0 $0x1B8D  }
0xb1: {  	s4 =	sshll.u32 @!p0 s4, $0x11;
	s6 =	sadd.s32 @!p0 $0x11B8D, s6;
	_ =	swait.eq @!p0 [sflag:s5], $0x1  }
0xb2: {  	s4 =	sor.u32 @!p0 s4, s6;
	[sflag:s5] =	ssyncadd.s32 @!p0 $0xFFFFFFFF  }
0xb3: {  	s25 =	simm.s32 $0x1B8E;
	s24 =	sld [smem:$0x3FFE];
	[sflag:s4] =	ssyncadd.remote.s32 @!p0 $0x1  }
0xb4: {  	s26 =	simm.s32 $execute0_lowered;
	[smem:$0x3FD2] =	sst s25  }
0xb5: {  	s5 =	sshll.u32 s26, $0x1;
	_ =	strace $0x8000004C;
	[dreg:$0x1] =	wrdreg $0xFFFFFFFF  }
0xb6: {  	s28 =	simm.s32 $_size_execute0_lowered;
	s3 =	sadd.s32 s3, s5;
	[dreg:$0x0] =	wrdreg $0x0  }
0xb7: {  	s5 =	sshll.u32 s28, $0x1;
	[dreg:$0x2] =	wrdreg s3  }
0xb8: {  	[dreg:$0x3] =	wrdreg s5  }
0xb9: {  	[dreg:$0x4] =	wrdreg $0xC0  }
0xba: {  	_ =	task [dreg:s22], $0x5FFFF  }
0xbb: {  	[dreg:$0x1] =	wrdreg $0xFFFFFFFF  }
0xbc: {  	[dreg:$0x0] =	wrdreg $0x60  }
0xbd: {  	[dreg:$0x2] =	wrdreg s24  }
0xbe: {  	[dreg:$0x3] =	wrdreg $0x94000  }
0xbf: {  	[dreg:$0x4] =	wrdreg $0xA  }
0xc0: {  	_ =	task.clear_ibuf [dreg:s22], $0x5FFFF;
	_ =	strace $0x9000004C  }
0xc1: {  	s29 =	simm.s32 $0xA;
	_ =	strace $0x8000004E  }
0xc2: {  	_ =	swait.ge [sflag:s29], $0x1  }
0xc3: {  	[sflag:s29] =	ssyncadd.s32 $0xFFFFFFFF  }
0xc4: {  	_ =	strace $0x9000004E  }
0xc5: {  	_ =	sfence  }
0xc6: {  	s30 =	sld [smem:$0x0];
	_ =	sdelay $0x2  }
0xc7: {  	s31 =	sshll.u32 s1, $0xD;
	s1 =	sshrl.u32 s1, $0x2  }
0xc8: {  	s4 =	sand.u32 $0x4000, s31;
	s1 =	sadd.s32 s1, s30  }
0xc9: {  	s0 =	sor.u32 s4, s0;
	s1 =	sshll.u32 s1, $0x11  }
0xca: {  	s0 =	sor.u32 s1, s0  }
0xcb: {  	s0 =	sadd.s32 $0x8F2B, s0  }
0xcc: {  	[sflag:s0] =	ssyncadd.remote.s32 $0x1  }
0xcd: {  	_ =	sfence.sel $0xFFFF  }
0xce: {  	[dreg:$0x0] =	wrdreg $0xFFFFFFFF;
	(pc) =	sbr.abs _section_cstart, $3  }
0xcf: {  	[dreg:$0x1] =	wrdreg $0xFFFFFFFF  }
0xd0: {  	_ =	task.clear_ibuf [dreg:s22], $0x2FFFF;
	_ =	strace $0x9FFFFFFF  }
0xd1: {  	(tm) =	ssettm $0x7FFFFFFF  }
tec
execute0_lowered:
.L_overlay_start_1:
0x0: {  	(tag) =	ssettag $0x1  }
0x1: {  	s1 =	srdreg.scid  }
0x2: {  	s11 =	rddreg [dreg:$0x0];
	s12 =	sand.u32 $0x1, s1  }
0x3: {  	s1 =	stileid.u32;
	s4 =	smul.u32 $0x28000, s12  }
0x4: {  	s2 =	rddreg [dreg:$0x1];
	s7 =	smul.u32 $0x50000, s1  }
0x5: {  	s0 =	rddreg [dreg:$0x2];
	s3 =	simm.s32 $0x0;
	s13 =	smul.u32 $0x280, s1  }
0x6: {  	[smem:$0x7FF] =	sst s3;
	s16 =	smul.u32 $0x2800, s1  }
0x7: {  	s5 =	sshll.u32 s1, $0x1;
	s6 =	ssub.s32 $0x2, s12;
	s28 =	smul.u32 $0x50, s1  }
0x8: {  	_ =	strace $0x8000004D;
	s5 =	sor.u32 s12, s5;
	s12 =	smul.u32 $0x28, s12  }
0x9: {  	s8 =	sshrl.u32 s6, $0x1;
	s5 =	smul.u32 $0x280, s5;
	s9 =	sadd.s32 s4, s11  }
0xa: {  	s6 =	ssub.s32 s6, s8;
	s25 =	sshrl.u32 s7, $0x2;
	s14 =	sadd.s32 $0x80, s13  }
0xb: {  	s26 =	sadd.s32 $0x100, s13;
	s20 =	sadd.s32 $0x180, s13;
	s13 =	sadd.s32 $0x200, s13  }
0xc: {  	s4 =	sadd.s32 s25, s2;
	s23 =	sadd.s32 $0x1719C00, s9;
	s6 =	smax.u32 s6, $0x1  }
0xd: {  	s15 =	sshll.u32 s14, $0x7;
	s17 =	sshll.u32 s14, $0x4;
	s19 =	sshll.u32 s26, $0x7  }
0xe: {  	s29 =	sshll.u32 s26, $0x4;
	s30 =	sshll.u32 s20, $0x7;
	s12 =	sadd.s32 s12, s28  }
0xf: {  	s24 =	sshll.u32 s20, $0x4;
	s31 =	sshll.u32 s13, $0x7;
	s26 =	sshll.u32 s13, $0x4  }
0x10: {  	s13 =	simm.s32 $0x1;
	s14 =	simm.s32 $0x1400;
	s5 =	sadd.s32 s11, s5  }
0x11: {  	s7 =	sadd.s32 $0x4000, s4;
	s8 =	sadd.s32 $0x8000, s4;
	s9 =	sadd.s32 $0xC000, s4  }
0x12: {  	s10 =	sadd.s32 $0x10000, s4;
	s18 =	sadd.s32 s15, s2;
	s21 =	sadd.s32 s19, s2  }
0x13: {  	s22 =	sadd.s32 s30, s2;
	s12 =	sshll.u32 s12, $0xB;
	s25 =	sadd.s32 s31, s2  }
0x14: {  	s15 =	simm.s32 $0x80;
	s16 =	sadd.s32 s16, s23;
	s17 =	sadd.s32 s17, s23  }
0x15: {  	s19 =	sadd.s32 s29, s23;
	s5 =	sadd.s32 $0x1CC00, s5;
	s11 =	sadd.s32 s11, s12  }
0x16: {  	s12 =	simm.s32 $0x5400;
	s18 =	sshrl.u32 s18, $0x3;
	s20 =	sshrl.u32 s21, $0x3  }
0x17: {  	s21 =	sadd.s32 s24, s23;
	s22 =	sshrl.u32 s22, $0x3;
	s23 =	sadd.s32 s26, s23  }
0x18: {  	v0 =	vimm.f32 $0.0e+00;
	s24 =	sshrl.u32 s25, $0x3;
	s25 =	simm.s32 $0x0;
	s11 =	sadd.s32 $0x1E7BC00, s11  }
.LBB2_1:
0x19: {  	s26 =	simm.s32 $0x0;
	s28 =	simm.s32 $0x200  }
.LBB2_2:
0x1a: {  	p0 =	sne.s32 s28, $0xFE00;
	[tilespmem:s26+$0x5470] =	vst v0  }
0x1b: {  	[tilespmem:s26+$0x5400] =	vst v0  }
0x1c: {  	[tilespmem:s26+$0x5410] =	vst v0  }
.Ltmp0:
0x1d: {  	[tilespmem:s26+$0x5420] =	vst v0;
	(pc) =	sbr.rel @p0 .LBB2_2-.Ltmp0, $4  }
0x1e: {  	[tilespmem:s26+$0x5430] =	vst v0  }
0x1f: {  	[tilespmem:s26+$0x5440] =	vst v0  }
0x20: {  	[tilespmem:s26+$0x5450] =	vst v0  }
0x21: {  	[tilespmem:s26+$0x5460] =	vst v0;
	s26 =	sshra.s32 s28, $0x2;
	s28 =	sadd.s32 $0x200, s28  }
0x22: {  	[tilespmem:s26+$0x5470] =	vst v0  }
0x23: {  	[tilespmem:s26+$0x5400] =	vst v0  }
0x24: {  	[tilespmem:s26+$0x5410] =	vst v0  }
0x25: {  	[tilespmem:s26+$0x5420] =	vst v0  }
0x26: {  	[tilespmem:s26+$0x5430] =	vst v0  }
0x27: {  	[tilespmem:s26+$0x5440] =	vst v0  }
0x28: {  	[tilespmem:s26+$0x5450] =	vst v0  }
0x29: {  	[tilespmem:s26+$0x5460] =	vst v0  }
0x2a: {  	[spmem:s4] =	stream.linear.scatter [tilespmem:s12], [sflag:$0x1], $0x4000, $0x38;
	[tilespmem:$0x1D400] =	vst v63  }
0x2b: {  	_ =	swait.ge [sflag:s13], $0x4000  }
0x2c: {  	[sflag:s13] =	ssyncset.done $0x0  }
0x2d: {  	[sflag:s13] =	ssyncadd.s32 $0xFFFFC000  }
0x2e: {  	[spmem:s7] =	stream.linear.scatter [tilespmem:s12], [sflag:$0x1], $0x4000, $0x38;
	[tilespmem:$0x1D400] =	vst v63  }
0x2f: {  	_ =	swait.ge [sflag:s13], $0x4000  }
0x30: {  	[sflag:s13] =	ssyncset.done $0x0  }
0x31: {  	[sflag:s13] =	ssyncadd.s32 $0xFFFFC000  }
0x32: {  	[spmem:s8] =	stream.linear.scatter [tilespmem:s12], [sflag:$0x1], $0x4000, $0x38;
	[tilespmem:$0x1D400] =	vst v63  }
0x33: {  	_ =	swait.ge [sflag:s13], $0x4000  }
0x34: {  	[sflag:s13] =	ssyncset.done $0x0  }
0x35: {  	[sflag:s13] =	ssyncadd.s32 $0xFFFFC000  }
0x36: {  	[spmem:s9] =	stream.linear.scatter [tilespmem:s12], [sflag:$0x1], $0x4000, $0x38;
	[tilespmem:$0x1D400] =	vst v63  }
0x37: {  	_ =	swait.ge [sflag:s13], $0x4000  }
0x38: {  	[sflag:s13] =	ssyncset.done $0x0  }
0x39: {  	[sflag:s13] =	ssyncadd.s32 $0xFFFFC000  }
0x3a: {  	[spmem:s10] =	stream.linear.scatter [tilespmem:s12], [sflag:$0x1], $0x4000, $0x38;
	[tilespmem:$0x1D400] =	vst v63  }
0x3b: {  	_ =	swait.ge [sflag:s13], $0x4000  }
0x3c: {  	[sflag:s13] =	ssyncset.done $0x0  }
0x3d: {  	[sflag:s13] =	ssyncadd.s32 $0xFFFFC000  }
0x3e: {  	s30 =	simm.s32 $0x0;
	[bflag:$0x0] =	sbarrier.arrive $0xFFFF  }
0x3f: {  	[tilespmem:s30], [sflag:$0x1] =	stream.linear.gather [hbm4b:s5+s30], $0x1400, $0x38;
	[tilespmem:$0x1D400] =	vst v63  }
0x40: {  	_ =	swait.ge [sflag:s13], $0x1400  }
0x41: {  	[sflag:s13] =	ssyncset.done $0x0  }
0x42: {  	[sflag:s13] =	ssyncadd.s32 $0xFFFFEC00  }
0x43: {  	[tilespmem:s14], [sflag:$0x1] =	stream.linear.gather [hbm4b:s11+s3], $0x4000, $0x38;
	[tilespmem:$0x1D400] =	vst v63  }
0x44: {  	_ =	swait.ge [sflag:s13], $0x4000  }
0x45: {  	[sflag:s13] =	ssyncset.done $0x0  }
0x46: {  	s31 =	simm.s32 $0x0;
	[sflag:s13] =	ssyncadd.s32 $0xFFFFC000  }
0x47: {  	[spmem:s2] =	stream.indirect.scatter.add.f32 [tilespmem:s14], [sflag:$0x1], $0x80, s31, s15, $0xb8;
	[tilespmem:$0x1D400] =	vst v63  }
0x48: {  	_ =	swait.ge [sflag:s13], $0x4000  }
0x49: {  	s26 =	simm.s32 $0x200;
	s28 =	smov.u32 s11;
	[sflag:s13] =	ssyncset.done $0x0  }
.LBB2_4:
0x4a: {  	p0 =	sne.s32 s26, $0x4E00;
	[sflag:s13] =	ssyncadd.s32 $0xFFFFC000;
	s28 =	sadd.s32 $0x800, s28  }
0x4b: {  	[tilespmem:s14], [sflag:$0x1] =	stream.linear.gather [hbm4b:s28+s3], $0x4000, $0x38;
	[tilespmem:$0x1D400] =	vst v63  }
0x4c: {  	s29 =	smov.u32 s26;
	s26 =	sadd.s32 $0x200, s26;
	_ =	swait.ge [sflag:s13], $0x4000  }
.Ltmp1:
0x4d: {  	[sflag:s13] =	ssyncset.done $0x0;
	(pc) =	sbr.rel @p0 .LBB2_4-.Ltmp1, $4  }
0x4e: {  	s29 =	sshra.s32 s29, $0x2;
	[sflag:s13] =	ssyncadd.s32 $0xFFFFC000  }
0x4f: {  	[spmem:s2] =	stream.indirect.scatter.add.f32 [tilespmem:s14], [sflag:$0x1], $0x80, s29, s15, $0xb8;
	[tilespmem:$0x1D400] =	vst v63  }
0x50: {  	_ =	swait.ge [sflag:s13], $0x4000  }
0x51: {  	[sflag:s13] =	ssyncset.done $0x0  }
0x52: {  	[sflag:s13] =	ssyncadd.s32 $0xFFFFC000;
	s26 =	sshll.u32 s1, $0x6  }
0x53: {  	s28 =	sshrl.u32 s4, $0x3;
	[bflag:$0x0] =	sbarrier.arrive $0xFFFF;
	s26 =	sor.u32 $0x1C01, s26  }
0x54: {  	[hbm:s16], [sflag:s26] =	dma.local [spmem:s28], $0x800  }
0x55: {  	_ =	swait.ge [sflag:s13], $0x800  }
0x56: {  	[sflag:s13] =	ssyncset.done $0x0  }
0x57: {  	[sflag:s13] =	ssyncadd.s32 $0xFFFFF800  }
0x58: {  	[hbm:s17], [sflag:s26] =	dma.local [spmem:s18], $0x800  }
0x59: {  	_ =	swait.ge [sflag:s13], $0x800  }
0x5a: {  	[sflag:s13] =	ssyncset.done $0x0  }
0x5b: {  	[sflag:s13] =	ssyncadd.s32 $0xFFFFF800  }
0x5c: {  	[hbm:s19], [sflag:s26] =	dma.local [spmem:s20], $0x800  }
0x5d: {  	_ =	swait.ge [sflag:s13], $0x800  }
0x5e: {  	[sflag:s13] =	ssyncset.done $0x0  }
0x5f: {  	[sflag:s13] =	ssyncadd.s32 $0xFFFFF800  }
0x60: {  	[hbm:s21], [sflag:s26] =	dma.local [spmem:s22], $0x800  }
0x61: {  	s25 =	sadd.s32 $0x1, s25;
	_ =	swait.ge [sflag:s13], $0x800  }
0x62: {  	p0 =	sne.s32 s25, s6;
	[sflag:s13] =	ssyncset.done $0x0  }
.Ltmp2:
0x63: {  	[sflag:s13] =	ssyncadd.s32 $0xFFFFF800;
	(pc) =	sbr.rel @p0 .LBB2_1-.Ltmp2, $4  }
0x64: {  	[hbm:s23], [sflag:s26] =	dma.local [spmem:s24], $0x800  }
0x65: {  	_ =	swait.ge [sflag:s13], $0x800  }
0x66: {  	[sflag:s13] =	ssyncset.done $0x0  }
0x67: {  	[sflag:s13] =	ssyncadd.s32 $0xFFFFF800  }
0x68: {  	_ =	sfence.sel $0x180000  }
0x69: {  	[bflag:$0x0] =	sbarrier.arrive $0xFFFF  }
0x6a: {  	p0 =	sne.s32 s1, $0x0;
	_ =	strace $0x9000004D  }
0x6b: {  	s0 =	sadd.s32 @!p0 $0x100000, s0;
	[bflag:$0x2] =	sbarrier.arrive $0xFFFF  }
0x6c: {  	[sflag:s0] =	ssyncadd.tile.s32 @!p0 $0x1;
	_ =	shalt  }
.Lfunc_end2:
_tile_overlayer_lowered:
.L_overlay_start_2:
0x6d: {  	(tag) =	ssettag $0x2  }
0x6e: {  	s0 =	rddreg [dreg:$0x0];
	s2 =	stileid.u32  }
0x6f: {  	s1 =	rddreg [dreg:$0x1];
	p0 =	sne.s32 s2, $0x0  }
0x70: {  	s3 =	rddreg [dreg:$0x2];
	[bflag:$0x3] =	sbarrier.arrive $0xFFFF;
	s2 =	simm.s32 @!p0 $0x1C01  }
0x71: {  	[timem:s3], [sflag:s2] =	dma.local @!p0 [hbm:s0], s1  }
0x72: {  	s0 =	simm.s32 @!p0 $0x1  }
0x73: {  	_ =	swait.ge @!p0 [sflag:s0], s1  }
0x74: {  	s1 =	ssub.s32 @!p0 $0x0, s1;
	[sflag:s0] =	ssyncset.done @!p0 $0x0  }
0x75: {  	[sflag:s0] =	ssyncadd.s32 @!p0 s1  }
0x76: {  	[bflag:$0x3] =	sbarrier.arrive $0xFFFF  }
0x77: {  	_ =	shalt  }

// kernel: kernel.33.cloned.1.call-start
scs
__scs_entry_jumppad:
0x0: {  	(pc) =	sbr.rel $0x88, $3  }
0x1: {  	(tag) =	ssettag $0x0;
	lr =	simm.s32 $0x1  }
0x2: {  	[smem:$0x3F75] =	sst lr;
	_ =	strace $0xD0000000  }
0x3: {  	_ = 	snop  }
0x4: {  	_ = 	snop  }
0x5: {  	_ = 	snop  }
0x6: {  	_ = 	snop  }
0x7: {  	_ = 	snop  }
__scs_overlays_trampoline_lowered:
0x8: {  	[smem:$0x3F84] =	sst s0  }
0x9: {  	[smem:$0x3F85] =	sst s1  }
0xa: {  	[smem:$0x3F86] =	sst s2  }
0xb: {  	[smem:$0x3F87] =	sst s3  }
0xc: {  	[smem:$0x3F88] =	sst s4  }
0xd: {  	[smem:$0x3F89] =	sst s5  }
0xe: {  	[smem:$0x3F8A] =	sst s6  }
0xf: {  	[smem:$0x3F8B] =	sst s7  }
0x10: {  	[smem:$0x3F8C] =	sst s8  }
0x11: {  	[smem:$0x3F8D] =	sst s9;
	s0 =	simm.s32 @!p0 $0x0  }
0x12: {  	s1 =	sld [smem:$0x3F73];
	s0 =	simm.s32 @p0 $0x1  }
0x13: {  	[smem:$0x3F8E] =	sst s0;
	s0 =	simm.s32 @!p1 $0x0  }
0x14: {  	s2 =	sld [smem:$0x3F72];
	s0 =	simm.s32 @p1 $0x1  }
0x15: {  	[smem:$0x3F8F] =	sst s0;
	s0 =	simm.s32 @!p2 $0x0  }
0x16: {  	s3 =	sld [smem:$0x3FDB];
	s0 =	simm.s32 @p2 $0x1  }
0x17: {  	s4 =	simm.s32 $0x1BF5;
	[smem:$0x3F91] =	sst s0  }
0x18: {  	s0 =	sld [smem:$0x3F74];
	_ =	swait.ge [sflag:s4], $0x0  }
0x19: {  	s7 =	sld [smem:$0x3F75]  }
0x1a: {  	s8 =	sadd.s32 $0xFFFFE003, lr  }
0x1b: {  	s9 =	sadd.s32 $0xFFFFFEF7, lr;
	s5 =	simm.s32 $0xFFFFFFFF;
	p2 =	slt.u32 s8, $0xFFFFF086  }
0x1c: {  	p1 =	slt.u32 s9, $0xF7A;
	s5 =	simm.s32 @!p2 $0x0  }
0x1d: {  	s5 =	simm.s32 @p1 $0x1;
	p0 =	seq.s32 s7, s2  }
0x1e: {  	s7 =	smul.u32 @!p0 $0xF7A, s2;
	p2 =	seq.s32 @!p0 s5, $0x0  }
0x1f: {  	s9 =	smul.u32 $0xF7A, s1;
	s8 =	simm.s32 @!p0 $0x1BF5;
	p2 =	por !p2, p0  }
0x20: {  	[sflag:s8] =	ssyncset.s32 @!p0 $0xFFFFF086;
	s6 =	sadd.s32 @!p0 s3, s7;
	s7 =	simm.s32 @!p0 $0x108  }
0x21: {  	s3 =	sadd.s32 s3, s9;
	s6 =	sadd.s32 @!p0 $0x88, s6;
	s7 =	simm.s32 @p2 $0x1082  }
0x22: {  	[simem:s7], [sflag:s8] =	dma.local @!p0 [hbm:s6], $0xF7A  }
0x23: {  	s9 =	sor.u32 $0xD0000000, s2;
	s6 =	simm.s32 $0x108;
	_ =	swait.ge @!p0 [sflag:s8], $0x0  }
0x24: {  	s3 =	sadd.s32 $0x88, s3;
	s6 =	simm.s32 @!p1 $0x1082;
	[sflag:s4] =	ssyncset.s32 $0xFFFFF086  }
0x25: {  	[simem:s6], [sflag:s4] =	dma.local [hbm:s3], $0xF7A  }
0x26: {  	[smem:$0x3F75] =	sst s1;
	(tag) =	ssettag s2;
	_ =	strace s9  }
0x27: {  	s1 =	sld [smem:$0x3F85]  }
0x28: {  	s2 =	sld [smem:$0x3F86]  }
0x29: {  	s4 =	sld [smem:$0x3F88]  }
0x2a: {  	p0 =	seq.s32 s5, $0x0;
	s5 =	sld [smem:$0x3F89]  }
0x2b: {  	s6 =	sld [smem:$0x3F8A]  }
0x2c: {  	s7 =	sld [smem:$0x3F8B]  }
0x2d: {  	s3 =	simm.s32 $0x108;
	s8 =	sld [smem:$0x3F8C]  }
0x2e: {  	s3 =	simm.s32 @!p0 $0x1082;
	s9 =	sld [smem:$0x3F8D]  }
0x2f: {  	lr =	sadd.s32 s0, s3;
	s0 =	sld [smem:$0x3F84]  }
0x30: {  	s3 =	sld [smem:$0x3F87]  }
0x31: {  	[smem:$0x3F90] =	sst s10  }
0x32: {  	s10 =	sld [smem:$0x3F8E];
	_ =	sdelay $0x3  }
0x33: {  	p0 =	seq.s32 s10, $0x1;
	s10 =	sld [smem:$0x3F90];
	_ =	sdelay $0x3  }
0x34: {  	[smem:$0x3F90] =	sst s10  }
0x35: {  	s10 =	sld [smem:$0x3F8F];
	_ =	sdelay $0x3  }
0x36: {  	p1 =	seq.s32 s10, $0x1;
	s10 =	sld [smem:$0x3F90];
	_ =	sdelay $0x3  }
0x37: {  	[smem:$0x3F90] =	sst s10  }
0x38: {  	s10 =	sld [smem:$0x3F91]  }
0x39: {  	_ = 	snop;
	(pc) =	sbr.ind lr, $3  }
0x3a: {  	_ = 	snop  }
0x3b: {  	_ = 	snop  }
0x3c: {  	p2 =	seq.s32 s10, $0x1;
	s10 =	sld [smem:$0x3F90]  }
0x3d: {  	_ =	shalt  }
0x3e: {  	_ =	shalt  }
0x3f: {  	_ =	shalt  }
0x40: {  	_ =	shalt  }
0x41: {  	_ =	shalt  }
0x42: {  	_ =	shalt  }
0x43: {  	_ =	shalt  }
0x44: {  	_ =	shalt  }
0x45: {  	_ =	shalt  }
0x46: {  	_ =	shalt  }
0x47: {  	_ =	shalt  }
0x48: {  	_ =	shalt  }
0x49: {  	_ =	shalt  }
0x4a: {  	_ =	shalt  }
0x4b: {  	_ =	shalt  }
0x4c: {  	_ =	shalt  }
0x4d: {  	_ =	shalt  }
0x4e: {  	_ =	shalt  }
0x4f: {  	_ =	shalt  }
0x50: {  	_ =	shalt  }
0x51: {  	_ =	shalt  }
0x52: {  	_ =	shalt  }
0x53: {  	_ =	shalt  }
0x54: {  	_ =	shalt  }
0x55: {  	_ =	shalt  }
0x56: {  	_ =	shalt  }
0x57: {  	_ =	shalt  }
0x58: {  	_ =	shalt  }
0x59: {  	_ =	shalt  }
0x5a: {  	_ =	shalt  }
0x5b: {  	_ =	shalt  }
0x5c: {  	_ =	shalt  }
0x5d: {  	_ =	shalt  }
0x5e: {  	_ =	shalt  }
0x5f: {  	_ =	shalt  }
0x60: {  	_ =	shalt  }
0x61: {  	_ =	shalt  }
0x62: {  	_ =	shalt  }
0x63: {  	_ =	shalt  }
0x64: {  	_ =	shalt  }
0x65: {  	_ =	shalt  }
0x66: {  	_ =	shalt  }
0x67: {  	_ =	shalt  }
0x68: {  	_ =	shalt  }
0x69: {  	_ =	shalt  }
0x6a: {  	_ =	shalt  }
0x6b: {  	_ =	shalt  }
0x6c: {  	_ =	shalt  }
0x6d: {  	_ =	shalt  }
0x6e: {  	_ =	shalt  }
0x6f: {  	_ =	shalt  }
0x70: {  	_ =	shalt  }
0x71: {  	_ =	shalt  }
0x72: {  	_ =	shalt  }
0x73: {  	_ =	shalt  }
0x74: {  	_ =	shalt  }
0x75: {  	_ =	shalt  }
0x76: {  	_ =	shalt  }
0x77: {  	_ =	shalt  }
0x78: {  	_ =	shalt  }
0x79: {  	_ =	shalt  }
0x7a: {  	_ =	shalt  }
0x7b: {  	_ =	shalt  }
0x7c: {  	_ =	shalt  }
0x7d: {  	_ =	shalt  }
0x7e: {  	_ =	shalt  }
0x7f: {  	_ =	shalt  }
0x80: {  	_ =	shalt  }
0x81: {  	_ =	shalt  }
0x82: {  	_ =	shalt  }
0x83: {  	_ =	shalt  }
0x84: {  	_ =	shalt  }
0x85: {  	_ =	shalt  }
0x86: {  	_ =	shalt  }
0x87: {  	_ =	shalt  }
.Lfunc_end0:
.L_simem_size_0:
called_computation.4_lowered:
.L_overlay_start_0:
0x88: {  	s2 =	sld [smem:$0x3FD9]  }
0x89: {  	s3 =	sld [smem:$0x3FFE];
	_ =	sdelay $0x1  }
0x8a: {  	s1 =	srdreg.scid  }
0x8b: {  	s0 =	sand.u32 $0x1, s1  }
0x8c: {  	s17 =	sshll.u32 s0, $0xA;
	s2 =	sadd.s32 s3, s2  }
0x8d: {  	s2 =	sadd.s32 s2, s17  }
0x8e: {  	[smem:$0x3F9C] =	sst s2  }
0x8f: {  	_ = 	snop  }
0x90: {  	(tm) =	ssettm $0x1  }
0x91: {  	s18 =	sld [smem:$0x3FFB];
	_ =	sdelay $0x3  }
0x92: {  	_ =	strace s18  }
0x93: {  	s2 =	sld [smem:$0x3FFC];
	_ =	sdelay $0x3  }
0x94: {  	_ =	strace s2  }
0x95: {  	s2 =	sld [smem:$0x3FFD];
	_ =	sdelay $0x3  }
0x96: {  	_ =	strace s2  }
0x97: {  	_ =	strace $0x8FFFFFFF  }
0x98: {  	s19 =	sld [smem:$0x3FDB];
	_ =	sdelay $0x1  }
0x99: {  	s20 =	simm.s32 $_scs_section_size  }
0x9a: {  	s4 =	simm.s32 $_size__tile_overlayer_lowered;
	s5 =	simm.s32 $_tile_overlayer_lowered  }
0x9b: {  	s6 =	simm.s32 $0x1BFF;
	s21 =	sshll.u32 s5, $0x1;
	s3 =	sadd.s32 s20, s19  }
0x9c: {  	s22 =	simm.s32 $0x0;
	s4 =	sshll.u32 s4, $0x1;
	s5 =	sadd.s32 s21, s3  }
0x9d: {  	[timem:s22], [sflag:s6] =	dma.local [hbm:s5], s4  }
0x9e: {  	_ =	swait.ge [sflag:s6], s4  }
0x9f: {  	s4 =	ssub.s32 $0x0, s4;
	[sflag:s6] =	ssyncset.done $0x0  }
0xa0: {  	[sflag:s6] =	ssyncadd.s32 s4;
	_ =	sdelay $0x1  }
0xa1: {  	s23 =	simm.s32 $0x1B8B  }
0xa2: {  	_ =	swait.ge [sflag:s23], $0x1  }
0xa3: {  	[sflag:s23] =	ssyncset.done $0x0  }
0xa4: {  	[sflag:s23] =	ssyncadd.s32 $0xFFFFFFFF  }
0xa5: {  	s4 =	sld [smem:$0x0]  }
0xa6: {  	s5 =	sand.u32 $0xFFFFFFFE, s1  }
0xa7: {  	p0 =	sne.s32 s1, s5  }
0xa8: {  	s5 =	sshll.u32 @p0 s5, $0xE  }
0xa9: {  	s5 =	sadd.s32 @p0 $0x11B8D, s5;
	s6 =	sshll.u32 @p0 s4, $0x11  }
0xaa: {  	s5 =	sor.u32 @p0 s6, s5  }
0xab: {  	[sflag:s5] =	ssyncadd.remote.s32 @p0 $0x1;
	_ =	sdelay $0x1  }
0xac: {  	s5 =	simm.s32 @p0 $0x1B8D  }
0xad: {  	_ =	swait.eq @p0 [sflag:s5], $0x1  }
0xae: {  	[sflag:s5] =	ssyncadd.s32 @p0 $0xFFFFFFFF  }
0xaf: {  	s6 =	sshll.u32 @!p0 s1, $0xE  }
0xb0: {  	s6 =	sor.u32 @!p0 $0x4000, s6;
	s5 =	simm.s32 @!p0 $0x1B8D  }
0xb1: {  	s4 =	sshll.u32 @!p0 s4, $0x11;
	s6 =	sadd.s32 @!p0 $0x11B8D, s6;
	_ =	swait.eq @!p0 [sflag:s5], $0x1  }
0xb2: {  	s4 =	sor.u32 @!p0 s4, s6;
	[sflag:s5] =	ssyncadd.s32 @!p0 $0xFFFFFFFF  }
0xb3: {  	s25 =	simm.s32 $0x1B8E;
	s24 =	sld [smem:$0x3FFE];
	[sflag:s4] =	ssyncadd.remote.s32 @!p0 $0x1  }
0xb4: {  	s26 =	simm.s32 $execute0_lowered;
	[smem:$0x3FD2] =	sst s25  }
0xb5: {  	s5 =	sshll.u32 s26, $0x1;
	_ =	strace $0x80000055;
	[dreg:$0x1] =	wrdreg $0xFFFFFFFF  }
0xb6: {  	s28 =	simm.s32 $_size_execute0_lowered;
	s3 =	sadd.s32 s3, s5;
	[dreg:$0x0] =	wrdreg $0x0  }
0xb7: {  	s5 =	sshll.u32 s28, $0x1;
	[dreg:$0x2] =	wrdreg s3  }
0xb8: {  	[dreg:$0x3] =	wrdreg s5  }
0xb9: {  	[dreg:$0x4] =	wrdreg $0xC0  }
0xba: {  	_ =	task [dreg:s22], $0x5FFFF  }
0xbb: {  	[dreg:$0x1] =	wrdreg $0xFFFFFFFF  }
0xbc: {  	[dreg:$0x0] =	wrdreg $0x60  }
0xbd: {  	[dreg:$0x2] =	wrdreg s24  }
0xbe: {  	[dreg:$0x3] =	wrdreg $0xA8000  }
0xbf: {  	[dreg:$0x4] =	wrdreg $0x9  }
0xc0: {  	_ =	task.clear_ibuf [dreg:s22], $0x5FFFF;
	_ =	strace $0x90000055  }
0xc1: {  	s29 =	simm.s32 $0x9;
	_ =	strace $0x80000057  }
0xc2: {  	_ =	swait.ge [sflag:s29], $0x1  }
0xc3: {  	[sflag:s29] =	ssyncadd.s32 $0xFFFFFFFF  }
0xc4: {  	_ =	strace $0x90000057  }
0xc5: {  	_ =	sfence  }
0xc6: {  	s30 =	sld [smem:$0x0];
	_ =	sdelay $0x2  }
0xc7: {  	s31 =	sshll.u32 s1, $0xD;
	s1 =	sshrl.u32 s1, $0x2  }
0xc8: {  	s4 =	sand.u32 $0x4000, s31;
	s1 =	sadd.s32 s1, s30  }
0xc9: {  	s0 =	sor.u32 s4, s0;
	s1 =	sshll.u32 s1, $0x11  }
0xca: {  	s0 =	sor.u32 s1, s0  }
0xcb: {  	s0 =	sadd.s32 $0x8F2B, s0  }
0xcc: {  	[sflag:s0] =	ssyncadd.remote.s32 $0x1  }
0xcd: {  	_ =	sfence.sel $0xFFFF  }
0xce: {  	[dreg:$0x0] =	wrdreg $0xFFFFFFFF;
	(pc) =	sbr.abs _section_cstart, $3  }
0xcf: {  	[dreg:$0x1] =	wrdreg $0xFFFFFFFF  }
0xd0: {  	_ =	task.clear_ibuf [dreg:s22], $0x2FFFF;
	_ =	strace $0x9FFFFFFF  }
0xd1: {  	(tm) =	ssettm $0x7FFFFFFF  }
tec
execute0_lowered:
.L_overlay_start_1:
0x0: {  	(tag) =	ssettag $0x1  }
0x1: {  	s0 =	rddreg [dreg:$0x0]  }
0x2: {  	s2 =	rddreg [dreg:$0x1]  }
0x3: {  	s3 =	simm.s32 $0x0;
	s20 =	stileid.u32;
	s5 =	srdreg.scid  }
0x4: {  	s21 =	simm.s32 $0x2800;
	s28 =	simm.s32 $0x4;
	s1 =	smul.u32 $0x2800, s20  }
0x5: {  	s29 =	simm.s32 $0x2780;
	s30 =	simm.s32 $0x0;
	s4 =	smul.u32 $0x500, s20  }
0x6: {  	[smem:$0x7FF] =	sst s3;
	s18 =	sand.u32 $0x1, s5;
	s22 =	smul.u32 $0x50000, s20  }
0x7: {  	s17 =	sadd.s32 $0x1719C00, s0;
	s14 =	smul.u32 $0x28000, s20;
	s31 =	sshll.u32 s20, $0x6  }
0x8: {  	s20 =	simm.s32 $0x80;
	_ =	strace $0x80000056;
	s23 =	ssub.s32 $0x2, s18  }
0x9: {  	p0 =	seq.s32 s18, $0x0;
	s18 =	sor.u32 $0x1C05, s31;
	s1 =	sadd.s32 s1, s0  }
0xa: {  	s8 =	sadd.s32 s4, s0;
	s0 =	sadd.s32 $0x1C19C00, s0;
	s6 =	sshrl.u32 s23, $0x1  }
0xb: {  	s5 =	sshrl.u32 s22, $0x2;
	s25 =	sor.u32 $0x800, s14;
	s12 =	sadd.s32 s17, s14  }
0xc: {  	s26 =	sadd.s32 $0x27000, s14;
	s19 =	sadd.s32 $0x27800, s14;
	s22 =	simm.s32 $0x1  }
0xd: {  	s9 =	ssub.s32 s23, s6;
	s4 =	sadd.s32 s5, s2;
	s24 =	sadd.s32 $0x71C00, s1  }
0xe: {  	s6 =	sadd.s32 $0x17C00, s8;
	s7 =	sadd.s32 $0x49C00, s1;
	s8 =	sadd.s32 $0xDC00, s8  }
.Ltmp0:
0xf: {  	s10 =	sadd.s32 s0, s14;
	s11 =	sadd.s32 s0, s25;
	(pc) =	sbr.rel .LBB2_1-.Ltmp0, $4  }
0x10: {  	s13 =	sadd.s32 s17, s25;
	s14 =	sadd.s32 s0, s26;
	s15 =	sadd.s32 s0, s19  }
0x11: {  	s16 =	sadd.s32 s17, s26;
	s17 =	sadd.s32 s17, s19;
	s19 =	simm.s32 $0x5  }
0x12: {  	s23 =	simm.s32 $0x6800;
	s25 =	simm.s32 $0x2;
	s26 =	simm.s32 $0x100  }
0x13: {  	[dreg:$0x3] =	wrdreg s24;
	s9 =	smax.u32 s9, $0x1;
	s24 =	simm.s32 $0x3  }
.LBB2_7:
0x14: {  	[hbm4b:s1+s3] =	stream.linear.scatter [tilespmem:s23], [sflag:$0x4], $0x4000, $0x38;
	[tilespmem:$0x1E800] =	vst v63  }
0x15: {  	_ =	swait.ge [sflag:s28], $0x4000  }
0x16: {  	[sflag:s28] =	ssyncset.done $0x0  }
0x17: {  	[sflag:s28] =	ssyncadd.s32 $0xFFFFC000  }
0x18: {  	_ =	swait.ge [sflag:s22], $0x4000  }
0x19: {  	[sflag:s22] =	ssyncset.done $0x0  }
0x1a: {  	[sflag:s22] =	ssyncadd.s32 $0xFFFFC000  }
0x1b: {  	[tilespmem:s23], [sflag:$0x2] =	stream.indirect.gather [spmem:s2], $0x80, s29, s20, $0xb8;
	[tilespmem:$0x1E800] =	vst v63  }
0x1c: {  	_ = 	snop  }
0x1d: {  	[hbm4b:s16+s3] =	stream.linear.scatter [tilespmem:s21], [sflag:$0x3], $0x4000, $0x38;
	[tilespmem:$0x1E800] =	vst v63  }
0x1e: {  	_ =	swait.ge [sflag:s24], $0x4000  }
0x1f: {  	[sflag:s24] =	ssyncset.done $0x0  }
0x20: {  	[sflag:s24] =	ssyncadd.s32 $0xFFFFC000  }
0x21: {  	_ =	swait.ge [sflag:s25], $0x4000  }
0x22: {  	[sflag:s25] =	ssyncset.done $0x0  }
0x23: {  	[sflag:s25] =	ssyncadd.s32 $0xFFFFC000  }
0x24: {  	[hbm4b:s17+s3] =	stream.linear.scatter [tilespmem:s23], [sflag:$0x4], $0x4000, $0x38;
	[tilespmem:$0x1E800] =	vst v63  }
.LBB2_8:
0x25: {  	s30 =	sadd.s32 $0x1, s30  }
0x26: {  	p1 =	sne.s32 s30, s9  }
.Ltmp1:
0x27: {  	_ = 	snop;
	(pc) =	sbr.rel @!p1 .LBB2_9-.Ltmp1, $4  }
0x28: {  	_ = 	snop  }
0x29: {  	_ =	swait.ge [sflag:s28], $0x4000  }
0x2a: {  	[sflag:s28] =	ssyncset.done $0x0  }
0x2b: {  	[sflag:s28] =	ssyncadd.s32 $0xFFFFC000  }
.LBB2_1:
.Ltmp2:
0x2c: {  	(pc) =	sbr.rel @!p0 .LBB2_2-.Ltmp2, $2  }
0x2d: {  	_ =	sdelay $0x2  }
0x2e: {  	s0 =	sshrl.u32 s4, $0x3  }
0x2f: {  	[spmem:s0], [sflag:s18] =	dma.local [hbm:s7], $0x2800  }
0x30: {  	_ =	swait.ge [sflag:s19], $0x2800  }
0x31: {  	[sflag:s19] =	ssyncset.done $0x0  }
0x32: {  	[sflag:s19] =	ssyncadd.s32 $0xFFFFD800  }
0x33: {  	[bflag:$0x0] =	sbarrier.arrive $0xFFFF  }
0x34: {  	[tilespmem:s3], [sflag:$0x5] =	stream.linear.gather [hbm4b:s8+s3], $0x2800, $0x38;
	[tilespmem:$0x1E800] =	vst v63  }
0x35: {  	_ =	swait.ge [sflag:s19], $0x2800  }
0x36: {  	[sflag:s19] =	ssyncset.done $0x0  }
0x37: {  	[sflag:s19] =	ssyncadd.s32 $0xFFFFD800  }
0x38: {  	[tilespmem:s21], [sflag:$0x1] =	stream.indirect.gather [spmem:s2], $0x80, s3, s20, $0xb8;
	[tilespmem:$0x1E800] =	vst v63  }
0x39: {  	_ =	swait.ge [sflag:s22], $0x4000  }
0x3a: {  	[sflag:s22] =	ssyncset.done $0x0  }
0x3b: {  	[sflag:s22] =	ssyncadd.s32 $0xFFFFC000  }
0x3c: {  	[tilespmem:s23], [sflag:$0x2] =	stream.indirect.gather [spmem:s2], $0x80, s20, s20, $0xb8;
	[tilespmem:$0x1E800] =	vst v63  }
0x3d: {  	_ = 	snop  }
0x3e: {  	[hbm4b:s12+s3] =	stream.linear.scatter [tilespmem:s21], [sflag:$0x3], $0x4000, $0x38;
	[tilespmem:$0x1E800] =	vst v63  }
0x3f: {  	_ =	swait.ge [sflag:s24], $0x4000  }
0x40: {  	[sflag:s24] =	ssyncset.done $0x0  }
0x41: {  	[sflag:s24] =	ssyncadd.s32 $0xFFFFC000  }
0x42: {  	_ =	swait.ge [sflag:s25], $0x4000  }
0x43: {  	[sflag:s25] =	ssyncset.done $0x0  }
0x44: {  	[sflag:s25] =	ssyncadd.s32 $0xFFFFC000  }
0x45: {  	[tilespmem:s21], [sflag:$0x1] =	stream.indirect.gather [spmem:s2], $0x80, s26, s20, $0xb8;
	[tilespmem:$0x1E800] =	vst v63  }
0x46: {  	_ = 	snop  }
0x47: {  	[hbm4b:s13+s3] =	stream.linear.scatter [tilespmem:s23], [sflag:$0x4], $0x4000, $0x38;
	[tilespmem:$0x1E800] =	vst v63  }
0x48: {  	_ =	swait.ge [sflag:s28], $0x4000  }
0x49: {  	[sflag:s28] =	ssyncset.done $0x0  }
0x4a: {  	[sflag:s28] =	ssyncadd.s32 $0xFFFFC000  }
0x4b: {  	_ =	swait.ge [sflag:s22], $0x4000  }
0x4c: {  	[sflag:s22] =	ssyncset.done $0x0  }
0x4d: {  	s5 =	simm.s32 $0x180;
	s1 =	sadd.s32 $0xFFFDA000, s12;
	[sflag:s22] =	ssyncadd.s32 $0xFFFFC000  }
0x4e: {  	[tilespmem:s23], [sflag:$0x2] =	stream.indirect.gather [spmem:s2], $0x80, s5, s20, $0xb8;
	[tilespmem:$0x1E800] =	vst v63  }
0x4f: {  	s5 =	sadd.s32 $0x27000, s1  }
0x50: {  	[hbm4b:s5+s3] =	stream.linear.scatter [tilespmem:s21], [sflag:$0x3], $0x4000, $0x38;
	[tilespmem:$0x1E800] =	vst v63  }
0x51: {  	_ =	swait.ge [sflag:s24], $0x4000  }
0x52: {  	[sflag:s24] =	ssyncset.done $0x0  }
0x53: {  	[sflag:s24] =	ssyncadd.s32 $0xFFFFC000  }
0x54: {  	_ =	swait.ge [sflag:s25], $0x4000  }
0x55: {  	s31 =	simm.s32 $0xFFFDB000;
	s0 =	simm.s32 $0x300;
	[sflag:s25] =	ssyncset.done $0x0  }
0x56: {  	s1 =	sadd.s32 $0x27800, s1;
	s5 =	simm.s32 $0x200;
	[sflag:s25] =	ssyncadd.s32 $0xFFFFC000  }
0x57: {  	[tilespmem:s21], [sflag:$0x1] =	stream.indirect.gather [spmem:s2], $0x80, s5, s20, $0xb8;
	[tilespmem:$0x1E800] =	vst v63  }
.LBB2_6:
0x58: {  	[hbm4b:s1+s3] =	stream.linear.scatter [tilespmem:s23], [sflag:$0x4], $0x4000, $0x38;
	[tilespmem:$0x1E800] =	vst v63  }
0x59: {  	s1 =	smov.u32 s31  }
0x5a: {  	p1 =	seq.s32 s31, $0xFFFFF000;
	s31 =	sadd.s32 $0x1000, s31;
	_ =	swait.ge [sflag:s28], $0x4000  }
0x5b: {  	[sflag:s28] =	ssyncset.done $0x0  }
0x5c: {  	[sflag:s28] =	ssyncadd.s32 $0xFFFFC000  }
0x5d: {  	_ =	swait.ge [sflag:s22], $0x4000  }
0x5e: {  	[sflag:s22] =	ssyncset.done $0x0  }
0x5f: {  	s5 =	sadd.s32 $0xFFFFFF80, s0;
	s1 =	sadd.s32 s1, s12;
	[sflag:s22] =	ssyncadd.s32 $0xFFFFC000  }
0x60: {  	[tilespmem:s23], [sflag:$0x2] =	stream.indirect.gather [spmem:s2], $0x80, s5, s20, $0xb8;
	[tilespmem:$0x1E800] =	vst v63  }
0x61: {  	s5 =	sadd.s32 $0x27000, s1  }
0x62: {  	[hbm4b:s5+s3] =	stream.linear.scatter [tilespmem:s21], [sflag:$0x3], $0x4000, $0x38;
	[tilespmem:$0x1E800] =	vst v63  }
0x63: {  	_ =	swait.ge [sflag:s24], $0x4000  }
0x64: {  	[sflag:s24] =	ssyncset.done $0x0  }
0x65: {  	[sflag:s24] =	ssyncadd.s32 $0xFFFFC000  }
.Ltmp3:
0x66: {  	_ =	swait.ge [sflag:s25], $0x4000;
	(pc) =	sbr.rel @!p1 .LBB2_6-.Ltmp3, $4  }
0x67: {  	[sflag:s25] =	ssyncset.done $0x0  }
0x68: {  	[sflag:s25] =	ssyncadd.s32 $0xFFFFC000  }
0x69: {  	[tilespmem:s21], [sflag:$0x1] =	stream.indirect.gather [spmem:s2], $0x80, s0, s20, $0xb8;
	[tilespmem:$0x1E800] =	vst v63  }
0x6a: {  	s1 =	sadd.s32 $0x27800, s1;
	s0 =	sadd.s32 $0x100, s0  }
.Ltmp4:
0x6b: {  	_ = 	snop;
	(pc) =	sbr.rel .LBB2_7-.Ltmp4, $1  }
0x6c: {  	_ =	sdelay $0x3  }
.LBB2_2:
0x6d: {  	s1 =	rddreg [dreg:$0x3]  }
0x6e: {  	[spmem:s0], [sflag:s18] =	dma.local [hbm:s1], $0x2800  }
0x6f: {  	_ =	swait.ge [sflag:s19], $0x2800  }
0x70: {  	[sflag:s19] =	ssyncset.done $0x0  }
0x71: {  	[sflag:s19] =	ssyncadd.s32 $0xFFFFD800  }
0x72: {  	[bflag:$0x0] =	sbarrier.arrive $0xFFFF  }
0x73: {  	[tilespmem:s3], [sflag:$0x5] =	stream.linear.gather [hbm4b:s6+s3], $0x2800, $0x38;
	[tilespmem:$0x1E800] =	vst v63  }
0x74: {  	_ =	swait.ge [sflag:s19], $0x2800  }
0x75: {  	[sflag:s19] =	ssyncset.done $0x0  }
0x76: {  	[sflag:s19] =	ssyncadd.s32 $0xFFFFD800  }
0x77: {  	[tilespmem:s21], [sflag:$0x1] =	stream.indirect.gather [spmem:s2], $0x80, s3, s20, $0xb8;
	[tilespmem:$0x1E800] =	vst v63  }
0x78: {  	_ =	swait.ge [sflag:s22], $0x4000  }
0x79: {  	[sflag:s22] =	ssyncset.done $0x0  }
0x7a: {  	[sflag:s22] =	ssyncadd.s32 $0xFFFFC000  }
0x7b: {  	[tilespmem:s23], [sflag:$0x2] =	stream.indirect.gather [spmem:s2], $0x80, s20, s20, $0xb8;
	[tilespmem:$0x1E800] =	vst v63  }
0x7c: {  	_ = 	snop  }
0x7d: {  	[hbm4b:s10+s3] =	stream.linear.scatter [tilespmem:s21], [sflag:$0x3], $0x4000, $0x38;
	[tilespmem:$0x1E800] =	vst v63  }
0x7e: {  	_ =	swait.ge [sflag:s24], $0x4000  }
0x7f: {  	[sflag:s24] =	ssyncset.done $0x0  }
0x80: {  	[sflag:s24] =	ssyncadd.s32 $0xFFFFC000  }
0x81: {  	_ =	swait.ge [sflag:s25], $0x4000  }
0x82: {  	[sflag:s25] =	ssyncset.done $0x0  }
0x83: {  	[sflag:s25] =	ssyncadd.s32 $0xFFFFC000  }
0x84: {  	[tilespmem:s21], [sflag:$0x1] =	stream.indirect.gather [spmem:s2], $0x80, s26, s20, $0xb8;
	[tilespmem:$0x1E800] =	vst v63  }
0x85: {  	_ = 	snop  }
0x86: {  	[hbm4b:s11+s3] =	stream.linear.scatter [tilespmem:s23], [sflag:$0x4], $0x4000, $0x38;
	[tilespmem:$0x1E800] =	vst v63  }
0x87: {  	_ =	swait.ge [sflag:s28], $0x4000  }
0x88: {  	[sflag:s28] =	ssyncset.done $0x0  }
0x89: {  	[sflag:s28] =	ssyncadd.s32 $0xFFFFC000  }
0x8a: {  	_ =	swait.ge [sflag:s22], $0x4000  }
0x8b: {  	[sflag:s22] =	ssyncset.done $0x0  }
0x8c: {  	s5 =	sadd.s32 $0xFFFDA000, s10;
	s1 =	simm.s32 $0x180;
	[sflag:s22] =	ssyncadd.s32 $0xFFFFC000  }
0x8d: {  	[tilespmem:s23], [sflag:$0x2] =	stream.indirect.gather [spmem:s2], $0x80, s1, s20, $0xb8;
	[tilespmem:$0x1E800] =	vst v63  }
0x8e: {  	s1 =	sadd.s32 $0x27000, s5  }
0x8f: {  	[hbm4b:s1+s3] =	stream.linear.scatter [tilespmem:s21], [sflag:$0x3], $0x4000, $0x38;
	[tilespmem:$0x1E800] =	vst v63  }
0x90: {  	_ =	swait.ge [sflag:s24], $0x4000  }
0x91: {  	[sflag:s24] =	ssyncset.done $0x0  }
0x92: {  	[sflag:s24] =	ssyncadd.s32 $0xFFFFC000  }
0x93: {  	_ =	swait.ge [sflag:s25], $0x4000  }
0x94: {  	[sflag:s25] =	ssyncset.done $0x0  }
0x95: {  	s0 =	simm.s32 $0x200;
	[sflag:s25] =	ssyncadd.s32 $0xFFFFC000  }
0x96: {  	[tilespmem:s21], [sflag:$0x1] =	stream.indirect.gather [spmem:s2], $0x80, s0, s20, $0xb8;
	[tilespmem:$0x1E800] =	vst v63  }
0x97: {  	s31 =	simm.s32 $0xFFFDB000;
	s1 =	sadd.s32 $0x27800, s5;
	s0 =	simm.s32 $0x300  }
.LBB2_3:
0x98: {  	[hbm4b:s1+s3] =	stream.linear.scatter [tilespmem:s23], [sflag:$0x4], $0x4000, $0x38;
	[tilespmem:$0x1E800] =	vst v63  }
0x99: {  	s1 =	smov.u32 s31  }
0x9a: {  	p1 =	seq.s32 s31, $0xFFFFF000;
	s31 =	sadd.s32 $0x1000, s31;
	_ =	swait.ge [sflag:s28], $0x4000  }
0x9b: {  	[sflag:s28] =	ssyncset.done $0x0  }
0x9c: {  	[sflag:s28] =	ssyncadd.s32 $0xFFFFC000  }
0x9d: {  	_ =	swait.ge [sflag:s22], $0x4000  }
0x9e: {  	[sflag:s22] =	ssyncset.done $0x0  }
0x9f: {  	s5 =	sadd.s32 $0xFFFFFF80, s0;
	s1 =	sadd.s32 s1, s10;
	[sflag:s22] =	ssyncadd.s32 $0xFFFFC000  }
0xa0: {  	[tilespmem:s23], [sflag:$0x2] =	stream.indirect.gather [spmem:s2], $0x80, s5, s20, $0xb8;
	[tilespmem:$0x1E800] =	vst v63  }
0xa1: {  	s5 =	sadd.s32 $0x27000, s1  }
0xa2: {  	[hbm4b:s5+s3] =	stream.linear.scatter [tilespmem:s21], [sflag:$0x3], $0x4000, $0x38;
	[tilespmem:$0x1E800] =	vst v63  }
0xa3: {  	_ =	swait.ge [sflag:s24], $0x4000  }
0xa4: {  	[sflag:s24] =	ssyncset.done $0x0  }
0xa5: {  	[sflag:s24] =	ssyncadd.s32 $0xFFFFC000  }
.Ltmp5:
0xa6: {  	_ =	swait.ge [sflag:s25], $0x4000;
	(pc) =	sbr.rel @!p1 .LBB2_3-.Ltmp5, $4  }
0xa7: {  	[sflag:s25] =	ssyncset.done $0x0  }
0xa8: {  	[sflag:s25] =	ssyncadd.s32 $0xFFFFC000  }
0xa9: {  	[tilespmem:s21], [sflag:$0x1] =	stream.indirect.gather [spmem:s2], $0x80, s0, s20, $0xb8;
	[tilespmem:$0x1E800] =	vst v63  }
0xaa: {  	s1 =	sadd.s32 $0x27800, s1;
	s0 =	sadd.s32 $0x100, s0  }
0xab: {  	[hbm4b:s1+s3] =	stream.linear.scatter [tilespmem:s23], [sflag:$0x4], $0x4000, $0x38;
	[tilespmem:$0x1E800] =	vst v63  }
0xac: {  	_ =	swait.ge [sflag:s28], $0x4000  }
0xad: {  	[sflag:s28] =	ssyncset.done $0x0  }
0xae: {  	[sflag:s28] =	ssyncadd.s32 $0xFFFFC000  }
0xaf: {  	_ =	swait.ge [sflag:s22], $0x4000  }
0xb0: {  	[sflag:s22] =	ssyncset.done $0x0  }
0xb1: {  	[sflag:s22] =	ssyncadd.s32 $0xFFFFC000  }
0xb2: {  	[tilespmem:s23], [sflag:$0x2] =	stream.indirect.gather [spmem:s2], $0x80, s29, s20, $0xb8;
	[tilespmem:$0x1E800] =	vst v63  }
0xb3: {  	_ = 	snop  }
0xb4: {  	[hbm4b:s14+s3] =	stream.linear.scatter [tilespmem:s21], [sflag:$0x3], $0x4000, $0x38;
	[tilespmem:$0x1E800] =	vst v63  }
0xb5: {  	_ =	swait.ge [sflag:s24], $0x4000  }
0xb6: {  	[sflag:s24] =	ssyncset.done $0x0  }
.Ltmp6:
0xb7: {  	[sflag:s24] =	ssyncadd.s32 $0xFFFFC000;
	(pc) =	sbr.rel .LBB2_8-.Ltmp6, $4  }
0xb8: {  	_ =	swait.ge [sflag:s25], $0x4000  }
0xb9: {  	[sflag:s25] =	ssyncset.done $0x0  }
0xba: {  	[sflag:s25] =	ssyncadd.s32 $0xFFFFC000  }
0xbb: {  	[hbm4b:s15+s3] =	stream.linear.scatter [tilespmem:s23], [sflag:$0x4], $0x4000, $0x38;
	[tilespmem:$0x1E800] =	vst v63  }
.LBB2_9:
0xbc: {  	_ =	sfence.sel $0x180000  }
0xbd: {  	[bflag:$0x0] =	sbarrier.arrive $0xFFFF  }
0xbe: {  	_ =	strace $0x90000056  }
0xbf: {  	s0 =	stileid.u32;
	[bflag:$0x2] =	sbarrier.arrive $0xFFFF  }
0xc0: {  	p0 =	sne.s32 s0, $0x0;
	s0 =	rddreg [dreg:$0x2]  }
0xc1: {  	s0 =	sadd.s32 @!p0 $0x100000, s0  }
0xc2: {  	[sflag:s0] =	ssyncadd.tile.s32 @!p0 $0x1;
	_ =	shalt  }
.Lfunc_end2:
_tile_overlayer_lowered:
.L_overlay_start_2:
0xc3: {  	(tag) =	ssettag $0x2  }
0xc4: {  	s0 =	rddreg [dreg:$0x0];
	s2 =	stileid.u32  }
0xc5: {  	s1 =	rddreg [dreg:$0x1];
	p0 =	sne.s32 s2, $0x0  }
0xc6: {  	s3 =	rddreg [dreg:$0x2];
	[bflag:$0x3] =	sbarrier.arrive $0xFFFF;
	s2 =	simm.s32 @!p0 $0x1C05  }
0xc7: {  	[timem:s3], [sflag:s2] =	dma.local @!p0 [hbm:s0], s1  }
0xc8: {  	s0 =	simm.s32 @!p0 $0x5  }
0xc9: {  	_ =	swait.ge @!p0 [sflag:s0], s1  }
0xca: {  	s1 =	ssub.s32 @!p0 $0x0, s1;
	[sflag:s0] =	ssyncset.done @!p0 $0x0  }
0xcb: {  	[sflag:s0] =	ssyncadd.s32 @!p0 s1  }
0xcc: {  	[bflag:$0x3] =	sbarrier.arrive $0xFFFF  }
0xcd: {  	_ =	shalt  }

// kernel: kernel.36.cloned.1.call-start
scs
__scs_entry_jumppad:
0x0: {  	(pc) =	sbr.rel $0x88, $3  }
0x1: {  	(tag) =	ssettag $0x0;
	lr =	simm.s32 $0x1  }
0x2: {  	[smem:$0x3F75] =	sst lr;
	_ =	strace $0xD0000000  }
0x3: {  	_ = 	snop  }
0x4: {  	_ = 	snop  }
0x5: {  	_ = 	snop  }
0x6: {  	_ = 	snop  }
0x7: {  	_ = 	snop  }
__scs_overlays_trampoline_lowered:
0x8: {  	[smem:$0x3F84] =	sst s0  }
0x9: {  	[smem:$0x3F85] =	sst s1  }
0xa: {  	[smem:$0x3F86] =	sst s2  }
0xb: {  	[smem:$0x3F87] =	sst s3  }
0xc: {  	[smem:$0x3F88] =	sst s4  }
0xd: {  	[smem:$0x3F89] =	sst s5  }
0xe: {  	[smem:$0x3F8A] =	sst s6  }
0xf: {  	[smem:$0x3F8B] =	sst s7  }
0x10: {  	[smem:$0x3F8C] =	sst s8  }
0x11: {  	[smem:$0x3F8D] =	sst s9;
	s0 =	simm.s32 @!p0 $0x0  }
0x12: {  	s1 =	sld [smem:$0x3F73];
	s0 =	simm.s32 @p0 $0x1  }
0x13: {  	[smem:$0x3F8E] =	sst s0;
	s0 =	simm.s32 @!p1 $0x0  }
0x14: {  	s2 =	sld [smem:$0x3F72];
	s0 =	simm.s32 @p1 $0x1  }
0x15: {  	[smem:$0x3F8F] =	sst s0;
	s0 =	simm.s32 @!p2 $0x0  }
0x16: {  	s3 =	sld [smem:$0x3FDB];
	s0 =	simm.s32 @p2 $0x1  }
0x17: {  	s4 =	simm.s32 $0x1BF5;
	[smem:$0x3F91] =	sst s0  }
0x18: {  	s0 =	sld [smem:$0x3F74];
	_ =	swait.ge [sflag:s4], $0x0  }
0x19: {  	s7 =	sld [smem:$0x3F75]  }
0x1a: {  	s8 =	sadd.s32 $0xFFFFE003, lr  }
0x1b: {  	s9 =	sadd.s32 $0xFFFFFEF7, lr;
	s5 =	simm.s32 $0xFFFFFFFF;
	p2 =	slt.u32 s8, $0xFFFFF086  }
0x1c: {  	p1 =	slt.u32 s9, $0xF7A;
	s5 =	simm.s32 @!p2 $0x0  }
0x1d: {  	s5 =	simm.s32 @p1 $0x1;
	p0 =	seq.s32 s7, s2  }
0x1e: {  	s7 =	smul.u32 @!p0 $0xF7A, s2;
	p2 =	seq.s32 @!p0 s5, $0x0  }
0x1f: {  	s9 =	smul.u32 $0xF7A, s1;
	s8 =	simm.s32 @!p0 $0x1BF5;
	p2 =	por !p2, p0  }
0x20: {  	[sflag:s8] =	ssyncset.s32 @!p0 $0xFFFFF086;
	s6 =	sadd.s32 @!p0 s3, s7;
	s7 =	simm.s32 @!p0 $0x108  }
0x21: {  	s3 =	sadd.s32 s3, s9;
	s6 =	sadd.s32 @!p0 $0x88, s6;
	s7 =	simm.s32 @p2 $0x1082  }
0x22: {  	[simem:s7], [sflag:s8] =	dma.local @!p0 [hbm:s6], $0xF7A  }
0x23: {  	s9 =	sor.u32 $0xD0000000, s2;
	s6 =	simm.s32 $0x108;
	_ =	swait.ge @!p0 [sflag:s8], $0x0  }
0x24: {  	s3 =	sadd.s32 $0x88, s3;
	s6 =	simm.s32 @!p1 $0x1082;
	[sflag:s4] =	ssyncset.s32 $0xFFFFF086  }
0x25: {  	[simem:s6], [sflag:s4] =	dma.local [hbm:s3], $0xF7A  }
0x26: {  	[smem:$0x3F75] =	sst s1;
	(tag) =	ssettag s2;
	_ =	strace s9  }
0x27: {  	s1 =	sld [smem:$0x3F85]  }
0x28: {  	s2 =	sld [smem:$0x3F86]  }
0x29: {  	s4 =	sld [smem:$0x3F88]  }
0x2a: {  	p0 =	seq.s32 s5, $0x0;
	s5 =	sld [smem:$0x3F89]  }
0x2b: {  	s6 =	sld [smem:$0x3F8A]  }
0x2c: {  	s7 =	sld [smem:$0x3F8B]  }
0x2d: {  	s3 =	simm.s32 $0x108;
	s8 =	sld [smem:$0x3F8C]  }
0x2e: {  	s3 =	simm.s32 @!p0 $0x1082;
	s9 =	sld [smem:$0x3F8D]  }
0x2f: {  	lr =	sadd.s32 s0, s3;
	s0 =	sld [smem:$0x3F84]  }
0x30: {  	s3 =	sld [smem:$0x3F87]  }
0x31: {  	[smem:$0x3F90] =	sst s10  }
0x32: {  	s10 =	sld [smem:$0x3F8E];
	_ =	sdelay $0x3  }
0x33: {  	p0 =	seq.s32 s10, $0x1;
	s10 =	sld [smem:$0x3F90];
	_ =	sdelay $0x3  }
0x34: {  	[smem:$0x3F90] =	sst s10  }
0x35: {  	s10 =	sld [smem:$0x3F8F];
	_ =	sdelay $0x3  }
0x36: {  	p1 =	seq.s32 s10, $0x1;
	s10 =	sld [smem:$0x3F90];
	_ =	sdelay $0x3  }
0x37: {  	[smem:$0x3F90] =	sst s10  }
0x38: {  	s10 =	sld [smem:$0x3F91]  }
0x39: {  	_ = 	snop;
	(pc) =	sbr.ind lr, $3  }
0x3a: {  	_ = 	snop  }
0x3b: {  	_ = 	snop  }
0x3c: {  	p2 =	seq.s32 s10, $0x1;
	s10 =	sld [smem:$0x3F90]  }
0x3d: {  	_ =	shalt  }
0x3e: {  	_ =	shalt  }
0x3f: {  	_ =	shalt  }
0x40: {  	_ =	shalt  }
0x41: {  	_ =	shalt  }
0x42: {  	_ =	shalt  }
0x43: {  	_ =	shalt  }
0x44: {  	_ =	shalt  }
0x45: {  	_ =	shalt  }
0x46: {  	_ =	shalt  }
0x47: {  	_ =	shalt  }
0x48: {  	_ =	shalt  }
0x49: {  	_ =	shalt  }
0x4a: {  	_ =	shalt  }
0x4b: {  	_ =	shalt  }
0x4c: {  	_ =	shalt  }
0x4d: {  	_ =	shalt  }
0x4e: {  	_ =	shalt  }
0x4f: {  	_ =	shalt  }
0x50: {  	_ =	shalt  }
0x51: {  	_ =	shalt  }
0x52: {  	_ =	shalt  }
0x53: {  	_ =	shalt  }
0x54: {  	_ =	shalt  }
0x55: {  	_ =	shalt  }
0x56: {  	_ =	shalt  }
0x57: {  	_ =	shalt  }
0x58: {  	_ =	shalt  }
0x59: {  	_ =	shalt  }
0x5a: {  	_ =	shalt  }
0x5b: {  	_ =	shalt  }
0x5c: {  	_ =	shalt  }
0x5d: {  	_ =	shalt  }
0x5e: {  	_ =	shalt  }
0x5f: {  	_ =	shalt  }
0x60: {  	_ =	shalt  }
0x61: {  	_ =	shalt  }
0x62: {  	_ =	shalt  }
0x63: {  	_ =	shalt  }
0x64: {  	_ =	shalt  }
0x65: {  	_ =	shalt  }
0x66: {  	_ =	shalt  }
0x67: {  	_ =	shalt  }
0x68: {  	_ =	shalt  }
0x69: {  	_ =	shalt  }
0x6a: {  	_ =	shalt  }
0x6b: {  	_ =	shalt  }
0x6c: {  	_ =	shalt  }
0x6d: {  	_ =	shalt  }
0x6e: {  	_ =	shalt  }
0x6f: {  	_ =	shalt  }
0x70: {  	_ =	shalt  }
0x71: {  	_ =	shalt  }
0x72: {  	_ =	shalt  }
0x73: {  	_ =	shalt  }
0x74: {  	_ =	shalt  }
0x75: {  	_ =	shalt  }
0x76: {  	_ =	shalt  }
0x77: {  	_ =	shalt  }
0x78: {  	_ =	shalt  }
0x79: {  	_ =	shalt  }
0x7a: {  	_ =	shalt  }
0x7b: {  	_ =	shalt  }
0x7c: {  	_ =	shalt  }
0x7d: {  	_ =	shalt  }
0x7e: {  	_ =	shalt  }
0x7f: {  	_ =	shalt  }
0x80: {  	_ =	shalt  }
0x81: {  	_ =	shalt  }
0x82: {  	_ =	shalt  }
0x83: {  	_ =	shalt  }
0x84: {  	_ =	shalt  }
0x85: {  	_ =	shalt  }
0x86: {  	_ =	shalt  }
0x87: {  	_ =	shalt  }
.Lfunc_end0:
.L_simem_size_0:
called_computation.5_lowered:
.L_overlay_start_0:
0x88: {  	s2 =	sld [smem:$0x3FD9]  }
0x89: {  	s3 =	sld [smem:$0x3FFE];
	_ =	sdelay $0x1  }
0x8a: {  	s1 =	srdreg.scid  }
0x8b: {  	s0 =	sand.u32 $0x1, s1  }
0x8c: {  	s16 =	sshll.u32 s0, $0xA;
	s2 =	sadd.s32 s3, s2  }
0x8d: {  	s2 =	sadd.s32 s2, s16  }
0x8e: {  	[smem:$0x3F9C] =	sst s2  }
0x8f: {  	_ = 	snop  }
0x90: {  	(tm) =	ssettm $0x1  }
0x91: {  	s17 =	sld [smem:$0x3FFB];
	_ =	sdelay $0x3  }
0x92: {  	_ =	strace s17  }
0x93: {  	s2 =	sld [smem:$0x3FFC];
	_ =	sdelay $0x3  }
0x94: {  	_ =	strace s2  }
0x95: {  	s2 =	sld [smem:$0x3FFD];
	_ =	sdelay $0x3  }
0x96: {  	_ =	strace s2  }
0x97: {  	_ =	strace $0x8FFFFFFF  }
0x98: {  	s18 =	sld [smem:$0x3FDB];
	_ =	sdelay $0x1  }
0x99: {  	s19 =	simm.s32 $_scs_section_size  }
0x9a: {  	s4 =	simm.s32 $_size__tile_overlayer_lowered;
	s5 =	simm.s32 $_tile_overlayer_lowered  }
0x9b: {  	s22 =	simm.s32 $0x1BFF;
	s21 =	sshll.u32 s5, $0x1;
	s2 =	sadd.s32 s19, s18  }
0x9c: {  	s6 =	simm.s32 $0x0;
	s20 =	sshll.u32 s4, $0x1;
	s4 =	sadd.s32 s21, s2  }
0x9d: {  	[timem:s6], [sflag:s22] =	dma.local [hbm:s4], s20  }
0x9e: {  	_ =	swait.ge [sflag:s22], s20  }
0x9f: {  	s3 =	ssub.s32 $0x0, s20;
	[sflag:s22] =	ssyncset.done $0x0  }
0xa0: {  	[sflag:s22] =	ssyncadd.s32 s3;
	_ =	sdelay $0x1  }
0xa1: {  	s23 =	simm.s32 $0x1B8B  }
0xa2: {  	_ =	swait.ge [sflag:s23], $0x1  }
0xa3: {  	[sflag:s23] =	ssyncset.done $0x0  }
0xa4: {  	s25 =	simm.s32 $0x1B8E;
	s24 =	sld [smem:$0x3FFE];
	[sflag:s23] =	ssyncadd.s32 $0xFFFFFFFF  }
0xa5: {  	s26 =	simm.s32 $execute0_lowered;
	[smem:$0x3FD2] =	sst s25  }
0xa6: {  	s4 =	sshll.u32 s26, $0x1;
	_ =	strace $0x80000052;
	[dreg:$0x1] =	wrdreg $0xFFFFFFFF  }
0xa7: {  	s28 =	simm.s32 $_size_execute0_lowered;
	s2 =	sadd.s32 s2, s4;
	[dreg:$0x0] =	wrdreg $0x0  }
0xa8: {  	s4 =	sshll.u32 s28, $0x1;
	[dreg:$0x2] =	wrdreg s2  }
0xa9: {  	[dreg:$0x3] =	wrdreg s4  }
0xaa: {  	[dreg:$0x4] =	wrdreg $0xC0  }
0xab: {  	_ =	task [dreg:s6], $0x5FFFF  }
0xac: {  	[dreg:$0x1] =	wrdreg $0xFFFFFFFF  }
0xad: {  	[dreg:$0x0] =	wrdreg $0x60  }
0xae: {  	[dreg:$0x2] =	wrdreg s24  }
0xaf: {  	[dreg:$0x3] =	wrdreg $0xA8000  }
0xb0: {  	[dreg:$0x4] =	wrdreg $0xA  }
0xb1: {  	_ =	task.clear_ibuf [dreg:s6], $0x5FFFF;
	_ =	strace $0x90000052  }
0xb2: {  	s29 =	simm.s32 $0xA;
	_ =	strace $0x80000054  }
0xb3: {  	_ =	swait.ge [sflag:s29], $0x1  }
0xb4: {  	[sflag:s29] =	ssyncadd.s32 $0xFFFFFFFF  }
0xb5: {  	_ =	strace $0x90000054  }
0xb6: {  	_ =	sfence  }
0xb7: {  	s30 =	sld [smem:$0x0];
	_ =	sdelay $0x2  }
0xb8: {  	s31 =	sshll.u32 s1, $0xD;
	s1 =	sshrl.u32 s1, $0x2  }
0xb9: {  	s3 =	sand.u32 $0x4000, s31;
	s1 =	sadd.s32 s1, s30  }
0xba: {  	s0 =	sor.u32 s3, s0;
	s1 =	sshll.u32 s1, $0x11  }
0xbb: {  	s0 =	sor.u32 s1, s0  }
0xbc: {  	s0 =	sadd.s32 $0x8F2B, s0  }
0xbd: {  	[sflag:s0] =	ssyncadd.remote.s32 $0x1  }
0xbe: {  	_ =	sfence.sel $0xFFFF  }
0xbf: {  	[dreg:$0x0] =	wrdreg $0xFFFFFFFF;
	(pc) =	sbr.abs _section_cstart, $3  }
0xc0: {  	[dreg:$0x1] =	wrdreg $0xFFFFFFFF  }
0xc1: {  	_ =	task.clear_ibuf [dreg:s6], $0x2FFFF;
	_ =	strace $0x9FFFFFFF  }
0xc2: {  	(tm) =	ssettm $0x7FFFFFFF  }
0xc3: {  	_ =	shalt  }
tec
execute0_lowered:
.L_overlay_start_1:
0x0: {  	(tag) =	ssettag $0x1  }
0x1: {  	s0 =	rddreg [dreg:$0x0]  }
0x2: {  	s2 =	rddreg [dreg:$0x1];
	s1 =	stileid.u32;
	s3 =	simm.s32 $0x0  }
0x3: {  	s6 =	srdreg.scid;
	s28 =	simm.s32 $0x100;
	s4 =	smul.u32 $0x2800, s1  }
0x4: {  	s29 =	simm.s32 $0x4;
	s30 =	simm.s32 $0x2780;
	s5 =	smul.u32 $0x50, s1  }
0x5: {  	s31 =	simm.s32 $0x0;
	[smem:$0x7FF] =	sst s3;
	s9 =	smul.u32 $0x50000, s1  }
0x6: {  	s6 =	sand.u32 $0x1, s6;
	s19 =	sadd.s32 $0x7C9C00, s0;
	s20 =	smul.u32 $0x28000, s1  }
0x7: {  	_ =	strace $0x80000053;
	s8 =	ssub.s32 $0x2, s6;
	p0 =	seq.s32 s6, $0x0  }
0x8: {  	s7 =	sadd.s32 s4, s0;
	s5 =	sadd.s32 $0x500, s5;
	s22 =	sshrl.u32 s8, $0x1  }
0x9: {  	s23 =	sshrl.u32 s9, $0x2;
	s13 =	sadd.s32 $0x280800, s20;
	s26 =	sadd.s32 $0x2A7000, s20  }
0xa: {  	s17 =	sadd.s32 $0x2A7800, s20;
	s21 =	sshll.u32 s5, $0x4;
	s11 =	ssub.s32 s8, s22  }
0xb: {  	s4 =	sadd.s32 s23, s2;
	s24 =	sadd.s32 $0x71C00, s7;
	s7 =	sadd.s32 $0x49C00, s7  }
0xc: {  	s5 =	sshll.u32 s5, $0xB;
	s16 =	sadd.s32 s19, s26;
	s22 =	simm.s32 $0x2800  }
0xd: {  	s23 =	simm.s32 $0x1;
	s10 =	sadd.s32 s21, s0;
	[dreg:$0x3] =	wrdreg s24  }
0xe: {  	s0 =	sadd.s32 $0xCC9C00, s0;
	[dreg:$0x5] =	wrdreg s7;
	s9 =	smax.u32 s11, $0x1  }
0xf: {  	s12 =	sadd.s32 s19, s5;
	s21 =	simm.s32 $0x80;
	s24 =	simm.s32 $0x6800  }
.Ltmp0:
0x10: {  	s25 =	sadd.s32 $0x17C00, s10;
	s8 =	sadd.s32 $0xDC00, s10;
	(pc) =	sbr.rel .LBB2_1-.Ltmp0, $4  }
0x11: {  	s10 =	sadd.s32 s0, s5;
	s11 =	sadd.s32 s0, s13;
	s13 =	sadd.s32 s19, s13  }
0x12: {  	s14 =	sadd.s32 s0, s26;
	s15 =	sadd.s32 s0, s17;
	s17 =	sadd.s32 s19, s17  }
0x13: {  	s18 =	sadd.s32 s20, s0;
	s19 =	sadd.s32 s20, s19;
	s20 =	simm.s32 $0x5  }
0x14: {  	s26 =	simm.s32 $0x2;
	[dreg:$0x4] =	wrdreg s25;
	s25 =	simm.s32 $0x3  }
.LBB2_7:
0x15: {  	[hbm4b:s6+s3] =	stream.linear.scatter [tilespmem:s24], [sflag:$0x4], $0x4000, $0x38;
	[tilespmem:$0x1E800] =	vst v63  }
0x16: {  	_ =	swait.ge [sflag:s29], $0x4000  }
0x17: {  	[sflag:s29] =	ssyncset.done $0x0  }
0x18: {  	[sflag:s29] =	ssyncadd.s32 $0xFFFFC000  }
0x19: {  	_ =	swait.ge [sflag:s23], $0x4000  }
0x1a: {  	[sflag:s23] =	ssyncset.done $0x0  }
0x1b: {  	[sflag:s23] =	ssyncadd.s32 $0xFFFFC000  }
0x1c: {  	[tilespmem:s24], [sflag:$0x2] =	stream.indirect.gather [spmem:s2], $0x80, s30, s21, $0xb8;
	[tilespmem:$0x1E800] =	vst v63  }
0x1d: {  	_ = 	snop  }
0x1e: {  	[hbm4b:s16+s3] =	stream.linear.scatter [tilespmem:s22], [sflag:$0x3], $0x4000, $0x38;
	[tilespmem:$0x1E800] =	vst v63  }
0x1f: {  	_ =	swait.ge [sflag:s25], $0x4000  }
0x20: {  	[sflag:s25] =	ssyncset.done $0x0  }
0x21: {  	[sflag:s25] =	ssyncadd.s32 $0xFFFFC000  }
0x22: {  	_ =	swait.ge [sflag:s26], $0x4000  }
0x23: {  	[sflag:s26] =	ssyncset.done $0x0  }
0x24: {  	[sflag:s26] =	ssyncadd.s32 $0xFFFFC000  }
0x25: {  	[hbm4b:s17+s3] =	stream.linear.scatter [tilespmem:s24], [sflag:$0x4], $0x4000, $0x38;
	[tilespmem:$0x1E800] =	vst v63  }
.LBB2_8:
0x26: {  	s31 =	sadd.s32 $0x1, s31  }
0x27: {  	p1 =	sne.s32 s31, s9  }
.Ltmp1:
0x28: {  	_ = 	snop;
	(pc) =	sbr.rel @!p1 .LBB2_9-.Ltmp1, $4  }
0x29: {  	_ = 	snop  }
0x2a: {  	_ =	swait.ge [sflag:s29], $0x4000  }
0x2b: {  	[sflag:s29] =	ssyncset.done $0x0  }
0x2c: {  	[sflag:s29] =	ssyncadd.s32 $0xFFFFC000  }
.LBB2_1:
.Ltmp2:
0x2d: {  	(pc) =	sbr.rel @!p0 .LBB2_2-.Ltmp2, $3  }
0x2e: {  	_ =	sdelay $0x1  }
0x2f: {  	s5 =	sshll.u32 s1, $0x6  }
0x30: {  	s0 =	sshrl.u32 s4, $0x3;
	s5 =	sor.u32 $0x1C05, s5  }
0x31: {  	s6 =	rddreg [dreg:$0x5]  }
0x32: {  	[spmem:s0], [sflag:s5] =	dma.local [hbm:s6], $0x2800  }
0x33: {  	_ =	swait.ge [sflag:s20], $0x2800  }
0x34: {  	[sflag:s20] =	ssyncset.done $0x0  }
0x35: {  	[sflag:s20] =	ssyncadd.s32 $0xFFFFD800  }
0x36: {  	[bflag:$0x0] =	sbarrier.arrive $0xFFFF  }
0x37: {  	[tilespmem:s3], [sflag:$0x5] =	stream.linear.gather [hbm4b:s8+s3], $0x2800, $0x38;
	[tilespmem:$0x1E800] =	vst v63  }
0x38: {  	_ =	swait.ge [sflag:s20], $0x2800  }
0x39: {  	[sflag:s20] =	ssyncset.done $0x0  }
0x3a: {  	[sflag:s20] =	ssyncadd.s32 $0xFFFFD800  }
0x3b: {  	[tilespmem:s22], [sflag:$0x1] =	stream.indirect.gather [spmem:s2], $0x80, s3, s21, $0xb8;
	[tilespmem:$0x1E800] =	vst v63  }
0x3c: {  	_ =	swait.ge [sflag:s23], $0x4000  }
0x3d: {  	[sflag:s23] =	ssyncset.done $0x0  }
0x3e: {  	[sflag:s23] =	ssyncadd.s32 $0xFFFFC000  }
0x3f: {  	[tilespmem:s24], [sflag:$0x2] =	stream.indirect.gather [spmem:s2], $0x80, s21, s21, $0xb8;
	[tilespmem:$0x1E800] =	vst v63  }
0x40: {  	_ = 	snop  }
0x41: {  	[hbm4b:s12+s3] =	stream.linear.scatter [tilespmem:s22], [sflag:$0x3], $0x4000, $0x38;
	[tilespmem:$0x1E800] =	vst v63  }
0x42: {  	_ =	swait.ge [sflag:s25], $0x4000  }
0x43: {  	[sflag:s25] =	ssyncset.done $0x0  }
0x44: {  	[sflag:s25] =	ssyncadd.s32 $0xFFFFC000  }
0x45: {  	_ =	swait.ge [sflag:s26], $0x4000  }
0x46: {  	[sflag:s26] =	ssyncset.done $0x0  }
0x47: {  	[sflag:s26] =	ssyncadd.s32 $0xFFFFC000  }
0x48: {  	[tilespmem:s22], [sflag:$0x1] =	stream.indirect.gather [spmem:s2], $0x80, s28, s21, $0xb8;
	[tilespmem:$0x1E800] =	vst v63  }
0x49: {  	_ = 	snop  }
0x4a: {  	[hbm4b:s13+s3] =	stream.linear.scatter [tilespmem:s24], [sflag:$0x4], $0x4000, $0x38;
	[tilespmem:$0x1E800] =	vst v63  }
0x4b: {  	_ =	swait.ge [sflag:s29], $0x4000  }
0x4c: {  	[sflag:s29] =	ssyncset.done $0x0  }
0x4d: {  	[sflag:s29] =	ssyncadd.s32 $0xFFFFC000  }
0x4e: {  	_ =	swait.ge [sflag:s23], $0x4000  }
0x4f: {  	[sflag:s23] =	ssyncset.done $0x0  }
0x50: {  	s7 =	simm.s32 $0x180;
	s5 =	sadd.s32 $0xFFFDA000, s19;
	[sflag:s23] =	ssyncadd.s32 $0xFFFFC000  }
0x51: {  	[tilespmem:s24], [sflag:$0x2] =	stream.indirect.gather [spmem:s2], $0x80, s7, s21, $0xb8;
	[tilespmem:$0x1E800] =	vst v63  }
0x52: {  	s6 =	sadd.s32 $0x2A7000, s5  }
0x53: {  	[hbm4b:s6+s3] =	stream.linear.scatter [tilespmem:s22], [sflag:$0x3], $0x4000, $0x38;
	[tilespmem:$0x1E800] =	vst v63  }
0x54: {  	_ =	swait.ge [sflag:s25], $0x4000  }
0x55: {  	[sflag:s25] =	ssyncset.done $0x0  }
0x56: {  	[sflag:s25] =	ssyncadd.s32 $0xFFFFC000  }
0x57: {  	_ =	swait.ge [sflag:s26], $0x4000  }
0x58: {  	s0 =	simm.s32 $0xFFFDB000;
	s7 =	simm.s32 $0x200;
	[sflag:s26] =	ssyncset.done $0x0  }
0x59: {  	s6 =	sadd.s32 $0x2A7800, s5;
	s5 =	simm.s32 $0x300;
	[sflag:s26] =	ssyncadd.s32 $0xFFFFC000  }
0x5a: {  	[tilespmem:s22], [sflag:$0x1] =	stream.indirect.gather [spmem:s2], $0x80, s7, s21, $0xb8;
	[tilespmem:$0x1E800] =	vst v63  }
.LBB2_6:
0x5b: {  	[hbm4b:s6+s3] =	stream.linear.scatter [tilespmem:s24], [sflag:$0x4], $0x4000, $0x38;
	[tilespmem:$0x1E800] =	vst v63  }
0x5c: {  	s6 =	smov.u32 s0  }
0x5d: {  	p1 =	seq.s32 s0, $0xFFFFF000;
	s0 =	sadd.s32 $0x1000, s0;
	_ =	swait.ge [sflag:s29], $0x4000  }
0x5e: {  	[sflag:s29] =	ssyncset.done $0x0  }
0x5f: {  	[sflag:s29] =	ssyncadd.s32 $0xFFFFC000  }
0x60: {  	_ =	swait.ge [sflag:s23], $0x4000  }
0x61: {  	[sflag:s23] =	ssyncset.done $0x0  }
0x62: {  	s7 =	sadd.s32 $0xFFFFFF80, s5;
	s6 =	sadd.s32 s6, s19;
	[sflag:s23] =	ssyncadd.s32 $0xFFFFC000  }
0x63: {  	[tilespmem:s24], [sflag:$0x2] =	stream.indirect.gather [spmem:s2], $0x80, s7, s21, $0xb8;
	[tilespmem:$0x1E800] =	vst v63  }
0x64: {  	s7 =	sadd.s32 $0x2A7000, s6  }
0x65: {  	[hbm4b:s7+s3] =	stream.linear.scatter [tilespmem:s22], [sflag:$0x3], $0x4000, $0x38;
	[tilespmem:$0x1E800] =	vst v63  }
0x66: {  	_ =	swait.ge [sflag:s25], $0x4000  }
0x67: {  	[sflag:s25] =	ssyncset.done $0x0  }
0x68: {  	[sflag:s25] =	ssyncadd.s32 $0xFFFFC000  }
.Ltmp3:
0x69: {  	_ =	swait.ge [sflag:s26], $0x4000;
	(pc) =	sbr.rel @!p1 .LBB2_6-.Ltmp3, $4  }
0x6a: {  	[sflag:s26] =	ssyncset.done $0x0  }
0x6b: {  	[sflag:s26] =	ssyncadd.s32 $0xFFFFC000  }
0x6c: {  	[tilespmem:s22], [sflag:$0x1] =	stream.indirect.gather [spmem:s2], $0x80, s5, s21, $0xb8;
	[tilespmem:$0x1E800] =	vst v63  }
0x6d: {  	s6 =	sadd.s32 $0x2A7800, s6;
	s5 =	sadd.s32 $0x100, s5  }
.Ltmp4:
0x6e: {  	_ = 	snop;
	(pc) =	sbr.rel .LBB2_7-.Ltmp4, $1  }
0x6f: {  	_ =	sdelay $0x3  }
.LBB2_2:
0x70: {  	s6 =	rddreg [dreg:$0x3]  }
0x71: {  	[spmem:s0], [sflag:s5] =	dma.local [hbm:s6], $0x2800  }
0x72: {  	_ =	swait.ge [sflag:s20], $0x2800  }
0x73: {  	[sflag:s20] =	ssyncset.done $0x0  }
0x74: {  	[sflag:s20] =	ssyncadd.s32 $0xFFFFD800  }
0x75: {  	[bflag:$0x0] =	sbarrier.arrive $0xFFFF  }
0x76: {  	s6 =	rddreg [dreg:$0x4]  }
0x77: {  	[tilespmem:s3], [sflag:$0x5] =	stream.linear.gather [hbm4b:s6+s3], $0x2800, $0x38;
	[tilespmem:$0x1E800] =	vst v63  }
0x78: {  	_ =	swait.ge [sflag:s20], $0x2800  }
0x79: {  	[sflag:s20] =	ssyncset.done $0x0  }
0x7a: {  	[sflag:s20] =	ssyncadd.s32 $0xFFFFD800  }
0x7b: {  	[tilespmem:s22], [sflag:$0x1] =	stream.indirect.gather [spmem:s2], $0x80, s3, s21, $0xb8;
	[tilespmem:$0x1E800] =	vst v63  }
0x7c: {  	_ =	swait.ge [sflag:s23], $0x4000  }
0x7d: {  	[sflag:s23] =	ssyncset.done $0x0  }
0x7e: {  	[sflag:s23] =	ssyncadd.s32 $0xFFFFC000  }
0x7f: {  	[tilespmem:s24], [sflag:$0x2] =	stream.indirect.gather [spmem:s2], $0x80, s21, s21, $0xb8;
	[tilespmem:$0x1E800] =	vst v63  }
0x80: {  	_ = 	snop  }
0x81: {  	[hbm4b:s10+s3] =	stream.linear.scatter [tilespmem:s22], [sflag:$0x3], $0x4000, $0x38;
	[tilespmem:$0x1E800] =	vst v63  }
0x82: {  	_ =	swait.ge [sflag:s25], $0x4000  }
0x83: {  	[sflag:s25] =	ssyncset.done $0x0  }
0x84: {  	[sflag:s25] =	ssyncadd.s32 $0xFFFFC000  }
0x85: {  	_ =	swait.ge [sflag:s26], $0x4000  }
0x86: {  	[sflag:s26] =	ssyncset.done $0x0  }
0x87: {  	[sflag:s26] =	ssyncadd.s32 $0xFFFFC000  }
0x88: {  	[tilespmem:s22], [sflag:$0x1] =	stream.indirect.gather [spmem:s2], $0x80, s28, s21, $0xb8;
	[tilespmem:$0x1E800] =	vst v63  }
0x89: {  	_ = 	snop  }
0x8a: {  	[hbm4b:s11+s3] =	stream.linear.scatter [tilespmem:s24], [sflag:$0x4], $0x4000, $0x38;
	[tilespmem:$0x1E800] =	vst v63  }
0x8b: {  	_ =	swait.ge [sflag:s29], $0x4000  }
0x8c: {  	[sflag:s29] =	ssyncset.done $0x0  }
0x8d: {  	[sflag:s29] =	ssyncadd.s32 $0xFFFFC000  }
0x8e: {  	_ =	swait.ge [sflag:s23], $0x4000  }
0x8f: {  	[sflag:s23] =	ssyncset.done $0x0  }
0x90: {  	s7 =	simm.s32 $0x180;
	s6 =	sadd.s32 $0xFFFDA000, s18;
	[sflag:s23] =	ssyncadd.s32 $0xFFFFC000  }
0x91: {  	[tilespmem:s24], [sflag:$0x2] =	stream.indirect.gather [spmem:s2], $0x80, s7, s21, $0xb8;
	[tilespmem:$0x1E800] =	vst v63  }
0x92: {  	s7 =	sadd.s32 $0x2A7000, s6  }
0x93: {  	[hbm4b:s7+s3] =	stream.linear.scatter [tilespmem:s22], [sflag:$0x3], $0x4000, $0x38;
	[tilespmem:$0x1E800] =	vst v63  }
0x94: {  	_ =	swait.ge [sflag:s25], $0x4000  }
0x95: {  	[sflag:s25] =	ssyncset.done $0x0  }
0x96: {  	[sflag:s25] =	ssyncadd.s32 $0xFFFFC000  }
0x97: {  	_ =	swait.ge [sflag:s26], $0x4000  }
0x98: {  	[sflag:s26] =	ssyncset.done $0x0  }
0x99: {  	s0 =	simm.s32 $0x200;
	[sflag:s26] =	ssyncadd.s32 $0xFFFFC000  }
0x9a: {  	[tilespmem:s22], [sflag:$0x1] =	stream.indirect.gather [spmem:s2], $0x80, s0, s21, $0xb8;
	[tilespmem:$0x1E800] =	vst v63  }
0x9b: {  	s5 =	simm.s32 $0x300;
	s6 =	sadd.s32 $0x2A7800, s6;
	s0 =	simm.s32 $0xFFFDB000  }
.LBB2_3:
0x9c: {  	[hbm4b:s6+s3] =	stream.linear.scatter [tilespmem:s24], [sflag:$0x4], $0x4000, $0x38;
	[tilespmem:$0x1E800] =	vst v63  }
0x9d: {  	s6 =	smov.u32 s0  }
0x9e: {  	p1 =	seq.s32 s0, $0xFFFFF000;
	s0 =	sadd.s32 $0x1000, s0;
	_ =	swait.ge [sflag:s29], $0x4000  }
0x9f: {  	[sflag:s29] =	ssyncset.done $0x0  }
0xa0: {  	[sflag:s29] =	ssyncadd.s32 $0xFFFFC000  }
0xa1: {  	_ =	swait.ge [sflag:s23], $0x4000  }
0xa2: {  	[sflag:s23] =	ssyncset.done $0x0  }
0xa3: {  	s7 =	sadd.s32 $0xFFFFFF80, s5;
	s6 =	sadd.s32 s6, s18;
	[sflag:s23] =	ssyncadd.s32 $0xFFFFC000  }
0xa4: {  	[tilespmem:s24], [sflag:$0x2] =	stream.indirect.gather [spmem:s2], $0x80, s7, s21, $0xb8;
	[tilespmem:$0x1E800] =	vst v63  }
0xa5: {  	s7 =	sadd.s32 $0x2A7000, s6  }
0xa6: {  	[hbm4b:s7+s3] =	stream.linear.scatter [tilespmem:s22], [sflag:$0x3], $0x4000, $0x38;
	[tilespmem:$0x1E800] =	vst v63  }
0xa7: {  	_ =	swait.ge [sflag:s25], $0x4000  }
0xa8: {  	[sflag:s25] =	ssyncset.done $0x0  }
0xa9: {  	[sflag:s25] =	ssyncadd.s32 $0xFFFFC000  }
.Ltmp5:
0xaa: {  	_ =	swait.ge [sflag:s26], $0x4000;
	(pc) =	sbr.rel @!p1 .LBB2_3-.Ltmp5, $4  }
0xab: {  	[sflag:s26] =	ssyncset.done $0x0  }
0xac: {  	[sflag:s26] =	ssyncadd.s32 $0xFFFFC000  }
0xad: {  	[tilespmem:s22], [sflag:$0x1] =	stream.indirect.gather [spmem:s2], $0x80, s5, s21, $0xb8;
	[tilespmem:$0x1E800] =	vst v63  }
0xae: {  	s6 =	sadd.s32 $0x2A7800, s6;
	s5 =	sadd.s32 $0x100, s5  }
0xaf: {  	[hbm4b:s6+s3] =	stream.linear.scatter [tilespmem:s24], [sflag:$0x4], $0x4000, $0x38;
	[tilespmem:$0x1E800] =	vst v63  }
0xb0: {  	_ =	swait.ge [sflag:s29], $0x4000  }
0xb1: {  	[sflag:s29] =	ssyncset.done $0x0  }
0xb2: {  	[sflag:s29] =	ssyncadd.s32 $0xFFFFC000  }
0xb3: {  	_ =	swait.ge [sflag:s23], $0x4000  }
0xb4: {  	[sflag:s23] =	ssyncset.done $0x0  }
0xb5: {  	[sflag:s23] =	ssyncadd.s32 $0xFFFFC000  }
0xb6: {  	[tilespmem:s24], [sflag:$0x2] =	stream.indirect.gather [spmem:s2], $0x80, s30, s21, $0xb8;
	[tilespmem:$0x1E800] =	vst v63  }
0xb7: {  	_ = 	snop  }
0xb8: {  	[hbm4b:s14+s3] =	stream.linear.scatter [tilespmem:s22], [sflag:$0x3], $0x4000, $0x38;
	[tilespmem:$0x1E800] =	vst v63  }
0xb9: {  	_ =	swait.ge [sflag:s25], $0x4000  }
0xba: {  	[sflag:s25] =	ssyncset.done $0x0  }
.Ltmp6:
0xbb: {  	[sflag:s25] =	ssyncadd.s32 $0xFFFFC000;
	(pc) =	sbr.rel .LBB2_8-.Ltmp6, $4  }
0xbc: {  	_ =	swait.ge [sflag:s26], $0x4000  }
0xbd: {  	[sflag:s26] =	ssyncset.done $0x0  }
0xbe: {  	[sflag:s26] =	ssyncadd.s32 $0xFFFFC000  }
0xbf: {  	[hbm4b:s15+s3] =	stream.linear.scatter [tilespmem:s24], [sflag:$0x4], $0x4000, $0x38;
	[tilespmem:$0x1E800] =	vst v63  }
.LBB2_9:
0xc0: {  	_ =	sfence.sel $0x180000  }
0xc1: {  	[bflag:$0x0] =	sbarrier.arrive $0xFFFF  }
0xc2: {  	_ =	strace $0x90000053  }
0xc3: {  	[bflag:$0x2] =	sbarrier.arrive $0xFFFF  }
0xc4: {  	p0 =	sne.s32 s1, $0x0;
	s0 =	rddreg [dreg:$0x2]  }
0xc5: {  	s0 =	sadd.s32 @!p0 $0x100000, s0  }
0xc6: {  	[sflag:s0] =	ssyncadd.tile.s32 @!p0 $0x1;
	_ =	shalt  }
.Lfunc_end2:
_tile_overlayer_lowered:
.L_overlay_start_2:
0xc7: {  	(tag) =	ssettag $0x2  }
0xc8: {  	s0 =	rddreg [dreg:$0x0];
	s2 =	stileid.u32  }
0xc9: {  	s1 =	rddreg [dreg:$0x1];
	p0 =	sne.s32 s2, $0x0  }
0xca: {  	s3 =	rddreg [dreg:$0x2];
	[bflag:$0x3] =	sbarrier.arrive $0xFFFF;
	s2 =	simm.s32 @!p0 $0x1C05  }
0xcb: {  	[timem:s3], [sflag:s2] =	dma.local @!p0 [hbm:s0], s1  }
0xcc: {  	s0 =	simm.s32 @!p0 $0x5  }
0xcd: {  	_ =	swait.ge @!p0 [sflag:s0], s1  }
0xce: {  	s1 =	ssub.s32 @!p0 $0x0, s1;
	[sflag:s0] =	ssyncset.done @!p0 $0x0  }
0xcf: {  	[sflag:s0] =	ssyncadd.s32 @!p0 s1  }
0xd0: {  	[bflag:$0x3] =	sbarrier.arrive $0xFFFF  }
0xd1: {  	_ =	shalt  }

// kernel: kernel.39.cloned.1.call-start
scs
__scs_entry_jumppad:
0x0: {  	(pc) =	sbr.rel $0x88, $3  }
0x1: {  	(tag) =	ssettag $0x0;
	lr =	simm.s32 $0x1  }
0x2: {  	[smem:$0x3F75] =	sst lr;
	_ =	strace $0xD0000000  }
0x3: {  	_ = 	snop  }
0x4: {  	_ = 	snop  }
0x5: {  	_ = 	snop  }
0x6: {  	_ = 	snop  }
0x7: {  	_ = 	snop  }
__scs_overlays_trampoline_lowered:
0x8: {  	[smem:$0x3F84] =	sst s0  }
0x9: {  	[smem:$0x3F85] =	sst s1  }
0xa: {  	[smem:$0x3F86] =	sst s2  }
0xb: {  	[smem:$0x3F87] =	sst s3  }
0xc: {  	[smem:$0x3F88] =	sst s4  }
0xd: {  	[smem:$0x3F89] =	sst s5  }
0xe: {  	[smem:$0x3F8A] =	sst s6  }
0xf: {  	[smem:$0x3F8B] =	sst s7  }
0x10: {  	[smem:$0x3F8C] =	sst s8  }
0x11: {  	[smem:$0x3F8D] =	sst s9;
	s0 =	simm.s32 @!p0 $0x0  }
0x12: {  	s1 =	sld [smem:$0x3F73];
	s0 =	simm.s32 @p0 $0x1  }
0x13: {  	[smem:$0x3F8E] =	sst s0;
	s0 =	simm.s32 @!p1 $0x0  }
0x14: {  	s2 =	sld [smem:$0x3F72];
	s0 =	simm.s32 @p1 $0x1  }
0x15: {  	[smem:$0x3F8F] =	sst s0;
	s0 =	simm.s32 @!p2 $0x0  }
0x16: {  	s3 =	sld [smem:$0x3FDB];
	s0 =	simm.s32 @p2 $0x1  }
0x17: {  	s4 =	simm.s32 $0x1BF5;
	[smem:$0x3F91] =	sst s0  }
0x18: {  	s0 =	sld [smem:$0x3F74];
	_ =	swait.ge [sflag:s4], $0x0  }
0x19: {  	s7 =	sld [smem:$0x3F75]  }
0x1a: {  	s8 =	sadd.s32 $0xFFFFE003, lr  }
0x1b: {  	s9 =	sadd.s32 $0xFFFFFEF7, lr;
	s5 =	simm.s32 $0xFFFFFFFF;
	p2 =	slt.u32 s8, $0xFFFFF086  }
0x1c: {  	p1 =	slt.u32 s9, $0xF7A;
	s5 =	simm.s32 @!p2 $0x0  }
0x1d: {  	s5 =	simm.s32 @p1 $0x1;
	p0 =	seq.s32 s7, s2  }
0x1e: {  	s7 =	smul.u32 @!p0 $0xF7A, s2;
	p2 =	seq.s32 @!p0 s5, $0x0  }
0x1f: {  	s9 =	smul.u32 $0xF7A, s1;
	s8 =	simm.s32 @!p0 $0x1BF5;
	p2 =	por !p2, p0  }
0x20: {  	[sflag:s8] =	ssyncset.s32 @!p0 $0xFFFFF086;
	s6 =	sadd.s32 @!p0 s3, s7;
	s7 =	simm.s32 @!p0 $0x108  }
0x21: {  	s3 =	sadd.s32 s3, s9;
	s6 =	sadd.s32 @!p0 $0x88, s6;
	s7 =	simm.s32 @p2 $0x1082  }
0x22: {  	[simem:s7], [sflag:s8] =	dma.local @!p0 [hbm:s6], $0xF7A  }
0x23: {  	s9 =	sor.u32 $0xD0000000, s2;
	s6 =	simm.s32 $0x108;
	_ =	swait.ge @!p0 [sflag:s8], $0x0  }
0x24: {  	s3 =	sadd.s32 $0x88, s3;
	s6 =	simm.s32 @!p1 $0x1082;
	[sflag:s4] =	ssyncset.s32 $0xFFFFF086  }
0x25: {  	[simem:s6], [sflag:s4] =	dma.local [hbm:s3], $0xF7A  }
0x26: {  	[smem:$0x3F75] =	sst s1;
	(tag) =	ssettag s2;
	_ =	strace s9  }
0x27: {  	s1 =	sld [smem:$0x3F85]  }
0x28: {  	s2 =	sld [smem:$0x3F86]  }
0x29: {  	s4 =	sld [smem:$0x3F88]  }
0x2a: {  	p0 =	seq.s32 s5, $0x0;
	s5 =	sld [smem:$0x3F89]  }
0x2b: {  	s6 =	sld [smem:$0x3F8A]  }
0x2c: {  	s7 =	sld [smem:$0x3F8B]  }
0x2d: {  	s3 =	simm.s32 $0x108;
	s8 =	sld [smem:$0x3F8C]  }
0x2e: {  	s3 =	simm.s32 @!p0 $0x1082;
	s9 =	sld [smem:$0x3F8D]  }
0x2f: {  	lr =	sadd.s32 s0, s3;
	s0 =	sld [smem:$0x3F84]  }
0x30: {  	s3 =	sld [smem:$0x3F87]  }
0x31: {  	[smem:$0x3F90] =	sst s10  }
0x32: {  	s10 =	sld [smem:$0x3F8E];
	_ =	sdelay $0x3  }
0x33: {  	p0 =	seq.s32 s10, $0x1;
	s10 =	sld [smem:$0x3F90];
	_ =	sdelay $0x3  }
0x34: {  	[smem:$0x3F90] =	sst s10  }
0x35: {  	s10 =	sld [smem:$0x3F8F];
	_ =	sdelay $0x3  }
0x36: {  	p1 =	seq.s32 s10, $0x1;
	s10 =	sld [smem:$0x3F90];
	_ =	sdelay $0x3  }
0x37: {  	[smem:$0x3F90] =	sst s10  }
0x38: {  	s10 =	sld [smem:$0x3F91]  }
0x39: {  	_ = 	snop;
	(pc) =	sbr.ind lr, $3  }
0x3a: {  	_ = 	snop  }
0x3b: {  	_ = 	snop  }
0x3c: {  	p2 =	seq.s32 s10, $0x1;
	s10 =	sld [smem:$0x3F90]  }
0x3d: {  	_ =	shalt  }
0x3e: {  	_ =	shalt  }
0x3f: {  	_ =	shalt  }
0x40: {  	_ =	shalt  }
0x41: {  	_ =	shalt  }
0x42: {  	_ =	shalt  }
0x43: {  	_ =	shalt  }
0x44: {  	_ =	shalt  }
0x45: {  	_ =	shalt  }
0x46: {  	_ =	shalt  }
0x47: {  	_ =	shalt  }
0x48: {  	_ =	shalt  }
0x49: {  	_ =	shalt  }
0x4a: {  	_ =	shalt  }
0x4b: {  	_ =	shalt  }
0x4c: {  	_ =	shalt  }
0x4d: {  	_ =	shalt  }
0x4e: {  	_ =	shalt  }
0x4f: {  	_ =	shalt  }
0x50: {  	_ =	shalt  }
0x51: {  	_ =	shalt  }
0x52: {  	_ =	shalt  }
0x53: {  	_ =	shalt  }
0x54: {  	_ =	shalt  }
0x55: {  	_ =	shalt  }
0x56: {  	_ =	shalt  }
0x57: {  	_ =	shalt  }
0x58: {  	_ =	shalt  }
0x59: {  	_ =	shalt  }
0x5a: {  	_ =	shalt  }
0x5b: {  	_ =	shalt  }
0x5c: {  	_ =	shalt  }
0x5d: {  	_ =	shalt  }
0x5e: {  	_ =	shalt  }
0x5f: {  	_ =	shalt  }
0x60: {  	_ =	shalt  }
0x61: {  	_ =	shalt  }
0x62: {  	_ =	shalt  }
0x63: {  	_ =	shalt  }
0x64: {  	_ =	shalt  }
0x65: {  	_ =	shalt  }
0x66: {  	_ =	shalt  }
0x67: {  	_ =	shalt  }
0x68: {  	_ =	shalt  }
0x69: {  	_ =	shalt  }
0x6a: {  	_ =	shalt  }
0x6b: {  	_ =	shalt  }
0x6c: {  	_ =	shalt  }
0x6d: {  	_ =	shalt  }
0x6e: {  	_ =	shalt  }
0x6f: {  	_ =	shalt  }
0x70: {  	_ =	shalt  }
0x71: {  	_ =	shalt  }
0x72: {  	_ =	shalt  }
0x73: {  	_ =	shalt  }
0x74: {  	_ =	shalt  }
0x75: {  	_ =	shalt  }
0x76: {  	_ =	shalt  }
0x77: {  	_ =	shalt  }
0x78: {  	_ =	shalt  }
0x79: {  	_ =	shalt  }
0x7a: {  	_ =	shalt  }
0x7b: {  	_ =	shalt  }
0x7c: {  	_ =	shalt  }
0x7d: {  	_ =	shalt  }
0x7e: {  	_ =	shalt  }
0x7f: {  	_ =	shalt  }
0x80: {  	_ =	shalt  }
0x81: {  	_ =	shalt  }
0x82: {  	_ =	shalt  }
0x83: {  	_ =	shalt  }
0x84: {  	_ =	shalt  }
0x85: {  	_ =	shalt  }
0x86: {  	_ =	shalt  }
0x87: {  	_ =	shalt  }
.Lfunc_end0:
.L_simem_size_0:
called_computation.6_lowered:
.L_overlay_start_0:
0x88: {  	s2 =	sld [smem:$0x3FD9]  }
0x89: {  	s3 =	sld [smem:$0x3FFE];
	_ =	sdelay $0x1  }
0x8a: {  	s1 =	srdreg.scid  }
0x8b: {  	s0 =	sand.u32 $0x1, s1  }
0x8c: {  	s17 =	sshll.u32 s0, $0xA;
	s2 =	sadd.s32 s3, s2  }
0x8d: {  	s2 =	sadd.s32 s2, s17  }
0x8e: {  	[smem:$0x3F9C] =	sst s2  }
0x8f: {  	_ = 	snop  }
0x90: {  	(tm) =	ssettm $0x1  }
0x91: {  	s18 =	sld [smem:$0x3FFB];
	_ =	sdelay $0x3  }
0x92: {  	_ =	strace s18  }
0x93: {  	s2 =	sld [smem:$0x3FFC];
	_ =	sdelay $0x3  }
0x94: {  	_ =	strace s2  }
0x95: {  	s2 =	sld [smem:$0x3FFD];
	_ =	sdelay $0x3  }
0x96: {  	_ =	strace s2  }
0x97: {  	_ =	strace $0x8FFFFFFF  }
0x98: {  	s19 =	sld [smem:$0x3FDB];
	_ =	sdelay $0x1  }
0x99: {  	s20 =	simm.s32 $_scs_section_size  }
0x9a: {  	s4 =	simm.s32 $_size__tile_overlayer_lowered;
	s5 =	simm.s32 $_tile_overlayer_lowered  }
0x9b: {  	s6 =	simm.s32 $0x1BFF;
	s21 =	sshll.u32 s5, $0x1;
	s3 =	sadd.s32 s20, s19  }
0x9c: {  	s22 =	simm.s32 $0x0;
	s4 =	sshll.u32 s4, $0x1;
	s5 =	sadd.s32 s21, s3  }
0x9d: {  	[timem:s22], [sflag:s6] =	dma.local [hbm:s5], s4  }
0x9e: {  	_ =	swait.ge [sflag:s6], s4  }
0x9f: {  	s4 =	ssub.s32 $0x0, s4;
	[sflag:s6] =	ssyncset.done $0x0  }
0xa0: {  	[sflag:s6] =	ssyncadd.s32 s4;
	_ =	sdelay $0x1  }
0xa1: {  	s23 =	simm.s32 $0x1B8B  }
0xa2: {  	_ =	swait.ge [sflag:s23], $0x1  }
0xa3: {  	[sflag:s23] =	ssyncset.done $0x0  }
0xa4: {  	[sflag:s23] =	ssyncadd.s32 $0xFFFFFFFF  }
0xa5: {  	s4 =	sld [smem:$0x0]  }
0xa6: {  	s5 =	sand.u32 $0xFFFFFFFE, s1  }
0xa7: {  	p0 =	sne.s32 s1, s5  }
0xa8: {  	s5 =	sshll.u32 @p0 s5, $0xE  }
0xa9: {  	s5 =	sadd.s32 @p0 $0x11B8D, s5;
	s6 =	sshll.u32 @p0 s4, $0x11  }
0xaa: {  	s5 =	sor.u32 @p0 s6, s5  }
0xab: {  	[sflag:s5] =	ssyncadd.remote.s32 @p0 $0x1;
	_ =	sdelay $0x1  }
0xac: {  	s5 =	simm.s32 @p0 $0x1B8D  }
0xad: {  	_ =	swait.eq @p0 [sflag:s5], $0x1  }
0xae: {  	[sflag:s5] =	ssyncadd.s32 @p0 $0xFFFFFFFF  }
0xaf: {  	s6 =	sshll.u32 @!p0 s1, $0xE  }
0xb0: {  	s6 =	sor.u32 @!p0 $0x4000, s6;
	s5 =	simm.s32 @!p0 $0x1B8D  }
0xb1: {  	s4 =	sshll.u32 @!p0 s4, $0x11;
	s6 =	sadd.s32 @!p0 $0x11B8D, s6;
	_ =	swait.eq @!p0 [sflag:s5], $0x1  }
0xb2: {  	s4 =	sor.u32 @!p0 s4, s6;
	[sflag:s5] =	ssyncadd.s32 @!p0 $0xFFFFFFFF  }
0xb3: {  	s25 =	simm.s32 $0x1B8E;
	s24 =	sld [smem:$0x3FFE];
	[sflag:s4] =	ssyncadd.remote.s32 @!p0 $0x1  }
0xb4: {  	s26 =	simm.s32 $execute0_lowered;
	[smem:$0x3FD2] =	sst s25  }
0xb5: {  	s5 =	sshll.u32 s26, $0x1;
	_ =	strace $0x8000005B;
	[dreg:$0x1] =	wrdreg $0xFFFFFFFF  }
0xb6: {  	s28 =	simm.s32 $_size_execute0_lowered;
	s3 =	sadd.s32 s3, s5;
	[dreg:$0x0] =	wrdreg $0x0  }
0xb7: {  	s5 =	sshll.u32 s28, $0x1;
	[dreg:$0x2] =	wrdreg s3  }
0xb8: {  	[dreg:$0x3] =	wrdreg s5  }
0xb9: {  	[dreg:$0x4] =	wrdreg $0xC0  }
0xba: {  	_ =	task [dreg:s22], $0x5FFFF  }
0xbb: {  	[dreg:$0x1] =	wrdreg $0xFFFFFFFF  }
0xbc: {  	[dreg:$0x0] =	wrdreg $0x60  }
0xbd: {  	[dreg:$0x2] =	wrdreg s24  }
0xbe: {  	[dreg:$0x3] =	wrdreg $0x94000  }
0xbf: {  	[dreg:$0x4] =	wrdreg $0x9  }
0xc0: {  	_ =	task.clear_ibuf [dreg:s22], $0x5FFFF;
	_ =	strace $0x9000005B  }
0xc1: {  	s29 =	simm.s32 $0x9;
	_ =	strace $0x8000005D  }
0xc2: {  	_ =	swait.ge [sflag:s29], $0x1  }
0xc3: {  	[sflag:s29] =	ssyncadd.s32 $0xFFFFFFFF  }
0xc4: {  	_ =	strace $0x9000005D  }
0xc5: {  	_ =	sfence  }
0xc6: {  	s30 =	sld [smem:$0x0];
	_ =	sdelay $0x2  }
0xc7: {  	s31 =	sshll.u32 s1, $0xD;
	s1 =	sshrl.u32 s1, $0x2  }
0xc8: {  	s4 =	sand.u32 $0x4000, s31;
	s1 =	sadd.s32 s1, s30  }
0xc9: {  	s0 =	sor.u32 s4, s0;
	s1 =	sshll.u32 s1, $0x11  }
0xca: {  	s0 =	sor.u32 s1, s0  }
0xcb: {  	s0 =	sadd.s32 $0x8F2B, s0  }
0xcc: {  	[sflag:s0] =	ssyncadd.remote.s32 $0x1  }
0xcd: {  	_ =	sfence.sel $0xFFFF  }
0xce: {  	[dreg:$0x0] =	wrdreg $0xFFFFFFFF;
	(pc) =	sbr.abs _section_cstart, $3  }
0xcf: {  	[dreg:$0x1] =	wrdreg $0xFFFFFFFF  }
0xd0: {  	_ =	task.clear_ibuf [dreg:s22], $0x2FFFF;
	_ =	strace $0x9FFFFFFF  }
0xd1: {  	(tm) =	ssettm $0x7FFFFFFF  }
tec
execute0_lowered:
.L_overlay_start_1:
0x0: {  	(tag) =	ssettag $0x1  }
0x1: {  	s4 =	rddreg [dreg:$0x0];
	s1 =	stileid.u32  }
0x2: {  	s2 =	rddreg [dreg:$0x1];
	s6 =	smul.u32 $0x28000, s1  }
0x3: {  	s3 =	srdreg.scid;
	s7 =	smul.u32 $0x50000, s1  }
0x4: {  	s0 =	rddreg [dreg:$0x2];
	s13 =	smul.u32 $0x280, s1  }
0x5: {  	s11 =	sand.u32 $0x1, s3;
	s5 =	sshll.u32 s1, $0x1;
	s16 =	smul.u32 $0x2800, s1  }
0x6: {  	s3 =	simm.s32 $0x0;
	s5 =	sor.u32 s11, s5;
	s26 =	smul.u32 $0x28000, s11  }
0x7: {  	[smem:$0x7FF] =	sst s3;
	s8 =	ssub.s32 $0x2, s11;
	s11 =	smul.u32 $0x14000, s11  }
0x8: {  	s5 =	smul.u32 $0x280, s5;
	_ =	strace $0x8000005C;
	s12 =	sadd.s32 s6, s4  }
0x9: {  	s9 =	sshrl.u32 s8, $0x1;
	s7 =	sshrl.u32 s7, $0x2;
	s14 =	sadd.s32 $0x80, s13  }
0xa: {  	s17 =	sadd.s32 $0x100, s13;
	s29 =	sadd.s32 $0x180, s13;
	s13 =	sadd.s32 $0x200, s13  }
0xb: {  	s6 =	sadd.s32 s26, s4;
	s8 =	ssub.s32 s8, s9;
	s15 =	sshll.u32 s14, $0x7  }
0xc: {  	s19 =	sshll.u32 s14, $0x4;
	s28 =	sshll.u32 s17, $0x7;
	s21 =	sshll.u32 s17, $0x4  }
0xd: {  	s30 =	sshll.u32 s29, $0x7;
	s24 =	sshll.u32 s29, $0x4;
	s31 =	sshll.u32 s13, $0x7  }
0xe: {  	s26 =	sshll.u32 s13, $0x4;
	s11 =	sadd.s32 s11, s12;
	s12 =	simm.s32 $0x5400  }
0xf: {  	s13 =	simm.s32 $0x1;
	s14 =	simm.s32 $0x1400;
	s5 =	sadd.s32 s5, s4  }
0x10: {  	s4 =	sadd.s32 s7, s2;
	s23 =	sadd.s32 $0x49C00, s6;
	s6 =	smax.u32 s8, $0x1  }
0x11: {  	s18 =	sadd.s32 s15, s2;
	s20 =	sadd.s32 s28, s2;
	s22 =	sadd.s32 s30, s2  }
0x12: {  	s25 =	sadd.s32 s31, s2;
	s11 =	sadd.s32 $0x7C9C00, s11;
	s15 =	simm.s32 $0x80  }
0x13: {  	s5 =	sadd.s32 $0x17C00, s5;
	s7 =	sadd.s32 $0x4000, s4;
	s8 =	sadd.s32 $0x8000, s4  }
0x14: {  	s9 =	sadd.s32 $0xC000, s4;
	s10 =	sadd.s32 $0x10000, s4;
	s16 =	sadd.s32 s16, s23  }
0x15: {  	s17 =	sadd.s32 s19, s23;
	s18 =	sshrl.u32 s18, $0x3;
	s19 =	sadd.s32 s21, s23  }
0x16: {  	s20 =	sshrl.u32 s20, $0x3;
	s21 =	sadd.s32 s24, s23;
	s22 =	sshrl.u32 s22, $0x3  }
0x17: {  	v0 =	vimm.f32 $0.0e+00;
	s23 =	sadd.s32 s26, s23;
	s24 =	sshrl.u32 s25, $0x3;
	s25 =	simm.s32 $0x0  }
.LBB2_1:
0x18: {  	s26 =	simm.s32 $0x0;
	s28 =	simm.s32 $0x200  }
.LBB2_2:
0x19: {  	p0 =	sne.s32 s28, $0xFE00;
	[tilespmem:s26+$0x5470] =	vst v0  }
0x1a: {  	[tilespmem:s26+$0x5400] =	vst v0  }
0x1b: {  	[tilespmem:s26+$0x5410] =	vst v0  }
.Ltmp0:
0x1c: {  	[tilespmem:s26+$0x5420] =	vst v0;
	(pc) =	sbr.rel @p0 .LBB2_2-.Ltmp0, $4  }
0x1d: {  	[tilespmem:s26+$0x5430] =	vst v0  }
0x1e: {  	[tilespmem:s26+$0x5440] =	vst v0  }
0x1f: {  	[tilespmem:s26+$0x5450] =	vst v0  }
0x20: {  	[tilespmem:s26+$0x5460] =	vst v0;
	s26 =	sshra.s32 s28, $0x2;
	s28 =	sadd.s32 $0x200, s28  }
0x21: {  	[tilespmem:s26+$0x5470] =	vst v0  }
0x22: {  	[tilespmem:s26+$0x5400] =	vst v0  }
0x23: {  	[tilespmem:s26+$0x5410] =	vst v0  }
0x24: {  	[tilespmem:s26+$0x5420] =	vst v0  }
0x25: {  	[tilespmem:s26+$0x5430] =	vst v0  }
0x26: {  	[tilespmem:s26+$0x5440] =	vst v0  }
0x27: {  	[tilespmem:s26+$0x5450] =	vst v0  }
0x28: {  	[tilespmem:s26+$0x5460] =	vst v0  }
0x29: {  	[spmem:s4] =	stream.linear.scatter [tilespmem:s12], [sflag:$0x1], $0x4000, $0x38;
	[tilespmem:$0x1D400] =	vst v63  }
0x2a: {  	_ =	swait.ge [sflag:s13], $0x4000  }
0x2b: {  	[sflag:s13] =	ssyncset.done $0x0  }
0x2c: {  	[sflag:s13] =	ssyncadd.s32 $0xFFFFC000  }
0x2d: {  	[spmem:s7] =	stream.linear.scatter [tilespmem:s12], [sflag:$0x1], $0x4000, $0x38;
	[tilespmem:$0x1D400] =	vst v63  }
0x2e: {  	_ =	swait.ge [sflag:s13], $0x4000  }
0x2f: {  	[sflag:s13] =	ssyncset.done $0x0  }
0x30: {  	[sflag:s13] =	ssyncadd.s32 $0xFFFFC000  }
0x31: {  	[spmem:s8] =	stream.linear.scatter [tilespmem:s12], [sflag:$0x1], $0x4000, $0x38;
	[tilespmem:$0x1D400] =	vst v63  }
0x32: {  	_ =	swait.ge [sflag:s13], $0x4000  }
0x33: {  	[sflag:s13] =	ssyncset.done $0x0  }
0x34: {  	[sflag:s13] =	ssyncadd.s32 $0xFFFFC000  }
0x35: {  	[spmem:s9] =	stream.linear.scatter [tilespmem:s12], [sflag:$0x1], $0x4000, $0x38;
	[tilespmem:$0x1D400] =	vst v63  }
0x36: {  	_ =	swait.ge [sflag:s13], $0x4000  }
0x37: {  	[sflag:s13] =	ssyncset.done $0x0  }
0x38: {  	[sflag:s13] =	ssyncadd.s32 $0xFFFFC000  }
0x39: {  	[spmem:s10] =	stream.linear.scatter [tilespmem:s12], [sflag:$0x1], $0x4000, $0x38;
	[tilespmem:$0x1D400] =	vst v63  }
0x3a: {  	_ =	swait.ge [sflag:s13], $0x4000  }
0x3b: {  	[sflag:s13] =	ssyncset.done $0x0  }
0x3c: {  	[sflag:s13] =	ssyncadd.s32 $0xFFFFC000  }
0x3d: {  	s30 =	simm.s32 $0x0;
	[bflag:$0x0] =	sbarrier.arrive $0xFFFF  }
0x3e: {  	[tilespmem:s30], [sflag:$0x1] =	stream.linear.gather [hbm4b:s5+s30], $0x1400, $0x38;
	[tilespmem:$0x1D400] =	vst v63  }
0x3f: {  	_ =	swait.ge [sflag:s13], $0x1400  }
0x40: {  	[sflag:s13] =	ssyncset.done $0x0  }
0x41: {  	[sflag:s13] =	ssyncadd.s32 $0xFFFFEC00  }
0x42: {  	[tilespmem:s14], [sflag:$0x1] =	stream.linear.gather [hbm4b:s11+s3], $0x4000, $0x38;
	[tilespmem:$0x1D400] =	vst v63  }
0x43: {  	_ =	swait.ge [sflag:s13], $0x4000  }
0x44: {  	[sflag:s13] =	ssyncset.done $0x0  }
0x45: {  	s31 =	simm.s32 $0x0;
	[sflag:s13] =	ssyncadd.s32 $0xFFFFC000  }
0x46: {  	[spmem:s2] =	stream.indirect.scatter.add.f32 [tilespmem:s14], [sflag:$0x1], $0x80, s31, s15, $0xb8;
	[tilespmem:$0x1D400] =	vst v63  }
0x47: {  	_ =	swait.ge [sflag:s13], $0x4000  }
0x48: {  	s26 =	simm.s32 $0x200;
	s28 =	smov.u32 s11;
	[sflag:s13] =	ssyncset.done $0x0  }
.LBB2_4:
0x49: {  	p0 =	sne.s32 s26, $0x4E00;
	[sflag:s13] =	ssyncadd.s32 $0xFFFFC000;
	s28 =	sadd.s32 $0x800, s28  }
0x4a: {  	[tilespmem:s14], [sflag:$0x1] =	stream.linear.gather [hbm4b:s28+s3], $0x4000, $0x38;
	[tilespmem:$0x1D400] =	vst v63  }
0x4b: {  	s29 =	smov.u32 s26;
	s26 =	sadd.s32 $0x200, s26;
	_ =	swait.ge [sflag:s13], $0x4000  }
.Ltmp1:
0x4c: {  	[sflag:s13] =	ssyncset.done $0x0;
	(pc) =	sbr.rel @p0 .LBB2_4-.Ltmp1, $4  }
0x4d: {  	s29 =	sshra.s32 s29, $0x2;
	[sflag:s13] =	ssyncadd.s32 $0xFFFFC000  }
0x4e: {  	[spmem:s2] =	stream.indirect.scatter.add.f32 [tilespmem:s14], [sflag:$0x1], $0x80, s29, s15, $0xb8;
	[tilespmem:$0x1D400] =	vst v63  }
0x4f: {  	_ =	swait.ge [sflag:s13], $0x4000  }
0x50: {  	[sflag:s13] =	ssyncset.done $0x0  }
0x51: {  	[sflag:s13] =	ssyncadd.s32 $0xFFFFC000;
	s26 =	sshll.u32 s1, $0x6  }
0x52: {  	s28 =	sshrl.u32 s4, $0x3;
	[bflag:$0x0] =	sbarrier.arrive $0xFFFF;
	s26 =	sor.u32 $0x1C01, s26  }
0x53: {  	[hbm:s16], [sflag:s26] =	dma.local [spmem:s28], $0x800  }
0x54: {  	_ =	swait.ge [sflag:s13], $0x800  }
0x55: {  	[sflag:s13] =	ssyncset.done $0x0  }
0x56: {  	[sflag:s13] =	ssyncadd.s32 $0xFFFFF800  }
0x57: {  	[hbm:s17], [sflag:s26] =	dma.local [spmem:s18], $0x800  }
0x58: {  	_ =	swait.ge [sflag:s13], $0x800  }
0x59: {  	[sflag:s13] =	ssyncset.done $0x0  }
0x5a: {  	[sflag:s13] =	ssyncadd.s32 $0xFFFFF800  }
0x5b: {  	[hbm:s19], [sflag:s26] =	dma.local [spmem:s20], $0x800  }
0x5c: {  	_ =	swait.ge [sflag:s13], $0x800  }
0x5d: {  	[sflag:s13] =	ssyncset.done $0x0  }
0x5e: {  	[sflag:s13] =	ssyncadd.s32 $0xFFFFF800  }
0x5f: {  	[hbm:s21], [sflag:s26] =	dma.local [spmem:s22], $0x800  }
0x60: {  	s25 =	sadd.s32 $0x1, s25;
	_ =	swait.ge [sflag:s13], $0x800  }
0x61: {  	p0 =	sne.s32 s25, s6;
	[sflag:s13] =	ssyncset.done $0x0  }
.Ltmp2:
0x62: {  	[sflag:s13] =	ssyncadd.s32 $0xFFFFF800;
	(pc) =	sbr.rel @p0 .LBB2_1-.Ltmp2, $4  }
0x63: {  	[hbm:s23], [sflag:s26] =	dma.local [spmem:s24], $0x800  }
0x64: {  	_ =	swait.ge [sflag:s13], $0x800  }
0x65: {  	[sflag:s13] =	ssyncset.done $0x0  }
0x66: {  	[sflag:s13] =	ssyncadd.s32 $0xFFFFF800  }
0x67: {  	_ =	sfence.sel $0x180000  }
0x68: {  	[bflag:$0x0] =	sbarrier.arrive $0xFFFF  }
0x69: {  	p0 =	sne.s32 s1, $0x0;
	_ =	strace $0x9000005C  }
0x6a: {  	s0 =	sadd.s32 @!p0 $0x100000, s0;
	[bflag:$0x2] =	sbarrier.arrive $0xFFFF  }
0x6b: {  	[sflag:s0] =	ssyncadd.tile.s32 @!p0 $0x1;
	_ =	shalt  }
.Lfunc_end2:
_tile_overlayer_lowered:
.L_overlay_start_2:
0x6c: {  	(tag) =	ssettag $0x2  }
0x6d: {  	s0 =	rddreg [dreg:$0x0];
	s2 =	stileid.u32  }
0x6e: {  	s1 =	rddreg [dreg:$0x1];
	p0 =	sne.s32 s2, $0x0  }
0x6f: {  	s3 =	rddreg [dreg:$0x2];
	[bflag:$0x3] =	sbarrier.arrive $0xFFFF;
	s2 =	simm.s32 @!p0 $0x1C01  }
0x70: {  	[timem:s3], [sflag:s2] =	dma.local @!p0 [hbm:s0], s1  }
0x71: {  	s0 =	simm.s32 @!p0 $0x1  }
0x72: {  	_ =	swait.ge @!p0 [sflag:s0], s1  }
0x73: {  	s1 =	ssub.s32 @!p0 $0x0, s1;
	[sflag:s0] =	ssyncset.done @!p0 $0x0  }
0x74: {  	[sflag:s0] =	ssyncadd.s32 @!p0 s1  }
0x75: {  	[bflag:$0x3] =	sbarrier.arrive $0xFFFF  }
0x76: {  	_ =	shalt  }

// kernel: kernel.42.cloned.1.call-start
scs
__scs_entry_jumppad:
0x0: {  	(pc) =	sbr.rel $0x88, $3  }
0x1: {  	(tag) =	ssettag $0x0;
	lr =	simm.s32 $0x1  }
0x2: {  	[smem:$0x3F75] =	sst lr;
	_ =	strace $0xD0000000  }
0x3: {  	_ = 	snop  }
0x4: {  	_ = 	snop  }
0x5: {  	_ = 	snop  }
0x6: {  	_ = 	snop  }
0x7: {  	_ = 	snop  }
__scs_overlays_trampoline_lowered:
0x8: {  	[smem:$0x3F84] =	sst s0  }
0x9: {  	[smem:$0x3F85] =	sst s1  }
0xa: {  	[smem:$0x3F86] =	sst s2  }
0xb: {  	[smem:$0x3F87] =	sst s3  }
0xc: {  	[smem:$0x3F88] =	sst s4  }
0xd: {  	[smem:$0x3F89] =	sst s5  }
0xe: {  	[smem:$0x3F8A] =	sst s6  }
0xf: {  	[smem:$0x3F8B] =	sst s7  }
0x10: {  	[smem:$0x3F8C] =	sst s8  }
0x11: {  	[smem:$0x3F8D] =	sst s9;
	s0 =	simm.s32 @!p0 $0x0  }
0x12: {  	s1 =	sld [smem:$0x3F73];
	s0 =	simm.s32 @p0 $0x1  }
0x13: {  	[smem:$0x3F8E] =	sst s0;
	s0 =	simm.s32 @!p1 $0x0  }
0x14: {  	s2 =	sld [smem:$0x3F72];
	s0 =	simm.s32 @p1 $0x1  }
0x15: {  	[smem:$0x3F8F] =	sst s0;
	s0 =	simm.s32 @!p2 $0x0  }
0x16: {  	s3 =	sld [smem:$0x3FDB];
	s0 =	simm.s32 @p2 $0x1  }
0x17: {  	s4 =	simm.s32 $0x1BF5;
	[smem:$0x3F91] =	sst s0  }
0x18: {  	s0 =	sld [smem:$0x3F74];
	_ =	swait.ge [sflag:s4], $0x0  }
0x19: {  	s7 =	sld [smem:$0x3F75]  }
0x1a: {  	s8 =	sadd.s32 $0xFFFFE003, lr  }
0x1b: {  	s9 =	sadd.s32 $0xFFFFFEF7, lr;
	s5 =	simm.s32 $0xFFFFFFFF;
	p2 =	slt.u32 s8, $0xFFFFF086  }
0x1c: {  	p1 =	slt.u32 s9, $0xF7A;
	s5 =	simm.s32 @!p2 $0x0  }
0x1d: {  	s5 =	simm.s32 @p1 $0x1;
	p0 =	seq.s32 s7, s2  }
0x1e: {  	s7 =	smul.u32 @!p0 $0xF7A, s2;
	p2 =	seq.s32 @!p0 s5, $0x0  }
0x1f: {  	s9 =	smul.u32 $0xF7A, s1;
	s8 =	simm.s32 @!p0 $0x1BF5;
	p2 =	por !p2, p0  }
0x20: {  	[sflag:s8] =	ssyncset.s32 @!p0 $0xFFFFF086;
	s6 =	sadd.s32 @!p0 s3, s7;
	s7 =	simm.s32 @!p0 $0x108  }
0x21: {  	s3 =	sadd.s32 s3, s9;
	s6 =	sadd.s32 @!p0 $0x88, s6;
	s7 =	simm.s32 @p2 $0x1082  }
0x22: {  	[simem:s7], [sflag:s8] =	dma.local @!p0 [hbm:s6], $0xF7A  }
0x23: {  	s9 =	sor.u32 $0xD0000000, s2;
	s6 =	simm.s32 $0x108;
	_ =	swait.ge @!p0 [sflag:s8], $0x0  }
0x24: {  	s3 =	sadd.s32 $0x88, s3;
	s6 =	simm.s32 @!p1 $0x1082;
	[sflag:s4] =	ssyncset.s32 $0xFFFFF086  }
0x25: {  	[simem:s6], [sflag:s4] =	dma.local [hbm:s3], $0xF7A  }
0x26: {  	[smem:$0x3F75] =	sst s1;
	(tag) =	ssettag s2;
	_ =	strace s9  }
0x27: {  	s1 =	sld [smem:$0x3F85]  }
0x28: {  	s2 =	sld [smem:$0x3F86]  }
0x29: {  	s4 =	sld [smem:$0x3F88]  }
0x2a: {  	p0 =	seq.s32 s5, $0x0;
	s5 =	sld [smem:$0x3F89]  }
0x2b: {  	s6 =	sld [smem:$0x3F8A]  }
0x2c: {  	s7 =	sld [smem:$0x3F8B]  }
0x2d: {  	s3 =	simm.s32 $0x108;
	s8 =	sld [smem:$0x3F8C]  }
0x2e: {  	s3 =	simm.s32 @!p0 $0x1082;
	s9 =	sld [smem:$0x3F8D]  }
0x2f: {  	lr =	sadd.s32 s0, s3;
	s0 =	sld [smem:$0x3F84]  }
0x30: {  	s3 =	sld [smem:$0x3F87]  }
0x31: {  	[smem:$0x3F90] =	sst s10  }
0x32: {  	s10 =	sld [smem:$0x3F8E];
	_ =	sdelay $0x3  }
0x33: {  	p0 =	seq.s32 s10, $0x1;
	s10 =	sld [smem:$0x3F90];
	_ =	sdelay $0x3  }
0x34: {  	[smem:$0x3F90] =	sst s10  }
0x35: {  	s10 =	sld [smem:$0x3F8F];
	_ =	sdelay $0x3  }
0x36: {  	p1 =	seq.s32 s10, $0x1;
	s10 =	sld [smem:$0x3F90];
	_ =	sdelay $0x3  }
0x37: {  	[smem:$0x3F90] =	sst s10  }
0x38: {  	s10 =	sld [smem:$0x3F91]  }
0x39: {  	_ = 	snop;
	(pc) =	sbr.ind lr, $3  }
0x3a: {  	_ = 	snop  }
0x3b: {  	_ = 	snop  }
0x3c: {  	p2 =	seq.s32 s10, $0x1;
	s10 =	sld [smem:$0x3F90]  }
0x3d: {  	_ =	shalt  }
0x3e: {  	_ =	shalt  }
0x3f: {  	_ =	shalt  }
0x40: {  	_ =	shalt  }
0x41: {  	_ =	shalt  }
0x42: {  	_ =	shalt  }
0x43: {  	_ =	shalt  }
0x44: {  	_ =	shalt  }
0x45: {  	_ =	shalt  }
0x46: {  	_ =	shalt  }
0x47: {  	_ =	shalt  }
0x48: {  	_ =	shalt  }
0x49: {  	_ =	shalt  }
0x4a: {  	_ =	shalt  }
0x4b: {  	_ =	shalt  }
0x4c: {  	_ =	shalt  }
0x4d: {  	_ =	shalt  }
0x4e: {  	_ =	shalt  }
0x4f: {  	_ =	shalt  }
0x50: {  	_ =	shalt  }
0x51: {  	_ =	shalt  }
0x52: {  	_ =	shalt  }
0x53: {  	_ =	shalt  }
0x54: {  	_ =	shalt  }
0x55: {  	_ =	shalt  }
0x56: {  	_ =	shalt  }
0x57: {  	_ =	shalt  }
0x58: {  	_ =	shalt  }
0x59: {  	_ =	shalt  }
0x5a: {  	_ =	shalt  }
0x5b: {  	_ =	shalt  }
0x5c: {  	_ =	shalt  }
0x5d: {  	_ =	shalt  }
0x5e: {  	_ =	shalt  }
0x5f: {  	_ =	shalt  }
0x60: {  	_ =	shalt  }
0x61: {  	_ =	shalt  }
0x62: {  	_ =	shalt  }
0x63: {  	_ =	shalt  }
0x64: {  	_ =	shalt  }
0x65: {  	_ =	shalt  }
0x66: {  	_ =	shalt  }
0x67: {  	_ =	shalt  }
0x68: {  	_ =	shalt  }
0x69: {  	_ =	shalt  }
0x6a: {  	_ =	shalt  }
0x6b: {  	_ =	shalt  }
0x6c: {  	_ =	shalt  }
0x6d: {  	_ =	shalt  }
0x6e: {  	_ =	shalt  }
0x6f: {  	_ =	shalt  }
0x70: {  	_ =	shalt  }
0x71: {  	_ =	shalt  }
0x72: {  	_ =	shalt  }
0x73: {  	_ =	shalt  }
0x74: {  	_ =	shalt  }
0x75: {  	_ =	shalt  }
0x76: {  	_ =	shalt  }
0x77: {  	_ =	shalt  }
0x78: {  	_ =	shalt  }
0x79: {  	_ =	shalt  }
0x7a: {  	_ =	shalt  }
0x7b: {  	_ =	shalt  }
0x7c: {  	_ =	shalt  }
0x7d: {  	_ =	shalt  }
0x7e: {  	_ =	shalt  }
0x7f: {  	_ =	shalt  }
0x80: {  	_ =	shalt  }
0x81: {  	_ =	shalt  }
0x82: {  	_ =	shalt  }
0x83: {  	_ =	shalt  }
0x84: {  	_ =	shalt  }
0x85: {  	_ =	shalt  }
0x86: {  	_ =	shalt  }
0x87: {  	_ =	shalt  }
.Lfunc_end0:
.L_simem_size_0:
called_computation.7_lowered:
.L_overlay_start_0:
0x88: {  	s2 =	sld [smem:$0x3FD9]  }
0x89: {  	s3 =	sld [smem:$0x3FFE];
	_ =	sdelay $0x1  }
0x8a: {  	s1 =	srdreg.scid  }
0x8b: {  	s0 =	sand.u32 $0x1, s1  }
0x8c: {  	s17 =	sshll.u32 s0, $0xA;
	s2 =	sadd.s32 s3, s2  }
0x8d: {  	s2 =	sadd.s32 s2, s17  }
0x8e: {  	[smem:$0x3F9C] =	sst s2  }
0x8f: {  	_ = 	snop  }
0x90: {  	(tm) =	ssettm $0x1  }
0x91: {  	s18 =	sld [smem:$0x3FFB];
	_ =	sdelay $0x3  }
0x92: {  	_ =	strace s18  }
0x93: {  	s2 =	sld [smem:$0x3FFC];
	_ =	sdelay $0x3  }
0x94: {  	_ =	strace s2  }
0x95: {  	s2 =	sld [smem:$0x3FFD];
	_ =	sdelay $0x3  }
0x96: {  	_ =	strace s2  }
0x97: {  	_ =	strace $0x8FFFFFFF  }
0x98: {  	s19 =	sld [smem:$0x3FDB];
	_ =	sdelay $0x1  }
0x99: {  	s20 =	simm.s32 $_scs_section_size  }
0x9a: {  	s4 =	simm.s32 $_size__tile_overlayer_lowered;
	s5 =	simm.s32 $_tile_overlayer_lowered  }
0x9b: {  	s6 =	simm.s32 $0x1BFF;
	s21 =	sshll.u32 s5, $0x1;
	s3 =	sadd.s32 s20, s19  }
0x9c: {  	s22 =	simm.s32 $0x0;
	s4 =	sshll.u32 s4, $0x1;
	s5 =	sadd.s32 s21, s3  }
0x9d: {  	[timem:s22], [sflag:s6] =	dma.local [hbm:s5], s4  }
0x9e: {  	_ =	swait.ge [sflag:s6], s4  }
0x9f: {  	s4 =	ssub.s32 $0x0, s4;
	[sflag:s6] =	ssyncset.done $0x0  }
0xa0: {  	[sflag:s6] =	ssyncadd.s32 s4;
	_ =	sdelay $0x1  }
0xa1: {  	s23 =	simm.s32 $0x1B8B  }
0xa2: {  	_ =	swait.ge [sflag:s23], $0x1  }
0xa3: {  	[sflag:s23] =	ssyncset.done $0x0  }
0xa4: {  	[sflag:s23] =	ssyncadd.s32 $0xFFFFFFFF  }
0xa5: {  	s4 =	sld [smem:$0x0]  }
0xa6: {  	s5 =	sand.u32 $0xFFFFFFFE, s1  }
0xa7: {  	p0 =	sne.s32 s1, s5  }
0xa8: {  	s5 =	sshll.u32 @p0 s5, $0xE  }
0xa9: {  	s5 =	sadd.s32 @p0 $0x11B8D, s5;
	s6 =	sshll.u32 @p0 s4, $0x11  }
0xaa: {  	s5 =	sor.u32 @p0 s6, s5  }
0xab: {  	[sflag:s5] =	ssyncadd.remote.s32 @p0 $0x1;
	_ =	sdelay $0x1  }
0xac: {  	s5 =	simm.s32 @p0 $0x1B8D  }
0xad: {  	_ =	swait.eq @p0 [sflag:s5], $0x1  }
0xae: {  	[sflag:s5] =	ssyncadd.s32 @p0 $0xFFFFFFFF  }
0xaf: {  	s6 =	sshll.u32 @!p0 s1, $0xE  }
0xb0: {  	s6 =	sor.u32 @!p0 $0x4000, s6;
	s5 =	simm.s32 @!p0 $0x1B8D  }
0xb1: {  	s4 =	sshll.u32 @!p0 s4, $0x11;
	s6 =	sadd.s32 @!p0 $0x11B8D, s6;
	_ =	swait.eq @!p0 [sflag:s5], $0x1  }
0xb2: {  	s4 =	sor.u32 @!p0 s4, s6;
	[sflag:s5] =	ssyncadd.s32 @!p0 $0xFFFFFFFF  }
0xb3: {  	s25 =	simm.s32 $0x1B8E;
	s24 =	sld [smem:$0x3FFE];
	[sflag:s4] =	ssyncadd.remote.s32 @!p0 $0x1  }
0xb4: {  	s26 =	simm.s32 $execute0_lowered;
	[smem:$0x3FD2] =	sst s25  }
0xb5: {  	s5 =	sshll.u32 s26, $0x1;
	_ =	strace $0x80000058;
	[dreg:$0x1] =	wrdreg $0xFFFFFFFF  }
0xb6: {  	s28 =	simm.s32 $_size_execute0_lowered;
	s3 =	sadd.s32 s3, s5;
	[dreg:$0x0] =	wrdreg $0x0  }
0xb7: {  	s5 =	sshll.u32 s28, $0x1;
	[dreg:$0x2] =	wrdreg s3  }
0xb8: {  	[dreg:$0x3] =	wrdreg s5  }
0xb9: {  	[dreg:$0x4] =	wrdreg $0xC0  }
0xba: {  	_ =	task [dreg:s22], $0x5FFFF  }
0xbb: {  	[dreg:$0x1] =	wrdreg $0xFFFFFFFF  }
0xbc: {  	[dreg:$0x0] =	wrdreg $0x60  }
0xbd: {  	[dreg:$0x2] =	wrdreg s24  }
0xbe: {  	[dreg:$0x3] =	wrdreg $0x94000  }
0xbf: {  	[dreg:$0x4] =	wrdreg $0xA  }
0xc0: {  	_ =	task.clear_ibuf [dreg:s22], $0x5FFFF;
	_ =	strace $0x90000058  }
0xc1: {  	s29 =	simm.s32 $0xA;
	_ =	strace $0x8000005A  }
0xc2: {  	_ =	swait.ge [sflag:s29], $0x1  }
0xc3: {  	[sflag:s29] =	ssyncadd.s32 $0xFFFFFFFF  }
0xc4: {  	_ =	strace $0x9000005A  }
0xc5: {  	_ =	sfence  }
0xc6: {  	s30 =	sld [smem:$0x0];
	_ =	sdelay $0x2  }
0xc7: {  	s31 =	sshll.u32 s1, $0xD;
	s1 =	sshrl.u32 s1, $0x2  }
0xc8: {  	s4 =	sand.u32 $0x4000, s31;
	s1 =	sadd.s32 s1, s30  }
0xc9: {  	s0 =	sor.u32 s4, s0;
	s1 =	sshll.u32 s1, $0x11  }
0xca: {  	s0 =	sor.u32 s1, s0  }
0xcb: {  	s0 =	sadd.s32 $0x8F2B, s0  }
0xcc: {  	[sflag:s0] =	ssyncadd.remote.s32 $0x1  }
0xcd: {  	_ =	sfence.sel $0xFFFF  }
0xce: {  	[dreg:$0x0] =	wrdreg $0xFFFFFFFF;
	(pc) =	sbr.abs _section_cstart, $3  }
0xcf: {  	[dreg:$0x1] =	wrdreg $0xFFFFFFFF  }
0xd0: {  	_ =	task.clear_ibuf [dreg:s22], $0x2FFFF;
	_ =	strace $0x9FFFFFFF  }
0xd1: {  	(tm) =	ssettm $0x7FFFFFFF  }
tec
execute0_lowered:
.L_overlay_start_1:
0x0: {  	(tag) =	ssettag $0x1  }
0x1: {  	s1 =	srdreg.scid  }
0x2: {  	s11 =	rddreg [dreg:$0x0];
	s12 =	sand.u32 $0x1, s1  }
0x3: {  	s1 =	stileid.u32;
	s4 =	smul.u32 $0x28000, s12  }
0x4: {  	s2 =	rddreg [dreg:$0x1];
	s7 =	smul.u32 $0x50000, s1  }
0x5: {  	s0 =	rddreg [dreg:$0x2];
	s3 =	simm.s32 $0x0;
	s13 =	smul.u32 $0x280, s1  }
0x6: {  	[smem:$0x7FF] =	sst s3;
	s16 =	smul.u32 $0x2800, s1  }
0x7: {  	s5 =	sshll.u32 s1, $0x1;
	s6 =	ssub.s32 $0x2, s12;
	s28 =	smul.u32 $0x50, s1  }
0x8: {  	_ =	strace $0x80000059;
	s5 =	sor.u32 s12, s5;
	s12 =	smul.u32 $0x28, s12  }
0x9: {  	s8 =	sshrl.u32 s6, $0x1;
	s5 =	smul.u32 $0x280, s5;
	s9 =	sadd.s32 s4, s11  }
0xa: {  	s6 =	ssub.s32 s6, s8;
	s25 =	sshrl.u32 s7, $0x2;
	s14 =	sadd.s32 $0x80, s13  }
0xb: {  	s26 =	sadd.s32 $0x100, s13;
	s20 =	sadd.s32 $0x180, s13;
	s13 =	sadd.s32 $0x200, s13  }
0xc: {  	s4 =	sadd.s32 s25, s2;
	s23 =	sadd.s32 $0x99C00, s9;
	s6 =	smax.u32 s6, $0x1  }
0xd: {  	s15 =	sshll.u32 s14, $0x7;
	s17 =	sshll.u32 s14, $0x4;
	s19 =	sshll.u32 s26, $0x7  }
0xe: {  	s29 =	sshll.u32 s26, $0x4;
	s30 =	sshll.u32 s20, $0x7;
	s12 =	sadd.s32 s12, s28  }
0xf: {  	s24 =	sshll.u32 s20, $0x4;
	s31 =	sshll.u32 s13, $0x7;
	s26 =	sshll.u32 s13, $0x4  }
0x10: {  	s13 =	simm.s32 $0x1;
	s14 =	simm.s32 $0x1400;
	s5 =	sadd.s32 s11, s5  }
0x11: {  	s7 =	sadd.s32 $0x4000, s4;
	s8 =	sadd.s32 $0x8000, s4;
	s9 =	sadd.s32 $0xC000, s4  }
0x12: {  	s10 =	sadd.s32 $0x10000, s4;
	s18 =	sadd.s32 s15, s2;
	s21 =	sadd.s32 s19, s2  }
0x13: {  	s22 =	sadd.s32 s30, s2;
	s12 =	sshll.u32 s12, $0xB;
	s25 =	sadd.s32 s31, s2  }
0x14: {  	s15 =	simm.s32 $0x80;
	s16 =	sadd.s32 s16, s23;
	s17 =	sadd.s32 s17, s23  }
0x15: {  	s19 =	sadd.s32 s29, s23;
	s5 =	sadd.s32 $0x1CC00, s5;
	s11 =	sadd.s32 s11, s12  }
0x16: {  	s12 =	simm.s32 $0x5400;
	s18 =	sshrl.u32 s18, $0x3;
	s20 =	sshrl.u32 s21, $0x3  }
0x17: {  	s21 =	sadd.s32 s24, s23;
	s22 =	sshrl.u32 s22, $0x3;
	s23 =	sadd.s32 s26, s23  }
0x18: {  	v0 =	vimm.f32 $0.0e+00;
	s24 =	sshrl.u32 s25, $0x3;
	s25 =	simm.s32 $0x0;
	s11 =	sadd.s32 $0x2399C00, s11  }
.LBB2_1:
0x19: {  	s26 =	simm.s32 $0x0;
	s28 =	simm.s32 $0x200  }
.LBB2_2:
0x1a: {  	p0 =	sne.s32 s28, $0xFE00;
	[tilespmem:s26+$0x5470] =	vst v0  }
0x1b: {  	[tilespmem:s26+$0x5400] =	vst v0  }
0x1c: {  	[tilespmem:s26+$0x5410] =	vst v0  }
.Ltmp0:
0x1d: {  	[tilespmem:s26+$0x5420] =	vst v0;
	(pc) =	sbr.rel @p0 .LBB2_2-.Ltmp0, $4  }
0x1e: {  	[tilespmem:s26+$0x5430] =	vst v0  }
0x1f: {  	[tilespmem:s26+$0x5440] =	vst v0  }
0x20: {  	[tilespmem:s26+$0x5450] =	vst v0  }
0x21: {  	[tilespmem:s26+$0x5460] =	vst v0;
	s26 =	sshra.s32 s28, $0x2;
	s28 =	sadd.s32 $0x200, s28  }
0x22: {  	[tilespmem:s26+$0x5470] =	vst v0  }
0x23: {  	[tilespmem:s26+$0x5400] =	vst v0  }
0x24: {  	[tilespmem:s26+$0x5410] =	vst v0  }
0x25: {  	[tilespmem:s26+$0x5420] =	vst v0  }
0x26: {  	[tilespmem:s26+$0x5430] =	vst v0  }
0x27: {  	[tilespmem:s26+$0x5440] =	vst v0  }
0x28: {  	[tilespmem:s26+$0x5450] =	vst v0  }
0x29: {  	[tilespmem:s26+$0x5460] =	vst v0  }
0x2a: {  	[spmem:s4] =	stream.linear.scatter [tilespmem:s12], [sflag:$0x1], $0x4000, $0x38;
	[tilespmem:$0x1D400] =	vst v63  }
0x2b: {  	_ =	swait.ge [sflag:s13], $0x4000  }
0x2c: {  	[sflag:s13] =	ssyncset.done $0x0  }
0x2d: {  	[sflag:s13] =	ssyncadd.s32 $0xFFFFC000  }
0x2e: {  	[spmem:s7] =	stream.linear.scatter [tilespmem:s12], [sflag:$0x1], $0x4000, $0x38;
	[tilespmem:$0x1D400] =	vst v63  }
0x2f: {  	_ =	swait.ge [sflag:s13], $0x4000  }
0x30: {  	[sflag:s13] =	ssyncset.done $0x0  }
0x31: {  	[sflag:s13] =	ssyncadd.s32 $0xFFFFC000  }
0x32: {  	[spmem:s8] =	stream.linear.scatter [tilespmem:s12], [sflag:$0x1], $0x4000, $0x38;
	[tilespmem:$0x1D400] =	vst v63  }
0x33: {  	_ =	swait.ge [sflag:s13], $0x4000  }
0x34: {  	[sflag:s13] =	ssyncset.done $0x0  }
0x35: {  	[sflag:s13] =	ssyncadd.s32 $0xFFFFC000  }
0x36: {  	[spmem:s9] =	stream.linear.scatter [tilespmem:s12], [sflag:$0x1], $0x4000, $0x38;
	[tilespmem:$0x1D400] =	vst v63  }
0x37: {  	_ =	swait.ge [sflag:s13], $0x4000  }
0x38: {  	[sflag:s13] =	ssyncset.done $0x0  }
0x39: {  	[sflag:s13] =	ssyncadd.s32 $0xFFFFC000  }
0x3a: {  	[spmem:s10] =	stream.linear.scatter [tilespmem:s12], [sflag:$0x1], $0x4000, $0x38;
	[tilespmem:$0x1D400] =	vst v63  }
0x3b: {  	_ =	swait.ge [sflag:s13], $0x4000  }
0x3c: {  	[sflag:s13] =	ssyncset.done $0x0  }
0x3d: {  	[sflag:s13] =	ssyncadd.s32 $0xFFFFC000  }
0x3e: {  	s30 =	simm.s32 $0x0;
	[bflag:$0x0] =	sbarrier.arrive $0xFFFF  }
0x3f: {  	[tilespmem:s30], [sflag:$0x1] =	stream.linear.gather [hbm4b:s5+s30], $0x1400, $0x38;
	[tilespmem:$0x1D400] =	vst v63  }
0x40: {  	_ =	swait.ge [sflag:s13], $0x1400  }
0x41: {  	[sflag:s13] =	ssyncset.done $0x0  }
0x42: {  	[sflag:s13] =	ssyncadd.s32 $0xFFFFEC00  }
0x43: {  	[tilespmem:s14], [sflag:$0x1] =	stream.linear.gather [hbm4b:s11+s3], $0x4000, $0x38;
	[tilespmem:$0x1D400] =	vst v63  }
0x44: {  	_ =	swait.ge [sflag:s13], $0x4000  }
0x45: {  	[sflag:s13] =	ssyncset.done $0x0  }
0x46: {  	s31 =	simm.s32 $0x0;
	[sflag:s13] =	ssyncadd.s32 $0xFFFFC000  }
0x47: {  	[spmem:s2] =	stream.indirect.scatter.add.f32 [tilespmem:s14], [sflag:$0x1], $0x80, s31, s15, $0xb8;
	[tilespmem:$0x1D400] =	vst v63  }
0x48: {  	_ =	swait.ge [sflag:s13], $0x4000  }
0x49: {  	s26 =	simm.s32 $0x200;
	s28 =	smov.u32 s11;
	[sflag:s13] =	ssyncset.done $0x0  }
.LBB2_4:
0x4a: {  	p0 =	sne.s32 s26, $0x4E00;
	[sflag:s13] =	ssyncadd.s32 $0xFFFFC000;
	s28 =	sadd.s32 $0x800, s28  }
0x4b: {  	[tilespmem:s14], [sflag:$0x1] =	stream.linear.gather [hbm4b:s28+s3], $0x4000, $0x38;
	[tilespmem:$0x1D400] =	vst v63  }
0x4c: {  	s29 =	smov.u32 s26;
	s26 =	sadd.s32 $0x200, s26;
	_ =	swait.ge [sflag:s13], $0x4000  }
.Ltmp1:
0x4d: {  	[sflag:s13] =	ssyncset.done $0x0;
	(pc) =	sbr.rel @p0 .LBB2_4-.Ltmp1, $4  }
0x4e: {  	s29 =	sshra.s32 s29, $0x2;
	[sflag:s13] =	ssyncadd.s32 $0xFFFFC000  }
0x4f: {  	[spmem:s2] =	stream.indirect.scatter.add.f32 [tilespmem:s14], [sflag:$0x1], $0x80, s29, s15, $0xb8;
	[tilespmem:$0x1D400] =	vst v63  }
0x50: {  	_ =	swait.ge [sflag:s13], $0x4000  }
0x51: {  	[sflag:s13] =	ssyncset.done $0x0  }
0x52: {  	[sflag:s13] =	ssyncadd.s32 $0xFFFFC000;
	s26 =	sshll.u32 s1, $0x6  }
0x53: {  	s28 =	sshrl.u32 s4, $0x3;
	[bflag:$0x0] =	sbarrier.arrive $0xFFFF;
	s26 =	sor.u32 $0x1C01, s26  }
0x54: {  	[hbm:s16], [sflag:s26] =	dma.local [spmem:s28], $0x800  }
0x55: {  	_ =	swait.ge [sflag:s13], $0x800  }
0x56: {  	[sflag:s13] =	ssyncset.done $0x0  }
0x57: {  	[sflag:s13] =	ssyncadd.s32 $0xFFFFF800  }
0x58: {  	[hbm:s17], [sflag:s26] =	dma.local [spmem:s18], $0x800  }
0x59: {  	_ =	swait.ge [sflag:s13], $0x800  }
0x5a: {  	[sflag:s13] =	ssyncset.done $0x0  }
0x5b: {  	[sflag:s13] =	ssyncadd.s32 $0xFFFFF800  }
0x5c: {  	[hbm:s19], [sflag:s26] =	dma.local [spmem:s20], $0x800  }
0x5d: {  	_ =	swait.ge [sflag:s13], $0x800  }
0x5e: {  	[sflag:s13] =	ssyncset.done $0x0  }
0x5f: {  	[sflag:s13] =	ssyncadd.s32 $0xFFFFF800  }
0x60: {  	[hbm:s21], [sflag:s26] =	dma.local [spmem:s22], $0x800  }
0x61: {  	s25 =	sadd.s32 $0x1, s25;
	_ =	swait.ge [sflag:s13], $0x800  }
0x62: {  	p0 =	sne.s32 s25, s6;
	[sflag:s13] =	ssyncset.done $0x0  }
.Ltmp2:
0x63: {  	[sflag:s13] =	ssyncadd.s32 $0xFFFFF800;
	(pc) =	sbr.rel @p0 .LBB2_1-.Ltmp2, $4  }
0x64: {  	[hbm:s23], [sflag:s26] =	dma.local [spmem:s24], $0x800  }
0x65: {  	_ =	swait.ge [sflag:s13], $0x800  }
0x66: {  	[sflag:s13] =	ssyncset.done $0x0  }
0x67: {  	[sflag:s13] =	ssyncadd.s32 $0xFFFFF800  }
0x68: {  	_ =	sfence.sel $0x180000  }
0x69: {  	[bflag:$0x0] =	sbarrier.arrive $0xFFFF  }
0x6a: {  	p0 =	sne.s32 s1, $0x0;
	_ =	strace $0x90000059  }
0x6b: {  	s0 =	sadd.s32 @!p0 $0x100000, s0;
	[bflag:$0x2] =	sbarrier.arrive $0xFFFF  }
0x6c: {  	[sflag:s0] =	ssyncadd.tile.s32 @!p0 $0x1;
	_ =	shalt  }
.Lfunc_end2:
_tile_overlayer_lowered:
.L_overlay_start_2:
0x6d: {  	(tag) =	ssettag $0x2  }
0x6e: {  	s0 =	rddreg [dreg:$0x0];
	s2 =	stileid.u32  }
0x6f: {  	s1 =	rddreg [dreg:$0x1];
	p0 =	sne.s32 s2, $0x0  }
0x70: {  	s3 =	rddreg [dreg:$0x2];
	[bflag:$0x3] =	sbarrier.arrive $0xFFFF;
	s2 =	simm.s32 @!p0 $0x1C01  }
0x71: {  	[timem:s3], [sflag:s2] =	dma.local @!p0 [hbm:s0], s1  }
0x72: {  	s0 =	simm.s32 @!p0 $0x1  }
0x73: {  	_ =	swait.ge @!p0 [sflag:s0], s1  }
0x74: {  	s1 =	ssub.s32 @!p0 $0x0, s1;
	[sflag:s0] =	ssyncset.done @!p0 $0x0  }
0x75: {  	[sflag:s0] =	ssyncadd.s32 @!p0 s1  }
0x76: {  	[bflag:$0x3] =	sbarrier.arrive $0xFFFF  }
0x77: {  	_ =	shalt  }

</sc_bundles>
